<compile_context>
chip_gen: v7x
topology: tpu7x:2x2x1
jax: 0.10.2.dev20260603
libtpu: 0.0.44.dev20260713+nightly
codegen_flags: <defaults>
</compile_context>

<pallas_src>
import jax
import jax.numpy as jnp
from jax.experimental import pallas as pl

P = 10000
T = 40000
D = 128
L = 2
NE = 8192


def _decode_dot(a, b):
    def body(a_ref, b_ref, o_ref):
        o_ref[:] = jnp.sum(a_ref[:] * b_ref[:], axis=-1)

    return pl.pallas_call(
        body,
        out_shape=jax.ShapeDtypeStruct((a.shape[0],), a.dtype),
    )(a, b)


def kernel(emb_playlist, emb_track, W_root, W_rel, alpha, src_pt, dst_pt, src_tp, dst_tp, label_pl, label_tr):
    N = P + T
    x = jnp.concatenate([emb_playlist, emb_track], axis=0)
    w = jax.nn.softmax(alpha)
    out = x * w[0]
    src0 = src_pt
    dst0 = dst_pt + P
    src1 = src_tp + P
    dst1 = dst_tp
    relations = [(src0, dst0), (src1, dst1)]
    for i in range(L):
        agg = x @ W_root[i]
        for r, (s, d) in enumerate(relations):
            msg = (x @ W_rel[i, r])[s]
            deg = jnp.zeros((N,), dtype=x.dtype).at[d].add(1.0)
            deg = jnp.maximum(deg, 1.0)
            summed = jnp.zeros((N, D), dtype=x.dtype).at[d].add(msg)
            agg = agg + summed / deg[:, None]
        x = jax.nn.relu(agg)
        out = out + x * w[i + 1]
    out_pl = out[:P]
    out_tr = out[P:]
    return _decode_dot(out_pl[label_pl], out_tr[label_tr])

# --- scband reference (transcript-rebuilt; emitter-appended) ---
"""Pipeline reference for scband-hetero-gnn-84559316123741 (READ-ONLY COPY).

The authoritative reference and input builder live on the scoring server;
editing this copy changes nothing except your own understanding.
"""

import jax, jax.numpy as jnp
import numpy as np

P = 10000   # num playlists
T = 40000   # num tracks
D = 128     # embedding_dim
L = 2       # num_layers
E = 250000  # edges per relation
NE = 8192   # edges to score

def setup_inputs(seed: int = 0) -> dict:
    key = jax.random.key(seed)
    ks = jax.random.split(key, 12)
    return {
        "emb_playlist": jax.random.normal(ks[0], (P, D), dtype=jnp.float32) * (1.0 / np.sqrt(D)),
        "emb_track": jax.random.normal(ks[1], (T, D), dtype=jnp.float32) * (1.0 / np.sqrt(D)),
        "W_root": jax.random.normal(ks[2], (L, D, D), dtype=jnp.float32) * (1.0 / np.sqrt(D)),
        "W_rel": jax.random.normal(ks[3], (L, 2, D, D), dtype=jnp.float32) * (1.0 / np.sqrt(D)),
        "alpha": jnp.full((L + 1,), 1.0 / (L + 1), dtype=jnp.float32),
        "src_pt": jax.random.randint(ks[4], (E,), 0, P, dtype=jnp.int64) if jax.config.jax_enable_x64 else jax.random.randint(ks[4], (E,), 0, P).astype(jnp.int32),
        "dst_pt": jax.random.randint(ks[5], (E,), 0, T).astype(jnp.int32),
        "src_tp": jax.random.randint(ks[6], (E,), 0, T).astype(jnp.int32),
        "dst_tp": jax.random.randint(ks[7], (E,), 0, P).astype(jnp.int32),
        "label_pl": jax.random.randint(ks[8], (NE,), 0, P).astype(jnp.int32),
        "label_tr": jax.random.randint(ks[9], (NE,), 0, T).astype(jnp.int32),
    }

def reference(emb_playlist, emb_track, W_root, W_rel, alpha, src_pt, dst_pt, src_tp, dst_tp, label_pl, label_tr):
    N = P + T
    # get_embedding: x_dict via embedding lookup with n_id = full arange (identity gather)
    x = jnp.concatenate([emb_playlist, emb_track], axis=0)
    w = jax.nn.softmax(alpha)
    out = x * w[0]
    # _to_homogeneous: offset node ids (playlist offset 0, track offset P)
    src0 = src_pt
    dst0 = dst_pt + P          # relation 0: playlist -> track
    src1 = src_tp + P
    dst1 = dst_tp              # relation 1: track -> playlist
    relations = [(src0, dst0), (src1, dst1)]
    for i in range(L):
        # RGCNConv: root transform + per-relation mean-normalized message passing
        agg = x @ W_root[i]
        for r, (s, d) in enumerate(relations):
            msg = x[s] @ W_rel[i, r]
            deg = jnp.zeros((N,), dtype=x.dtype).at[d].add(1.0)
            deg = jnp.maximum(deg, 1.0)
            summed = jnp.zeros((N, D), dtype=x.dtype).at[d].add(msg)
            agg = agg + summed / deg[:, None]
        x = jax.nn.relu(agg)
        out = out + x * w[i + 1]
    out_pl = out[:P]
    out_tr = out[P:]
    # predict_link_embedding (dot product decoder)
    embed_src = out_pl[label_pl]
    embed_dst = out_tr[label_tr]
    scores = jnp.sum(embed_src * embed_dst, axis=-1)
    return scores

if __name__ == "__main__":
    import jax
    _d = setup_inputs()
    print(jax.jit(kernel)(*tuple(_d.values())))

</pallas_src>

<mosaic_0001>
module attributes {stable_mosaic.version = 14 : i64} {
  func.func @body(%arg0: memref<8192x128xf32, #tpu.memory_space<vmem>>, %arg1: memref<8192x128xf32, #tpu.memory_space<vmem>>, %arg2: memref<8192xf32, #tpu.memory_space<vmem>>) attributes {dimension_semantics = [], scalar_prefetch = 0 : i64, scratch_operands = 0 : i64, tpu.core_type = #tpu.core_type<tc>} {
    %get3A = arith.constant 0 : index
    %get3A_0 = arith.constant 0 : index
    %get3A_1 = vector.load %arg0[%get3A, %get3A_0] : memref<8192x128xf32, #tpu.memory_space<vmem>>, vector<8192x128xf32>
    %get3A_2 = arith.constant 0 : index
    %get3A_3 = arith.constant 0 : index
    %get3A_4 = vector.load %arg1[%get3A_2, %get3A_3] : memref<8192x128xf32, #tpu.memory_space<vmem>>, vector<8192x128xf32>
    %mul3A = arith.mulf %get3A_1, %get3A_4 : vector<8192x128xf32>
    %reduce_sum3A = arith.constant dense<0.000000e+00> : vector<8192xf32>
    %reduce_sum3A_5 = vector.multi_reduction <add>, %mul3A, %reduce_sum3A [1] : vector<8192x128xf32> to vector<8192xf32>
    %swap3A = arith.constant 0 : index
    %swap3A_6 = vector.load %arg2[%swap3A] : memref<8192xf32, #tpu.memory_space<vmem>>, vector<8192xf32>
    tpu.vector_store %arg2[%swap3A], %reduce_sum3A_5 {strides = array<i32>} : memref<8192xf32, #tpu.memory_space<vmem>>, vector<8192xf32>,
    return
  }
}

</mosaic_0001>

<sc_bundles>
// kernel: gather_offload_async_start.1
scs
__scs_entry_jumppad:
0x0: {  	(pc) =	sbr.rel $0x88, $3  }
0x1: {  	(tag) =	ssettag $0x0;
	lr =	simm.s32 $0x1  }
0x2: {  	[smem:$0x3F96] =	sst lr;
	_ =	strace $0xD0000000  }
0x3: {  	_ = 	snop  }
0x4: {  	_ = 	snop  }
0x5: {  	_ = 	snop  }
0x6: {  	_ = 	snop  }
0x7: {  	_ = 	snop  }
__scs_overlays_trampoline_lowered:
0x8: {  	[smem:$0x3FA5] =	sst s0  }
0x9: {  	[smem:$0x3FA6] =	sst s1  }
0xa: {  	[smem:$0x3FA7] =	sst s2  }
0xb: {  	[smem:$0x3FA8] =	sst s3  }
0xc: {  	[smem:$0x3FA9] =	sst s4  }
0xd: {  	[smem:$0x3FAA] =	sst s5  }
0xe: {  	[smem:$0x3FAB] =	sst s6  }
0xf: {  	[smem:$0x3FAC] =	sst s7  }
0x10: {  	[smem:$0x3FAD] =	sst s8  }
0x11: {  	[smem:$0x3FAE] =	sst s9;
	s0 =	simm.s32 @!p0 $0x0  }
0x12: {  	s1 =	sld [smem:$0x3F94];
	s0 =	simm.s32 @p0 $0x1  }
0x13: {  	[smem:$0x3FAF] =	sst s0;
	s0 =	simm.s32 @!p1 $0x0  }
0x14: {  	s2 =	sld [smem:$0x3F93];
	s0 =	simm.s32 @p1 $0x1  }
0x15: {  	[smem:$0x3FB0] =	sst s0;
	s0 =	simm.s32 @!p2 $0x0  }
0x16: {  	s3 =	sld [smem:$0x3FDB];
	s0 =	simm.s32 @p2 $0x1  }
0x17: {  	s4 =	simm.s32 $0x1BF5;
	[smem:$0x3FB2] =	sst s0  }
0x18: {  	s0 =	sld [smem:$0x3F95];
	_ =	swait.ge [sflag:s4], $0x0  }
0x19: {  	s7 =	sld [smem:$0x3F96]  }
0x1a: {  	s8 =	sadd.s32 $0xFFFFE003, lr  }
0x1b: {  	s9 =	sadd.s32 $0xFFFFFEF7, lr;
	s5 =	simm.s32 $0xFFFFFFFF;
	p2 =	slt.u32 s8, $0xFFFFF086  }
0x1c: {  	p1 =	slt.u32 s9, $0xF7A;
	s5 =	simm.s32 @!p2 $0x0  }
0x1d: {  	s5 =	simm.s32 @p1 $0x1;
	p0 =	seq.s32 s7, s2  }
0x1e: {  	s7 =	smul.u32 @!p0 $0xF7A, s2;
	p2 =	seq.s32 @!p0 s5, $0x0  }
0x1f: {  	s9 =	smul.u32 $0xF7A, s1;
	s8 =	simm.s32 @!p0 $0x1BF5;
	p2 =	por !p2, p0  }
0x20: {  	[sflag:s8] =	ssyncset.s32 @!p0 $0xFFFFF086;
	s6 =	sadd.s32 @!p0 s3, s7;
	s7 =	simm.s32 @!p0 $0x108  }
0x21: {  	s3 =	sadd.s32 s3, s9;
	s6 =	sadd.s32 @!p0 $0x88, s6;
	s7 =	simm.s32 @p2 $0x1082  }
0x22: {  	[simem:s7], [sflag:s8] =	dma.local @!p0 [hbm:s6], $0xF7A  }
0x23: {  	s9 =	sor.u32 $0xD0000000, s2;
	s6 =	simm.s32 $0x108;
	_ =	swait.ge @!p0 [sflag:s8], $0x0  }
0x24: {  	s3 =	sadd.s32 $0x88, s3;
	s6 =	simm.s32 @!p1 $0x1082;
	[sflag:s4] =	ssyncset.s32 $0xFFFFF086  }
0x25: {  	[simem:s6], [sflag:s4] =	dma.local [hbm:s3], $0xF7A  }
0x26: {  	[smem:$0x3F96] =	sst s1;
	(tag) =	ssettag s2;
	_ =	strace s9  }
0x27: {  	s1 =	sld [smem:$0x3FA6]  }
0x28: {  	s2 =	sld [smem:$0x3FA7]  }
0x29: {  	s4 =	sld [smem:$0x3FA9]  }
0x2a: {  	p0 =	seq.s32 s5, $0x0;
	s5 =	sld [smem:$0x3FAA]  }
0x2b: {  	s6 =	sld [smem:$0x3FAB]  }
0x2c: {  	s7 =	sld [smem:$0x3FAC]  }
0x2d: {  	s3 =	simm.s32 $0x108;
	s8 =	sld [smem:$0x3FAD]  }
0x2e: {  	s3 =	simm.s32 @!p0 $0x1082;
	s9 =	sld [smem:$0x3FAE]  }
0x2f: {  	lr =	sadd.s32 s0, s3;
	s0 =	sld [smem:$0x3FA5]  }
0x30: {  	s3 =	sld [smem:$0x3FA8]  }
0x31: {  	[smem:$0x3FB1] =	sst s10  }
0x32: {  	s10 =	sld [smem:$0x3FAF];
	_ =	sdelay $0x3  }
0x33: {  	p0 =	seq.s32 s10, $0x1;
	s10 =	sld [smem:$0x3FB1];
	_ =	sdelay $0x3  }
0x34: {  	[smem:$0x3FB1] =	sst s10  }
0x35: {  	s10 =	sld [smem:$0x3FB0];
	_ =	sdelay $0x3  }
0x36: {  	p1 =	seq.s32 s10, $0x1;
	s10 =	sld [smem:$0x3FB1];
	_ =	sdelay $0x3  }
0x37: {  	[smem:$0x3FB1] =	sst s10  }
0x38: {  	s10 =	sld [smem:$0x3FB2]  }
0x39: {  	_ = 	snop;
	(pc) =	sbr.ind lr, $3  }
0x3a: {  	_ = 	snop  }
0x3b: {  	_ = 	snop  }
0x3c: {  	p2 =	seq.s32 s10, $0x1;
	s10 =	sld [smem:$0x3FB1]  }
0x3d: {  	_ =	shalt  }
0x3e: {  	_ =	shalt  }
0x3f: {  	_ =	shalt  }
0x40: {  	_ =	shalt  }
0x41: {  	_ =	shalt  }
0x42: {  	_ =	shalt  }
0x43: {  	_ =	shalt  }
0x44: {  	_ =	shalt  }
0x45: {  	_ =	shalt  }
0x46: {  	_ =	shalt  }
0x47: {  	_ =	shalt  }
0x48: {  	_ =	shalt  }
0x49: {  	_ =	shalt  }
0x4a: {  	_ =	shalt  }
0x4b: {  	_ =	shalt  }
0x4c: {  	_ =	shalt  }
0x4d: {  	_ =	shalt  }
0x4e: {  	_ =	shalt  }
0x4f: {  	_ =	shalt  }
0x50: {  	_ =	shalt  }
0x51: {  	_ =	shalt  }
0x52: {  	_ =	shalt  }
0x53: {  	_ =	shalt  }
0x54: {  	_ =	shalt  }
0x55: {  	_ =	shalt  }
0x56: {  	_ =	shalt  }
0x57: {  	_ =	shalt  }
0x58: {  	_ =	shalt  }
0x59: {  	_ =	shalt  }
0x5a: {  	_ =	shalt  }
0x5b: {  	_ =	shalt  }
0x5c: {  	_ =	shalt  }
0x5d: {  	_ =	shalt  }
0x5e: {  	_ =	shalt  }
0x5f: {  	_ =	shalt  }
0x60: {  	_ =	shalt  }
0x61: {  	_ =	shalt  }
0x62: {  	_ =	shalt  }
0x63: {  	_ =	shalt  }
0x64: {  	_ =	shalt  }
0x65: {  	_ =	shalt  }
0x66: {  	_ =	shalt  }
0x67: {  	_ =	shalt  }
0x68: {  	_ =	shalt  }
0x69: {  	_ =	shalt  }
0x6a: {  	_ =	shalt  }
0x6b: {  	_ =	shalt  }
0x6c: {  	_ =	shalt  }
0x6d: {  	_ =	shalt  }
0x6e: {  	_ =	shalt  }
0x6f: {  	_ =	shalt  }
0x70: {  	_ =	shalt  }
0x71: {  	_ =	shalt  }
0x72: {  	_ =	shalt  }
0x73: {  	_ =	shalt  }
0x74: {  	_ =	shalt  }
0x75: {  	_ =	shalt  }
0x76: {  	_ =	shalt  }
0x77: {  	_ =	shalt  }
0x78: {  	_ =	shalt  }
0x79: {  	_ =	shalt  }
0x7a: {  	_ =	shalt  }
0x7b: {  	_ =	shalt  }
0x7c: {  	_ =	shalt  }
0x7d: {  	_ =	shalt  }
0x7e: {  	_ =	shalt  }
0x7f: {  	_ =	shalt  }
0x80: {  	_ =	shalt  }
0x81: {  	_ =	shalt  }
0x82: {  	_ =	shalt  }
0x83: {  	_ =	shalt  }
0x84: {  	_ =	shalt  }
0x85: {  	_ =	shalt  }
0x86: {  	_ =	shalt  }
0x87: {  	_ =	shalt  }
.Lfunc_end0:
.L_simem_size_0:
called_computation.7_lowered:
.L_overlay_start_0:
0x88: {  	s2 =	sld [smem:$0x3FD9]  }
0x89: {  	s3 =	sld [smem:$0x3FFE];
	_ =	sdelay $0x1  }
0x8a: {  	s1 =	srdreg.scid  }
0x8b: {  	s0 =	sand.u32 $0x1, s1  }
0x8c: {  	s16 =	sshll.u32 s0, $0xA;
	s2 =	sadd.s32 s3, s2  }
0x8d: {  	s2 =	sadd.s32 s2, s16  }
0x8e: {  	[smem:$0x3FBD] =	sst s2  }
0x8f: {  	_ = 	snop  }
0x90: {  	(tm) =	ssettm $0x1  }
0x91: {  	s17 =	sld [smem:$0x3FFB];
	_ =	sdelay $0x3  }
0x92: {  	_ =	strace s17  }
0x93: {  	s2 =	sld [smem:$0x3FFC];
	_ =	sdelay $0x3  }
0x94: {  	_ =	strace s2  }
0x95: {  	s2 =	sld [smem:$0x3FFD];
	_ =	sdelay $0x3  }
0x96: {  	_ =	strace s2  }
0x97: {  	_ =	strace $0x8FFFFFFF  }
0x98: {  	s18 =	sld [smem:$0x3FDB];
	_ =	sdelay $0x1  }
0x99: {  	s19 =	simm.s32 $_scs_section_size  }
0x9a: {  	s4 =	simm.s32 $_size__tile_overlayer_lowered;
	s5 =	simm.s32 $_tile_overlayer_lowered  }
0x9b: {  	s22 =	simm.s32 $0x1BFF;
	s21 =	sshll.u32 s5, $0x1;
	s2 =	sadd.s32 s19, s18  }
0x9c: {  	s6 =	simm.s32 $0x0;
	s20 =	sshll.u32 s4, $0x1;
	s4 =	sadd.s32 s21, s2  }
0x9d: {  	[timem:s6], [sflag:s22] =	dma.local [hbm:s4], s20  }
0x9e: {  	_ =	swait.ge [sflag:s22], s20  }
0x9f: {  	s3 =	ssub.s32 $0x0, s20;
	[sflag:s22] =	ssyncset.done $0x0  }
0xa0: {  	[sflag:s22] =	ssyncadd.s32 s3;
	_ =	sdelay $0x1  }
0xa1: {  	s23 =	simm.s32 $0x1B8B  }
0xa2: {  	_ =	swait.ge [sflag:s23], $0x1  }
0xa3: {  	[sflag:s23] =	ssyncset.done $0x0  }
0xa4: {  	s25 =	simm.s32 $0x1B8E;
	s24 =	sld [smem:$0x3FFE];
	[sflag:s23] =	ssyncadd.s32 $0xFFFFFFFF  }
0xa5: {  	s26 =	simm.s32 $execute0_lowered;
	[smem:$0x3FD2] =	sst s25  }
0xa6: {  	s4 =	sshll.u32 s26, $0x1;
	_ =	strace $0x8000006A;
	[dreg:$0x1] =	wrdreg $0xFFFFFFFF  }
0xa7: {  	s28 =	simm.s32 $_size_execute0_lowered;
	s2 =	sadd.s32 s2, s4;
	[dreg:$0x0] =	wrdreg $0x0  }
0xa8: {  	s4 =	sshll.u32 s28, $0x1;
	[dreg:$0x2] =	wrdreg s2  }
0xa9: {  	[dreg:$0x3] =	wrdreg s4  }
0xaa: {  	[dreg:$0x4] =	wrdreg $0xC0  }
0xab: {  	_ =	task [dreg:s6], $0x5FFFF  }
0xac: {  	[dreg:$0x1] =	wrdreg $0xFFFFFFFF  }
0xad: {  	[dreg:$0x0] =	wrdreg $0x60  }
0xae: {  	[dreg:$0x2] =	wrdreg s24  }
0xaf: {  	[dreg:$0x3] =	wrdreg $0xA  }
0xb0: {  	_ =	task.clear_ibuf [dreg:s6], $0x4FFFF;
	_ =	strace $0x9000006A  }
0xb1: {  	s29 =	simm.s32 $0xA;
	_ =	strace $0x8000006C  }
0xb2: {  	_ =	swait.ge [sflag:s29], $0x1  }
0xb3: {  	[sflag:s29] =	ssyncadd.s32 $0xFFFFFFFF  }
0xb4: {  	_ =	strace $0x9000006C  }
0xb5: {  	_ =	sfence  }
0xb6: {  	s30 =	sld [smem:$0x0];
	_ =	sdelay $0x2  }
0xb7: {  	s31 =	sshll.u32 s1, $0xD;
	s1 =	sshrl.u32 s1, $0x2  }
0xb8: {  	s3 =	sand.u32 $0x4000, s31;
	s1 =	sadd.s32 s1, s30  }
0xb9: {  	s0 =	sor.u32 s3, s0;
	s1 =	sshll.u32 s1, $0x11  }
0xba: {  	s0 =	sor.u32 s1, s0  }
0xbb: {  	s0 =	sadd.s32 $0x8F2B, s0  }
0xbc: {  	[sflag:s0] =	ssyncadd.remote.s32 $0x1  }
0xbd: {  	_ =	sfence.sel $0xFFFF  }
0xbe: {  	[dreg:$0x0] =	wrdreg $0xFFFFFFFF;
	(pc) =	sbr.abs _section_cstart, $3  }
0xbf: {  	[dreg:$0x1] =	wrdreg $0xFFFFFFFF  }
0xc0: {  	_ =	task.clear_ibuf [dreg:s6], $0x2FFFF;
	_ =	strace $0x9FFFFFFF  }
0xc1: {  	(tm) =	ssettm $0x7FFFFFFF  }
tec
execute0_lowered:
.L_overlay_start_1:
0x0: {  	(tag) =	ssettag $0x1  }
0x1: {  	s7 =	rddreg [dreg:$0x0]  }
0x2: {  	s0 =	rddreg [dreg:$0x1];
	_ =	strace $0x8000006B  }
0x3: {  	s1 =	srdreg.scid;
	s4 =	simm.s32 $0x1;
	s9 =	simm.s32 $0x3  }
0x4: {  	s12 =	simm.s32 $0x0;
	s10 =	simm.s32 $0x0;
	s5 =	sshll.u32 s1, $0x4  }
.Ltmp0:
0x5: {  	s1 =	stileid.u32;
	s5 =	sand.u32 $0x10, s5;
	(pc) =	sbr.rel .LBB2_1-.Ltmp0, $4  }
0x6: {  	s2 =	sadd.s32 $0xC3600, s7;
	s3 =	sadd.s32 $0x66BC00, s7;
	s6 =	sor.u32 s1, s5  }
0x7: {  	[sflag:s4] =	ssyncpa.u1 $0x0;
	s5 =	simm.s32 $0x2;
	s6 =	sshll.u32 s6, $0x8  }
0x8: {  	s7 =	sadd.s32 $0x15FA00, s7;
	[sflag:s5] =	ssyncpa.u1 $0x0;
	s8 =	sadd.s32 $0x100, s6  }
0x9: {  	vm0 =	vmmov $0xff;
	vm1 =	vcmask $0x3F20;
	[sflag:s9] =	ssyncpa.u1 $0x0;
	s9 =	simm.s32 $0x100;
	s11 =	smov.u32 s6  }
.LBB2_9:
0xa: {  	p0 =	seq.s32 s10, $0x2  }
.Ltmp1:
0xb: {  	_ = 	snop;
	(pc) =	sbr.rel @p0 .LBB2_11-.Ltmp1, $1  }
0xc: {  	_ =	sdelay $0x3  }
.LBB2_10:
0xd: {  	s12 =	sadd.s32 $0x100, s11  }
0xe: {  	s13 =	smov.u32 s6;
	p0 =	slt.s32 s12, s8  }
0xf: {  	s13 =	smov.u32 @p0 s12  }
0x10: {  	s10 =	sadd.s32 $0x1, s10;
	s12 =	smov.u32 s11;
	s11 =	smov.u32 s13  }
.LBB2_1:
0x11: {  	p0 =	sne.s32 s10, $0x0  }
.Ltmp2:
0x12: {  	_ = 	snop;
	(pc) =	sbr.rel @!p0 .LBB2_2-.Ltmp2, $1  }
0x13: {  	_ =	sdelay $0x3  }
0x14: {  	s13 =	sand.u32 $0x1, s10  }
0x15: {  	p0 =	seq.s32 s13, $0x0  }
.Ltmp3:
0x16: {  	_ = 	snop;
	(pc) =	sbr.rel @p0 .LBB2_9-.Ltmp3, $1  }
0x17: {  	_ =	sdelay $0x3  }
0x18: {  	_ =	swait.ge [sflag:s5], $0x100  }
0x19: {  	[sflag:s5] =	ssyncset.done $0x0  }
0x1a: {  	s13 =	simm.s32 $0x0;
	[sflag:s5] =	ssyncadd.s32 $0xFFFFFF00  }
0x1b: {  	v0 =	vld.msk [tilespmem:s13+$0x100 ss:$0x1], $0xffff;
	_ =	sdelay $0x4  }
0x1c: {  	vm2 =	vgt.s32 v0, $0x0  }
0x1d: {  	v0 =	vnsel vm2, $0x0, v0  }
0x1e: {  	v0 =	vmin.u32 v0, $0x9C3F  }
0x1f: {  	v0 =	vshll.u32 v0, $0x4;
	_ =	sdelay $0x3  }
0x20: {  	s13 =	simm.s32 $0x8200  }
0x21: {  	[tilespmem:s13], [sflag:$0x1] =	stream.indirect_vreg.gather [hbm:s2], $0x80, v0, vm0, $0x38;
	[tilespmem:$0x10200] =	vst v63  }
0x22: {  	s14 =	simm.s32 $0x8600;
	s31 =	simm.s32 $0x10  }
0x23: {  	[tilespmem:s14], [sflag:$0x1] =	stream.indirect_vreg.gather [hbm:s2], $0x80, v0, vm1, $0x38;
	[tilespmem:$0x10200] =	vst v63  }
0x24: {  	s14 =	simm.s32 $0x80;
	v0 =	vld.msk [tilespmem:s31+$0x100 ss:$0x1], $0xffff  }
.LBB2_5:
0x25: {  	p0 =	sne.s32 s14, $0x3C0;
	_ =	sdelay $0x4  }
0x26: {  	vm2 =	vgt.s32 v0, $0x0  }
0x27: {  	v0 =	vnsel vm2, $0x0, v0  }
0x28: {  	v0 =	vmin.u32 v0, $0x9C3F  }
0x29: {  	v0 =	vshll.u32 v0, $0x4;
	_ =	sdelay $0x3  }
.Ltmp4:
0x2a: {  	s13 =	sadd.s32 $0x800, s13;
	(pc) =	sbr.rel @p0 .LBB2_5-.Ltmp4, $4  }
0x2b: {  	[tilespmem:s13], [sflag:$0x1] =	stream.indirect_vreg.gather [hbm:s2], $0x80, v0, vm0, $0x38;
	[tilespmem:$0x10200] =	vst v63  }
0x2c: {  	s15 =	sshra.s32 s14, $0x2;
	s16 =	sadd.s32 $0x400, s13  }
0x2d: {  	[tilespmem:s16], [sflag:$0x1] =	stream.indirect_vreg.gather [hbm:s2], $0x80, v0, vm1, $0x38;
	[tilespmem:$0x10200] =	vst v63  }
0x2e: {  	s14 =	sadd.s32 $0x40, s14;
	v0 =	vld.msk [tilespmem:s15+$0x100 ss:$0x1], $0xffff  }
0x2f: {  	_ =	sdelay $0x3  }
0x30: {  	vm2 =	vgt.s32 v0, $0x0  }
0x31: {  	v0 =	vnsel vm2, $0x0, v0  }
0x32: {  	v0 =	vmin.u32 v0, $0x9C3F  }
0x33: {  	v0 =	vshll.u32 v0, $0x4;
	_ =	sdelay $0x3  }
0x34: {  	s13 =	sadd.s32 $0x800, s13  }
0x35: {  	[tilespmem:s13], [sflag:$0x1] =	stream.indirect_vreg.gather [hbm:s2], $0x80, v0, vm0, $0x38;
	[tilespmem:$0x10200] =	vst v63  }
0x36: {  	s13 =	sadd.s32 $0x400, s13  }
0x37: {  	[tilespmem:s13], [sflag:$0x1] =	stream.indirect_vreg.gather [hbm:s2], $0x80, v0, vm1, $0x38;
	[tilespmem:$0x10200] =	vst v63  }
0x38: {  	s12 =	sshll.u32 s12, $0x4;
	s14 =	simm.s32 $0x80;
	_ =	swait.ge [sflag:s4], $0x8000  }
0x39: {  	s15 =	simm.s32 $0x8600;
	s12 =	sadd.s32 s12, s7;
	[sflag:s4] =	ssyncset.done $0x0  }
0x3a: {  	s16 =	sadd.s32 $0x0, s12;
	s13 =	simm.s32 $0x8200;
	[sflag:s4] =	ssyncadd.s32 $0xFFFF8000  }
.LBB2_7:
0x3b: {  	[hbm:s16] =	stream.linear.scatter [tilespmem:s13], [sflag:$0x3], $0x400, $0x38;
	[tilespmem:$0x10200] =	vst v63  }
0x3c: {  	s16 =	smov.u32 s14;
	s13 =	smov.u32 s15;
	p0 =	sne.s32 s14, $0xF80  }
.Ltmp5:
0x3d: {  	s14 =	sadd.s32 $0x80, s14;
	(pc) =	sbr.rel @p0 .LBB2_7-.Ltmp5, $2  }
0x3e: {  	_ =	sdelay $0x2  }
0x3f: {  	s15 =	sadd.s32 $0x400, s15;
	s16 =	sadd.s32 s16, s12  }
.Ltmp6:
0x40: {  	(pc) =	sbr.rel .LBB2_9-.Ltmp6, $2  }
0x41: {  	_ =	sdelay $0x2  }
0x42: {  	[hbm:s16] =	stream.linear.scatter [tilespmem:s13], [sflag:$0x3], $0x400, $0x38;
	[tilespmem:$0x10200] =	vst v63  }
.LBB2_2:
.Ltmp7:
0x43: {  	(pc) =	sbr.rel .LBB2_10-.Ltmp7, $4  }
0x44: {  	_ = 	snop  }
0x45: {  	s12 =	sshrl.u32 s11, $0x3  }
0x46: {  	s13 =	sand.u32 $0x7, s11;
	s12 =	sadd.s32 s3, s12  }
0x47: {  	[tilespmem:s9], [sflag:$0x2] =	stream.linear.gather [hbm4b:s12+s13], $0x100, $0x38;
	[tilespmem:$0x10200] =	vst v63  }
.LBB2_11:
0x48: {  	s2 =	simm.s32 $0x3  }
0x49: {  	_ =	swait.ge [sflag:s2], $0x8000  }
0x4a: {  	[sflag:s2] =	ssyncset.done $0x0  }
0x4b: {  	[sflag:s2] =	ssyncadd.s32 $0xFFFF8000  }
0x4c: {  	_ =	sfence.sel $0x180000  }
0x4d: {  	s3 =	simm.s32 $0x2;
	[bflag:$0x0] =	sbarrier.arrive $0xFFFF  }
0x4e: {  	[sflag:s3] =	ssyncpa.u1 $0x1  }
0x4f: {  	s31 =	simm.s32 $0x1;
	[sflag:s2] =	ssyncpa.u1 $0x1  }
0x50: {  	[sflag:s31] =	ssyncpa.u1 $0x1  }
0x51: {  	p0 =	sne.s32 s1, $0x0;
	_ =	strace $0x9000006B  }
0x52: {  	s0 =	sadd.s32 @!p0 $0x100000, s0;
	[bflag:$0x2] =	sbarrier.arrive $0xFFFF  }
0x53: {  	[sflag:s0] =	ssyncadd.tile.s32 @!p0 $0x1;
	_ =	shalt  }
.Lfunc_end2:
_tile_overlayer_lowered:
.L_overlay_start_2:
0x54: {  	(tag) =	ssettag $0x2  }
0x55: {  	s0 =	rddreg [dreg:$0x0];
	s2 =	stileid.u32  }
0x56: {  	s1 =	rddreg [dreg:$0x1];
	p0 =	sne.s32 s2, $0x0  }
0x57: {  	s3 =	rddreg [dreg:$0x2];
	[bflag:$0x3] =	sbarrier.arrive $0xFFFF;
	s2 =	simm.s32 @!p0 $0x1C01  }
0x58: {  	[timem:s3], [sflag:s2] =	dma.local @!p0 [hbm:s0], s1  }
0x59: {  	s0 =	simm.s32 @!p0 $0x1  }
0x5a: {  	_ =	swait.ge @!p0 [sflag:s0], s1  }
0x5b: {  	s1 =	ssub.s32 @!p0 $0x0, s1;
	[sflag:s0] =	ssyncset.done @!p0 $0x0  }
0x5c: {  	[sflag:s0] =	ssyncadd.s32 @!p0 s1  }
0x5d: {  	[bflag:$0x3] =	sbarrier.arrive $0xFFFF  }
0x5e: {  	_ =	shalt  }

// kernel: gather_offload_async_start
scs
__scs_entry_jumppad:
0x0: {  	(pc) =	sbr.rel $0x88, $3  }
0x1: {  	(tag) =	ssettag $0x0;
	lr =	simm.s32 $0x1  }
0x2: {  	[smem:$0x3F96] =	sst lr;
	_ =	strace $0xD0000000  }
0x3: {  	_ = 	snop  }
0x4: {  	_ = 	snop  }
0x5: {  	_ = 	snop  }
0x6: {  	_ = 	snop  }
0x7: {  	_ = 	snop  }
__scs_overlays_trampoline_lowered:
0x8: {  	[smem:$0x3FA5] =	sst s0  }
0x9: {  	[smem:$0x3FA6] =	sst s1  }
0xa: {  	[smem:$0x3FA7] =	sst s2  }
0xb: {  	[smem:$0x3FA8] =	sst s3  }
0xc: {  	[smem:$0x3FA9] =	sst s4  }
0xd: {  	[smem:$0x3FAA] =	sst s5  }
0xe: {  	[smem:$0x3FAB] =	sst s6  }
0xf: {  	[smem:$0x3FAC] =	sst s7  }
0x10: {  	[smem:$0x3FAD] =	sst s8  }
0x11: {  	[smem:$0x3FAE] =	sst s9;
	s0 =	simm.s32 @!p0 $0x0  }
0x12: {  	s1 =	sld [smem:$0x3F94];
	s0 =	simm.s32 @p0 $0x1  }
0x13: {  	[smem:$0x3FAF] =	sst s0;
	s0 =	simm.s32 @!p1 $0x0  }
0x14: {  	s2 =	sld [smem:$0x3F93];
	s0 =	simm.s32 @p1 $0x1  }
0x15: {  	[smem:$0x3FB0] =	sst s0;
	s0 =	simm.s32 @!p2 $0x0  }
0x16: {  	s3 =	sld [smem:$0x3FDB];
	s0 =	simm.s32 @p2 $0x1  }
0x17: {  	s4 =	simm.s32 $0x1BF5;
	[smem:$0x3FB2] =	sst s0  }
0x18: {  	s0 =	sld [smem:$0x3F95];
	_ =	swait.ge [sflag:s4], $0x0  }
0x19: {  	s7 =	sld [smem:$0x3F96]  }
0x1a: {  	s8 =	sadd.s32 $0xFFFFE003, lr  }
0x1b: {  	s9 =	sadd.s32 $0xFFFFFEF7, lr;
	s5 =	simm.s32 $0xFFFFFFFF;
	p2 =	slt.u32 s8, $0xFFFFF086  }
0x1c: {  	p1 =	slt.u32 s9, $0xF7A;
	s5 =	simm.s32 @!p2 $0x0  }
0x1d: {  	s5 =	simm.s32 @p1 $0x1;
	p0 =	seq.s32 s7, s2  }
0x1e: {  	s7 =	smul.u32 @!p0 $0xF7A, s2;
	p2 =	seq.s32 @!p0 s5, $0x0  }
0x1f: {  	s9 =	smul.u32 $0xF7A, s1;
	s8 =	simm.s32 @!p0 $0x1BF5;
	p2 =	por !p2, p0  }
0x20: {  	[sflag:s8] =	ssyncset.s32 @!p0 $0xFFFFF086;
	s6 =	sadd.s32 @!p0 s3, s7;
	s7 =	simm.s32 @!p0 $0x108  }
0x21: {  	s3 =	sadd.s32 s3, s9;
	s6 =	sadd.s32 @!p0 $0x88, s6;
	s7 =	simm.s32 @p2 $0x1082  }
0x22: {  	[simem:s7], [sflag:s8] =	dma.local @!p0 [hbm:s6], $0xF7A  }
0x23: {  	s9 =	sor.u32 $0xD0000000, s2;
	s6 =	simm.s32 $0x108;
	_ =	swait.ge @!p0 [sflag:s8], $0x0  }
0x24: {  	s3 =	sadd.s32 $0x88, s3;
	s6 =	simm.s32 @!p1 $0x1082;
	[sflag:s4] =	ssyncset.s32 $0xFFFFF086  }
0x25: {  	[simem:s6], [sflag:s4] =	dma.local [hbm:s3], $0xF7A  }
0x26: {  	[smem:$0x3F96] =	sst s1;
	(tag) =	ssettag s2;
	_ =	strace s9  }
0x27: {  	s1 =	sld [smem:$0x3FA6]  }
0x28: {  	s2 =	sld [smem:$0x3FA7]  }
0x29: {  	s4 =	sld [smem:$0x3FA9]  }
0x2a: {  	p0 =	seq.s32 s5, $0x0;
	s5 =	sld [smem:$0x3FAA]  }
0x2b: {  	s6 =	sld [smem:$0x3FAB]  }
0x2c: {  	s7 =	sld [smem:$0x3FAC]  }
0x2d: {  	s3 =	simm.s32 $0x108;
	s8 =	sld [smem:$0x3FAD]  }
0x2e: {  	s3 =	simm.s32 @!p0 $0x1082;
	s9 =	sld [smem:$0x3FAE]  }
0x2f: {  	lr =	sadd.s32 s0, s3;
	s0 =	sld [smem:$0x3FA5]  }
0x30: {  	s3 =	sld [smem:$0x3FA8]  }
0x31: {  	[smem:$0x3FB1] =	sst s10  }
0x32: {  	s10 =	sld [smem:$0x3FAF];
	_ =	sdelay $0x3  }
0x33: {  	p0 =	seq.s32 s10, $0x1;
	s10 =	sld [smem:$0x3FB1];
	_ =	sdelay $0x3  }
0x34: {  	[smem:$0x3FB1] =	sst s10  }
0x35: {  	s10 =	sld [smem:$0x3FB0];
	_ =	sdelay $0x3  }
0x36: {  	p1 =	seq.s32 s10, $0x1;
	s10 =	sld [smem:$0x3FB1];
	_ =	sdelay $0x3  }
0x37: {  	[smem:$0x3FB1] =	sst s10  }
0x38: {  	s10 =	sld [smem:$0x3FB2]  }
0x39: {  	_ = 	snop;
	(pc) =	sbr.ind lr, $3  }
0x3a: {  	_ = 	snop  }
0x3b: {  	_ = 	snop  }
0x3c: {  	p2 =	seq.s32 s10, $0x1;
	s10 =	sld [smem:$0x3FB1]  }
0x3d: {  	_ =	shalt  }
0x3e: {  	_ =	shalt  }
0x3f: {  	_ =	shalt  }
0x40: {  	_ =	shalt  }
0x41: {  	_ =	shalt  }
0x42: {  	_ =	shalt  }
0x43: {  	_ =	shalt  }
0x44: {  	_ =	shalt  }
0x45: {  	_ =	shalt  }
0x46: {  	_ =	shalt  }
0x47: {  	_ =	shalt  }
0x48: {  	_ =	shalt  }
0x49: {  	_ =	shalt  }
0x4a: {  	_ =	shalt  }
0x4b: {  	_ =	shalt  }
0x4c: {  	_ =	shalt  }
0x4d: {  	_ =	shalt  }
0x4e: {  	_ =	shalt  }
0x4f: {  	_ =	shalt  }
0x50: {  	_ =	shalt  }
0x51: {  	_ =	shalt  }
0x52: {  	_ =	shalt  }
0x53: {  	_ =	shalt  }
0x54: {  	_ =	shalt  }
0x55: {  	_ =	shalt  }
0x56: {  	_ =	shalt  }
0x57: {  	_ =	shalt  }
0x58: {  	_ =	shalt  }
0x59: {  	_ =	shalt  }
0x5a: {  	_ =	shalt  }
0x5b: {  	_ =	shalt  }
0x5c: {  	_ =	shalt  }
0x5d: {  	_ =	shalt  }
0x5e: {  	_ =	shalt  }
0x5f: {  	_ =	shalt  }
0x60: {  	_ =	shalt  }
0x61: {  	_ =	shalt  }
0x62: {  	_ =	shalt  }
0x63: {  	_ =	shalt  }
0x64: {  	_ =	shalt  }
0x65: {  	_ =	shalt  }
0x66: {  	_ =	shalt  }
0x67: {  	_ =	shalt  }
0x68: {  	_ =	shalt  }
0x69: {  	_ =	shalt  }
0x6a: {  	_ =	shalt  }
0x6b: {  	_ =	shalt  }
0x6c: {  	_ =	shalt  }
0x6d: {  	_ =	shalt  }
0x6e: {  	_ =	shalt  }
0x6f: {  	_ =	shalt  }
0x70: {  	_ =	shalt  }
0x71: {  	_ =	shalt  }
0x72: {  	_ =	shalt  }
0x73: {  	_ =	shalt  }
0x74: {  	_ =	shalt  }
0x75: {  	_ =	shalt  }
0x76: {  	_ =	shalt  }
0x77: {  	_ =	shalt  }
0x78: {  	_ =	shalt  }
0x79: {  	_ =	shalt  }
0x7a: {  	_ =	shalt  }
0x7b: {  	_ =	shalt  }
0x7c: {  	_ =	shalt  }
0x7d: {  	_ =	shalt  }
0x7e: {  	_ =	shalt  }
0x7f: {  	_ =	shalt  }
0x80: {  	_ =	shalt  }
0x81: {  	_ =	shalt  }
0x82: {  	_ =	shalt  }
0x83: {  	_ =	shalt  }
0x84: {  	_ =	shalt  }
0x85: {  	_ =	shalt  }
0x86: {  	_ =	shalt  }
0x87: {  	_ =	shalt  }
.Lfunc_end0:
.L_simem_size_0:
called_computation.6_lowered:
.L_overlay_start_0:
0x88: {  	s2 =	sld [smem:$0x3FD9]  }
0x89: {  	s3 =	sld [smem:$0x3FFE];
	_ =	sdelay $0x1  }
0x8a: {  	s1 =	srdreg.scid  }
0x8b: {  	s0 =	sand.u32 $0x1, s1  }
0x8c: {  	s17 =	sshll.u32 s0, $0xA;
	s2 =	sadd.s32 s3, s2  }
0x8d: {  	s2 =	sadd.s32 s2, s17  }
0x8e: {  	[smem:$0x3FBD] =	sst s2  }
0x8f: {  	_ = 	snop  }
0x90: {  	s18 =	sld [smem:$0x3FD0];
	(tm) =	ssettm $0x1  }
0x91: {  	s19 =	sld [smem:$0x3FFB];
	_ =	sdelay $0x3  }
0x92: {  	_ =	strace s19  }
0x93: {  	s2 =	sld [smem:$0x3FFC];
	_ =	sdelay $0x3  }
0x94: {  	_ =	strace s2  }
0x95: {  	s2 =	sld [smem:$0x3FFD];
	_ =	sdelay $0x3  }
0x96: {  	_ =	strace s2  }
0x97: {  	_ =	strace $0x8FFFFFFF  }
0x98: {  	s20 =	sld [smem:$0x3FDB];
	_ =	sdelay $0x1  }
0x99: {  	s4 =	simm.s32 $_scs_section_size  }
0x9a: {  	s5 =	simm.s32 $_size__tile_overlayer_lowered;
	s6 =	simm.s32 $_tile_overlayer_lowered  }
0x9b: {  	s7 =	simm.s32 $0x1BFF;
	s21 =	sshll.u32 s6, $0x1;
	s4 =	sadd.s32 s4, s20  }
0x9c: {  	s22 =	simm.s32 $0x0;
	s5 =	sshll.u32 s5, $0x1;
	s6 =	sadd.s32 s21, s4  }
0x9d: {  	[timem:s22], [sflag:s7] =	dma.local [hbm:s6], s5  }
0x9e: {  	_ =	swait.ge [sflag:s7], s5  }
0x9f: {  	s5 =	ssub.s32 $0x0, s5;
	[sflag:s7] =	ssyncset.done $0x0  }
0xa0: {  	[sflag:s7] =	ssyncadd.s32 s5;
	_ =	sdelay $0x1  }
0xa1: {  	s23 =	simm.s32 $0x1B8B  }
0xa2: {  	_ =	swait.ge [sflag:s23], $0x1  }
0xa3: {  	[sflag:s23] =	ssyncset.done $0x0  }
0xa4: {  	[sflag:s23] =	ssyncadd.s32 $0xFFFFFFFF  }
0xa5: {  	s5 =	sld [smem:$0x0]  }
0xa6: {  	s6 =	sand.u32 $0xFFFFFFFE, s1  }
0xa7: {  	p0 =	sne.s32 s1, s6  }
0xa8: {  	s6 =	sshll.u32 @p0 s6, $0xE  }
0xa9: {  	s6 =	sadd.s32 @p0 $0x11B8D, s6;
	s7 =	sshll.u32 @p0 s5, $0x11  }
0xaa: {  	s6 =	sor.u32 @p0 s7, s6  }
0xab: {  	[sflag:s6] =	ssyncadd.remote.s32 @p0 $0x1;
	_ =	sdelay $0x1  }
0xac: {  	s6 =	simm.s32 @p0 $0x1B8D  }
0xad: {  	_ =	swait.eq @p0 [sflag:s6], $0x1  }
0xae: {  	[sflag:s6] =	ssyncadd.s32 @p0 $0xFFFFFFFF  }
0xaf: {  	s7 =	sshll.u32 @!p0 s1, $0xE  }
0xb0: {  	s7 =	sor.u32 @!p0 $0x4000, s7;
	s6 =	simm.s32 @!p0 $0x1B8D  }
0xb1: {  	s5 =	sshll.u32 @!p0 s5, $0x11;
	s7 =	sadd.s32 @!p0 $0x11B8D, s7;
	_ =	swait.eq @!p0 [sflag:s6], $0x1  }
0xb2: {  	s5 =	sor.u32 @!p0 s5, s7;
	[sflag:s6] =	ssyncadd.s32 @!p0 $0xFFFFFFFF  }
0xb3: {  	s25 =	simm.s32 $0x1B8E;
	s24 =	sld [smem:$0x3FFE];
	[sflag:s5] =	ssyncadd.remote.s32 @!p0 $0x1  }
0xb4: {  	s26 =	simm.s32 $execute0_lowered;
	[smem:$0x3FD2] =	sst s25  }
0xb5: {  	s6 =	sshll.u32 s26, $0x1;
	_ =	strace $0x8000006D;
	[dreg:$0x1] =	wrdreg $0xFFFFFFFF  }
0xb6: {  	s28 =	simm.s32 $_size_execute0_lowered;
	s4 =	sadd.s32 s4, s6;
	[dreg:$0x0] =	wrdreg $0x0  }
0xb7: {  	s6 =	sshll.u32 s28, $0x1;
	[dreg:$0x2] =	wrdreg s4  }
0xb8: {  	[dreg:$0x3] =	wrdreg s6  }
0xb9: {  	[dreg:$0x4] =	wrdreg $0xC0  }
0xba: {  	_ =	task [dreg:s22], $0x5FFFF  }
0xbb: {  	[dreg:$0x1] =	wrdreg $0xFFFFFFFF  }
0xbc: {  	[dreg:$0x0] =	wrdreg $0x60  }
0xbd: {  	[dreg:$0x2] =	wrdreg s24  }
0xbe: {  	[dreg:$0x3] =	wrdreg s18  }
0xbf: {  	[dreg:$0x4] =	wrdreg $0x9  }
0xc0: {  	_ =	task.clear_ibuf [dreg:s22], $0x5FFFF;
	_ =	strace $0x9000006D  }
0xc1: {  	s29 =	simm.s32 $0x9;
	_ =	strace $0x8000006F  }
0xc2: {  	_ =	swait.ge [sflag:s29], $0x1  }
0xc3: {  	[sflag:s29] =	ssyncadd.s32 $0xFFFFFFFF  }
0xc4: {  	_ =	strace $0x9000006F  }
0xc5: {  	_ =	sfence  }
0xc6: {  	s30 =	sld [smem:$0x0];
	_ =	sdelay $0x2  }
0xc7: {  	s31 =	sshll.u32 s1, $0xD;
	s1 =	sshrl.u32 s1, $0x2  }
0xc8: {  	s4 =	sand.u32 $0x4000, s31;
	s1 =	sadd.s32 s1, s30  }
0xc9: {  	s0 =	sor.u32 s4, s0;
	s1 =	sshll.u32 s1, $0x11  }
0xca: {  	s0 =	sor.u32 s1, s0  }
0xcb: {  	s0 =	sadd.s32 $0x8F2B, s0  }
0xcc: {  	[sflag:s0] =	ssyncadd.remote.s32 $0x1  }
0xcd: {  	_ =	sfence.sel $0xFFFF  }
0xce: {  	[dreg:$0x0] =	wrdreg $0xFFFFFFFF;
	(pc) =	sbr.abs _section_cstart, $3  }
0xcf: {  	[dreg:$0x1] =	wrdreg $0xFFFFFFFF  }
0xd0: {  	_ =	task.clear_ibuf [dreg:s22], $0x2FFFF;
	_ =	strace $0x9FFFFFFF  }
0xd1: {  	(tm) =	ssettm $0x7FFFFFFF  }
tec
execute0_lowered:
.L_overlay_start_1:
0x0: {  	(tag) =	ssettag $0x1  }
0x1: {  	s2 =	rddreg [dreg:$0x0]  }
0x2: {  	s3 =	rddreg [dreg:$0x1]  }
0x3: {  	s0 =	rddreg [dreg:$0x2];
	s1 =	srdreg.scid;
	_ =	strace $0x8000006E  }
0x4: {  	s4 =	simm.s32 $0x1;
	s9 =	simm.s32 $0x3;
	s5 =	sshll.u32 s1, $0x4  }
.Ltmp0:
0x5: {  	s1 =	stileid.u32;
	s5 =	sand.u32 $0x10, s5;
	(pc) =	sbr.rel .LBB2_1-.Ltmp0, $4  }
0x6: {  	s12 =	simm.s32 $0x0;
	s10 =	simm.s32 $0x0;
	s6 =	sor.u32 s1, s5  }
0x7: {  	[sflag:s4] =	ssyncpa.u1 $0x0;
	s5 =	simm.s32 $0x2;
	s6 =	sshll.u32 s6, $0x8  }
0x8: {  	s7 =	sadd.s32 $0x17FA00, s2;
	[sflag:s5] =	ssyncpa.u1 $0x0;
	s8 =	sadd.s32 $0x100, s6  }
0x9: {  	vm0 =	vmmov $0xff;
	vm1 =	vcmask $0x3F20;
	[sflag:s9] =	ssyncpa.u1 $0x0;
	s9 =	simm.s32 $0x100;
	s11 =	smov.u32 s6  }
.LBB2_9:
0xa: {  	p0 =	seq.s32 s10, $0x2  }
.Ltmp1:
0xb: {  	_ = 	snop;
	(pc) =	sbr.rel @p0 .LBB2_11-.Ltmp1, $1  }
0xc: {  	_ =	sdelay $0x3  }
.LBB2_10:
0xd: {  	s12 =	sadd.s32 $0x100, s11  }
0xe: {  	s13 =	smov.u32 s6;
	p0 =	slt.s32 s12, s8  }
0xf: {  	s13 =	smov.u32 @p0 s12  }
0x10: {  	s10 =	sadd.s32 $0x1, s10;
	s12 =	smov.u32 s11;
	s11 =	smov.u32 s13  }
.LBB2_1:
0x11: {  	p0 =	sne.s32 s10, $0x0  }
.Ltmp2:
0x12: {  	_ = 	snop;
	(pc) =	sbr.rel @!p0 .LBB2_2-.Ltmp2, $1  }
0x13: {  	_ =	sdelay $0x3  }
0x14: {  	s13 =	sand.u32 $0x1, s10  }
0x15: {  	p0 =	seq.s32 s13, $0x0  }
.Ltmp3:
0x16: {  	_ = 	snop;
	(pc) =	sbr.rel @p0 .LBB2_9-.Ltmp3, $1  }
0x17: {  	_ =	sdelay $0x3  }
0x18: {  	_ =	swait.ge [sflag:s5], $0x100  }
0x19: {  	[sflag:s5] =	ssyncset.done $0x0  }
0x1a: {  	s13 =	simm.s32 $0x0;
	[sflag:s5] =	ssyncadd.s32 $0xFFFFFF00  }
0x1b: {  	v0 =	vld.msk [tilespmem:s13+$0x100 ss:$0x1], $0xffff;
	_ =	sdelay $0x4  }
0x1c: {  	vm2 =	vgt.s32 v0, $0x0  }
0x1d: {  	v0 =	vnsel vm2, $0x0, v0  }
0x1e: {  	v0 =	vmin.u32 v0, $0x270F  }
0x1f: {  	v0 =	vshll.u32 v0, $0x4;
	_ =	sdelay $0x3  }
0x20: {  	s13 =	simm.s32 $0x8200  }
0x21: {  	[tilespmem:s13], [sflag:$0x1] =	stream.indirect_vreg.gather [hbm:s7], $0x80, v0, vm0, $0x38;
	[tilespmem:$0x10200] =	vst v63  }
0x22: {  	s14 =	simm.s32 $0x8600;
	s31 =	simm.s32 $0x10  }
0x23: {  	[tilespmem:s14], [sflag:$0x1] =	stream.indirect_vreg.gather [hbm:s7], $0x80, v0, vm1, $0x38;
	[tilespmem:$0x10200] =	vst v63  }
0x24: {  	s14 =	simm.s32 $0x80;
	v0 =	vld.msk [tilespmem:s31+$0x100 ss:$0x1], $0xffff  }
.LBB2_5:
0x25: {  	p0 =	sne.s32 s14, $0x3C0;
	_ =	sdelay $0x4  }
0x26: {  	vm2 =	vgt.s32 v0, $0x0  }
0x27: {  	v0 =	vnsel vm2, $0x0, v0  }
0x28: {  	v0 =	vmin.u32 v0, $0x270F  }
0x29: {  	v0 =	vshll.u32 v0, $0x4;
	_ =	sdelay $0x3  }
.Ltmp4:
0x2a: {  	s13 =	sadd.s32 $0x800, s13;
	(pc) =	sbr.rel @p0 .LBB2_5-.Ltmp4, $4  }
0x2b: {  	[tilespmem:s13], [sflag:$0x1] =	stream.indirect_vreg.gather [hbm:s7], $0x80, v0, vm0, $0x38;
	[tilespmem:$0x10200] =	vst v63  }
0x2c: {  	s15 =	sshra.s32 s14, $0x2;
	s16 =	sadd.s32 $0x400, s13  }
0x2d: {  	[tilespmem:s16], [sflag:$0x1] =	stream.indirect_vreg.gather [hbm:s7], $0x80, v0, vm1, $0x38;
	[tilespmem:$0x10200] =	vst v63  }
0x2e: {  	s14 =	sadd.s32 $0x40, s14;
	v0 =	vld.msk [tilespmem:s15+$0x100 ss:$0x1], $0xffff  }
0x2f: {  	_ =	sdelay $0x3  }
0x30: {  	vm2 =	vgt.s32 v0, $0x0  }
0x31: {  	v0 =	vnsel vm2, $0x0, v0  }
0x32: {  	v0 =	vmin.u32 v0, $0x270F  }
0x33: {  	v0 =	vshll.u32 v0, $0x4;
	_ =	sdelay $0x3  }
0x34: {  	s13 =	sadd.s32 $0x800, s13  }
0x35: {  	[tilespmem:s13], [sflag:$0x1] =	stream.indirect_vreg.gather [hbm:s7], $0x80, v0, vm0, $0x38;
	[tilespmem:$0x10200] =	vst v63  }
0x36: {  	s13 =	sadd.s32 $0x400, s13  }
0x37: {  	[tilespmem:s13], [sflag:$0x1] =	stream.indirect_vreg.gather [hbm:s7], $0x80, v0, vm1, $0x38;
	[tilespmem:$0x10200] =	vst v63  }
0x38: {  	s12 =	sshll.u32 s12, $0x4;
	s14 =	simm.s32 $0x80;
	_ =	swait.ge [sflag:s4], $0x8000  }
0x39: {  	s15 =	simm.s32 $0x8600;
	s12 =	sadd.s32 s12, s2;
	[sflag:s4] =	ssyncset.done $0x0  }
0x3a: {  	s16 =	sadd.s32 $0x0, s12;
	s13 =	simm.s32 $0x8200;
	[sflag:s4] =	ssyncadd.s32 $0xFFFF8000  }
.LBB2_7:
0x3b: {  	[hbm:s16] =	stream.linear.scatter [tilespmem:s13], [sflag:$0x3], $0x400, $0x38;
	[tilespmem:$0x10200] =	vst v63  }
0x3c: {  	s16 =	smov.u32 s14;
	s13 =	smov.u32 s15;
	p0 =	sne.s32 s14, $0xF80  }
.Ltmp5:
0x3d: {  	s14 =	sadd.s32 $0x80, s14;
	(pc) =	sbr.rel @p0 .LBB2_7-.Ltmp5, $2  }
0x3e: {  	_ =	sdelay $0x2  }
0x3f: {  	s15 =	sadd.s32 $0x400, s15;
	s16 =	sadd.s32 s16, s12  }
.Ltmp6:
0x40: {  	(pc) =	sbr.rel .LBB2_9-.Ltmp6, $2  }
0x41: {  	_ =	sdelay $0x2  }
0x42: {  	[hbm:s16] =	stream.linear.scatter [tilespmem:s13], [sflag:$0x3], $0x400, $0x38;
	[tilespmem:$0x10200] =	vst v63  }
.LBB2_2:
.Ltmp7:
0x43: {  	(pc) =	sbr.rel .LBB2_10-.Ltmp7, $4  }
0x44: {  	_ = 	snop  }
0x45: {  	s12 =	sshrl.u32 s11, $0x3  }
0x46: {  	s13 =	sand.u32 $0x7, s11;
	s12 =	sadd.s32 s3, s12  }
0x47: {  	[tilespmem:s9], [sflag:$0x2] =	stream.linear.gather [hbm4b:s12+s13], $0x100, $0x38;
	[tilespmem:$0x10200] =	vst v63  }
.LBB2_11:
0x48: {  	s2 =	simm.s32 $0x3  }
0x49: {  	_ =	swait.ge [sflag:s2], $0x8000  }
0x4a: {  	[sflag:s2] =	ssyncset.done $0x0  }
0x4b: {  	[sflag:s2] =	ssyncadd.s32 $0xFFFF8000  }
0x4c: {  	_ =	sfence.sel $0x180000  }
0x4d: {  	s3 =	simm.s32 $0x2;
	[bflag:$0x0] =	sbarrier.arrive $0xFFFF  }
0x4e: {  	[sflag:s3] =	ssyncpa.u1 $0x1  }
0x4f: {  	s31 =	simm.s32 $0x1;
	[sflag:s2] =	ssyncpa.u1 $0x1  }
0x50: {  	[sflag:s31] =	ssyncpa.u1 $0x1  }
0x51: {  	p0 =	sne.s32 s1, $0x0;
	_ =	strace $0x9000006E  }
0x52: {  	s0 =	sadd.s32 @!p0 $0x100000, s0;
	[bflag:$0x2] =	sbarrier.arrive $0xFFFF  }
0x53: {  	[sflag:s0] =	ssyncadd.tile.s32 @!p0 $0x1;
	_ =	shalt  }
.Lfunc_end2:
_tile_overlayer_lowered:
.L_overlay_start_2:
0x54: {  	(tag) =	ssettag $0x2  }
0x55: {  	s0 =	rddreg [dreg:$0x0];
	s2 =	stileid.u32  }
0x56: {  	s1 =	rddreg [dreg:$0x1];
	p0 =	sne.s32 s2, $0x0  }
0x57: {  	s3 =	rddreg [dreg:$0x2];
	[bflag:$0x3] =	sbarrier.arrive $0xFFFF;
	s2 =	simm.s32 @!p0 $0x1C01  }
0x58: {  	[timem:s3], [sflag:s2] =	dma.local @!p0 [hbm:s0], s1  }
0x59: {  	s0 =	simm.s32 @!p0 $0x1  }
0x5a: {  	_ =	swait.ge @!p0 [sflag:s0], s1  }
0x5b: {  	s1 =	ssub.s32 @!p0 $0x0, s1;
	[sflag:s0] =	ssyncset.done @!p0 $0x0  }
0x5c: {  	[sflag:s0] =	ssyncadd.s32 @!p0 s1  }
0x5d: {  	[bflag:$0x3] =	sbarrier.arrive $0xFFFF  }
0x5e: {  	_ =	shalt  }

// kernel: scatter_offload_async_start.1
scs
__scs_entry_jumppad:
0x0: {  	(pc) =	sbr.rel $0x88, $3  }
0x1: {  	(tag) =	ssettag $0x0;
	lr =	simm.s32 $0x1  }
0x2: {  	[smem:$0x3F96] =	sst lr;
	_ =	strace $0xD0000000  }
0x3: {  	_ = 	snop  }
0x4: {  	_ = 	snop  }
0x5: {  	_ = 	snop  }
0x6: {  	_ = 	snop  }
0x7: {  	_ = 	snop  }
__scs_overlays_trampoline_lowered:
0x8: {  	[smem:$0x3FA5] =	sst s0  }
0x9: {  	[smem:$0x3FA6] =	sst s1  }
0xa: {  	[smem:$0x3FA7] =	sst s2  }
0xb: {  	[smem:$0x3FA8] =	sst s3  }
0xc: {  	[smem:$0x3FA9] =	sst s4  }
0xd: {  	[smem:$0x3FAA] =	sst s5  }
0xe: {  	[smem:$0x3FAB] =	sst s6  }
0xf: {  	[smem:$0x3FAC] =	sst s7  }
0x10: {  	[smem:$0x3FAD] =	sst s8  }
0x11: {  	[smem:$0x3FAE] =	sst s9;
	s0 =	simm.s32 @!p0 $0x0  }
0x12: {  	s1 =	sld [smem:$0x3F94];
	s0 =	simm.s32 @p0 $0x1  }
0x13: {  	[smem:$0x3FAF] =	sst s0;
	s0 =	simm.s32 @!p1 $0x0  }
0x14: {  	s2 =	sld [smem:$0x3F93];
	s0 =	simm.s32 @p1 $0x1  }
0x15: {  	[smem:$0x3FB0] =	sst s0;
	s0 =	simm.s32 @!p2 $0x0  }
0x16: {  	s3 =	sld [smem:$0x3FDB];
	s0 =	simm.s32 @p2 $0x1  }
0x17: {  	s4 =	simm.s32 $0x1BF5;
	[smem:$0x3FB2] =	sst s0  }
0x18: {  	s0 =	sld [smem:$0x3F95];
	_ =	swait.ge [sflag:s4], $0x0  }
0x19: {  	s7 =	sld [smem:$0x3F96]  }
0x1a: {  	s8 =	sadd.s32 $0xFFFFE003, lr  }
0x1b: {  	s9 =	sadd.s32 $0xFFFFFEF7, lr;
	s5 =	simm.s32 $0xFFFFFFFF;
	p2 =	slt.u32 s8, $0xFFFFF086  }
0x1c: {  	p1 =	slt.u32 s9, $0xF7A;
	s5 =	simm.s32 @!p2 $0x0  }
0x1d: {  	s5 =	simm.s32 @p1 $0x1;
	p0 =	seq.s32 s7, s2  }
0x1e: {  	s7 =	smul.u32 @!p0 $0xF7A, s2;
	p2 =	seq.s32 @!p0 s5, $0x0  }
0x1f: {  	s9 =	smul.u32 $0xF7A, s1;
	s8 =	simm.s32 @!p0 $0x1BF5;
	p2 =	por !p2, p0  }
0x20: {  	[sflag:s8] =	ssyncset.s32 @!p0 $0xFFFFF086;
	s6 =	sadd.s32 @!p0 s3, s7;
	s7 =	simm.s32 @!p0 $0x108  }
0x21: {  	s3 =	sadd.s32 s3, s9;
	s6 =	sadd.s32 @!p0 $0x88, s6;
	s7 =	simm.s32 @p2 $0x1082  }
0x22: {  	[simem:s7], [sflag:s8] =	dma.local @!p0 [hbm:s6], $0xF7A  }
0x23: {  	s9 =	sor.u32 $0xD0000000, s2;
	s6 =	simm.s32 $0x108;
	_ =	swait.ge @!p0 [sflag:s8], $0x0  }
0x24: {  	s3 =	sadd.s32 $0x88, s3;
	s6 =	simm.s32 @!p1 $0x1082;
	[sflag:s4] =	ssyncset.s32 $0xFFFFF086  }
0x25: {  	[simem:s6], [sflag:s4] =	dma.local [hbm:s3], $0xF7A  }
0x26: {  	[smem:$0x3F96] =	sst s1;
	(tag) =	ssettag s2;
	_ =	strace s9  }
0x27: {  	s1 =	sld [smem:$0x3FA6]  }
0x28: {  	s2 =	sld [smem:$0x3FA7]  }
0x29: {  	s4 =	sld [smem:$0x3FA9]  }
0x2a: {  	p0 =	seq.s32 s5, $0x0;
	s5 =	sld [smem:$0x3FAA]  }
0x2b: {  	s6 =	sld [smem:$0x3FAB]  }
0x2c: {  	s7 =	sld [smem:$0x3FAC]  }
0x2d: {  	s3 =	simm.s32 $0x108;
	s8 =	sld [smem:$0x3FAD]  }
0x2e: {  	s3 =	simm.s32 @!p0 $0x1082;
	s9 =	sld [smem:$0x3FAE]  }
0x2f: {  	lr =	sadd.s32 s0, s3;
	s0 =	sld [smem:$0x3FA5]  }
0x30: {  	s3 =	sld [smem:$0x3FA8]  }
0x31: {  	[smem:$0x3FB1] =	sst s10  }
0x32: {  	s10 =	sld [smem:$0x3FAF];
	_ =	sdelay $0x3  }
0x33: {  	p0 =	seq.s32 s10, $0x1;
	s10 =	sld [smem:$0x3FB1];
	_ =	sdelay $0x3  }
0x34: {  	[smem:$0x3FB1] =	sst s10  }
0x35: {  	s10 =	sld [smem:$0x3FB0];
	_ =	sdelay $0x3  }
0x36: {  	p1 =	seq.s32 s10, $0x1;
	s10 =	sld [smem:$0x3FB1];
	_ =	sdelay $0x3  }
0x37: {  	[smem:$0x3FB1] =	sst s10  }
0x38: {  	s10 =	sld [smem:$0x3FB2]  }
0x39: {  	_ = 	snop;
	(pc) =	sbr.ind lr, $3  }
0x3a: {  	_ = 	snop  }
0x3b: {  	_ = 	snop  }
0x3c: {  	p2 =	seq.s32 s10, $0x1;
	s10 =	sld [smem:$0x3FB1]  }
0x3d: {  	_ =	shalt  }
0x3e: {  	_ =	shalt  }
0x3f: {  	_ =	shalt  }
0x40: {  	_ =	shalt  }
0x41: {  	_ =	shalt  }
0x42: {  	_ =	shalt  }
0x43: {  	_ =	shalt  }
0x44: {  	_ =	shalt  }
0x45: {  	_ =	shalt  }
0x46: {  	_ =	shalt  }
0x47: {  	_ =	shalt  }
0x48: {  	_ =	shalt  }
0x49: {  	_ =	shalt  }
0x4a: {  	_ =	shalt  }
0x4b: {  	_ =	shalt  }
0x4c: {  	_ =	shalt  }
0x4d: {  	_ =	shalt  }
0x4e: {  	_ =	shalt  }
0x4f: {  	_ =	shalt  }
0x50: {  	_ =	shalt  }
0x51: {  	_ =	shalt  }
0x52: {  	_ =	shalt  }
0x53: {  	_ =	shalt  }
0x54: {  	_ =	shalt  }
0x55: {  	_ =	shalt  }
0x56: {  	_ =	shalt  }
0x57: {  	_ =	shalt  }
0x58: {  	_ =	shalt  }
0x59: {  	_ =	shalt  }
0x5a: {  	_ =	shalt  }
0x5b: {  	_ =	shalt  }
0x5c: {  	_ =	shalt  }
0x5d: {  	_ =	shalt  }
0x5e: {  	_ =	shalt  }
0x5f: {  	_ =	shalt  }
0x60: {  	_ =	shalt  }
0x61: {  	_ =	shalt  }
0x62: {  	_ =	shalt  }
0x63: {  	_ =	shalt  }
0x64: {  	_ =	shalt  }
0x65: {  	_ =	shalt  }
0x66: {  	_ =	shalt  }
0x67: {  	_ =	shalt  }
0x68: {  	_ =	shalt  }
0x69: {  	_ =	shalt  }
0x6a: {  	_ =	shalt  }
0x6b: {  	_ =	shalt  }
0x6c: {  	_ =	shalt  }
0x6d: {  	_ =	shalt  }
0x6e: {  	_ =	shalt  }
0x6f: {  	_ =	shalt  }
0x70: {  	_ =	shalt  }
0x71: {  	_ =	shalt  }
0x72: {  	_ =	shalt  }
0x73: {  	_ =	shalt  }
0x74: {  	_ =	shalt  }
0x75: {  	_ =	shalt  }
0x76: {  	_ =	shalt  }
0x77: {  	_ =	shalt  }
0x78: {  	_ =	shalt  }
0x79: {  	_ =	shalt  }
0x7a: {  	_ =	shalt  }
0x7b: {  	_ =	shalt  }
0x7c: {  	_ =	shalt  }
0x7d: {  	_ =	shalt  }
0x7e: {  	_ =	shalt  }
0x7f: {  	_ =	shalt  }
0x80: {  	_ =	shalt  }
0x81: {  	_ =	shalt  }
0x82: {  	_ =	shalt  }
0x83: {  	_ =	shalt  }
0x84: {  	_ =	shalt  }
0x85: {  	_ =	shalt  }
0x86: {  	_ =	shalt  }
0x87: {  	_ =	shalt  }
.Lfunc_end0:
.L_simem_size_0:
called_computation.1_lowered:
.L_overlay_start_0:
0x88: {  	s0 =	sld [smem:$0x3FD9]  }
0x89: {  	s1 =	sld [smem:$0x3FFE];
	_ =	sdelay $0x3  }
0x8a: {  	s0 =	sadd.s32 s1, s0  }
0x8b: {  	[smem:$0x3FBD] =	sst s0  }
0x8c: {  	_ = 	snop  }
0x8d: {  	(tm) =	ssettm $0x1  }
0x8e: {  	s14 =	sld [smem:$0x3FFB];
	_ =	sdelay $0x3  }
0x8f: {  	_ =	strace s14  }
0x90: {  	s0 =	sld [smem:$0x3FFC];
	_ =	sdelay $0x3  }
0x91: {  	_ =	strace s0  }
0x92: {  	s0 =	sld [smem:$0x3FFD];
	_ =	sdelay $0x3  }
0x93: {  	_ =	strace s0  }
0x94: {  	_ =	strace $0x8FFFFFFF  }
0x95: {  	s15 =	sld [smem:$0x3FDB];
	_ =	sdelay $0x1  }
0x96: {  	s16 =	simm.s32 $_scs_section_size  }
0x97: {  	s2 =	simm.s32 $_size__tile_overlayer_lowered;
	s3 =	simm.s32 $_tile_overlayer_lowered  }
0x98: {  	s4 =	simm.s32 $0x1BFF;
	s17 =	sshll.u32 s3, $0x1;
	s1 =	sadd.s32 s16, s15  }
0x99: {  	s18 =	simm.s32 $0x0;
	s2 =	sshll.u32 s2, $0x1;
	s3 =	sadd.s32 s17, s1  }
0x9a: {  	[timem:s18], [sflag:s4] =	dma.local [hbm:s3], s2  }
0x9b: {  	_ =	swait.ge [sflag:s4], s2  }
0x9c: {  	s2 =	ssub.s32 $0x0, s2;
	[sflag:s4] =	ssyncset.done $0x0  }
0x9d: {  	[sflag:s4] =	ssyncadd.s32 s2;
	_ =	sdelay $0x1  }
0x9e: {  	s19 =	simm.s32 $0x1B8B  }
0x9f: {  	_ =	swait.ge [sflag:s19], $0x1  }
0xa0: {  	[sflag:s19] =	ssyncset.done $0x0  }
0xa1: {  	s21 =	simm.s32 $0x1B8E;
	s20 =	sld [smem:$0x3FFE];
	[sflag:s19] =	ssyncadd.s32 $0xFFFFFFFF  }
0xa2: {  	s22 =	simm.s32 $execute0_lowered;
	[smem:$0x3FD2] =	sst s21  }
0xa3: {  	s3 =	sshll.u32 s22, $0x1;
	_ =	strace $0x80000052;
	[dreg:$0x1] =	wrdreg $0xFFFFFFFF  }
0xa4: {  	s23 =	simm.s32 $_size_execute0_lowered;
	s3 =	sadd.s32 s1, s3;
	[dreg:$0x0] =	wrdreg $0x0  }
0xa5: {  	s4 =	sshll.u32 s23, $0x1;
	[dreg:$0x2] =	wrdreg s3  }
0xa6: {  	[dreg:$0x3] =	wrdreg s4  }
0xa7: {  	[dreg:$0x4] =	wrdreg $0xC0  }
0xa8: {  	s24 =	simm.s32 $execute1_lowered;
	_ =	task [dreg:s18], $0x5FFFF  }
0xa9: {  	s3 =	sshll.u32 s24, $0x1;
	[dreg:$0x1] =	wrdreg $0xFFFFFFFF  }
0xaa: {  	s1 =	sadd.s32 s1, s3;
	[dreg:$0x0] =	wrdreg $0x60  }
0xab: {  	[dreg:$0x2] =	wrdreg s1  }
0xac: {  	[dreg:$0x3] =	wrdreg s20  }
0xad: {  	[dreg:$0x4] =	wrdreg $0xB  }
0xae: {  	_ =	task.clear_ibuf [dreg:s18], $0x5FFFF;
	_ =	strace $0x90000052  }
0xaf: {  	s25 =	simm.s32 $0xB;
	_ =	strace $0x80000054  }
0xb0: {  	_ =	swait.ge [sflag:s25], $0x1  }
0xb1: {  	[sflag:s25] =	ssyncadd.s32 $0xFFFFFFFF  }
0xb2: {  	_ =	strace $0x90000054  }
0xb3: {  	_ =	strace $0x80000055;
	[dreg:$0x1] =	wrdreg $0xFFFFFFFF  }
0xb4: {  	[dreg:$0x0] =	wrdreg $0x2030  }
0xb5: {  	[dreg:$0x2] =	wrdreg s20  }
0xb6: {  	[dreg:$0x3] =	wrdreg $0xC  }
0xb7: {  	_ =	task.clear_ibuf [dreg:s18], $0x4FFFF;
	_ =	strace $0x90000055  }
0xb8: {  	s26 =	simm.s32 $0xC;
	_ =	strace $0x80000057  }
0xb9: {  	_ =	swait.ge [sflag:s26], $0x1  }
0xba: {  	[sflag:s26] =	ssyncadd.s32 $0xFFFFFFFF  }
0xbb: {  	_ =	strace $0x90000057  }
0xbc: {  	_ =	sfence  }
0xbd: {  	s28 =	sld [smem:$0x0];
	_ =	sdelay $0x1  }
0xbe: {  	s29 =	srdreg.scid  }
0xbf: {  	s30 =	sshll.u32 s29, $0xD;
	s31 =	sshrl.u32 s29, $0x2  }
0xc0: {  	s2 =	sand.u32 $0x1, s29;
	s3 =	sand.u32 $0x4000, s30;
	s1 =	sadd.s32 s31, s28  }
0xc1: {  	s2 =	sor.u32 s3, s2;
	s1 =	sshll.u32 s1, $0x11  }
0xc2: {  	s1 =	sor.u32 s1, s2  }
0xc3: {  	s1 =	sadd.s32 $0x8F2B, s1  }
0xc4: {  	[sflag:s1] =	ssyncadd.remote.s32 $0x1  }
0xc5: {  	_ =	sfence.sel $0xFFFF  }
0xc6: {  	[dreg:$0x0] =	wrdreg $0xFFFFFFFF;
	(pc) =	sbr.abs _section_cstart, $3  }
0xc7: {  	[dreg:$0x1] =	wrdreg $0xFFFFFFFF  }
0xc8: {  	_ =	task.clear_ibuf [dreg:s18], $0x2FFFF;
	_ =	strace $0x9FFFFFFF  }
0xc9: {  	(tm) =	ssettm $0x7FFFFFFF  }
tec
execute0_lowered:
.L_overlay_start_1:
0x0: {  	(tag) =	ssettag $0x1  }
0x1: {  	s2 =	rddreg [dreg:$0x0]  }
0x2: {  	s4 =	rddreg [dreg:$0x1]  }
0x3: {  	s0 =	rddreg [dreg:$0x2]  }
0x4: {  	s3 =	stileid.u32;
	[bflag:$0x3] =	sbarrier.arrive $0xFFFF;
	s1 =	simm.s32 $_size_execute1_lowered  }
0x5: {  	s7 =	simm.s32 $0x2;
	s8 =	simm.s32 $0x0;
	s12 =	simm.s32 $0x0  }
0x6: {  	s10 =	simm.s32 $0x0;
	s11 =	simm.s32 $0x0;
	p0 =	sne.s32 s3, $0x0  }
0x7: {  	s1 =	sshll.u32 s1, $0x1;
	s3 =	sshll.u32 s3, $0x7;
	s5 =	simm.s32 @!p0 $0x1C3F  }
.Ltmp0:
0x8: {  	s6 =	simm.s32 @!p0 $0x4060;
	s31 =	ssub.s32 $0xC300, s3;
	(pc) =	sbr.rel .LBB2_1-.Ltmp0, $4  }
0x9: {  	[timem:s6], [sflag:s5] =	dma.local @!p0 [hbm:s2], s1  }
0xa: {  	s9 =	smov.u32 s3;
	s5 =	simm.s32 $0x1;
	_ =	strace $0x80000053  }
0xb: {  	s2 =	sadd.s32 $0x4DD000, s4;
	s6 =	sshrl.u32 s31, $0xB;
	[sflag:s5] =	ssyncpa.u1 $0x0  }
0xc: {  	s4 =	sadd.s32 $0x5A0600, s4;
	[sflag:s7] =	ssyncpa.u1 $0x0;
	s7 =	sadd.s32 $0x2, s6  }
.LBB2_4:
0xd: {  	_ = 	snop  }
.LBB2_7:
0xe: {  	_ =	sdelay $0x3  }
0xf: {  	[tilespmem:v0+s16+$0x0 ss:$0x1] =	vst.idx.msk @p1 $0xffff, v2  }
0x10: {  	v56 =	vld.idx.msk [tilespmem:v1+s15+$0x0 ss:$0x1], $0xffff;
	s24 =	sor.u32 $0x70, s15;
	[tilespmem:v0+s17+$0x0 ss:$0x1] =	vst.idx.msk @p1 $0xffff, v4  }
0x11: {  	s25 =	sor.u32 $0x10, s15;
	[tilespmem:v0+s18+$0x0 ss:$0x1] =	vst.idx.msk @p1 $0xffff, v3;
	v57 =	vld.idx.msk [tilespmem:v1+s24+$0x0 ss:$0x1], $0xffff  }
0x12: {  	s26 =	sor.u32 $0x20, s15;
	[tilespmem:v0+s19+$0x0 ss:$0x1] =	vst.idx.msk @p1 $0xffff, v5;
	v58 =	vld.idx.msk [tilespmem:v1+s25+$0x0 ss:$0x1], $0xffff  }
0x13: {  	s28 =	sor.u32 $0x30, s15;
	[tilespmem:v0+s20+$0x0 ss:$0x1] =	vst.idx.msk @p1 $0xffff, v6;
	v59 =	vld.idx.msk [tilespmem:v1+s26+$0x0 ss:$0x1], $0xffff  }
0x14: {  	s29 =	sor.u32 $0x40, s15;
	[tilespmem:v0+s21+$0x0 ss:$0x1] =	vst.idx.msk @p1 $0xffff, v7;
	v60 =	vld.idx.msk [tilespmem:v1+s28+$0x0 ss:$0x1], $0xffff  }
0x15: {  	s30 =	sor.u32 $0x50, s15;
	v61 =	vld.idx.msk [tilespmem:v1+s29+$0x0 ss:$0x1], $0xffff;
	[tilespmem:v0+s15+$0x0 ss:$0x1] =	vst.idx.msk $0xffff, v56  }
0x16: {  	s31 =	sor.u32 $0x60, s15;
	v62 =	vld.idx.msk [tilespmem:v1+s30+$0x0 ss:$0x1], $0xffff;
	[tilespmem:v0+s24+$0x0 ss:$0x1] =	vst.idx.msk $0xffff, v57  }
0x17: {  	v63 =	vld.idx.msk [tilespmem:v1+s31+$0x0 ss:$0x1], $0xffff;
	[tilespmem:v0+s25+$0x0 ss:$0x1] =	vst.idx.msk $0xffff, v58  }
0x18: {  	[tilespmem:v0+s26+$0x0 ss:$0x1] =	vst.idx.msk $0xffff, v59  }
0x19: {  	[tilespmem:v0+s28+$0x0 ss:$0x1] =	vst.idx.msk $0xffff, v60  }
0x1a: {  	[tilespmem:v0+s29+$0x0 ss:$0x1] =	vst.idx.msk $0xffff, v61  }
0x1b: {  	[tilespmem:v0+s30+$0x0 ss:$0x1] =	vst.idx.msk $0xffff, v62  }
0x1c: {  	[tilespmem:v0+s31+$0x0 ss:$0x1] =	vst.idx.msk $0xffff, v63  }
.LBB2_8:
0x1d: {  	s15 =	sand.u32 $0x1FFFFFF, s10  }
0x1e: {  	s16 =	smulhi.u32 $0x14F8B59, s15;
	_ =	sdelay $0x1  }
0x1f: {  	s16 =	sshrl.u32 s16, $0x8  }
0x20: {  	s16 =	smul.u32 $0xC350, s16;
	_ =	sdelay $0x1  }
0x21: {  	s15 =	ssub.s32 s15, s16  }
0x22: {  	s15 =	sshll.u32 s15, $0x4  }
0x23: {  	s15 =	sadd.s32 s4, s15  }
0x24: {  	[hbm4b:s15+s8] =	stream.linear.scatter [tilespmem:s14], [sflag:$0x2], s13, $0x38;
	[tilespmem:$0x10000] =	vst v63  }
.LBB2_9:
0x25: {  	p1 =	slt.u32 s11, $0x2  }
0x26: {  	p2 =	sgt.s32 @!p1 s12, $0xC2D0  }
0x27: {  	s13 =	smov.u32 s12;
	s14 =	sshra.s32 @!p1 s12, $0x1F;
	p2 =	por !p2, p1  }
0x28: {  	s12 =	sand.u32 @!p1 s14, s12;
	s13 =	simm.s32 @p2 $0xC2D0  }
0x29: {  	s12 =	ssub.s32 @!p1 s13, s12  }
0x2a: {  	s12 =	sadd.s32 @!p1 $0xFFFF3D30, s12  }
0x2b: {  	s13 =	sshll.u32 @!p1 s12, $0x9  }
0x2c: {  	p2 =	sgt.s32 @!p1 s12, $0x7F;
	s12 =	ssub.s32 @!p1 $0x10000, s13  }
0x2d: {  	s14 =	sadd.s32 $0x800, s9;
	p2 =	por !p2, p1;
	s12 =	sshrl.u32 @!p1 s12, $0x2  }
0x2e: {  	s12 =	simm.s32 @!p2 $0x0;
	p2 =	sgt.s32 s14, $0xC34F  }
0x2f: {  	s14 =	smov.u32 @p2 s3;
	p2 =	sne.s32 s11, s7  }
.Ltmp1:
0x30: {  	_ = 	snop;
	(pc) =	sbr.rel @!p2 .LBB2_10-.Ltmp1, $4  }
0x31: {  	s13 =	simm.s32 @!p1 $0x2  }
0x32: {  	_ =	swait.ge @!p1 [sflag:s13], s12;
	s15 =	ssub.s32 @!p1 $0x0, s12  }
0x33: {  	s12 =	smov.u32 s10;
	s11 =	sadd.s32 $0x1, s11;
	[sflag:s13] =	ssyncset.done @!p1 $0x0  }
0x34: {  	s10 =	smov.u32 s9;
	s9 =	smov.u32 s14;
	[sflag:s13] =	ssyncadd.s32 @!p1 s15  }
.LBB2_1:
0x35: {  	p1 =	sgt.u32 s11, s6  }
0x36: {  	s13 =	sand.u32 @!p1 $0x1FFFFFF, s9  }
0x37: {  	p2 =	sgt.s32 @!p1 s9, $0xC2D0;
	s14 =	smulhi.u32 @!p1 $0x14F8B59, s13  }
0x38: {  	s15 =	smov.u32 s9;
	s16 =	sshra.s32 @!p1 s9, $0x1F;
	p2 =	por !p2, p1  }
0x39: {  	s16 =	sand.u32 @!p1 s16, s9;
	s15 =	simm.s32 @p2 $0xC2D0;
	s14 =	sshrl.u32 @!p1 s14, $0x8  }
0x3a: {  	s15 =	ssub.s32 @!p1 s15, s16;
	s14 =	smul.u32 @!p1 $0xC350, s14  }
0x3b: {  	s16 =	sxor.u32 @!p1 $0xFFFFFFFF, s11;
	s15 =	sadd.s32 @!p1 $0xFFFF3D30, s15  }
0x3c: {  	s16 =	sshll.u32 @!p1 s16, $0xE;
	s13 =	ssub.s32 @!p1 s13, s14;
	s14 =	sshll.u32 @!p1 s15, $0x9  }
0x3d: {  	s16 =	sand.u32 @!p1 $0x4000, s16;
	p2 =	sgt.s32 @!p1 s15, $0x7F;
	s14 =	ssub.s32 @!p1 $0x10000, s14  }
0x3e: {  	p2 =	por !p2, p1;
	s13 =	sshll.u32 @!p1 s13, $0x4;
	s14 =	sshrl.u32 @!p1 s14, $0x2  }
0x3f: {  	s15 =	simm.s32 @!p1 $0x0;
	s13 =	sadd.s32 @!p1 s2, s13;
	s14 =	simm.s32 @!p2 $0x0  }
0x40: {  	[tilespmem:s16], [sflag:$0x1] =	stream.linear.gather @!p1 [hbm4b:s13+s15], s14, $0x38;
	[tilespmem:$0x10000] =	vst v63  }
0x41: {  	p1 =	seq.s32 s11, $0x0  }
0x42: {  	p2 =	sge.u32 @!p1 s11, s7  }
0x43: {  	p1 =	por p1, p2  }
.Ltmp2:
0x44: {  	_ = 	snop;
	(pc) =	sbr.rel @p1 .LBB2_9-.Ltmp2, $1  }
0x45: {  	_ =	sdelay $0x3  }
0x46: {  	p1 =	sgt.s32 s10, $0xC2D0;
	s13 =	smov.u32 s10;
	s14 =	sshra.s32 s10, $0x1F  }
0x47: {  	s13 =	simm.s32 @!p1 $0xC2D0;
	s14 =	sand.u32 s14, s10  }
0x48: {  	s13 =	ssub.s32 s13, s14  }
0x49: {  	s13 =	sadd.s32 $0xFFFF3D30, s13  }
0x4a: {  	s31 =	sshll.u32 s13, $0x9  }
0x4b: {  	s14 =	ssub.s32 $0x10000, s31  }
0x4c: {  	p1 =	sgt.s32 s13, $0x7F;
	s13 =	sshrl.u32 s14, $0x2;
	s14 =	sadd.s32 $0x80, s10  }
0x4d: {  	s13 =	simm.s32 @p1 $0x0;
	p1 =	slt.s32 s14, $0xC350  }
0x4e: {  	s14 =	simm.s32 @!p1 $0xC350  }
0x4f: {  	s16 =	ssub.s32 s14, s10  }
0x50: {  	p1 =	slt.s32 s16, $0x1  }
.Ltmp3:
0x51: {  	_ = 	snop;
	(pc) =	sbr.rel @p1 .LBB2_8-.Ltmp3, $4  }
0x52: {  	_ = 	snop  }
0x53: {  	s15 =	sshll.u32 s11, $0xE;
	_ =	swait.ge [sflag:s5], s13  }
0x54: {  	s15 =	sand.u32 $0x4000, s15;
	s17 =	ssub.s32 $0x0, s13;
	[sflag:s5] =	ssyncset.done $0x0  }
0x55: {  	s14 =	sor.u32 $0x8000, s15;
	[sflag:s5] =	ssyncadd.s32 s17  }
0x56: {  	p2 =	sne.s32 s16, $0x1  }
.Ltmp4:
0x57: {  	v1 =	vmov s15;
	v0 =	vmov s14;
	(pc) =	sbr.rel @!p2 .LBB2_4-.Ltmp4, $3  }
0x58: {  	_ =	sdelay $0x1  }
0x59: {  	s17 =	simm.s32 $0x0  }
0x5a: {  	s23 =	sadd.s32 $0xFFFFFFFF, s16;
	p1 =	por $0x0, $0x0;
	s15 =	sand.u32 $0x3F80, s17  }
0x5b: {  	_ =	sdelay $0x3  }
0x5c: {  	v6 =	vld.idx.msk [tilespmem:v1+s15+$0x0 ss:$0x1], $0xffff;
	s24 =	sor.u32 $0x70, s15  }
0x5d: {  	s16 =	sor.u32 $0x10, s15;
	v8 =	vld.idx.msk [tilespmem:v1+s24+$0x0 ss:$0x1], $0xffff  }
0x5e: {  	s17 =	sor.u32 $0x20, s15;
	p2 =	sne.s32 s23, $0x1;
	v2 =	vld.idx.msk [tilespmem:v1+s16+$0x0 ss:$0x1], $0xffff  }
.Ltmp5:
0x5f: {  	s18 =	sor.u32 $0x30, s15;
	v4 =	vld.idx.msk [tilespmem:v1+s17+$0x0 ss:$0x1], $0xffff;
	(pc) =	sbr.rel @!p2 .LBB2_7-.Ltmp5, $4  }
0x60: {  	s19 =	sor.u32 $0x40, s15;
	v3 =	vld.idx.msk [tilespmem:v1+s18+$0x0 ss:$0x1], $0xffff  }
0x61: {  	s21 =	sor.u32 $0x60, s15;
	v5 =	vld.idx.msk [tilespmem:v1+s19+$0x0 ss:$0x1], $0xffff  }
0x62: {  	s20 =	sor.u32 $0x50, s15;
	s22 =	simm.s32 $0x80;
	v7 =	vld.idx.msk [tilespmem:v1+s21+$0x0 ss:$0x1], $0xffff;
	[tilespmem:v0+s15+$0x0 ss:$0x1] =	vst.idx.msk $0xffff, v6  }
0x63: {  	s23 =	sadd.s32 $0xFFFFFFFF, s23;
	p1 =	por $0x1, $0x1;
	v6 =	vld.idx.msk [tilespmem:v1+s20+$0x0 ss:$0x1], $0xffff;
	s15 =	sand.u32 $0x3F80, s22;
	[tilespmem:v0+s24+$0x0 ss:$0x1] =	vst.idx.msk $0xffff, v8  }
.LBB2_6:
0x64: {  	p2 =	sne.s32 s23, $0x1;
	v8 =	vld.idx.msk [tilespmem:v1+s15+$0x0 ss:$0x1], $0xffff;
	s24 =	sor.u32 $0x70, s15;
	[tilespmem:v0+s16+$0x0 ss:$0x1] =	vst.idx.msk $0xffff, v2;
	s16 =	sor.u32 $0x10, s15  }
0x65: {  	s25 =	sor.u32 $0x30, s15;
	s26 =	sor.u32 $0x40, s15;
	v9 =	vld.idx.msk [tilespmem:v1+s24+$0x0 ss:$0x1], $0xffff;
	[tilespmem:v0+s17+$0x0 ss:$0x1] =	vst.idx.msk $0xffff, v4;
	s17 =	sor.u32 $0x20, s15  }
0x66: {  	s28 =	sor.u32 $0x50, s15;
	s29 =	sor.u32 $0x60, s15;
	v2 =	vld.idx.msk [tilespmem:v1+s16+$0x0 ss:$0x1], $0xffff;
	[tilespmem:v0+s18+$0x0 ss:$0x1] =	vst.idx.msk $0xffff, v3;
	s18 =	smov.u32 s25  }
.Ltmp6:
0x67: {  	v4 =	vld.idx.msk [tilespmem:v1+s17+$0x0 ss:$0x1], $0xffff;
	[tilespmem:v0+s19+$0x0 ss:$0x1] =	vst.idx.msk $0xffff, v5;
	s19 =	smov.u32 s26;
	(pc) =	sbr.rel @p2 .LBB2_6-.Ltmp6, $4  }
0x68: {  	v3 =	vld.idx.msk [tilespmem:v1+s18+$0x0 ss:$0x1], $0xffff;
	[tilespmem:v0+s20+$0x0 ss:$0x1] =	vst.idx.msk $0xffff, v6;
	s20 =	smov.u32 s28  }
0x69: {  	v5 =	vld.idx.msk [tilespmem:v1+s19+$0x0 ss:$0x1], $0xffff;
	[tilespmem:v0+s21+$0x0 ss:$0x1] =	vst.idx.msk $0xffff, v7;
	s21 =	smov.u32 s29  }
0x6a: {  	s22 =	sadd.s32 $0x80, s22;
	[tilespmem:v0+s15+$0x0 ss:$0x1] =	vst.idx.msk $0xffff, v8;
	v6 =	vld.idx.msk [tilespmem:v1+s20+$0x0 ss:$0x1], $0xffff  }
0x6b: {  	s23 =	sadd.s32 $0xFFFFFFFF, s23;
	s15 =	sand.u32 $0x3F80, s22;
	v7 =	vld.idx.msk [tilespmem:v1+s21+$0x0 ss:$0x1], $0xffff;
	[tilespmem:v0+s24+$0x0 ss:$0x1] =	vst.idx.msk $0xffff, v9  }
.Ltmp7:
0x6c: {  	_ = 	snop;
	(pc) =	sbr.rel .LBB2_7-.Ltmp7, $1  }
0x6d: {  	_ =	sdelay $0x3  }
.LBB2_10:
0x6e: {  	_ =	sfence.sel $0x180000  }
0x6f: {  	s2 =	simm.s32 $0x1;
	[bflag:$0x0] =	sbarrier.arrive $0xFFFF  }
0x70: {  	s31 =	simm.s32 $0x2;
	[sflag:s2] =	ssyncpa.u1 $0x1  }
0x71: {  	[sflag:s31] =	ssyncpa.u1 $0x1  }
0x72: {  	_ =	strace $0x90000053  }
0x73: {  	s0 =	sadd.s32 @!p0 $0x100000, s0;
	[bflag:$0x2] =	sbarrier.arrive $0xFFFF  }
0x74: {  	[sflag:s0] =	ssyncadd.tile.s32 @!p0 $0x1;
	s0 =	simm.s32 @!p0 $0x3F  }
0x75: {  	_ =	swait.ge @!p0 [sflag:s0], s1  }
0x76: {  	s1 =	ssub.s32 @!p0 $0x0, s1;
	[sflag:s0] =	ssyncset.done @!p0 $0x0  }
0x77: {  	[sflag:s0] =	ssyncadd.s32 @!p0 s1  }
0x78: {  	[bflag:$0x3] =	sbarrier.arrive $0xFFFF  }
0x79: {  	_ =	shalt  }
.Lfunc_end2:
execute1_lowered:
.L_overlay_start_2:
0x7a: {  	(tag) =	ssettag $0x2  }
0x7b: {  	s29 =	rddreg [dreg:$0x0];
	_ =	strace $0x80000056;
	s0 =	simm.s32 $0x1  }
0x7c: {  	s8 =	simm.s32 $0x108;
	v0 =	vimm.s32 $0x0;
	[sflag:s0] =	ssyncpa.u1 $0x0  }
0x7d: {  	[tilespmem:s8+$0x70] =	vst v0  }
0x7e: {  	[tilespmem:s8+$0x60] =	vst v0  }
0x7f: {  	[tilespmem:s8+$0x50] =	vst v0  }
0x80: {  	[tilespmem:s8+$0x40] =	vst v0  }
0x81: {  	[tilespmem:s8+$0x30] =	vst v0  }
0x82: {  	s1 =	sadd.s32 $0x5A0600, s29;
	[tilespmem:s8+$0x20] =	vst v0  }
0x83: {  	s2 =	simm.s32 $0x40;
	s4 =	sadd.s32 $0x10C600, s29;
	s5 =	sadd.s32 $0x104A00, s29;
	[tilespmem:s8+$0x10] =	vst v0  }
.LBB3_1:
0x84: {  	s2 =	sadd.s32 $0x40, s2;
	[tilespmem:s8+$0x0] =	vst v0;
	s8 =	sadd.s32 $0x80, s8  }
0x85: {  	p0 =	slt.u32 s2, $0x3C40;
	[tilespmem:s8+$0x70] =	vst v0  }
0x86: {  	[tilespmem:s8+$0x60] =	vst v0  }
.Ltmp8:
0x87: {  	[tilespmem:s8+$0x50] =	vst v0;
	(pc) =	sbr.rel @p0 .LBB3_1-.Ltmp8, $4  }
0x88: {  	[tilespmem:s8+$0x40] =	vst v0  }
0x89: {  	[tilespmem:s8+$0x30] =	vst v0  }
0x8a: {  	[tilespmem:s8+$0x20] =	vst v0  }
0x8b: {  	[tilespmem:s8+$0x10] =	vst v0  }
0x8c: {  	s3 =	stileid.u32  }
0x8d: {  	s0 =	smul.u32 $0x41, s3  }
0x8e: {  	s2 =	smin.u32 s3, $0x2  }
0x8f: {  	s0 =	sadd.s32 s2, s0  }
0x90: {  	p0 =	slt.u32 s3, $0x2;
	s6 =	smul.u32 $0xF0, s0;
	s0 =	simm.s32 $0x3DE0  }
0x91: {  	s0 =	simm.s32 @!p0 $0x3CF0  }
0x92: {  	s0 =	sadd.s32 s0, s6  }
0x93: {  	s7 =	smin.u32 s0, $0x3D090  }
0x94: {  	s0 =	ssub.s32 s7, s6  }
0x95: {  	p0 =	sgt.s32 s0, $0x0  }
0x96: {  	s0 =	simm.s32 @!p0 $0x0  }
0x97: {  	s31 =	smulhi.u32 $0x88888889, s0  }
0x98: {  	s30 =	simm.s32 $0x2;
	s9 =	simm.s32 $0x7;
	s10 =	simm.s32 $0x8  }
0x99: {  	s19 =	simm.s32 $0x0;
	s15 =	simm.s32 $0xA;
	s2 =	sshrl.u32 s31, $0x7  }
0x9a: {  	s17 =	simm.s32 $0x0;
	s18 =	simm.s32 $0x0;
	s11 =	smul.u32 $0xF0, s2  }
.Ltmp9:
0x9b: {  	[tilespmem:s8+$0x0] =	vst v0;
	v0 =	vimm.s32 $0xFFFFFFFF;
	[sflag:s30] =	ssyncpa.u1 $0x0;
	s13 =	sshll.u32 s3, $0x8;
	(pc) =	sbr.rel .LBB3_3-.Ltmp9, $4  }
0x9c: {  	[tilespmem:$0xF208] =	vst v0;
	[sflag:s9] =	ssyncpa.u1 $0x0;
	p0 =	sne.s32 s0, s11;
	s0 =	simm.s32 $0x1  }
0x9d: {  	[sflag:s10] =	ssyncpa.u1 $0x0;
	s10 =	simm.s32 $0x9;
	s0 =	simm.s32 @!p0 $0x0  }
0x9e: {  	[sflag:s10] =	ssyncpa.u1 $0x0;
	s16 =	smov.u32 s6;
	s12 =	sadd.s32 s0, s2  }
0x9f: {  	v0 =	vlaneseq.u32;
	s11 =	simm.s32 $0x1;
	p0 =	por $0x0, $0x0;
	s14 =	sadd.s32 $0x1, s12  }
.LBB3_18:
0xa0: {  	s0 =	sshrl.u32 s28, $0x2  }
.LBB3_20:
0xa1: {  	_ =	swait.ge [sflag:s15], s0  }
0xa2: {  	s31 =	ssub.s32 $0x0, s0;
	v1 =	vmov s21;
	vm0 =	veq.s32 v0, $0x0;
	[sflag:s15] =	ssyncset.done $0x0  }
0xa3: {  	vm15 =	veq.s32 v0, $0x2;
	v1 =	vsel vm0, s26, v1;
	[sflag:s15] =	ssyncadd.s32 s31  }
0xa4: {  	v1 =	vsel vm15, s19, v1;
	[sflag:s15] =	ssyncpa.u1 $0x1  }
0xa5: {  	[tilespmem:$0xF208] =	vst v1  }
.LBB3_21:
0xa6: {  	s0 =	sadd.s32 $0xF0, s16  }
0xa7: {  	s2 =	smov.u32 s6;
	p1 =	slt.s32 s0, s7  }
0xa8: {  	s2 =	smov.u32 @p1 s0;
	p1 =	sne.s32 s18, s14  }
.Ltmp10:
0xa9: {  	_ = 	snop;
	(pc) =	sbr.rel @!p1 .LBB3_22-.Ltmp10, $3  }
0xaa: {  	_ =	sdelay $0x1  }
0xab: {  	s19 =	smov.u32 s17;
	s31 =	sadd.s32 $0x1, s18;
	s17 =	smov.u32 s16  }
0xac: {  	p0 =	por !p0, !p0;
	s18 =	smov.u32 s31;
	s16 =	smov.u32 s2  }
.LBB3_3:
0xad: {  	p1 =	sge.u32 s18, s12  }
0xae: {  	s0 =	smulhi.u32 @!p1 $0xAAAAAAAB, s18  }
0xaf: {  	s2 =	smov.u32 s16;
	p2 =	sgt.s32 @!p1 s16, $0x3CFA0  }
0xb0: {  	s20 =	sshra.s32 @!p1 s16, $0x1F;
	p2 =	por !p2, p1;
	s0 =	sshrl.u32 @!p1 s0, $0x1  }
0xb1: {  	s20 =	sand.u32 @!p1 s20, s16;
	s2 =	simm.s32 @p2 $0x3CFA0;
	s0 =	smul.u32 @!p1 $0x3, s0  }
0xb2: {  	s2 =	ssub.s32 @!p1 s2, s20  }
0xb3: {  	s2 =	sadd.s32 @!p1 $0xFFFC3060, s2;
	s0 =	ssub.s32 @!p1 s18, s0  }
0xb4: {  	s20 =	sshll.u32 @!p1 s2, $0x2;
	p2 =	sgt.s32 @!p1 s2, $0xEF;
	s0 =	smul.u32 @!p1 $0x3C0, s0  }
0xb5: {  	s21 =	sand.u32 @!p1 $0x7, s16;
	s2 =	ssub.s32 @!p1 $0x3C0, s20;
	p2 =	por !p2, p1  }
0xb6: {  	s20 =	sshrl.u32 @!p1 s16, $0x3;
	s2 =	sshrl.u32 @!p1 s2, $0x2;
	s0 =	sshrl.u32 @!p1 s0, $0x2  }
0xb7: {  	s20 =	sadd.s32 @!p1 s5, s20;
	s2 =	simm.s32 @!p2 $0x0;
	s0 =	sadd.s32 @!p1 $0x10238, s0  }
0xb8: {  	[tilespmem:s0], [sflag:$0x8] =	stream.linear.gather @!p1 [hbm4b:s20+s21], s2, $0x38;
	[tilespmem:$0x1F6E8] =	vst v63  }
0xb9: {  	s0 =	sadd.s32 $0xFFFFFFFF, s18  }
0xba: {  	p1 =	sge.u32 s0, s12  }
0xbb: {  	p2 =	sgt.s32 @!p1 s17, $0x3CFA0  }
0xbc: {  	s2 =	smov.u32 s17;
	s20 =	sshra.s32 @!p1 s17, $0x1F;
	p2 =	por !p2, p1  }
0xbd: {  	s20 =	sand.u32 @!p1 s20, s17;
	s2 =	simm.s32 @p2 $0x3CFA0  }
0xbe: {  	s2 =	ssub.s32 @!p1 s2, s20  }
0xbf: {  	s2 =	sadd.s32 @!p1 $0xFFFC3060, s2  }
0xc0: {  	s21 =	sand.u32 @!p1 $0x1, s0;
	s20 =	sshll.u32 @!p1 s2, $0x2  }
0xc1: {  	p2 =	sgt.s32 @!p1 s2, $0xEF;
	s2 =	ssub.s32 @!p1 $0x3C0, s20;
	s20 =	smulhi.u32 @!p1 $0xAAAAAAAB, s0  }
0xc2: {  	s23 =	smul.u32 @!p1 $0x3C0, s21;
	p2 =	por !p2, p1;
	s2 =	sshrl.u32 @!p1 s2, $0x2  }
0xc3: {  	s22 =	simm.s32 @!p1 $0x8;
	s2 =	simm.s32 @!p2 $0x0;
	s20 =	sshrl.u32 @!p1 s20, $0x1  }
0xc4: {  	s23 =	sshrl.u32 @!p1 s23, $0x2;
	_ =	swait.ge @!p1 [sflag:s22], s2;
	s20 =	smul.u32 @!p1 $0x3, s20  }
0xc5: {  	s23 =	sor.u32 @!p1 $0x10508, s23;
	s24 =	ssub.s32 @!p1 $0x0, s2;
	[sflag:s22] =	ssyncset.done @!p1 $0x0  }
0xc6: {  	[sflag:s22] =	ssyncadd.s32 @!p1 s24;
	s22 =	sshrl.u32 @!p1 s17, $0x3;
	s0 =	ssub.s32 @!p1 s0, s20  }
0xc7: {  	s24 =	sand.u32 @!p1 $0x7, s17;
	s22 =	sadd.s32 @!p1 s29, s22;
	s0 =	smul.u32 @!p1 $0x3C0, s0  }
0xc8: {  	[tilespmem:s23], [sflag:$0x9] =	stream.linear.gather @!p1 [hbm4b:s22+s24], s2, $0x38;
	[tilespmem:$0x1F6E8] =	vst v63  }
0xc9: {  	s20 =	ssub.s32 @!p1 $0x3D090, s17;
	s2 =	smul.u32 @!p1 $0x1E000, s21  }
0xca: {  	p2 =	slt.s32 @!p1 s20, $0xF0  }
0xcb: {  	p2 =	por !p2, p1;
	s0 =	sshrl.u32 @!p1 s0, $0x2;
	s2 =	sshrl.u32 @!p1 s2, $0x2  }
0xcc: {  	s20 =	simm.s32 @p2 $0xF0;
	s0 =	sadd.s32 @!p1 $0x10238, s0;
	s2 =	sor.u32 @!p1 $0x106E8, s2  }
0xcd: {  	[tilespmem:s2], [sflag:$0x7] =	stream.indirect.gather @!p1 [hbm4b:s4+s20], $0x80, s0, s20, $0xb8;
	[tilespmem:$0x1F6E8] =	vst v63  }
0xce: {  	p1 =	slt.u32 s18, $0x2  }
.Ltmp11:
0xcf: {  	_ = 	snop;
	(pc) =	sbr.rel @p1 .LBB3_21-.Ltmp11, $1  }
0xd0: {  	_ =	sdelay $0x3  }
0xd1: {  	p1 =	sgt.s32 s19, $0x3CFA0;
	s0 =	smov.u32 s19  }
0xd2: {  	s2 =	sshra.s32 s19, $0x1F;
	s20 =	ssub.s32 $0x3D090, s19;
	s0 =	simm.s32 @!p1 $0x3CFA0  }
0xd3: {  	s2 =	sand.u32 s2, s19;
	p1 =	slt.s32 s20, $0xF0;
	s21 =	smov.u32 s20  }
0xd4: {  	s0 =	ssub.s32 s0, s2;
	s21 =	simm.s32 @!p1 $0xF0  }
0xd5: {  	s0 =	sadd.s32 $0xFFFC3060, s0;
	s26 =	sshll.u32 s21, $0x7  }
0xd6: {  	s28 =	sshll.u32 s0, $0x2;
	s2 =	sand.u32 $0x3FFFFF80, s26  }
0xd7: {  	p1 =	sgt.s32 s0, $0xEF;
	s30 =	ssub.s32 $0x3C0, s28;
	_ =	swait.ge [sflag:s9], s2  }
0xd8: {  	s2 =	ssub.s32 $0x0, s2;
	[sflag:s9] =	ssyncset.done $0x0;
	s0 =	sshrl.u32 s30, $0x2  }
0xd9: {  	[sflag:s9] =	ssyncadd.s32 s2;
	s0 =	simm.s32 @p1 $0x0  }
0xda: {  	_ =	swait.ge [sflag:s10], s0  }
0xdb: {  	s0 =	ssub.s32 $0x0, s0;
	[sflag:s10] =	ssyncset.done $0x0  }
0xdc: {  	[sflag:s10] =	ssyncadd.s32 s0  }
0xdd: {  	v1 =	vld [tilespmem:$0xF208];
	_ =	sdelay $0x4  }
0xde: {  	(v2sf) =	vpush v1, $0x0  }
0xdf: {  	(v2sf) =	vpush v1, $0x1  }
0xe0: {  	(v2sf) =	vpush v1, $0x2;
	_ =	sdelay $0x3  }
0xe1: {  	s0 =	sadd.s32 $0xF0, s19  }
0xe2: {  	p1 =	slt.s32 s7, s0  }
0xe3: {  	s0 =	smov.u32 @p1 s7;
	p1 =	sgt.s32 s20, $0x0  }
0xe4: {  	s23 =	ssub.s32 s0, s19;
	s20 =	simm.s32 @!p1 $0x0  }
0xe5: {  	p1 =	slt.s32 s20, s23  }
0xe6: {  	s23 =	smov.u32 @p1 s20  }
0xe7: {  	s22 =	simm.s32 $0x1;
	p1 =	slt.s32 s23, $0x1  }
.Ltmp12:
0xe8: {  	s22 =	simm.s32 @!p0 $0x0;
	(pc) =	sbr.rel @p1 .LBB3_8-.Ltmp12, $4  }
0xe9: {  	s31 =	smul.u32 $0x3C0, s22  }
0xea: {  	s24 =	spop (v2sf)  }
0xeb: {  	s0 =	sshrl.u32 s31, $0x2;
	s26 =	spop (v2sf)  }
0xec: {  	s20 =	sor.u32 $0x10508, s0;
	s19 =	spop (v2sf)  }
0xed: {  	s0 =	smin.u32 s23, $0x10  }
0xee: {  	v1 =	vmov s0  }
0xef: {  	p2 =	sgt.s32 s23, $0x10;
	vm1 =	vgt.u32 v1, v0  }
.Ltmp13:
0xf0: {  	_ = 	snop;
	(pc) =	sbr.rel @!p2 .LBB3_7-.Ltmp13, $2  }
0xf1: {  	_ =	sdelay $0x2  }
0xf2: {  	s25 =	simm.s32 $0x10;
	s28 =	sadd.s32 $0xFFFFFFF0, s23;
	s21 =	smov.u32 s20;
	vm0 =	vmmov vm1  }
.LBB3_6:
0xf3: {  	s0 =	smin.u32 s28, $0x10;
	s25 =	sadd.s32 $0x10, s25;
	v1 =	vld.msk [tilespmem:s21+$0x0 ss:$0x1], vm1  }
0xf4: {  	v2 =	vmov s0;
	p2 =	slt.s32 s25, s23  }
0xf5: {  	vm1 =	vgt.u32 v2, v0  }
.Ltmp14:
0xf6: {  	(pc) =	sbr.rel @p2 .LBB3_6-.Ltmp14, $3  }
0xf7: {  	_ =	sdelay $0x1  }
0xf8: {  	v1 =	vshll.u32 v1, $0x4  }
0xf9: {  	s28 =	sadd.s32 $0xFFFFFFF0, s28;
	[tilespmem:s21+$0x0] =	vst.msk vm0, v1;
	s21 =	sadd.s32 $0x10, s21;
	vm0 =	vmmov vm1  }
.LBB3_7:
0xfa: {  	_ =	sdelay $0x4  }
0xfb: {  	v1 =	vld.msk [tilespmem:s21+$0x0 ss:$0x1], vm1;
	_ =	sdelay $0x4  }
0xfc: {  	v1 =	vshll.u32 v1, $0x4  }
0xfd: {  	[tilespmem:s21+$0x0] =	vst.msk vm0, v1  }
.LBB3_8:
0xfe: {  	s0 =	sand.u32 $0x1, s18  }
0xff: {  	s0 =	smul.u32 $0xF0, s0  }
0x100: {  	p2 =	sne.s32 s26, $0xFFFFFFFF  }
0x101: {  	v1 =	vld.msk @!p2 [tilespmem:s0+$0x10508], $0x1;
	_ =	sdelay $0x4  }
0x102: {  	(v2sf) =	vpush @!p2 v1, $0x0;
	_ =	sdelay $0xc  }
.Ltmp15:
0x103: {  	_ = 	snop;
	(pc) =	sbr.rel @p1 .LBB3_19-.Ltmp15, $4  }
0x104: {  	_ = 	snop  }
0x105: {  	s25 =	spop @!p2 (v2sf)  }
0x106: {  	s19 =	simm.s32 @!p2 $0x0;
	s21 =	smov.u32 s25  }
0x107: {  	[sflag:s15] =	ssyncpa.u1 $0x0;
	s25 =	smov.u32 @p2 s24;
	s21 =	smov.u32 @p2 s26  }
0x108: {  	v1 =	vld.msk [tilespmem:s20+$0x0], $0x1;
	_ =	sdelay $0x4  }
0x109: {  	(v2sf) =	vpush v1, $0x0;
	_ =	sdelay $0xe  }
0x10a: {  	s8 =	smov.u32 s29;
	s0 =	smul.u32 $0x1E000, s22;
	s29 =	spop (v2sf)  }
0x10b: {  	s23 =	ssub.s32 $0x0, s23;
	p1 =	seq.s32 s25, s29  }
0x10c: {  	s26 =	sadd.s32 $0x1, s23;
	s0 =	sshrl.u32 s0, $0x2;
	p2 =	sgt.s32 @!p1 s25, $0x0  }
0x10d: {  	s22 =	sor.u32 $0x10728, s0;
	s0 =	smov.u32 s25;
	p2 =	por !p2, p1  }
0x10e: {  	s0 =	simm.s32 @p2 $0x0;
	p2 =	seq.s32 s26, $0x0  }
.Ltmp16:
0x10f: {  	_ = 	snop;
	(pc) =	sbr.rel @p2 .LBB3_11-.Ltmp16, $4  }
0x110: {  	_ = 	snop  }
0x111: {  	s24 =	simm.s32 $0x0;
	s28 =	sadd.s32 $0x1, s20;
	s0 =	smin.u32 @!p1 s0, $0xC34F0  }
0x112: {  	s30 =	simm.s32 @!p1 $0x1;
	s31 =	simm.s32 @!p1 $0x7988;
	s2 =	sand.u32 @!p1 $0xFFFF8, s0  }
0x113: {  	s30 =	smov.u32 @p1 s24;
	s0 =	sand.u32 @!p1 $0x7, s0;
	s2 =	sadd.s32 @!p1 s1, s2  }
.LBB3_10:
0x114: {  	s3 =	smov.u32 s30  }
0x115: {  	[tilespmem:s31], [sflag:$0x2] =	stream.linear.gather @!p1 [hbm4b:s2+s0], $0x80, $0x38;
	[tilespmem:$0x1F6E8] =	vst v63  }
0x116: {  	s26 =	sadd.s32 $0x1, s26;
	s0 =	smov.u32 s29;
	v1 =	vld.msk [tilespmem:s28+$0x0], $0x1  }
0x117: {  	p2 =	seq.s32 s26, $0x0;
	_ =	sdelay $0x3  }
0x118: {  	(v2sf) =	vpush v1, $0x0;
	_ =	sdelay $0xe  }
0x119: {  	s29 =	spop (v2sf)  }
0x11a: {  	p1 =	seq.s32 s0, s29  }
0x11b: {  	p3 =	sgt.s32 @!p1 s0, $0x0;
	s2 =	sshll.u32 @!p1 s30, $0x9;
	s30 =	sadd.s32 @!p1 $0x1, s30  }
.Ltmp17:
0x11c: {  	p3 =	por !p3, p1;
	s2 =	sshra.s32 @!p1 s2, $0x2;
	(pc) =	sbr.rel @!p2 .LBB3_10-.Ltmp17, $4  }
0x11d: {  	s30 =	smov.u32 @p1 s3;
	s0 =	simm.s32 @p3 $0x0;
	s31 =	sadd.s32 @!p1 $0x7988, s2  }
0x11e: {  	s0 =	smin.u32 @!p1 s0, $0xC34F0  }
0x11f: {  	s2 =	sand.u32 @!p1 $0xFFFF8, s0;
	s0 =	sand.u32 @!p1 $0x7, s0  }
0x120: {  	s28 =	sadd.s32 $0x1, s28;
	s2 =	sadd.s32 @!p1 s1, s2  }
.LBB3_11:
0x121: {  	[tilespmem:s31], [sflag:$0x2] =	stream.linear.gather @!p1 [hbm4b:s2+s0], $0x80, $0x38;
	[tilespmem:$0x1F6E8] =	vst v63  }
.Ltmp18:
0x122: {  	s30 =	sshll.u32 s30, $0x7;
	(pc) =	sbr.rel .LBB3_12-.Ltmp18, $4  }
0x123: {  	s31 =	simm.s32 $0x2;
	s0 =	sand.u32 $0x3FFFFF80, s30  }
0x124: {  	_ =	swait.ge [sflag:s31], s0  }
0x125: {  	s0 =	ssub.s32 $0x0, s0;
	[sflag:s31] =	ssyncset.done $0x0  }
0x126: {  	s28 =	simm.s32 $0x0;
	s29 =	smov.u32 s8;
	[sflag:s31] =	ssyncadd.s32 s0  }
.LBB3_13:
0x127: {  	v1 =	vld [tilespmem:s22+$0xFFFFFFC0];
	_ =	sdelay $0x3  }
0x128: {  	s0 =	sshra.s32 s0, $0x2  }
0x129: {  	[tilespmem:s0+$0x108] =	vst.add.f32.msk $0xffff, v1  }
0x12a: {  	v1 =	vld [tilespmem:s22+$0xFFFFFFD0];
	_ =	sdelay $0x4  }
0x12b: {  	[tilespmem:s0+$0x118] =	vst.add.f32.msk $0xffff, v1  }
0x12c: {  	v1 =	vld [tilespmem:s22+$0xFFFFFFE0];
	_ =	sdelay $0x4  }
0x12d: {  	[tilespmem:s0+$0x128] =	vst.add.f32.msk $0xffff, v1  }
0x12e: {  	v1 =	vld [tilespmem:s22+$0xFFFFFFF0];
	_ =	sdelay $0x4  }
0x12f: {  	[tilespmem:s0+$0x138] =	vst.add.f32.msk $0xffff, v1  }
0x130: {  	v1 =	vld [tilespmem:s22+$0x0];
	_ =	sdelay $0x4  }
0x131: {  	[tilespmem:s0+$0x148] =	vst.add.f32.msk $0xffff, v1  }
0x132: {  	v1 =	vld [tilespmem:s22+$0x10];
	_ =	sdelay $0x4  }
0x133: {  	[tilespmem:s0+$0x158] =	vst.add.f32.msk $0xffff, v1  }
0x134: {  	v1 =	vld [tilespmem:s22+$0x20];
	_ =	sdelay $0x4  }
0x135: {  	[tilespmem:s0+$0x168] =	vst.add.f32.msk $0xffff, v1  }
0x136: {  	v1 =	vld [tilespmem:s22+$0x30];
	_ =	sdelay $0x4  }
0x137: {  	[tilespmem:s0+$0x178] =	vst.add.f32.msk $0xffff, v1  }
.LBB3_17:
0x138: {  	s23 =	sadd.s32 $0x1, s23  }
0x139: {  	p1 =	seq.s32 s23, $0x0  }
.Ltmp19:
0x13a: {  	_ = 	snop;
	(pc) =	sbr.rel @p1 .LBB3_18-.Ltmp19, $2  }
0x13b: {  	_ =	sdelay $0x2  }
0x13c: {  	s20 =	sadd.s32 $0x1, s20;
	s22 =	sadd.s32 $0x80, s22;
	s25 =	smov.u32 s26  }
.LBB3_12:
0x13d: {  	v1 =	vld.msk [tilespmem:s20+$0x0], $0x1;
	_ =	sdelay $0x4  }
0x13e: {  	(v2sf) =	vpush v1, $0x0;
	_ =	sdelay $0xe  }
0x13f: {  	s26 =	spop (v2sf)  }
0x140: {  	p1 =	sne.s32 s25, s26  }
.Ltmp20:
0x141: {  	_ = 	snop;
	(pc) =	sbr.rel @!p1 .LBB3_13-.Ltmp20, $2  }
0x142: {  	_ =	sdelay $0x2  }
0x143: {  	s0 =	sshll.u32 s19, $0x9  }
0x144: {  	p1 =	seq.s32 s25, s21  }
.Ltmp21:
0x145: {  	_ = 	snop;
	(pc) =	sbr.rel @!p1 .LBB3_15-.Ltmp21, $1  }
0x146: {  	_ =	sdelay $0x3  }
0x147: {  	s0 =	sshra.s32 s0, $0x2  }
.Ltmp22:
0x148: {  	s0 =	sadd.s32 $0x108, s0;
	(pc) =	sbr.rel .LBB3_16-.Ltmp22, $4  }
0x149: {  	[spmem:s13] =	stream.linear.scatter [tilespmem:s0], [sflag:$0x1], $0x80, $0x38;
	[tilespmem:$0x1F6E8] =	vst v63  }
0x14a: {  	_ =	swait.ge [sflag:s11], $0x80  }
0x14b: {  	[sflag:s11] =	ssyncset.done $0x0  }
0x14c: {  	[sflag:s11] =	ssyncadd.s32 $0xFFFFFF80  }
.LBB3_15:
0x14d: {  	s2 =	sshll.u32 s24, $0x9  }
0x14e: {  	s2 =	sshra.s32 s2, $0x2  }
0x14f: {  	v1 =	vld [tilespmem:s2+$0x7988];
	_ =	sdelay $0x3  }
0x150: {  	s0 =	sshra.s32 s0, $0x2  }
0x151: {  	[tilespmem:s0+$0x108] =	vst.add.f32.msk $0xffff, v1  }
0x152: {  	v1 =	vld [tilespmem:s2+$0x7998];
	_ =	sdelay $0x4  }
0x153: {  	[tilespmem:s0+$0x118] =	vst.add.f32.msk $0xffff, v1  }
0x154: {  	v1 =	vld [tilespmem:s2+$0x79A8];
	_ =	sdelay $0x4  }
0x155: {  	[tilespmem:s0+$0x128] =	vst.add.f32.msk $0xffff, v1  }
0x156: {  	v1 =	vld [tilespmem:s2+$0x79B8];
	_ =	sdelay $0x4  }
0x157: {  	[tilespmem:s0+$0x138] =	vst.add.f32.msk $0xffff, v1  }
0x158: {  	v1 =	vld [tilespmem:s2+$0x79C8];
	_ =	sdelay $0x4  }
0x159: {  	[tilespmem:s0+$0x148] =	vst.add.f32.msk $0xffff, v1  }
0x15a: {  	v1 =	vld [tilespmem:s2+$0x79D8];
	_ =	sdelay $0x4  }
0x15b: {  	[tilespmem:s0+$0x158] =	vst.add.f32.msk $0xffff, v1  }
0x15c: {  	v1 =	vld [tilespmem:s2+$0x79E8];
	_ =	sdelay $0x4  }
0x15d: {  	[tilespmem:s0+$0x168] =	vst.add.f32.msk $0xffff, v1  }
0x15e: {  	v1 =	vld [tilespmem:s2+$0x79F8];
	_ =	sdelay $0x2  }
0x15f: {  	p1 =	sgt.u32 s25, $0xC34F0  }
0x160: {  	s2 =	sand.u32 @!p1 $0xFFFF8, s25  }
0x161: {  	s3 =	sadd.s32 $0x108, s0;
	[tilespmem:s0+$0x178] =	vst.add.f32.msk $0xffff, v1;
	s0 =	sadd.s32 @!p1 s1, s2;
	s2 =	sand.u32 @!p1 $0x7, s25  }
0x162: {  	[hbm4b:s0+s2] =	stream.linear.scatter @!p1 [tilespmem:s3], [sflag:$0xA], $0x80, $0x38;
	[tilespmem:$0x1F6E8] =	vst v63  }
0x163: {  	s0 =	simm.s32 $0x0  }
0x164: {  	s0 =	simm.s32 @!p1 $0x200  }
0x165: {  	s28 =	sadd.s32 s0, s28  }
.LBB3_16:
0x166: {  	s0 =	sadd.s32 $0x1, s19  }
0x167: {  	s2 =	smulhi.u32 $0x88888889, s0;
	_ =	sdelay $0x1  }
0x168: {  	v1 =	vld [tilespmem:s22+$0xFFFFFFC0];
	s2 =	sshrl.u32 s2, $0x7  }
0x169: {  	s2 =	smul.u32 $0xF0, s2;
	_ =	sdelay $0x1  }
0x16a: {  	s19 =	ssub.s32 s0, s2  }
0x16b: {  	s0 =	sshll.u32 s19, $0x7  }
0x16c: {  	[tilespmem:s0+$0x108] =	vst v1  }
0x16d: {  	v1 =	vld [tilespmem:s22+$0xFFFFFFD0];
	_ =	sdelay $0x4  }
0x16e: {  	[tilespmem:s0+$0x118] =	vst v1  }
0x16f: {  	v1 =	vld [tilespmem:s22+$0xFFFFFFE0];
	_ =	sdelay $0x4  }
0x170: {  	[tilespmem:s0+$0x128] =	vst v1  }
0x171: {  	v1 =	vld [tilespmem:s22+$0xFFFFFFF0];
	_ =	sdelay $0x4  }
0x172: {  	[tilespmem:s0+$0x138] =	vst v1  }
0x173: {  	v1 =	vld [tilespmem:s22+$0x0];
	_ =	sdelay $0x4  }
0x174: {  	[tilespmem:s0+$0x148] =	vst v1  }
0x175: {  	v1 =	vld [tilespmem:s22+$0x10];
	_ =	sdelay $0x4  }
0x176: {  	[tilespmem:s0+$0x158] =	vst v1  }
0x177: {  	v1 =	vld [tilespmem:s22+$0x20];
	_ =	sdelay $0x4  }
0x178: {  	[tilespmem:s0+$0x168] =	vst v1  }
0x179: {  	v1 =	vld [tilespmem:s22+$0x30]  }
.Ltmp23:
0x17a: {  	_ = 	snop;
	(pc) =	sbr.rel .LBB3_17-.Ltmp23, $2  }
0x17b: {  	_ =	sdelay $0x2  }
0x17c: {  	s24 =	sadd.s32 $0x1, s24;
	[tilespmem:s0+$0x178] =	vst v1  }
.LBB3_19:
.Ltmp24:
0x17d: {  	(pc) =	sbr.rel .LBB3_20-.Ltmp24, $4  }
0x17e: {  	_ = 	snop  }
0x17f: {  	s0 =	simm.s32 $0x2  }
0x180: {  	_ =	swait.ge [sflag:s0], $0x0  }
0x181: {  	s26 =	smov.u32 s25;
	[sflag:s0] =	ssyncset.done $0x0;
	s0 =	simm.s32 $0x0  }
.LBB3_22:
0x182: {  	_ =	sfence.sel $0x180000  }
0x183: {  	s0 =	simm.s32 $0x7;
	[bflag:$0x0] =	sbarrier.arrive $0xFFFF  }
0x184: {  	s25 =	simm.s32 $0x8;
	[sflag:s0] =	ssyncpa.u1 $0x1  }
0x185: {  	s26 =	simm.s32 $0x9;
	[sflag:s25] =	ssyncpa.u1 $0x1  }
0x186: {  	s28 =	simm.s32 $0x2;
	[sflag:s26] =	ssyncpa.u1 $0x1  }
0x187: {  	[sflag:s28] =	ssyncpa.u1 $0x1  }
0x188: {  	v0 =	vld [tilespmem:$0xF208];
	_ =	sdelay $0x4  }
0x189: {  	(v2sf) =	vpush v0, $0x0  }
0x18a: {  	(v2sf) =	vpush v0, $0x1;
	_ =	sdelay $0x1  }
0x18b: {  	(v2sf) =	vpush v0, $0x2;
	_ =	sdelay $0xb  }
0x18c: {  	s0 =	spop (v2sf)  }
0x18d: {  	s2 =	spop (v2sf)  }
0x18e: {  	s3 =	smov.u32 s0;
	p0 =	sne.s32 s0, s2  }
0x18f: {  	s4 =	spop (v2sf);
	s3 =	simm.s32 @!p0 $0xFFFFFFFF  }
0x190: {  	v2 =	vimm.s32 $0x1;
	v3 =	vlaneseq.u32;
	p0 =	seq.s32 s4, $0xFFFFFFFF;
	v1 =	vmov s3  }
0x191: {  	s7 =	stileid.u32;
	v0 =	vperm.xlane v0, v2;
	p1 =	sne.s32 @!p0 s0, s2;
	v1 =	vperm.xlane v1, v3  }
0x192: {  	vm0 =	vcmask $0x3F04;
	s6 =	simm.s32 $0xF208;
	s0 =	simm.s32 @!p0 $0x1;
	p1 =	por !p1, p0  }
0x193: {  	s3 =	sshll.u32 s7, $0x1;
	s2 =	sshll.u32 @!p0 s4, $0x9;
	s0 =	simm.s32 @p1 $0x0;
	v0 =	vsel vm0, v1, v0  }
0x194: {  	s5 =	sor.u32 $0x1000, s3;
	s2 =	sshra.s32 @!p0 s2, $0x2;
	s0 =	sor.u32 @!p0 s0, s3;
	[tilespmem:$0xF208] =	vst v0  }
0x195: {  	[spmem:s5] =	stream.linear.scatter [tilespmem:s6], [sflag:$0x1], $0x2, $0x38;
	[tilespmem:$0x1F6E8] =	vst v63  }
0x196: {  	s2 =	sadd.s32 @!p0 $0x108, s2;
	s0 =	sshll.u32 @!p0 s0, $0x7  }
0x197: {  	[spmem:s0] =	stream.linear.scatter @!p0 [tilespmem:s2], [sflag:$0x1], $0x80, $0x38;
	[tilespmem:$0x1F6E8] =	vst v63  }
0x198: {  	s0 =	simm.s32 @!p0 $0x82  }
0x199: {  	s3 =	simm.s32 $0x1;
	s0 =	simm.s32 @p0 $0x2  }
0x19a: {  	_ =	swait.ge [sflag:s3], s0  }
0x19b: {  	s0 =	ssub.s32 $0x0, s0;
	[sflag:s3] =	ssyncset.done $0x0  }
0x19c: {  	[sflag:s3] =	ssyncadd.s32 s0  }
0x19d: {  	_ =	sfence.stream.spmem  }
0x19e: {  	s29 =	simm.s32 $0x3;
	[bflag:$0x0] =	sbarrier.arrive $0xFFFF  }
0x19f: {  	s30 =	simm.s32 $0x4;
	[sflag:s29] =	ssyncpa.u1 $0x1  }
0x1a0: {  	s31 =	simm.s32 $0x3C;
	[sflag:s30] =	ssyncpa.u1 $0x1  }
0x1a1: {  	p0 =	sne.s32 s7, $0x0;
	[sflag:s31] =	ssyncpa.u1 $0x1  }
0x1a2: {  	_ =	sfence @p0  }
0x1a3: {  	[sflag:s3] =	ssyncpa.u1 @p0 $0x1  }
0x1a4: {  	_ =	strace @p0 $0x90000056  }
0x1a5: {  	[bflag:$0x2] =	sbarrier.arrive @p0 $0xFFFF  }
0x1a6: {  	_ =	shalt @p0  }
.LBB3_23:
0x1a7: {  	_ =	sfence.stream.spmem;
	s0 =	simm.s32 $0x5  }
0x1a8: {  	s2 =	simm.s32 $0x1000;
	s3 =	simm.s32 $0xF218;
	[sflag:s0] =	ssyncpa.u1 $0x0  }
0x1a9: {  	[tilespmem:s3], [sflag:$0x5] =	stream.linear.gather [spmem:s2], $0x20, $0x38;
	[tilespmem:$0x1F6E8] =	vst v63  }
0x1aa: {  	s30 =	simm.s32 $0xF238;
	s2 =	simm.s32 $0x0  }
0x1ab: {  	[tilespmem:s30], [sflag:$0x5] =	stream.linear.gather [spmem:s2], $0x1000, $0x38;
	[tilespmem:$0x1F6E8] =	vst v63  }
.Ltmp25:
0x1ac: {  	_ = 	snop;
	(pc) =	sbr.rel .LBB3_24-.Ltmp25, $4  }
0x1ad: {  	_ =	swait.ge [sflag:s0], $0x1020  }
0x1ae: {  	[sflag:s0] =	ssyncset.done $0x0  }
0x1af: {  	s31 =	simm.s32 $0x6;
	[sflag:s0] =	ssyncadd.s32 $0xFFFFEFE0  }
0x1b0: {  	s3 =	simm.s32 $0x0;
	[sflag:s31] =	ssyncpa.u1 $0x0  }
.LBB3_30:
0x1b1: {  	p0 =	slt.u32 s4, $0xC34F1  }
0x1b2: {  	s0 =	sand.u32 @p0 $0xFFFF8, s4  }
0x1b3: {  	s4 =	sand.u32 @p0 $0x7, s4;
	s5 =	simm.s32 @p0 $0xF188;
	s0 =	sadd.s32 @p0 s1, s0  }
0x1b4: {  	[tilespmem:s5], [sflag:$0x6] =	stream.linear.gather @p0 [hbm4b:s0+s4], $0x80, $0x38;
	[tilespmem:$0x1F6E8] =	vst v63  }
0x1b5: {  	s0 =	simm.s32 @p0 $0x6  }
0x1b6: {  	_ =	swait.ge @p0 [sflag:s0], $0x80  }
0x1b7: {  	[sflag:s0] =	ssyncset.done @p0 $0x0  }
0x1b8: {  	[sflag:s0] =	ssyncadd.s32 @p0 $0xFFFFFF80  }
0x1b9: {  	v1 =	vld @p0 [tilespmem:$0xF188];
	_ =	sdelay $0x2  }
0x1ba: {  	s0 =	sshll.u32 @p0 s3, $0x9  }
0x1bb: {  	s4 =	sshrl.u32 @p0 s0, $0x2  }
0x1bc: {  	[tilespmem:s4+$0xF238] =	vst.add.f32.msk @p0 $0xffff, v1  }
0x1bd: {  	v1 =	vld @p0 [tilespmem:$0xF198];
	_ =	sdelay $0x4  }
0x1be: {  	[tilespmem:s4+$0xF248] =	vst.add.f32.msk @p0 $0xffff, v1  }
0x1bf: {  	v1 =	vld @p0 [tilespmem:$0xF1A8];
	_ =	sdelay $0x4  }
0x1c0: {  	[tilespmem:s4+$0xF258] =	vst.add.f32.msk @p0 $0xffff, v1  }
0x1c1: {  	v1 =	vld @p0 [tilespmem:$0xF1B8];
	_ =	sdelay $0x4  }
0x1c2: {  	[tilespmem:s4+$0xF268] =	vst.add.f32.msk @p0 $0xffff, v1  }
0x1c3: {  	v1 =	vld @p0 [tilespmem:$0xF1C8];
	_ =	sdelay $0x4  }
0x1c4: {  	[tilespmem:s4+$0xF278] =	vst.add.f32.msk @p0 $0xffff, v1  }
0x1c5: {  	v1 =	vld @p0 [tilespmem:$0xF1D8];
	_ =	sdelay $0x4  }
0x1c6: {  	[tilespmem:s4+$0xF288] =	vst.add.f32.msk @p0 $0xffff, v1  }
0x1c7: {  	v1 =	vld @p0 [tilespmem:$0xF1E8];
	_ =	sdelay $0x4  }
0x1c8: {  	[tilespmem:s4+$0xF298] =	vst.add.f32.msk @p0 $0xffff, v1  }
0x1c9: {  	v1 =	vld @p0 [tilespmem:$0xF1F8];
	_ =	sdelay $0x3  }
0x1ca: {  	s5 =	sshll.u32 @!p0 s3, $0x9  }
0x1cb: {  	s5 =	smov.u32 @p0 s0;
	[tilespmem:s4+$0xF2A8] =	vst.add.f32.msk @p0 $0xffff, v1  }
0x1cc: {  	s0 =	sshrl.u32 s5, $0x2;
	[tilespmem:s2+$0xF218] =	vst.msk $0x1, v0  }
0x1cd: {  	v0 =	vld [tilespmem:s0+$0xF238];
	_ =	sdelay $0x2  }
0x1ce: {  	s31 =	sshll.u32 s2, $0x9  }
0x1cf: {  	s4 =	sshra.s32 s31, $0x2  }
0x1d0: {  	[tilespmem:s4+$0xF238] =	vst v0  }
0x1d1: {  	v0 =	vld [tilespmem:s0+$0xF248];
	_ =	sdelay $0x4  }
0x1d2: {  	[tilespmem:s4+$0xF248] =	vst v0  }
0x1d3: {  	v0 =	vld [tilespmem:s0+$0xF258];
	_ =	sdelay $0x4  }
0x1d4: {  	[tilespmem:s4+$0xF258] =	vst v0  }
0x1d5: {  	v0 =	vld [tilespmem:s0+$0xF268];
	_ =	sdelay $0x4  }
0x1d6: {  	[tilespmem:s4+$0xF268] =	vst v0  }
0x1d7: {  	v0 =	vld [tilespmem:s0+$0xF278];
	_ =	sdelay $0x4  }
0x1d8: {  	[tilespmem:s4+$0xF278] =	vst v0  }
0x1d9: {  	v0 =	vld [tilespmem:s0+$0xF288];
	_ =	sdelay $0x4  }
0x1da: {  	[tilespmem:s4+$0xF288] =	vst v0  }
0x1db: {  	v0 =	vld [tilespmem:s0+$0xF298];
	_ =	sdelay $0x4  }
0x1dc: {  	[tilespmem:s4+$0xF298] =	vst v0  }
0x1dd: {  	v0 =	vld [tilespmem:s0+$0xF2A8];
	_ =	sdelay $0x4  }
0x1de: {  	s2 =	sadd.s32 $0x1, s2;
	[tilespmem:s4+$0xF2A8] =	vst v0  }
.LBB3_31:
0x1df: {  	s3 =	sadd.s32 $0x1, s3  }
0x1e0: {  	p0 =	sne.s32 s3, $0x20  }
.Ltmp26:
0x1e1: {  	_ = 	snop;
	(pc) =	sbr.rel @!p0 .LBB3_32-.Ltmp26, $1  }
0x1e2: {  	_ =	sdelay $0x3  }
.LBB3_24:
0x1e3: {  	v0 =	vld.msk [tilespmem:s3+$0xF218], $0x1;
	_ =	sdelay $0x4  }
0x1e4: {  	(v2sf) =	vpush v0, $0x0;
	_ =	sdelay $0xe  }
0x1e5: {  	s4 =	spop (v2sf)  }
0x1e6: {  	p0 =	seq.s32 s4, $0xFFFFFFFF  }
.Ltmp27:
0x1e7: {  	_ = 	snop;
	(pc) =	sbr.rel @p0 .LBB3_31-.Ltmp27, $1  }
0x1e8: {  	_ =	sdelay $0x3  }
0x1e9: {  	p0 =	slt.s32 s2, $0x1  }
.Ltmp28:
0x1ea: {  	_ = 	snop;
	(pc) =	sbr.rel @p0 .LBB3_30-.Ltmp28, $1  }
0x1eb: {  	_ =	sdelay $0x3  }
0x1ec: {  	s5 =	simm.s32 $0xF218;
	p0 =	por $0x0, $0x0  }
0x1ed: {  	v1 =	vld.msk @!p0 [tilespmem:s5+$0x0], $0x1;
	_ =	sdelay $0x4  }
0x1ee: {  	(v2sf) =	vpush @!p0 v1, $0x0;
	_ =	sdelay $0xd  }
0x1ef: {  	p2 =	sne.s32 s2, $0x1  }
.Ltmp29:
0x1f0: {  	s0 =	spop @!p0 (v2sf);
	(pc) =	sbr.rel @!p2 .LBB3_28-.Ltmp29, $4  }
0x1f1: {  	p1 =	seq.s32 @!p0 s4, s0  }
0x1f2: {  	s6 =	simm.s32 $0x0;
	p1 =	por !p1, p0  }
0x1f3: {  	s0 =	simm.s32 $0xFFFFFFFF;
	s6 =	simm.s32 @p1 $0xFFFFFFFF  }
0x1f4: {  	s7 =	simm.s32 $0x1;
	s6 =	smov.u32 @p0 s0  }
.LBB3_27:
0x1f5: {  	s0 =	smov.u32 s6;
	p0 =	sne.s32 s6, $0xFFFFFFFF  }
0x1f6: {  	s5 =	sadd.s32 $0x1, s5;
	s6 =	smov.u32 s7;
	s7 =	sadd.s32 $0x1, s7  }
0x1f7: {  	p1 =	sne.s32 s2, s7;
	v1 =	vld.msk @!p0 [tilespmem:s5+$0x0], $0x1;
	_ =	sdelay $0x4  }
0x1f8: {  	(v2sf) =	vpush @!p0 v1, $0x0;
	_ =	sdelay $0xe  }
.Ltmp30:
0x1f9: {  	s8 =	spop @!p0 (v2sf);
	(pc) =	sbr.rel @p1 .LBB3_27-.Ltmp30, $4  }
0x1fa: {  	p2 =	seq.s32 @!p0 s4, s8  }
0x1fb: {  	p2 =	por !p2, p0  }
0x1fc: {  	s6 =	simm.s32 @p2 $0xFFFFFFFF  }
0x1fd: {  	s6 =	smov.u32 @p0 s0  }
.LBB3_28:
0x1fe: {  	p0 =	seq.s32 s6, $0xFFFFFFFF  }
.Ltmp31:
0x1ff: {  	_ = 	snop;
	(pc) =	sbr.rel @p0 .LBB3_30-.Ltmp31, $1  }
0x200: {  	_ =	sdelay $0x3  }
0x201: {  	s0 =	sshll.u32 s3, $0x7  }
0x202: {  	s0 =	sand.u32 $0x3FFFFF80, s0  }
0x203: {  	v0 =	vld [tilespmem:s0+$0xF238];
	_ =	sdelay $0x2  }
0x204: {  	s4 =	sshll.u32 s6, $0x9  }
0x205: {  	s4 =	sshra.s32 s4, $0x2  }
0x206: {  	[tilespmem:s4+$0xF238] =	vst.add.f32.msk $0xffff, v0  }
0x207: {  	v0 =	vld [tilespmem:s0+$0xF248];
	_ =	sdelay $0x4  }
0x208: {  	[tilespmem:s4+$0xF248] =	vst.add.f32.msk $0xffff, v0  }
0x209: {  	v0 =	vld [tilespmem:s0+$0xF258];
	_ =	sdelay $0x4  }
0x20a: {  	[tilespmem:s4+$0xF258] =	vst.add.f32.msk $0xffff, v0  }
0x20b: {  	v0 =	vld [tilespmem:s0+$0xF268];
	_ =	sdelay $0x4  }
0x20c: {  	[tilespmem:s4+$0xF268] =	vst.add.f32.msk $0xffff, v0  }
0x20d: {  	v0 =	vld [tilespmem:s0+$0xF278];
	_ =	sdelay $0x4  }
0x20e: {  	[tilespmem:s4+$0xF278] =	vst.add.f32.msk $0xffff, v0  }
0x20f: {  	v0 =	vld [tilespmem:s0+$0xF288];
	_ =	sdelay $0x4  }
0x210: {  	[tilespmem:s4+$0xF288] =	vst.add.f32.msk $0xffff, v0  }
0x211: {  	v0 =	vld [tilespmem:s0+$0xF298];
	_ =	sdelay $0x4  }
0x212: {  	[tilespmem:s4+$0xF298] =	vst.add.f32.msk $0xffff, v0  }
0x213: {  	v0 =	vld [tilespmem:s0+$0xF2A8]  }
.Ltmp32:
0x214: {  	_ = 	snop;
	(pc) =	sbr.rel .LBB3_31-.Ltmp32, $2  }
0x215: {  	_ =	sdelay $0x2  }
0x216: {  	[tilespmem:s4+$0xF2A8] =	vst.add.f32.msk $0xffff, v0  }
.LBB3_32:
0x217: {  	p0 =	slt.s32 s2, $0x1  }
.Ltmp33:
0x218: {  	_ = 	snop;
	(pc) =	sbr.rel @p0 .LBB3_36-.Ltmp33, $3  }
0x219: {  	_ =	sdelay $0x1  }
0x21a: {  	s0 =	simm.s32 $0x6  }
0x21b: {  	s3 =	simm.s32 $0x0;
	[sflag:s0] =	ssyncpa.u1 $0x1  }
0x21c: {  	s0 =	simm.s32 $0xF218  }
0x21d: {  	v0 =	vld.msk [tilespmem:s0+$0x0], $0x1;
	_ =	sdelay $0x4  }
0x21e: {  	(v2sf) =	vpush v0, $0x0;
	_ =	sdelay $0xd  }
0x21f: {  	s2 =	sadd.s32 $0xFFFFFFFF, s2  }
0x220: {  	p1 =	sne.s32 s2, $0x0;
	s0 =	spop (v2sf)  }
.Ltmp34:
0x221: {  	p0 =	sgt.u32 s0, $0xC34F0;
	(pc) =	sbr.rel @!p1 .LBB3_35-.Ltmp34, $4  }
0x222: {  	s4 =	simm.s32 $0xF238;
	s5 =	sand.u32 @!p0 $0xFFFF8, s0  }
0x223: {  	s6 =	simm.s32 $0x0;
	s0 =	sand.u32 @!p0 $0x7, s0;
	s5 =	sadd.s32 @!p0 s1, s5  }
0x224: {  	[hbm4b:s5+s0] =	stream.linear.scatter @!p0 [tilespmem:s4], [sflag:$0x5], $0x80, $0x38;
	[tilespmem:$0x1F6E8] =	vst v63  }
0x225: {  	s6 =	simm.s32 @!p0 $0x200;
	s5 =	simm.s32 $0xF219  }
.LBB3_34:
0x226: {  	v0 =	vld.msk [tilespmem:s5+$0x0], $0x1;
	s2 =	sadd.s32 $0xFFFFFFFF, s2;
	s3 =	sadd.s32 s3, s6  }
0x227: {  	p0 =	sne.s32 s2, $0x0;
	_ =	sdelay $0x3  }
0x228: {  	(v2sf) =	vpush v0, $0x0;
	_ =	sdelay $0xe  }
.Ltmp35:
0x229: {  	s0 =	spop (v2sf);
	(pc) =	sbr.rel @p0 .LBB3_34-.Ltmp35, $4  }
0x22a: {  	s6 =	simm.s32 $0x0;
	p1 =	sgt.u32 s0, $0xC34F0  }
0x22b: {  	s4 =	sadd.s32 $0x80, s4;
	s6 =	simm.s32 @!p1 $0x200;
	s7 =	sand.u32 @!p1 $0xFFFF8, s0  }
0x22c: {  	s5 =	sadd.s32 $0x1, s5;
	s0 =	sand.u32 @!p1 $0x7, s0;
	s7 =	sadd.s32 @!p1 s1, s7  }
0x22d: {  	[hbm4b:s7+s0] =	stream.linear.scatter @!p1 [tilespmem:s4], [sflag:$0x5], $0x80, $0x38;
	[tilespmem:$0x1F6E8] =	vst v63  }
.LBB3_35:
0x22e: {  	s0 =	sadd.s32 s3, s6  }
0x22f: {  	s3 =	sshrl.u32 s0, $0x2  }
.LBB3_36:
0x230: {  	s0 =	simm.s32 $0x5  }
0x231: {  	_ =	swait.ge [sflag:s0], s3  }
0x232: {  	s1 =	ssub.s32 $0x0, s3;
	[sflag:s0] =	ssyncset.done $0x0  }
0x233: {  	[sflag:s0] =	ssyncadd.s32 s1  }
0x234: {  	[sflag:s0] =	ssyncpa.u1 $0x1  }
0x235: {  	s30 =	simm.s32 $0x1;
	_ =	sfence  }
0x236: {  	[sflag:s30] =	ssyncpa.u1 $0x1  }
0x237: {  	_ =	strace $0x90000056  }
0x238: {  	[bflag:$0x2] =	sbarrier.arrive $0xFFFF  }
0x239: {  	s31 =	rddreg [dreg:$0x1]  }
0x23a: {  	s0 =	sadd.s32 $0x100000, s31  }
0x23b: {  	[sflag:s0] =	ssyncadd.tile.s32 $0x1;
	_ =	shalt  }
.Lfunc_end3:
_tile_overlayer_lowered:
.L_overlay_start_3:
0x23c: {  	(tag) =	ssettag $0x3  }
0x23d: {  	s0 =	rddreg [dreg:$0x0];
	s2 =	stileid.u32  }
0x23e: {  	s1 =	rddreg [dreg:$0x1];
	p0 =	sne.s32 s2, $0x0  }
0x23f: {  	s3 =	rddreg [dreg:$0x2];
	[bflag:$0x3] =	sbarrier.arrive $0xFFFF;
	s2 =	simm.s32 @!p0 $0x1C01  }
0x240: {  	[timem:s3], [sflag:s2] =	dma.local @!p0 [hbm:s0], s1  }
0x241: {  	s0 =	simm.s32 @!p0 $0x1  }
0x242: {  	_ =	swait.ge @!p0 [sflag:s0], s1  }
0x243: {  	s1 =	ssub.s32 @!p0 $0x0, s1;
	[sflag:s0] =	ssyncset.done @!p0 $0x0  }
0x244: {  	[sflag:s0] =	ssyncadd.s32 @!p0 s1  }
0x245: {  	[bflag:$0x3] =	sbarrier.arrive $0xFFFF  }
0x246: {  	_ =	shalt  }

// kernel: scatter_offload_async_start.2
scs
__scs_entry_jumppad:
0x0: {  	(pc) =	sbr.rel $0x88, $3  }
0x1: {  	(tag) =	ssettag $0x0;
	lr =	simm.s32 $0x1  }
0x2: {  	[smem:$0x3F96] =	sst lr;
	_ =	strace $0xD0000000  }
0x3: {  	_ = 	snop  }
0x4: {  	_ = 	snop  }
0x5: {  	_ = 	snop  }
0x6: {  	_ = 	snop  }
0x7: {  	_ = 	snop  }
__scs_overlays_trampoline_lowered:
0x8: {  	[smem:$0x3FA5] =	sst s0  }
0x9: {  	[smem:$0x3FA6] =	sst s1  }
0xa: {  	[smem:$0x3FA7] =	sst s2  }
0xb: {  	[smem:$0x3FA8] =	sst s3  }
0xc: {  	[smem:$0x3FA9] =	sst s4  }
0xd: {  	[smem:$0x3FAA] =	sst s5  }
0xe: {  	[smem:$0x3FAB] =	sst s6  }
0xf: {  	[smem:$0x3FAC] =	sst s7  }
0x10: {  	[smem:$0x3FAD] =	sst s8  }
0x11: {  	[smem:$0x3FAE] =	sst s9;
	s0 =	simm.s32 @!p0 $0x0  }
0x12: {  	s1 =	sld [smem:$0x3F94];
	s0 =	simm.s32 @p0 $0x1  }
0x13: {  	[smem:$0x3FAF] =	sst s0;
	s0 =	simm.s32 @!p1 $0x0  }
0x14: {  	s2 =	sld [smem:$0x3F93];
	s0 =	simm.s32 @p1 $0x1  }
0x15: {  	[smem:$0x3FB0] =	sst s0;
	s0 =	simm.s32 @!p2 $0x0  }
0x16: {  	s3 =	sld [smem:$0x3FDB];
	s0 =	simm.s32 @p2 $0x1  }
0x17: {  	s4 =	simm.s32 $0x1BF5;
	[smem:$0x3FB2] =	sst s0  }
0x18: {  	s0 =	sld [smem:$0x3F95];
	_ =	swait.ge [sflag:s4], $0x0  }
0x19: {  	s7 =	sld [smem:$0x3F96]  }
0x1a: {  	s8 =	sadd.s32 $0xFFFFE003, lr  }
0x1b: {  	s9 =	sadd.s32 $0xFFFFFEF7, lr;
	s5 =	simm.s32 $0xFFFFFFFF;
	p2 =	slt.u32 s8, $0xFFFFF086  }
0x1c: {  	p1 =	slt.u32 s9, $0xF7A;
	s5 =	simm.s32 @!p2 $0x0  }
0x1d: {  	s5 =	simm.s32 @p1 $0x1;
	p0 =	seq.s32 s7, s2  }
0x1e: {  	s7 =	smul.u32 @!p0 $0xF7A, s2;
	p2 =	seq.s32 @!p0 s5, $0x0  }
0x1f: {  	s9 =	smul.u32 $0xF7A, s1;
	s8 =	simm.s32 @!p0 $0x1BF5;
	p2 =	por !p2, p0  }
0x20: {  	[sflag:s8] =	ssyncset.s32 @!p0 $0xFFFFF086;
	s6 =	sadd.s32 @!p0 s3, s7;
	s7 =	simm.s32 @!p0 $0x108  }
0x21: {  	s3 =	sadd.s32 s3, s9;
	s6 =	sadd.s32 @!p0 $0x88, s6;
	s7 =	simm.s32 @p2 $0x1082  }
0x22: {  	[simem:s7], [sflag:s8] =	dma.local @!p0 [hbm:s6], $0xF7A  }
0x23: {  	s9 =	sor.u32 $0xD0000000, s2;
	s6 =	simm.s32 $0x108;
	_ =	swait.ge @!p0 [sflag:s8], $0x0  }
0x24: {  	s3 =	sadd.s32 $0x88, s3;
	s6 =	simm.s32 @!p1 $0x1082;
	[sflag:s4] =	ssyncset.s32 $0xFFFFF086  }
0x25: {  	[simem:s6], [sflag:s4] =	dma.local [hbm:s3], $0xF7A  }
0x26: {  	[smem:$0x3F96] =	sst s1;
	(tag) =	ssettag s2;
	_ =	strace s9  }
0x27: {  	s1 =	sld [smem:$0x3FA6]  }
0x28: {  	s2 =	sld [smem:$0x3FA7]  }
0x29: {  	s4 =	sld [smem:$0x3FA9]  }
0x2a: {  	p0 =	seq.s32 s5, $0x0;
	s5 =	sld [smem:$0x3FAA]  }
0x2b: {  	s6 =	sld [smem:$0x3FAB]  }
0x2c: {  	s7 =	sld [smem:$0x3FAC]  }
0x2d: {  	s3 =	simm.s32 $0x108;
	s8 =	sld [smem:$0x3FAD]  }
0x2e: {  	s3 =	simm.s32 @!p0 $0x1082;
	s9 =	sld [smem:$0x3FAE]  }
0x2f: {  	lr =	sadd.s32 s0, s3;
	s0 =	sld [smem:$0x3FA5]  }
0x30: {  	s3 =	sld [smem:$0x3FA8]  }
0x31: {  	[smem:$0x3FB1] =	sst s10  }
0x32: {  	s10 =	sld [smem:$0x3FAF];
	_ =	sdelay $0x3  }
0x33: {  	p0 =	seq.s32 s10, $0x1;
	s10 =	sld [smem:$0x3FB1];
	_ =	sdelay $0x3  }
0x34: {  	[smem:$0x3FB1] =	sst s10  }
0x35: {  	s10 =	sld [smem:$0x3FB0];
	_ =	sdelay $0x3  }
0x36: {  	p1 =	seq.s32 s10, $0x1;
	s10 =	sld [smem:$0x3FB1];
	_ =	sdelay $0x3  }
0x37: {  	[smem:$0x3FB1] =	sst s10  }
0x38: {  	s10 =	sld [smem:$0x3FB2]  }
0x39: {  	_ = 	snop;
	(pc) =	sbr.ind lr, $3  }
0x3a: {  	_ = 	snop  }
0x3b: {  	_ = 	snop  }
0x3c: {  	p2 =	seq.s32 s10, $0x1;
	s10 =	sld [smem:$0x3FB1]  }
0x3d: {  	_ =	shalt  }
0x3e: {  	_ =	shalt  }
0x3f: {  	_ =	shalt  }
0x40: {  	_ =	shalt  }
0x41: {  	_ =	shalt  }
0x42: {  	_ =	shalt  }
0x43: {  	_ =	shalt  }
0x44: {  	_ =	shalt  }
0x45: {  	_ =	shalt  }
0x46: {  	_ =	shalt  }
0x47: {  	_ =	shalt  }
0x48: {  	_ =	shalt  }
0x49: {  	_ =	shalt  }
0x4a: {  	_ =	shalt  }
0x4b: {  	_ =	shalt  }
0x4c: {  	_ =	shalt  }
0x4d: {  	_ =	shalt  }
0x4e: {  	_ =	shalt  }
0x4f: {  	_ =	shalt  }
0x50: {  	_ =	shalt  }
0x51: {  	_ =	shalt  }
0x52: {  	_ =	shalt  }
0x53: {  	_ =	shalt  }
0x54: {  	_ =	shalt  }
0x55: {  	_ =	shalt  }
0x56: {  	_ =	shalt  }
0x57: {  	_ =	shalt  }
0x58: {  	_ =	shalt  }
0x59: {  	_ =	shalt  }
0x5a: {  	_ =	shalt  }
0x5b: {  	_ =	shalt  }
0x5c: {  	_ =	shalt  }
0x5d: {  	_ =	shalt  }
0x5e: {  	_ =	shalt  }
0x5f: {  	_ =	shalt  }
0x60: {  	_ =	shalt  }
0x61: {  	_ =	shalt  }
0x62: {  	_ =	shalt  }
0x63: {  	_ =	shalt  }
0x64: {  	_ =	shalt  }
0x65: {  	_ =	shalt  }
0x66: {  	_ =	shalt  }
0x67: {  	_ =	shalt  }
0x68: {  	_ =	shalt  }
0x69: {  	_ =	shalt  }
0x6a: {  	_ =	shalt  }
0x6b: {  	_ =	shalt  }
0x6c: {  	_ =	shalt  }
0x6d: {  	_ =	shalt  }
0x6e: {  	_ =	shalt  }
0x6f: {  	_ =	shalt  }
0x70: {  	_ =	shalt  }
0x71: {  	_ =	shalt  }
0x72: {  	_ =	shalt  }
0x73: {  	_ =	shalt  }
0x74: {  	_ =	shalt  }
0x75: {  	_ =	shalt  }
0x76: {  	_ =	shalt  }
0x77: {  	_ =	shalt  }
0x78: {  	_ =	shalt  }
0x79: {  	_ =	shalt  }
0x7a: {  	_ =	shalt  }
0x7b: {  	_ =	shalt  }
0x7c: {  	_ =	shalt  }
0x7d: {  	_ =	shalt  }
0x7e: {  	_ =	shalt  }
0x7f: {  	_ =	shalt  }
0x80: {  	_ =	shalt  }
0x81: {  	_ =	shalt  }
0x82: {  	_ =	shalt  }
0x83: {  	_ =	shalt  }
0x84: {  	_ =	shalt  }
0x85: {  	_ =	shalt  }
0x86: {  	_ =	shalt  }
0x87: {  	_ =	shalt  }
.Lfunc_end0:
.L_simem_size_0:
called_computation.2_lowered:
.L_overlay_start_0:
0x88: {  	s0 =	sld [smem:$0x3FD9]  }
0x89: {  	s1 =	sld [smem:$0x3FFE];
	_ =	sdelay $0x3  }
0x8a: {  	s0 =	sadd.s32 s1, s0  }
0x8b: {  	[smem:$0x3FBD] =	sst s0  }
0x8c: {  	_ = 	snop  }
0x8d: {  	(tm) =	ssettm $0x1  }
0x8e: {  	s14 =	sld [smem:$0x3FFB];
	_ =	sdelay $0x3  }
0x8f: {  	_ =	strace s14  }
0x90: {  	s0 =	sld [smem:$0x3FFC];
	_ =	sdelay $0x3  }
0x91: {  	_ =	strace s0  }
0x92: {  	s0 =	sld [smem:$0x3FFD];
	_ =	sdelay $0x3  }
0x93: {  	_ =	strace s0  }
0x94: {  	_ =	strace $0x8FFFFFFF  }
0x95: {  	s15 =	sld [smem:$0x3FDB];
	_ =	sdelay $0x1  }
0x96: {  	s16 =	simm.s32 $_scs_section_size  }
0x97: {  	s2 =	simm.s32 $_size__tile_overlayer_lowered;
	s3 =	simm.s32 $_tile_overlayer_lowered  }
0x98: {  	s4 =	simm.s32 $0x1BFF;
	s17 =	sshll.u32 s3, $0x1;
	s1 =	sadd.s32 s16, s15  }
0x99: {  	s18 =	simm.s32 $0x0;
	s2 =	sshll.u32 s2, $0x1;
	s3 =	sadd.s32 s17, s1  }
0x9a: {  	[timem:s18], [sflag:s4] =	dma.local [hbm:s3], s2  }
0x9b: {  	_ =	swait.ge [sflag:s4], s2  }
0x9c: {  	s2 =	ssub.s32 $0x0, s2;
	[sflag:s4] =	ssyncset.done $0x0  }
0x9d: {  	[sflag:s4] =	ssyncadd.s32 s2;
	_ =	sdelay $0x1  }
0x9e: {  	s19 =	simm.s32 $0x1B8B  }
0x9f: {  	_ =	swait.ge [sflag:s19], $0x1  }
0xa0: {  	[sflag:s19] =	ssyncset.done $0x0  }
0xa1: {  	s21 =	simm.s32 $0x1B8E;
	s20 =	sld [smem:$0x3FFE];
	[sflag:s19] =	ssyncadd.s32 $0xFFFFFFFF  }
0xa2: {  	s22 =	simm.s32 $execute0_lowered;
	[smem:$0x3FD2] =	sst s21  }
0xa3: {  	s3 =	sshll.u32 s22, $0x1;
	_ =	strace $0x8000004C;
	[dreg:$0x1] =	wrdreg $0xFFFFFFFF  }
0xa4: {  	s23 =	simm.s32 $_size_execute0_lowered;
	s3 =	sadd.s32 s1, s3;
	[dreg:$0x0] =	wrdreg $0x0  }
0xa5: {  	s4 =	sshll.u32 s23, $0x1;
	[dreg:$0x2] =	wrdreg s3  }
0xa6: {  	[dreg:$0x3] =	wrdreg s4  }
0xa7: {  	[dreg:$0x4] =	wrdreg $0xC0  }
0xa8: {  	s24 =	simm.s32 $execute1_lowered;
	_ =	task [dreg:s18], $0x5FFFF  }
0xa9: {  	s3 =	sshll.u32 s24, $0x1;
	[dreg:$0x1] =	wrdreg $0xFFFFFFFF  }
0xaa: {  	s1 =	sadd.s32 s1, s3;
	[dreg:$0x0] =	wrdreg $0x60  }
0xab: {  	[dreg:$0x2] =	wrdreg s1  }
0xac: {  	[dreg:$0x3] =	wrdreg s20  }
0xad: {  	[dreg:$0x4] =	wrdreg $0xD  }
0xae: {  	_ =	task.clear_ibuf [dreg:s18], $0x5FFFF;
	_ =	strace $0x9000004C  }
0xaf: {  	s25 =	simm.s32 $0xD;
	_ =	strace $0x8000004E  }
0xb0: {  	_ =	swait.ge [sflag:s25], $0x1  }
0xb1: {  	[sflag:s25] =	ssyncadd.s32 $0xFFFFFFFF  }
0xb2: {  	_ =	strace $0x9000004E  }
0xb3: {  	_ =	strace $0x8000004F;
	[dreg:$0x1] =	wrdreg $0xFFFFFFFF  }
0xb4: {  	[dreg:$0x0] =	wrdreg $0x2030  }
0xb5: {  	[dreg:$0x2] =	wrdreg s20  }
0xb6: {  	[dreg:$0x3] =	wrdreg $0xE  }
0xb7: {  	_ =	task.clear_ibuf [dreg:s18], $0x4FFFF;
	_ =	strace $0x9000004F  }
0xb8: {  	s26 =	simm.s32 $0xE;
	_ =	strace $0x80000051  }
0xb9: {  	_ =	swait.ge [sflag:s26], $0x1  }
0xba: {  	[sflag:s26] =	ssyncadd.s32 $0xFFFFFFFF  }
0xbb: {  	_ =	strace $0x90000051  }
0xbc: {  	_ =	sfence  }
0xbd: {  	s28 =	sld [smem:$0x0];
	_ =	sdelay $0x1  }
0xbe: {  	s29 =	srdreg.scid  }
0xbf: {  	s30 =	sshll.u32 s29, $0xD;
	s31 =	sshrl.u32 s29, $0x2  }
0xc0: {  	s2 =	sand.u32 $0x1, s29;
	s3 =	sand.u32 $0x4000, s30;
	s1 =	sadd.s32 s31, s28  }
0xc1: {  	s2 =	sor.u32 s3, s2;
	s1 =	sshll.u32 s1, $0x11  }
0xc2: {  	s1 =	sor.u32 s1, s2  }
0xc3: {  	s1 =	sadd.s32 $0x8F2B, s1  }
0xc4: {  	[sflag:s1] =	ssyncadd.remote.s32 $0x1  }
0xc5: {  	_ =	sfence.sel $0xFFFF  }
0xc6: {  	[dreg:$0x0] =	wrdreg $0xFFFFFFFF;
	(pc) =	sbr.abs _section_cstart, $3  }
0xc7: {  	[dreg:$0x1] =	wrdreg $0xFFFFFFFF  }
0xc8: {  	_ =	task.clear_ibuf [dreg:s18], $0x2FFFF;
	_ =	strace $0x9FFFFFFF  }
0xc9: {  	(tm) =	ssettm $0x7FFFFFFF  }
tec
execute0_lowered:
.L_overlay_start_1:
0x0: {  	(tag) =	ssettag $0x1  }
0x1: {  	s2 =	rddreg [dreg:$0x0]  }
0x2: {  	s4 =	rddreg [dreg:$0x1]  }
0x3: {  	s0 =	rddreg [dreg:$0x2];
	s3 =	stileid.u32  }
0x4: {  	[bflag:$0x3] =	sbarrier.arrive $0xFFFF;
	s1 =	simm.s32 $_size_execute1_lowered;
	p0 =	sne.s32 s3, $0x0  }
0x5: {  	s1 =	sshll.u32 s1, $0x1;
	s5 =	simm.s32 @!p0 $0x1C3F;
	s6 =	simm.s32 @!p0 $0x4060  }
0x6: {  	[timem:s6], [sflag:s5] =	dma.local @!p0 [hbm:s2], s1  }
0x7: {  	s2 =	smul.u32 $0xC40, s3  }
.Ltmp0:
0x8: {  	s31 =	simm.s32 $0x2;
	s7 =	simm.s32 $0xC40;
	(pc) =	sbr.rel .LBB2_1-.Ltmp0, $4  }
0x9: {  	s8 =	simm.s32 $0x24C0;
	s10 =	simm.s32 $0x0;
	s9 =	simm.s32 $0x0  }
0xa: {  	s3 =	simm.s32 $0x1;
	_ =	strace $0x8000004D;
	s30 =	sshrl.u32 s2, $0x3  }
0xb: {  	s6 =	simm.s32 $0x0;
	[sflag:s3] =	ssyncpa.u1 $0x0;
	s5 =	sadd.s32 s30, s4  }
0xc: {  	s4 =	sadd.s32 $0x17400, s4;
	[sflag:s31] =	ssyncpa.u1 $0x0;
	s5 =	sadd.s32 $0xF1E00, s5  }
.LBB2_9:
0xd: {  	p1 =	seq.s32 s9, $0x2  }
.Ltmp1:
0xe: {  	_ = 	snop;
	(pc) =	sbr.rel @p1 .LBB2_11-.Ltmp1, $1  }
0xf: {  	_ =	sdelay $0x3  }
.LBB2_10:
0x10: {  	s9 =	sadd.s32 $0x1, s9;
	s10 =	smov.u32 s2  }
.LBB2_1:
0x11: {  	p1 =	sne.s32 s9, $0x0  }
.Ltmp2:
0x12: {  	_ = 	snop;
	(pc) =	sbr.rel @!p1 .LBB2_2-.Ltmp2, $1  }
0x13: {  	_ =	sdelay $0x3  }
0x14: {  	s11 =	sand.u32 $0x1, s9  }
0x15: {  	p1 =	seq.s32 s11, $0x0  }
.Ltmp3:
0x16: {  	_ = 	snop;
	(pc) =	sbr.rel @p1 .LBB2_9-.Ltmp3, $1  }
0x17: {  	_ =	sdelay $0x3  }
0x18: {  	_ =	swait.ge [sflag:s3], $0xC40  }
0x19: {  	[sflag:s3] =	ssyncset.done $0x0  }
0x1a: {  	s16 =	simm.s32 $0xD30;
	[sflag:s3] =	ssyncadd.s32 $0xFFFFF3C0  }
0x1b: {  	v0 =	vld [tilespmem:s16+$0x0]  }
0x1c: {  	v1 =	vld [tilespmem:s16+$0xFFFFFF20]  }
0x1d: {  	v2 =	vld [tilespmem:s16+$0xFFFFFF30]  }
0x1e: {  	v3 =	vld [tilespmem:s16+$0xFFFFFF40]  }
0x1f: {  	s11 =	simm.s32 $0x25B0;
	v4 =	vld [tilespmem:s16+$0xFFFFFF50]  }
0x20: {  	v5 =	vld [tilespmem:s16+$0xFFFFFF60];
	[tilespmem:s11+$0x0] =	vst v0  }
0x21: {  	[tilespmem:s11+$0xFFFFFF20] =	vst v1;
	v0 =	vld [tilespmem:s16+$0xFFFFFF70]  }
0x22: {  	[tilespmem:s11+$0xFFFFFF30] =	vst v2;
	v1 =	vld [tilespmem:s16+$0xFFFFFF80]  }
0x23: {  	[tilespmem:s11+$0xFFFFFF40] =	vst v3;
	v2 =	vld [tilespmem:s16+$0xFFFFFF90]  }
0x24: {  	[tilespmem:s11+$0xFFFFFF50] =	vst v4;
	v3 =	vld [tilespmem:s16+$0xFFFFFFA0]  }
0x25: {  	[tilespmem:s11+$0xFFFFFF60] =	vst v5;
	v5 =	vld [tilespmem:s16+$0xFFFFFFB0]  }
0x26: {  	[tilespmem:s11+$0xFFFFFF70] =	vst v0;
	v0 =	vld [tilespmem:s16+$0xFFFFFFC0]  }
0x27: {  	[tilespmem:s11+$0xFFFFFF80] =	vst v1;
	v1 =	vld [tilespmem:s16+$0xFFFFFFD0]  }
0x28: {  	[tilespmem:s11+$0xFFFFFF90] =	vst v2;
	v2 =	vld [tilespmem:s16+$0xFFFFFFE0]  }
0x29: {  	s15 =	simm.s32 $0x0;
	s12 =	simm.s32 $0xBF0;
	[tilespmem:s11+$0xFFFFFFA0] =	vst v3;
	v3 =	vld [tilespmem:s16+$0xFFFFFFF0]  }
0x2a: {  	s13 =	simm.s32 $0x30C0;
	s14 =	simm.s32 $0x1840;
	v4 =	vld [tilespmem:s16+$0xFFFFFF10];
	[tilespmem:s11+$0xFFFFFFB0] =	vst v5;
	s16 =	simm.s32 $0xE30  }
.LBB2_5:
0x2b: {  	v5 =	vld [tilespmem:s16+$0x0];
	s15 =	sadd.s32 $0x100, s15;
	[tilespmem:s11+$0xFFFFFFC0] =	vst v0  }
0x2c: {  	v0 =	vld [tilespmem:s16+$0xFFFFFF20];
	p1 =	slt.u32 s15, $0xB00;
	[tilespmem:s11+$0xFFFFFFD0] =	vst v1  }
0x2d: {  	v1 =	vld [tilespmem:s16+$0xFFFFFF30];
	[tilespmem:s11+$0xFFFFFFE0] =	vst v2  }
0x2e: {  	v2 =	vld [tilespmem:s16+$0xFFFFFF40];
	[tilespmem:s11+$0xFFFFFFF0] =	vst v3  }
0x2f: {  	v3 =	vld [tilespmem:s16+$0xFFFFFF50];
	[tilespmem:s11+$0xFFFFFF10] =	vst v4;
	s11 =	sadd.s32 $0x100, s11  }
0x30: {  	v4 =	vld [tilespmem:s16+$0xFFFFFF60];
	[tilespmem:s11+$0x0] =	vst v5  }
0x31: {  	[tilespmem:s11+$0xFFFFFF20] =	vst v0;
	v0 =	vld [tilespmem:s16+$0xFFFFFF70]  }
0x32: {  	[tilespmem:s11+$0xFFFFFF30] =	vst v1;
	v1 =	vld [tilespmem:s16+$0xFFFFFF80]  }
0x33: {  	[tilespmem:s11+$0xFFFFFF40] =	vst v2;
	v2 =	vld [tilespmem:s16+$0xFFFFFF90]  }
0x34: {  	[tilespmem:s11+$0xFFFFFF50] =	vst v3;
	v3 =	vld [tilespmem:s16+$0xFFFFFFA0]  }
0x35: {  	[tilespmem:s11+$0xFFFFFF60] =	vst v4;
	v5 =	vld [tilespmem:s16+$0xFFFFFFB0]  }
.Ltmp4:
0x36: {  	[tilespmem:s11+$0xFFFFFF70] =	vst v0;
	v0 =	vld [tilespmem:s16+$0xFFFFFFC0];
	(pc) =	sbr.rel @p1 .LBB2_5-.Ltmp4, $4  }
0x37: {  	[tilespmem:s11+$0xFFFFFF80] =	vst v1;
	v1 =	vld [tilespmem:s16+$0xFFFFFFD0]  }
0x38: {  	[tilespmem:s11+$0xFFFFFF90] =	vst v2;
	v2 =	vld [tilespmem:s16+$0xFFFFFFE0]  }
0x39: {  	[tilespmem:s11+$0xFFFFFFA0] =	vst v3;
	v3 =	vld [tilespmem:s16+$0xFFFFFFF0]  }
0x3a: {  	v4 =	vld [tilespmem:s16+$0xFFFFFF10];
	[tilespmem:s11+$0xFFFFFFB0] =	vst v5;
	s16 =	sadd.s32 $0x100, s16  }
0x3b: {  	[tilespmem:s11+$0xFFFFFFC0] =	vst v0  }
0x3c: {  	[tilespmem:s11+$0xFFFFFFD0] =	vst v1  }
0x3d: {  	[tilespmem:s11+$0xFFFFFFE0] =	vst v2  }
0x3e: {  	[tilespmem:s11+$0xFFFFFFF0] =	vst v3  }
0x3f: {  	[tilespmem:s11+$0xFFFFFF10] =	vst v4  }
.LBB2_7:
0x40: {  	s12 =	sadd.s32 $0x10, s12  }
0x41: {  	v0 =	vld [tilespmem:s14+$0x0];
	p1 =	slt.u32 s12, $0xC30  }
.Ltmp5:
0x42: {  	_ = 	snop;
	(pc) =	sbr.rel @p1 .LBB2_7-.Ltmp5, $2  }
0x43: {  	_ =	sdelay $0x2  }
0x44: {  	s14 =	sadd.s32 $0x10, s14;
	[tilespmem:s13+$0x0] =	vst v0;
	s13 =	sadd.s32 $0x10, s13  }
.Ltmp6:
0x45: {  	(pc) =	sbr.rel .LBB2_9-.Ltmp6, $4  }
0x46: {  	_ = 	snop  }
0x47: {  	s10 =	sshrl.u32 s10, $0x3  }
0x48: {  	s10 =	sadd.s32 s4, s10  }
0x49: {  	[hbm4b:s10+s6] =	stream.linear.scatter [tilespmem:s8], [sflag:$0x2], $0xC40, $0x38;
	[tilespmem:$0x3100] =	vst v63  }
.LBB2_2:
.Ltmp7:
0x4a: {  	(pc) =	sbr.rel .LBB2_10-.Ltmp7, $2  }
0x4b: {  	_ =	sdelay $0x2  }
0x4c: {  	[tilespmem:s7], [sflag:$0x1] =	stream.linear.gather [hbm4b:s5+s6], $0xC40, $0x38;
	[tilespmem:$0x3100] =	vst v63  }
.LBB2_11:
0x4d: {  	s2 =	simm.s32 $0x2  }
0x4e: {  	_ =	swait.ge [sflag:s2], $0xC40  }
0x4f: {  	[sflag:s2] =	ssyncset.done $0x0  }
0x50: {  	[sflag:s2] =	ssyncadd.s32 $0xFFFFF3C0  }
0x51: {  	_ =	sfence.sel $0x180000  }
0x52: {  	s3 =	simm.s32 $0x1;
	[bflag:$0x0] =	sbarrier.arrive $0xFFFF  }
0x53: {  	[sflag:s3] =	ssyncpa.u1 $0x1  }
0x54: {  	[sflag:s2] =	ssyncpa.u1 $0x1  }
0x55: {  	_ =	strace $0x9000004D  }
0x56: {  	s0 =	sadd.s32 @!p0 $0x100000, s0;
	[bflag:$0x2] =	sbarrier.arrive $0xFFFF  }
0x57: {  	[sflag:s0] =	ssyncadd.tile.s32 @!p0 $0x1;
	s0 =	simm.s32 @!p0 $0x3F  }
0x58: {  	_ =	swait.ge @!p0 [sflag:s0], s1  }
0x59: {  	s1 =	ssub.s32 @!p0 $0x0, s1;
	[sflag:s0] =	ssyncset.done @!p0 $0x0  }
0x5a: {  	[sflag:s0] =	ssyncadd.s32 @!p0 s1  }
0x5b: {  	[bflag:$0x3] =	sbarrier.arrive $0xFFFF  }
0x5c: {  	_ =	shalt  }
.Lfunc_end2:
execute1_lowered:
.L_overlay_start_2:
0x5d: {  	(tag) =	ssettag $0x2  }
0x5e: {  	s0 =	rddreg [dreg:$0x0]  }
0x5f: {  	s6 =	stileid.u32;
	_ =	strace $0x80000050;
	s2 =	simm.s32 $0x1  }
0x60: {  	v1 =	vimm.s32 $0xFFFFFFFF;
	s1 =	smul.u32 $0x7, s6;
	[sflag:s2] =	ssyncpa.u1 $0x0  }
0x61: {  	s3 =	smin.u32 s6, $0xD;
	[tilespmem:$0x10] =	vst v1  }
0x62: {  	v0 =	vimm.f32 $0.0e+00;
	[tilespmem:$0x20] =	vst v1;
	s1 =	sadd.s32 s3, s1  }
0x63: {  	p0 =	slt.u32 s6, $0xD;
	[tilespmem:$0x30] =	vst v0;
	s3 =	smul.u32 $0x7D0, s1;
	s1 =	simm.s32 $0x3E80  }
0x64: {  	[tilespmem:$0x40] =	vst v0;
	s1 =	simm.s32 @!p0 $0x36B0  }
0x65: {  	[tilespmem:$0x50] =	vst v0;
	s1 =	sadd.s32 s1, s3  }
0x66: {  	[tilespmem:$0x60] =	vst v1;
	s4 =	smin.u32 s1, $0x3D090  }
0x67: {  	s7 =	simm.s32 $0x2;
	[tilespmem:$0x70] =	vst v1;
	s9 =	ssub.s32 s4, s3  }
0x68: {  	s8 =	simm.s32 $0x8;
	s31 =	simm.s32 $0x9;
	[tilespmem:$0x80] =	vst v1;
	p0 =	sgt.s32 s9, $0x0  }
0x69: {  	s16 =	simm.s32 $0x0;
	s17 =	simm.s32 $0xF0;
	v1 =	vimm.s32 $0x0;
	[tilespmem:$0xB0] =	vst v0;
	s9 =	simm.s32 @!p0 $0x0  }
0x6a: {  	s18 =	simm.s32 $0xFFFFFFFF;
	s19 =	simm.s32 $0xFFFFF160;
	[tilespmem:$0x90] =	vst v1;
	s5 =	smulhi.u32 $0x10624DD3, s9  }
0x6b: {  	s20 =	simm.s32 $0xFFFFFFFE;
	[tilespmem:$0xA0] =	vst v1;
	[sflag:s7] =	ssyncpa.u1 $0x0;
	s7 =	simm.s32 $0x7  }
0x6c: {  	s21 =	simm.s32 $0xF;
	[sflag:s7] =	ssyncpa.u1 $0x0;
	s10 =	sshrl.u32 s5, $0x7  }
0x6d: {  	s25 =	simm.s32 $0x0;
	[sflag:s8] =	ssyncpa.u1 $0x0;
	s11 =	smul.u32 $0x7D0, s10  }
0x6e: {  	s24 =	simm.s32 $0x0;
	s14 =	sshllo.u32 s6, $0x1;
	[sflag:s31] =	ssyncpa.u1 $0x0  }
.Ltmp8:
0x6f: {  	s1 =	sadd.s32 $0x17400, s0;
	p0 =	sne.s32 s9, s11;
	(pc) =	sbr.rel .LBB3_1-.Ltmp8, $4  }
0x70: {  	s5 =	sadd.s32 $0xF5200, s0;
	s0 =	sadd.s32 $0xFCE00, s0;
	s2 =	simm.s32 @!p0 $0x0  }
0x71: {  	s23 =	smov.u32 s3;
	[dreg:$0x2] =	wrdreg s0;
	s9 =	sadd.s32 s2, s10  }
0x72: {  	vm0 =	vmmov $0xffff;
	v2 =	vlaneseq.u32;
	p0 =	por $0x0, $0x0;
	s10 =	sshll.u32 s6, $0x1;
	s11 =	sadd.s32 $0x1, s9  }
0x73: {  	vm1 =	vmxor vm1, vm1;
	vm2 =	vmmov $0x1;
	vm3 =	vcmask $0x3F3C;
	s12 =	sadd.s32 $0x2, s9;
	s13 =	sor.u32 $0x81, s10;
	s15 =	sor.u32 $0x80, s10  }
.LBB3_9:
0x74: {  	p1 =	slt.u32 s24, $0x3  }
0x75: {  	s0 =	simm.s32 @!p1 $0x2  }
0x76: {  	_ =	swait.ge @!p1 [sflag:s0], $0x7D0  }
0x77: {  	[sflag:s0] =	ssyncset.done @!p1 $0x0  }
0x78: {  	[sflag:s0] =	ssyncadd.s32 @!p1 $0xFFFFF830;
	s0 =	simm.s32 @!p1 $0x9  }
0x79: {  	_ =	swait.ge @!p1 [sflag:s0], $0x10  }
0x7a: {  	[sflag:s0] =	ssyncset.done @!p1 $0x0  }
0x7b: {  	[sflag:s0] =	ssyncadd.s32 @!p1 $0xFFFFFFF0;
	p1 =	sne.s32 s24, s12  }
.Ltmp9:
0x7c: {  	s2 =	sadd.s32 $0x7D0, s23;
	(pc) =	sbr.rel @!p1 .LBB3_10-.Ltmp9, $4  }
0x7d: {  	s6 =	smov.u32 s3;
	s31 =	sadd.s32 $0x1, s24;
	s17 =	sadd.s32 $0x7D0, s17  }
0x7e: {  	s18 =	sadd.s32 $0x1, s18;
	s25 =	smov.u32 s23;
	p2 =	slt.s32 s2, s4  }
0x7f: {  	p0 =	por !p0, !p0;
	s19 =	sadd.s32 $0x7D0, s19;
	s6 =	smov.u32 @p2 s2  }
0x80: {  	s20 =	sadd.s32 $0x1, s20;
	s23 =	smov.u32 s6;
	s24 =	smov.u32 s31  }
.LBB3_1:
0x81: {  	p1 =	sge.u32 s24, s9  }
0x82: {  	s0 =	smulhi.u32 @!p1 $0xAAAAAAAB, s24;
	_ =	sdelay $0x1  }
0x83: {  	s0 =	sshrl.u32 @!p1 s0, $0x1  }
0x84: {  	s0 =	smul.u32 @!p1 $0x3, s0;
	_ =	sdelay $0x1  }
0x85: {  	s0 =	ssub.s32 @!p1 s24, s0  }
0x86: {  	s0 =	smul.u32 @!p1 $0x1F40, s0;
	_ =	sdelay $0x1  }
0x87: {  	s2 =	sshrl.u32 @!p1 s23, $0x3;
	s0 =	sshrl.u32 @!p1 s0, $0x2  }
0x88: {  	s22 =	sand.u32 @!p1 $0x7, s23;
	s2 =	sadd.s32 @!p1 s5, s2;
	s0 =	sadd.s32 @!p1 $0x100, s0  }
0x89: {  	[tilespmem:s0], [sflag:$0x7] =	stream.linear.gather @!p1 [hbm4b:s2+s22], $0x7D0, $0x38;
	[tilespmem:$0x4770] =	vst v63  }
0x8a: {  	s0 =	sadd.s32 $0xFFFFFFFF, s24  }
0x8b: {  	p1 =	sge.u32 s0, s9  }
.Ltmp10:
0x8c: {  	_ = 	snop;
	(pc) =	sbr.rel @p1 .LBB3_5-.Ltmp10, $1  }
0x8d: {  	_ =	sdelay $0x3  }
0x8e: {  	s2 =	smulhi.u32 $0xAAAAAAAB, s0;
	_ =	sdelay $0x1  }
0x8f: {  	s2 =	sshrl.u32 s2, $0x1  }
0x90: {  	s2 =	smul.u32 $0x3, s2;
	_ =	sdelay $0x1  }
0x91: {  	s2 =	ssub.s32 s0, s2  }
0x92: {  	s2 =	smul.u32 $0x1F40, s2  }
0x93: {  	_ =	swait.ge [sflag:s7], $0x7D0  }
0x94: {  	[sflag:s7] =	ssyncset.done $0x0;
	s2 =	sshrl.u32 s2, $0x2  }
0x95: {  	[sflag:s7] =	ssyncadd.s32 $0xFFFFF830;
	(ifvalue) =	ssetifvalue $0xFFFFFFFF;
	v3 =	vld.msk [tilespmem:s2+$0x100 ss:$0x1], $0xffff;
	_ =	sdelay $0x2  }
0x96: {  	s30 =	smulhi.u32 $0xAAAAAAAB, s18;
	p1 =	sne.s32 s24, $0x1  }
0x97: {  	v4 =	vimm.s32 @!p1 $0x0  }
0x98: {  	s2 =	sshrl.u32 s30, $0x1;
	v4 =	vperm.xlane @!p1 v3, v4  }
0x99: {  	s22 =	sshll.u32 s24, $0x4;
	s2 =	smul.u32 $0xFFFFA240, s2;
	vm4 =	vlt.u32 v3, $0xC400  }
0x9a: {  	s22 =	sand.u32 $0x10, s22;
	v3 =	vnsel vm4, $0xFFFFFFFE, v3;
	vm4 =	vlt.u32 @!p1 v4, $0xC400  }
0x9b: {  	s2 =	sshra.s32 s2, $0x2;
	[tilespmem:s22+$0x60] =	vst v3;
	v3 =	vnsel @!p1 vm4, $0xFFFFFFFE, v4  }
0x9c: {  	s28 =	sadd.s32 s2, s17;
	[tilespmem:$0x80] =	vst @!p1 v3  }
0x9d: {  	v3 =	vld.msk [tilespmem:s28+$0x0 ss:$0x1], $0xffff;
	_ =	sdelay $0x4  }
0x9e: {  	(xrf1) =	vunique.msk.u32 $0xffff, v3;
	_ =	sdelay $0xd  }
0x9f: {  	v4 =	vimm.s32 $0xFFFFFFFF;
	v5, _, _ =	vpop (xrf1)  }
0xa0: {  	vm5 =	vne.s32 v3, v4;
	vm4 =	veq.s32 v5, v2  }
0xa1: {  	vm6 =	vlt.u32 v3, $0xC400;
	vm4 =	vmand vm5, vm4  }
0xa2: {  	vm4 =	vmand vm6, vm4  }
0xa3: {  	v4 =	vnsel vm4, $0xFFFFFFFF, v3  }
0xa4: {  	s31 =	sand.u32 $0x1, s0  }
0xa5: {  	s0 =	simm.s32 $0x7D0;
	p1 =	seq.s32 s31, $0x1  }
0xa6: {  	s0 =	simm.s32 @!p1 $0x0  }
0xa7: {  	s26 =	sadd.s32 $0x2030, s0;
	(ifvalue) =	ssetifvalue $0xFFFFFFFF  }
0xa8: {  	v3 =	vperm.xlane v3, v1;
	[tilespmem:s26], [sflag:$0x8] =	stream.indirect_vreg.gather [hbm4b:s1+s16], $0x1, v4, vm0, $0x4038;
	v4 =	vnsel vm6, $0xFFFFFFFE, v4;
	[tilespmem:$0x4770] =	vst v63  }
0xa9: {  	s2 =	simm.s32 $0x0;
	s22 =	sadd.s32 $0xFFFFFFF0, s28;
	[tilespmem:s28+$0x0] =	vst v4  }
.LBB3_3:
0xaa: {  	v4 =	vld.msk [tilespmem:s22+$0x0 ss:$0x1], $0xffff;
	s2 =	sadd.s32 $0x10, s2;
	v5 =	vmov v3;
	s28 =	smov.u32 s22  }
0xab: {  	p1 =	slt.u32 s2, $0x7C0;
	_ =	sdelay $0x4  }
0xac: {  	v3 =	vperm.xlane v4, v1;
	(xrf1) =	vunique.msk.u32 $0xffff, v4;
	_ =	sdelay $0xd  }
0xad: {  	v6, _, _ =	vpop (xrf1)  }
0xae: {  	vm5 =	vne.s32 v4, v5;
	vm4 =	veq.s32 v6, v2  }
0xaf: {  	vm6 =	vlt.u32 v4, $0xC400;
	vm4 =	vmand vm5, vm4  }
0xb0: {  	vm4 =	vmand vm6, vm4  }
0xb1: {  	v4 =	vnsel vm4, $0xFFFFFFFF, v4  }
.Ltmp11:
0xb2: {  	v5 =	vnsel vm6, $0xFFFFFFFE, v4;
	(pc) =	sbr.rel @p1 .LBB3_3-.Ltmp11, $3  }
0xb3: {  	_ =	sdelay $0x1  }
0xb4: {  	s22 =	sadd.s32 $0xFFFFFFF0, s22;
	s26 =	sadd.s32 $0xFFFFFFF0, s26;
	(ifvalue) =	ssetifvalue $0xFFFFFFFF  }
0xb5: {  	[tilespmem:s26], [sflag:$0x8] =	stream.indirect_vreg.gather [hbm4b:s1+s16], $0x1, v4, vm0, $0x4038;
	[tilespmem:s28+$0x0] =	vst v5  }
0xb6: {  	s2 =	sshrl.u32 s25, $0x3;
	s6 =	rddreg [dreg:$0x2]  }
0xb7: {  	s0 =	sadd.s32 $0x2810, s0;
	s2 =	sadd.s32 s6, s2  }
0xb8: {  	[tilespmem:s0], [sflag:$0x8] =	stream.linear.gather [hbm:s2], $0x7D0, $0x38;
	[tilespmem:$0x4770] =	vst v63  }
.LBB3_5:
0xb9: {  	p1 =	slt.u32 s24, $0x2  }
0xba: {  	p2 =	sge.u32 @!p1 s24, s12  }
0xbb: {  	p1 =	por p1, p2  }
.Ltmp12:
0xbc: {  	_ = 	snop;
	(pc) =	sbr.rel @p1 .LBB3_9-.Ltmp12, $1  }
0xbd: {  	_ =	sdelay $0x3  }
0xbe: {  	s0 =	sadd.s32 $0xFFFFFFFE, s24  }
0xbf: {  	s2 =	smulhi.u32 $0xAAAAAAAB, s0;
	_ =	sdelay $0x1  }
0xc0: {  	s2 =	sshrl.u32 s2, $0x1  }
0xc1: {  	s2 =	smul.u32 $0x3, s2;
	_ =	sdelay $0x1  }
0xc2: {  	s0 =	ssub.s32 s0, s2  }
0xc3: {  	_ =	swait.ge [sflag:s8], $0xFA0;
	s0 =	smul.u32 $0x7D0, s0  }
0xc4: {  	p1 =	sne.s32 s24, s11;
	[sflag:s8] =	ssyncset.done $0x0  }
0xc5: {  	[sflag:s8] =	ssyncadd.s32 $0xFFFFF060;
	s2 =	sadd.s32 @!p1 $0x8CF, s0  }
0xc6: {  	[spmem:s13] =	stream.linear.scatter @!p1 [tilespmem:s2], [sflag:$0x1], $0x1, $0x38;
	[tilespmem:$0x4770] =	vst v63  }
0xc7: {  	s2 =	simm.s32 @!p1 $0x1  }
0xc8: {  	_ =	swait.ge @!p1 [sflag:s2], $0x1  }
0xc9: {  	s22 =	sshll.u32 s24, $0x4;
	[sflag:s2] =	ssyncset.done @!p1 $0x0  }
0xca: {  	s25 =	sand.u32 $0x10, s22;
	[sflag:s2] =	ssyncadd.s32 @!p1 $0xFFFFFFFF  }
0xcb: {  	s2 =	sxor.u32 $0x10, s25;
	v4 =	vld [tilespmem:s25+$0x10]  }
0xcc: {  	v5 =	vld [tilespmem:s2+$0x60]  }
0xcd: {  	v3 =	vld [tilespmem:$0x80];
	_ =	sdelay $0x2  }
0xce: {  	(v2sf) =	vpush v4, $0x0  }
0xcf: {  	(v2sf) =	vpush v5, $0x0  }
0xd0: {  	(v2sf) =	vpush v3, $0x0;
	_ =	sdelay $0xc  }
0xd1: {  	s6 =	spop (v2sf)  }
0xd2: {  	s28 =	spop (v2sf)  }
0xd3: {  	s26 =	spop (v2sf)  }
0xd4: {  	p2 =	seq.s32 s6, s28;
	p3 =	seq.s32 s26, s6  }
0xd5: {  	p3 =	por p2, p3  }
0xd6: {  	s6 =	sand.u32 $0x1, s24;
	v4 =	vpsel p3, $0xFFFFFFFF, v4  }
0xd7: {  	s28 =	smul.u32 $0x7D0, s6;
	[tilespmem:s25+$0x10] =	vst.msk $0x1, v4  }
0xd8: {  	v4 =	vld [tilespmem:$0x30]  }
0xd9: {  	v5 =	vld [tilespmem:s28+$0x2810]  }
0xda: {  	v6 =	vld [tilespmem:s25+$0x40];
	_ =	sdelay $0x3  }
0xdb: {  	vm4 =	vmmov vm1;
	v5 =	vadd.f32 v5, v4  }
0xdc: {  	vm5 =	vmmov vm2;
	vm4 =	vmmov @p2 vm2;
	v4 =	vadd.f32 v6, v4  }
0xdd: {  	s22 =	sshll.u32 s6, $0x4;
	vm5 =	vmmov @p3 vm1;
	[tilespmem:s28+$0x2810] =	vst.msk vm4, v5  }
0xde: {  	[tilespmem:s22+$0x4750] =	vst.msk vm5, v4  }
0xdf: {  	v4 =	vld [tilespmem:s28+$0x2030];
	_ =	sdelay $0x3  }
0xe0: {  	v5 =	vimm.f32 $0.0e+00  }
0xe1: {  	v4 =	vshift.insert v4, v5, s21  }
0xe2: {  	s29 =	sor.u32 $0x40, s2  }
0xe3: {  	[tilespmem:s29+$0x0] =	vst.msk $0x1, v4  }
0xe4: {  	[tilespmem:s28+$0x203F] =	vst.msk $0x1, v5  }
0xe5: {  	v4 =	vld [tilespmem:s0+$0x8C0];
	_ =	sdelay $0x1  }
0xe6: {  	s29 =	smulhi.u32 $0xAAAAAAAB, s20;
	s0 =	simm.s32 $0x1  }
0xe7: {  	s0 =	simm.s32 @!p0 $0x0  }
0xe8: {  	s29 =	sshrl.u32 s29, $0x1;
	s0 =	smul.u32 $0x1F40, s0  }
0xe9: {  	s29 =	smul.u32 $0xFFFFA240, s29;
	v4 =	vshift.insert v4, v1, s21  }
0xea: {  	s0 =	sshrl.u32 s0, $0x2  }
0xeb: {  	s29 =	sshra.s32 s29, $0x2;
	s30 =	sadd.s32 $0x2810, s0;
	[tilespmem:s2+$0x10] =	vst.msk $0x1, v4  }
0xec: {  	s6 =	sadd.s32 s29, s19;
	v6 =	vld [tilespmem:s30+$0x0]  }
0xed: {  	v7 =	vld [tilespmem:s6+$0x0];
	_ =	sdelay $0x3  }
0xee: {  	v5 =	vadd.f32 v6, v5  }
0xef: {  	vm4 =	vne.s32 v7, $0xFFFFFFFF  }
0xf0: {  	(xrf2) =	vadd.seg.scan.f32 vm4, v5;
	_ =	sdelay $0x3  }
0xf1: {  	s31 =	sadd.s32 $0x1870, s0;
	v5 =	vperm.xlane v4, v1  }
0xf2: {  	v6 =	vld [tilespmem:s31+$0x0]  }
0xf3: {  	vm5 =	veq.s32 v7, v3;
	vm6 =	veq.s32 v7, v5  }
0xf4: {  	vm7 =	vgt.u32 v7, $0xFFFFFFFD;
	vm6 =	vmor vm6, vm5  }
0xf5: {  	vm6 =	vmor vm6, vm7  }
0xf6: {  	v9 =	vld [tilespmem:$0xA0];
	v7 =	vsel vm6, $0xFFFFFFFF, v7  }
0xf7: {  	v10 =	vld [tilespmem:$0x90];
	v6 =	vsel vm5, $0x0, v6;
	v8, _, _ =	vpop (xrf2)  }
0xf8: {  	v6 =	vadd.f32 v8, v6  }
0xf9: {  	s0 =	sadd.s32 $0x37B0, s0  }
0xfa: {  	vm4 =	vmand vm4, vm3;
	[tilespmem:s0+$0x0] =	vst v6;
	(ifvalue) =	ssetifvalue $0xFFFFFFFF  }
0xfb: {  	vm6 =	veq.s32 v9, $0x1;
	[hbm4b:s1+s16] =	stream.indirect_vreg.scatter [tilespmem:s0], [sflag:$0x2], $0x1, v7, vm0, $0x4038;
	v7 =	vsel vm4, $0x0, v8;
	[tilespmem:$0x4770] =	vst v63  }
0xfc: {  	s29 =	sadd.s32 $0x4750, s22;
	s22 =	sadd.s32 $0x10, s6;
	s2 =	simm.s32 $0x0;
	vm4 =	vmor vm6, vm5;
	v6 =	vsel vm5, v8, v10;
	v7 =	vshift.insert v7, v0, s21  }
.LBB3_7:
0xfd: {  	v8 =	vld [tilespmem:s22+$0x0];
	s30 =	sadd.s32 $0x10, s30  }
0xfe: {  	s31 =	sadd.s32 $0x10, s31;
	v9 =	vld [tilespmem:s30+$0x0]  }
0xff: {  	s2 =	sadd.s32 $0x10, s2;
	v10 =	vld [tilespmem:s31+$0x0]  }
0x100: {  	p2 =	slt.u32 s2, $0x7C0;
	_ =	sdelay $0x2  }
0x101: {  	v7 =	vadd.f32 v9, v7  }
0x102: {  	vm5 =	vne.s32 v8, $0xFFFFFFFF  }
0x103: {  	vm6 =	vmand vm5, vm3;
	(xrf2) =	vadd.seg.scan.f32 vm5, v7;
	_ =	sdelay $0x5  }
0x104: {  	vm7 =	veq.s32 v8, v5;
	vm5 =	veq.s32 v8, v3  }
0x105: {  	vm8 =	vgt.u32 v8, $0xFFFFFFFD;
	vm4 =	vmor vm4, vm5;
	vm7 =	vmor vm7, vm5  }
0x106: {  	vm7 =	vmor vm7, vm8  }
0x107: {  	v8 =	vsel vm7, $0xFFFFFFFF, v8  }
.Ltmp13:
0x108: {  	v7 =	vsel vm5, $0x0, v10;
	v9, _, _ =	vpop (xrf2);
	(pc) =	sbr.rel @p2 .LBB3_7-.Ltmp13, $4  }
0x109: {  	v6 =	vsel vm5, v9, v6;
	v10 =	vadd.f32 v9, v7;
	v7 =	vsel vm6, $0x0, v9  }
0x10a: {  	s0 =	sadd.s32 $0x10, s0;
	v7 =	vshift.insert v7, v0, s21  }
0x10b: {  	s22 =	sadd.s32 $0x10, s22;
	[tilespmem:s0+$0x0] =	vst v10;
	(ifvalue) =	ssetifvalue $0xFFFFFFFF  }
0x10c: {  	[hbm4b:s1+s16] =	stream.indirect_vreg.scatter [tilespmem:s0], [sflag:$0x2], $0x1, v8, vm0, $0x4038;
	[tilespmem:$0x4770] =	vst v63  }
0x10d: {  	v3 =	vld [tilespmem:s28+$0x3F70];
	_ =	sdelay $0x4  }
0x10e: {  	v3 =	vshift.insert v3, v0, s21  }
0x10f: {  	s0 =	simm.s32 $0x30  }
0x110: {  	[tilespmem:s0+$0x0] =	vst.msk $0x1, v3  }
0x111: {  	v3 =	vsel vm4, $0x1, v1;
	[tilespmem:$0x90] =	vst v6  }
0x112: {  	s0 =	sadd.s32 @!p1 $0x3F7F, s28;
	[tilespmem:$0xA0] =	vst v3  }
0x113: {  	[spmem:s14] =	stream.linear.scatter @!p1 [tilespmem:s0], [sflag:$0x1], $0x1, $0x38;
	[tilespmem:$0x4770] =	vst v63  }
0x114: {  	s0 =	simm.s32 @!p1 $0x1  }
0x115: {  	v3 =	vmctz.xlane @!p1 vm4;
	_ =	swait.ge @!p1 [sflag:s0], $0x1  }
0x116: {  	(v2sf) =	vpush @!p1 v4, $0x0  }
0x117: {  	(v2sf) =	vpush @!p1 v3, $0x0;
	_ =	sdelay $0xd  }
0x118: {  	s2 =	spop @!p1 (v2sf)  }
0x119: {  	s6 =	spop @!p1 (v2sf)  }
0x11a: {  	p2 =	sne.s32 @!p1 s26, s2;
	p3 =	slt.s32 @!p1 s6, $0xF  }
0x11b: {  	[sflag:s0] =	ssyncset.done @!p1 $0x0;
	p2 =	por p2, p1;
	p3 =	por !p3, p1  }
0x11c: {  	[sflag:s0] =	ssyncadd.s32 @!p1 $0xFFFFFFFF;
	v3 =	vimm.s32 @!p2 $0xFFFFFFFF;
	s6 =	simm.s32 @p3 $0xF  }
0x11d: {  	[tilespmem:$0x80] =	vst @!p2 v3;
	s2 =	sadd.s32 @!p1 $0x90, s6  }
0x11e: {  	[spmem:s10] =	stream.linear.scatter @!p1 [tilespmem:s2], [sflag:$0x1], $0x1, $0x38;
	[tilespmem:$0x4770] =	vst v63  }
0x11f: {  	_ =	swait.ge @!p1 [sflag:s0], $0x1  }
0x120: {  	[sflag:s0] =	ssyncset.done @!p1 $0x0  }
0x121: {  	s2 =	simm.s32 @!p1 $0x80;
	[sflag:s0] =	ssyncadd.s32 @!p1 $0xFFFFFFFF  }
0x122: {  	[spmem:s15] =	stream.linear.scatter @!p1 [tilespmem:s2], [sflag:$0x1], $0x1, $0x38;
	[tilespmem:$0x4770] =	vst v63  }
0x123: {  	_ =	swait.ge @!p1 [sflag:s0], $0x1  }
0x124: {  	[sflag:s0] =	ssyncset.done @!p1 $0x0  }
0x125: {  	[sflag:s0] =	ssyncadd.s32 @!p1 $0xFFFFFFFF;
	(ifvalue) =	ssetifvalue $0xFFFFFFFF;
	v3 =	vld [tilespmem:s25+$0x10];
	_ =	sdelay $0x3  }
.Ltmp14:
0x126: {  	_ = 	snop;
	(pc) =	sbr.rel .LBB3_9-.Ltmp14, $3  }
0x127: {  	_ =	sdelay $0x1  }
0x128: {  	(ifvalue) =	ssetifvalue $0xFFFFFFFF  }
0x129: {  	[hbm4b:s1+s16] =	stream.indirect_vreg.scatter [tilespmem:s29], [sflag:$0x9], $0x1, v3, vm0, $0x4038;
	[tilespmem:$0x4770] =	vst v63  }
.LBB3_10:
0x12a: {  	_ =	sfence.sel $0x180000  }
0x12b: {  	s0 =	simm.s32 $0x7;
	[bflag:$0x0] =	sbarrier.arrive $0xFFFF  }
0x12c: {  	s26 =	simm.s32 $0x8;
	[sflag:s0] =	ssyncpa.u1 $0x1  }
0x12d: {  	s28 =	simm.s32 $0x9;
	[sflag:s26] =	ssyncpa.u1 $0x1  }
0x12e: {  	[sflag:s28] =	ssyncpa.u1 $0x1  }
0x12f: {  	_ =	sfence.stream.spmem  }
0x130: {  	s29 =	simm.s32 $0x3;
	[bflag:$0x0] =	sbarrier.arrive $0xFFFF  }
0x131: {  	s30 =	simm.s32 $0x4;
	[sflag:s29] =	ssyncpa.u1 $0x1  }
0x132: {  	s31 =	simm.s32 $0x3C;
	s2 =	stileid.u32;
	[sflag:s30] =	ssyncpa.u1 $0x1  }
0x133: {  	p0 =	sne.s32 s2, $0x0;
	[sflag:s31] =	ssyncpa.u1 $0x1  }
0x134: {  	s0 =	simm.s32 @p0 $0x1;
	_ =	sfence @p0  }
0x135: {  	[sflag:s0] =	ssyncpa.u1 @p0 $0x1;
	s0 =	simm.s32 @p0 $0x2  }
0x136: {  	[sflag:s0] =	ssyncpa.u1 @p0 $0x1  }
0x137: {  	_ =	strace @p0 $0x90000050  }
0x138: {  	[bflag:$0x2] =	sbarrier.arrive @p0 $0xFFFF  }
0x139: {  	_ =	shalt @p0  }
.LBB3_11:
0x13a: {  	_ =	sfence.stream.spmem;
	s0 =	simm.s32 $0x5  }
0x13b: {  	s2 =	simm.s32 $0x80;
	s3 =	simm.s32 $0xC0;
	[sflag:s0] =	ssyncpa.u1 $0x0  }
0x13c: {  	[tilespmem:s3], [sflag:$0x5] =	stream.linear.gather [spmem:s2], $0x20, $0x38;
	[tilespmem:$0x4770] =	vst v63  }
0x13d: {  	s2 =	simm.s32 $0x0;
	s3 =	simm.s32 $0xE0  }
0x13e: {  	[tilespmem:s3], [sflag:$0x5] =	stream.linear.gather [spmem:s2], $0x20, $0x38;
	[tilespmem:$0x4770] =	vst v63  }
.Ltmp15:
0x13f: {  	_ = 	snop;
	(pc) =	sbr.rel .LBB3_12-.Ltmp15, $4  }
0x140: {  	_ =	swait.ge [sflag:s0], $0x40  }
0x141: {  	[sflag:s0] =	ssyncset.done $0x0  }
0x142: {  	s31 =	simm.s32 $0x6;
	[sflag:s0] =	ssyncadd.s32 $0xFFFFFFC0  }
0x143: {  	s4 =	simm.s32 $0x0;
	[sflag:s31] =	ssyncpa.u1 $0x0  }
.LBB3_17:
0x144: {  	p0 =	sgt.u32 s5, $0xC3FF  }
0x145: {  	s0 =	sshrl.u32 @!p0 s5, $0x3  }
0x146: {  	s5 =	sand.u32 @!p0 $0x7, s5;
	s6 =	simm.s32 @!p0 $0xB0;
	s0 =	sadd.s32 @!p0 s1, s0  }
0x147: {  	[tilespmem:s6], [sflag:$0x6] =	stream.linear.gather @!p0 [hbm4b:s0+s5], $0x1, $0x38;
	[tilespmem:$0x4770] =	vst v63  }
0x148: {  	s0 =	simm.s32 @!p0 $0x6  }
0x149: {  	_ =	swait.ge @!p0 [sflag:s0], $0x1  }
0x14a: {  	[sflag:s0] =	ssyncset.done @!p0 $0x0  }
0x14b: {  	[sflag:s0] =	ssyncadd.s32 @!p0 $0xFFFFFFFF  }
0x14c: {  	v2 =	vmov @!p0 s4;
	v1 =	vld.msk @!p0 [tilespmem:$0xB0], $0x1;
	_ =	sdelay $0x3  }
0x14d: {  	s0 =	simm.s32 @!p0 $0xE0  }
0x14e: {  	[tilespmem:v2+s0+$0x0], v1 =	vst.idx.ret.add.f32.msk @!p0 $0x1, v1  }
0x14f: {  	[tilespmem:s2+$0xC0] =	vst.msk $0x1, v0  }
0x150: {  	v0 =	vld.msk [tilespmem:s4+$0xE0], $0x1;
	_ =	sdelay $0x4  }
0x151: {  	[tilespmem:s2+$0xE0] =	vst.msk $0x1, v0;
	s2 =	sadd.s32 $0x1, s2  }
.LBB3_19:
0x152: {  	s4 =	sadd.s32 $0x1, s4  }
0x153: {  	p0 =	sne.s32 s4, $0x20  }
.Ltmp16:
0x154: {  	_ = 	snop;
	(pc) =	sbr.rel @!p0 .LBB3_20-.Ltmp16, $1  }
0x155: {  	_ =	sdelay $0x3  }
.LBB3_12:
0x156: {  	v0 =	vld.msk [tilespmem:s4+$0xC0], $0x1;
	_ =	sdelay $0x4  }
0x157: {  	(v2sf) =	vpush v0, $0x0;
	_ =	sdelay $0xe  }
0x158: {  	s5 =	spop (v2sf)  }
0x159: {  	p0 =	seq.s32 s5, $0xFFFFFFFF  }
.Ltmp17:
0x15a: {  	_ = 	snop;
	(pc) =	sbr.rel @p0 .LBB3_19-.Ltmp17, $1  }
0x15b: {  	_ =	sdelay $0x3  }
0x15c: {  	p0 =	slt.s32 s2, $0x1  }
.Ltmp18:
0x15d: {  	_ = 	snop;
	(pc) =	sbr.rel @p0 .LBB3_17-.Ltmp18, $1  }
0x15e: {  	_ =	sdelay $0x3  }
0x15f: {  	s0 =	simm.s32 $0xC0;
	p0 =	por $0x0, $0x0  }
0x160: {  	v1 =	vld.msk @!p0 [tilespmem:s0+$0x0], $0x1;
	_ =	sdelay $0x4  }
0x161: {  	(v2sf) =	vpush @!p0 v1, $0x0;
	_ =	sdelay $0xd  }
0x162: {  	p2 =	sne.s32 s2, $0x1  }
.Ltmp19:
0x163: {  	s6 =	spop @!p0 (v2sf);
	(pc) =	sbr.rel @!p2 .LBB3_16-.Ltmp19, $4  }
0x164: {  	p1 =	seq.s32 @!p0 s5, s6  }
0x165: {  	s6 =	simm.s32 $0x0;
	p1 =	por !p1, p0  }
0x166: {  	s8 =	simm.s32 $0xFFFFFFFF;
	s6 =	simm.s32 @p1 $0xFFFFFFFF  }
0x167: {  	s7 =	simm.s32 $0x1;
	s6 =	smov.u32 @p0 s8  }
.LBB3_15:
0x168: {  	s8 =	smov.u32 s6;
	p0 =	sne.s32 s6, $0xFFFFFFFF  }
0x169: {  	s0 =	sadd.s32 $0x1, s0;
	s6 =	smov.u32 s7;
	s7 =	sadd.s32 $0x1, s7  }
0x16a: {  	p1 =	sne.s32 s2, s7;
	v1 =	vld.msk @!p0 [tilespmem:s0+$0x0], $0x1;
	_ =	sdelay $0x4  }
0x16b: {  	(v2sf) =	vpush @!p0 v1, $0x0;
	_ =	sdelay $0xe  }
.Ltmp20:
0x16c: {  	s9 =	spop @!p0 (v2sf);
	(pc) =	sbr.rel @p1 .LBB3_15-.Ltmp20, $4  }
0x16d: {  	p2 =	seq.s32 @!p0 s5, s9  }
0x16e: {  	p2 =	por !p2, p0  }
0x16f: {  	s6 =	simm.s32 @p2 $0xFFFFFFFF  }
0x170: {  	s6 =	smov.u32 @p0 s8  }
.LBB3_16:
0x171: {  	p0 =	sne.s32 s6, $0xFFFFFFFF  }
.Ltmp21:
0x172: {  	_ = 	snop;
	(pc) =	sbr.rel @!p0 .LBB3_17-.Ltmp21, $1  }
0x173: {  	_ =	sdelay $0x3  }
0x174: {  	v0 =	vld.msk [tilespmem:s4+$0xE0], $0x1;
	v1 =	vmov s6  }
.Ltmp22:
0x175: {  	_ = 	snop;
	(pc) =	sbr.rel .LBB3_19-.Ltmp22, $2  }
0x176: {  	_ =	sdelay $0x2  }
0x177: {  	[tilespmem:v1+s3+$0x0], v0 =	vst.idx.ret.add.f32.msk $0x1, v0  }
.LBB3_20:
0x178: {  	p0 =	slt.s32 s2, $0x1  }
.Ltmp23:
0x179: {  	_ = 	snop;
	(pc) =	sbr.rel @p0 .LBB3_24-.Ltmp23, $3  }
0x17a: {  	_ =	sdelay $0x1  }
0x17b: {  	s0 =	simm.s32 $0x6  }
0x17c: {  	s3 =	simm.s32 $0x0;
	[sflag:s0] =	ssyncpa.u1 $0x1  }
0x17d: {  	s0 =	simm.s32 $0xC0  }
0x17e: {  	v0 =	vld.msk [tilespmem:s0+$0x0], $0x1;
	_ =	sdelay $0x4  }
0x17f: {  	(v2sf) =	vpush v0, $0x0;
	_ =	sdelay $0xe  }
0x180: {  	s2 =	sadd.s32 $0xFFFFFFFF, s2;
	s4 =	spop (v2sf)  }
0x181: {  	p1 =	sne.s32 s2, $0x0;
	p0 =	sgt.u32 s4, $0xC3FF  }
.Ltmp24:
0x182: {  	s5 =	sshrl.u32 @!p0 s4, $0x3;
	(pc) =	sbr.rel @!p1 .LBB3_23-.Ltmp24, $4  }
0x183: {  	s0 =	simm.s32 $0xE0;
	s4 =	sand.u32 @!p0 $0x7, s4;
	s5 =	sadd.s32 @!p0 s1, s5  }
0x184: {  	[hbm4b:s5+s4] =	stream.linear.scatter @!p0 [tilespmem:s0], [sflag:$0x5], $0x1, $0x38;
	[tilespmem:$0x4770] =	vst v63  }
0x185: {  	s5 =	simm.s32 $0x0  }
0x186: {  	s4 =	simm.s32 $0xC1;
	s5 =	simm.s32 @!p0 $0x4  }
.LBB3_22:
0x187: {  	v0 =	vld.msk [tilespmem:s4+$0x0], $0x1;
	s2 =	sadd.s32 $0xFFFFFFFF, s2;
	s3 =	sadd.s32 s3, s5  }
0x188: {  	p0 =	sne.s32 s2, $0x0;
	_ =	sdelay $0x3  }
0x189: {  	(v2sf) =	vpush v0, $0x0;
	_ =	sdelay $0xe  }
.Ltmp25:
0x18a: {  	s6 =	spop (v2sf);
	(pc) =	sbr.rel @p0 .LBB3_22-.Ltmp25, $4  }
0x18b: {  	s5 =	simm.s32 $0x0;
	p1 =	sgt.u32 s6, $0xC3FF  }
0x18c: {  	s0 =	sadd.s32 $0x1, s0;
	s5 =	simm.s32 @!p1 $0x4;
	s7 =	sshrl.u32 @!p1 s6, $0x3  }
0x18d: {  	s4 =	sadd.s32 $0x1, s4;
	s6 =	sand.u32 @!p1 $0x7, s6;
	s7 =	sadd.s32 @!p1 s1, s7  }
0x18e: {  	[hbm4b:s7+s6] =	stream.linear.scatter @!p1 [tilespmem:s0], [sflag:$0x5], $0x1, $0x38;
	[tilespmem:$0x4770] =	vst v63  }
.LBB3_23:
0x18f: {  	s0 =	sadd.s32 s3, s5  }
0x190: {  	s3 =	sshrl.u32 s0, $0x2  }
.LBB3_24:
0x191: {  	s0 =	simm.s32 $0x5  }
0x192: {  	_ =	swait.ge [sflag:s0], s3  }
0x193: {  	s1 =	ssub.s32 $0x0, s3;
	[sflag:s0] =	ssyncset.done $0x0  }
0x194: {  	[sflag:s0] =	ssyncadd.s32 s1  }
0x195: {  	[sflag:s0] =	ssyncpa.u1 $0x1  }
0x196: {  	s29 =	simm.s32 $0x1;
	_ =	sfence  }
0x197: {  	s30 =	simm.s32 $0x2;
	[sflag:s29] =	ssyncpa.u1 $0x1  }
0x198: {  	[sflag:s30] =	ssyncpa.u1 $0x1  }
0x199: {  	_ =	strace $0x90000050  }
0x19a: {  	[bflag:$0x2] =	sbarrier.arrive $0xFFFF  }
0x19b: {  	s31 =	rddreg [dreg:$0x1]  }
0x19c: {  	s0 =	sadd.s32 $0x100000, s31  }
0x19d: {  	[sflag:s0] =	ssyncadd.tile.s32 $0x1;
	_ =	shalt  }
.Lfunc_end3:
_tile_overlayer_lowered:
.L_overlay_start_3:
0x19e: {  	(tag) =	ssettag $0x3  }
0x19f: {  	s0 =	rddreg [dreg:$0x0];
	s2 =	stileid.u32  }
0x1a0: {  	s1 =	rddreg [dreg:$0x1];
	p0 =	sne.s32 s2, $0x0  }
0x1a1: {  	s3 =	rddreg [dreg:$0x2];
	[bflag:$0x3] =	sbarrier.arrive $0xFFFF;
	s2 =	simm.s32 @!p0 $0x1C01  }
0x1a2: {  	[timem:s3], [sflag:s2] =	dma.local @!p0 [hbm:s0], s1  }
0x1a3: {  	s0 =	simm.s32 @!p0 $0x1  }
0x1a4: {  	_ =	swait.ge @!p0 [sflag:s0], s1  }
0x1a5: {  	s1 =	ssub.s32 @!p0 $0x0, s1;
	[sflag:s0] =	ssyncset.done @!p0 $0x0  }
0x1a6: {  	[sflag:s0] =	ssyncadd.s32 @!p0 s1  }
0x1a7: {  	[bflag:$0x3] =	sbarrier.arrive $0xFFFF  }
0x1a8: {  	_ =	shalt  }

// kernel: scatter_offload_async_start.3
scs
__scs_entry_jumppad:
0x0: {  	(pc) =	sbr.rel $0x88, $3  }
0x1: {  	(tag) =	ssettag $0x0;
	lr =	simm.s32 $0x1  }
0x2: {  	[smem:$0x3F96] =	sst lr;
	_ =	strace $0xD0000000  }
0x3: {  	_ = 	snop  }
0x4: {  	_ = 	snop  }
0x5: {  	_ = 	snop  }
0x6: {  	_ = 	snop  }
0x7: {  	_ = 	snop  }
__scs_overlays_trampoline_lowered:
0x8: {  	[smem:$0x3FA5] =	sst s0  }
0x9: {  	[smem:$0x3FA6] =	sst s1  }
0xa: {  	[smem:$0x3FA7] =	sst s2  }
0xb: {  	[smem:$0x3FA8] =	sst s3  }
0xc: {  	[smem:$0x3FA9] =	sst s4  }
0xd: {  	[smem:$0x3FAA] =	sst s5  }
0xe: {  	[smem:$0x3FAB] =	sst s6  }
0xf: {  	[smem:$0x3FAC] =	sst s7  }
0x10: {  	[smem:$0x3FAD] =	sst s8  }
0x11: {  	[smem:$0x3FAE] =	sst s9;
	s0 =	simm.s32 @!p0 $0x0  }
0x12: {  	s1 =	sld [smem:$0x3F94];
	s0 =	simm.s32 @p0 $0x1  }
0x13: {  	[smem:$0x3FAF] =	sst s0;
	s0 =	simm.s32 @!p1 $0x0  }
0x14: {  	s2 =	sld [smem:$0x3F93];
	s0 =	simm.s32 @p1 $0x1  }
0x15: {  	[smem:$0x3FB0] =	sst s0;
	s0 =	simm.s32 @!p2 $0x0  }
0x16: {  	s3 =	sld [smem:$0x3FDB];
	s0 =	simm.s32 @p2 $0x1  }
0x17: {  	s4 =	simm.s32 $0x1BF5;
	[smem:$0x3FB2] =	sst s0  }
0x18: {  	s0 =	sld [smem:$0x3F95];
	_ =	swait.ge [sflag:s4], $0x0  }
0x19: {  	s7 =	sld [smem:$0x3F96]  }
0x1a: {  	s8 =	sadd.s32 $0xFFFFE003, lr  }
0x1b: {  	s9 =	sadd.s32 $0xFFFFFEF7, lr;
	s5 =	simm.s32 $0xFFFFFFFF;
	p2 =	slt.u32 s8, $0xFFFFF086  }
0x1c: {  	p1 =	slt.u32 s9, $0xF7A;
	s5 =	simm.s32 @!p2 $0x0  }
0x1d: {  	s5 =	simm.s32 @p1 $0x1;
	p0 =	seq.s32 s7, s2  }
0x1e: {  	s7 =	smul.u32 @!p0 $0xF7A, s2;
	p2 =	seq.s32 @!p0 s5, $0x0  }
0x1f: {  	s9 =	smul.u32 $0xF7A, s1;
	s8 =	simm.s32 @!p0 $0x1BF5;
	p2 =	por !p2, p0  }
0x20: {  	[sflag:s8] =	ssyncset.s32 @!p0 $0xFFFFF086;
	s6 =	sadd.s32 @!p0 s3, s7;
	s7 =	simm.s32 @!p0 $0x108  }
0x21: {  	s3 =	sadd.s32 s3, s9;
	s6 =	sadd.s32 @!p0 $0x88, s6;
	s7 =	simm.s32 @p2 $0x1082  }
0x22: {  	[simem:s7], [sflag:s8] =	dma.local @!p0 [hbm:s6], $0xF7A  }
0x23: {  	s9 =	sor.u32 $0xD0000000, s2;
	s6 =	simm.s32 $0x108;
	_ =	swait.ge @!p0 [sflag:s8], $0x0  }
0x24: {  	s3 =	sadd.s32 $0x88, s3;
	s6 =	simm.s32 @!p1 $0x1082;
	[sflag:s4] =	ssyncset.s32 $0xFFFFF086  }
0x25: {  	[simem:s6], [sflag:s4] =	dma.local [hbm:s3], $0xF7A  }
0x26: {  	[smem:$0x3F96] =	sst s1;
	(tag) =	ssettag s2;
	_ =	strace s9  }
0x27: {  	s1 =	sld [smem:$0x3FA6]  }
0x28: {  	s2 =	sld [smem:$0x3FA7]  }
0x29: {  	s4 =	sld [smem:$0x3FA9]  }
0x2a: {  	p0 =	seq.s32 s5, $0x0;
	s5 =	sld [smem:$0x3FAA]  }
0x2b: {  	s6 =	sld [smem:$0x3FAB]  }
0x2c: {  	s7 =	sld [smem:$0x3FAC]  }
0x2d: {  	s3 =	simm.s32 $0x108;
	s8 =	sld [smem:$0x3FAD]  }
0x2e: {  	s3 =	simm.s32 @!p0 $0x1082;
	s9 =	sld [smem:$0x3FAE]  }
0x2f: {  	lr =	sadd.s32 s0, s3;
	s0 =	sld [smem:$0x3FA5]  }
0x30: {  	s3 =	sld [smem:$0x3FA8]  }
0x31: {  	[smem:$0x3FB1] =	sst s10  }
0x32: {  	s10 =	sld [smem:$0x3FAF];
	_ =	sdelay $0x3  }
0x33: {  	p0 =	seq.s32 s10, $0x1;
	s10 =	sld [smem:$0x3FB1];
	_ =	sdelay $0x3  }
0x34: {  	[smem:$0x3FB1] =	sst s10  }
0x35: {  	s10 =	sld [smem:$0x3FB0];
	_ =	sdelay $0x3  }
0x36: {  	p1 =	seq.s32 s10, $0x1;
	s10 =	sld [smem:$0x3FB1];
	_ =	sdelay $0x3  }
0x37: {  	[smem:$0x3FB1] =	sst s10  }
0x38: {  	s10 =	sld [smem:$0x3FB2]  }
0x39: {  	_ = 	snop;
	(pc) =	sbr.ind lr, $3  }
0x3a: {  	_ = 	snop  }
0x3b: {  	_ = 	snop  }
0x3c: {  	p2 =	seq.s32 s10, $0x1;
	s10 =	sld [smem:$0x3FB1]  }
0x3d: {  	_ =	shalt  }
0x3e: {  	_ =	shalt  }
0x3f: {  	_ =	shalt  }
0x40: {  	_ =	shalt  }
0x41: {  	_ =	shalt  }
0x42: {  	_ =	shalt  }
0x43: {  	_ =	shalt  }
0x44: {  	_ =	shalt  }
0x45: {  	_ =	shalt  }
0x46: {  	_ =	shalt  }
0x47: {  	_ =	shalt  }
0x48: {  	_ =	shalt  }
0x49: {  	_ =	shalt  }
0x4a: {  	_ =	shalt  }
0x4b: {  	_ =	shalt  }
0x4c: {  	_ =	shalt  }
0x4d: {  	_ =	shalt  }
0x4e: {  	_ =	shalt  }
0x4f: {  	_ =	shalt  }
0x50: {  	_ =	shalt  }
0x51: {  	_ =	shalt  }
0x52: {  	_ =	shalt  }
0x53: {  	_ =	shalt  }
0x54: {  	_ =	shalt  }
0x55: {  	_ =	shalt  }
0x56: {  	_ =	shalt  }
0x57: {  	_ =	shalt  }
0x58: {  	_ =	shalt  }
0x59: {  	_ =	shalt  }
0x5a: {  	_ =	shalt  }
0x5b: {  	_ =	shalt  }
0x5c: {  	_ =	shalt  }
0x5d: {  	_ =	shalt  }
0x5e: {  	_ =	shalt  }
0x5f: {  	_ =	shalt  }
0x60: {  	_ =	shalt  }
0x61: {  	_ =	shalt  }
0x62: {  	_ =	shalt  }
0x63: {  	_ =	shalt  }
0x64: {  	_ =	shalt  }
0x65: {  	_ =	shalt  }
0x66: {  	_ =	shalt  }
0x67: {  	_ =	shalt  }
0x68: {  	_ =	shalt  }
0x69: {  	_ =	shalt  }
0x6a: {  	_ =	shalt  }
0x6b: {  	_ =	shalt  }
0x6c: {  	_ =	shalt  }
0x6d: {  	_ =	shalt  }
0x6e: {  	_ =	shalt  }
0x6f: {  	_ =	shalt  }
0x70: {  	_ =	shalt  }
0x71: {  	_ =	shalt  }
0x72: {  	_ =	shalt  }
0x73: {  	_ =	shalt  }
0x74: {  	_ =	shalt  }
0x75: {  	_ =	shalt  }
0x76: {  	_ =	shalt  }
0x77: {  	_ =	shalt  }
0x78: {  	_ =	shalt  }
0x79: {  	_ =	shalt  }
0x7a: {  	_ =	shalt  }
0x7b: {  	_ =	shalt  }
0x7c: {  	_ =	shalt  }
0x7d: {  	_ =	shalt  }
0x7e: {  	_ =	shalt  }
0x7f: {  	_ =	shalt  }
0x80: {  	_ =	shalt  }
0x81: {  	_ =	shalt  }
0x82: {  	_ =	shalt  }
0x83: {  	_ =	shalt  }
0x84: {  	_ =	shalt  }
0x85: {  	_ =	shalt  }
0x86: {  	_ =	shalt  }
0x87: {  	_ =	shalt  }
.Lfunc_end0:
.L_simem_size_0:
called_computation.3_lowered:
.L_overlay_start_0:
0x88: {  	s0 =	sld [smem:$0x3FD9]  }
0x89: {  	s1 =	sld [smem:$0x3FFE];
	_ =	sdelay $0x3  }
0x8a: {  	s0 =	sadd.s32 s1, s0  }
0x8b: {  	[smem:$0x3FBD] =	sst s0  }
0x8c: {  	_ = 	snop  }
0x8d: {  	(tm) =	ssettm $0x1  }
0x8e: {  	s14 =	sld [smem:$0x3FFB];
	_ =	sdelay $0x3  }
0x8f: {  	_ =	strace s14  }
0x90: {  	s0 =	sld [smem:$0x3FFC];
	_ =	sdelay $0x3  }
0x91: {  	_ =	strace s0  }
0x92: {  	s0 =	sld [smem:$0x3FFD];
	_ =	sdelay $0x3  }
0x93: {  	_ =	strace s0  }
0x94: {  	_ =	strace $0x8FFFFFFF  }
0x95: {  	s15 =	sld [smem:$0x3FDB];
	_ =	sdelay $0x1  }
0x96: {  	s16 =	simm.s32 $_scs_section_size  }
0x97: {  	s2 =	simm.s32 $_size__tile_overlayer_lowered;
	s3 =	simm.s32 $_tile_overlayer_lowered  }
0x98: {  	s4 =	simm.s32 $0x1BFF;
	s17 =	sshll.u32 s3, $0x1;
	s1 =	sadd.s32 s16, s15  }
0x99: {  	s18 =	simm.s32 $0x0;
	s2 =	sshll.u32 s2, $0x1;
	s3 =	sadd.s32 s17, s1  }
0x9a: {  	[timem:s18], [sflag:s4] =	dma.local [hbm:s3], s2  }
0x9b: {  	_ =	swait.ge [sflag:s4], s2  }
0x9c: {  	s2 =	ssub.s32 $0x0, s2;
	[sflag:s4] =	ssyncset.done $0x0  }
0x9d: {  	[sflag:s4] =	ssyncadd.s32 s2;
	_ =	sdelay $0x1  }
0x9e: {  	s19 =	simm.s32 $0x1B8B  }
0x9f: {  	_ =	swait.ge [sflag:s19], $0x1  }
0xa0: {  	[sflag:s19] =	ssyncset.done $0x0  }
0xa1: {  	s21 =	simm.s32 $0x1B8E;
	s20 =	sld [smem:$0x3FFE];
	[sflag:s19] =	ssyncadd.s32 $0xFFFFFFFF  }
0xa2: {  	s22 =	simm.s32 $execute0_lowered;
	[smem:$0x3FD2] =	sst s21  }
0xa3: {  	s3 =	sshll.u32 s22, $0x1;
	_ =	strace $0x80000058;
	[dreg:$0x1] =	wrdreg $0xFFFFFFFF  }
0xa4: {  	s23 =	simm.s32 $_size_execute0_lowered;
	s3 =	sadd.s32 s1, s3;
	[dreg:$0x0] =	wrdreg $0x0  }
0xa5: {  	s4 =	sshll.u32 s23, $0x1;
	[dreg:$0x2] =	wrdreg s3  }
0xa6: {  	[dreg:$0x3] =	wrdreg s4  }
0xa7: {  	[dreg:$0x4] =	wrdreg $0xC0  }
0xa8: {  	s24 =	simm.s32 $execute1_lowered;
	_ =	task [dreg:s18], $0x5FFFF  }
0xa9: {  	s3 =	sshll.u32 s24, $0x1;
	[dreg:$0x1] =	wrdreg $0xFFFFFFFF  }
0xaa: {  	s1 =	sadd.s32 s1, s3;
	[dreg:$0x0] =	wrdreg $0x60  }
0xab: {  	[dreg:$0x2] =	wrdreg s1  }
0xac: {  	[dreg:$0x3] =	wrdreg s20  }
0xad: {  	[dreg:$0x4] =	wrdreg $0xF  }
0xae: {  	_ =	task.clear_ibuf [dreg:s18], $0x5FFFF;
	_ =	strace $0x90000058  }
0xaf: {  	s25 =	simm.s32 $0xF;
	_ =	strace $0x8000005A  }
0xb0: {  	_ =	swait.ge [sflag:s25], $0x1  }
0xb1: {  	[sflag:s25] =	ssyncadd.s32 $0xFFFFFFFF  }
0xb2: {  	_ =	strace $0x9000005A  }
0xb3: {  	_ =	strace $0x8000005B;
	[dreg:$0x1] =	wrdreg $0xFFFFFFFF  }
0xb4: {  	[dreg:$0x0] =	wrdreg $0x2030  }
0xb5: {  	[dreg:$0x2] =	wrdreg s20  }
0xb6: {  	[dreg:$0x3] =	wrdreg $0x10  }
0xb7: {  	_ =	task.clear_ibuf [dreg:s18], $0x4FFFF;
	_ =	strace $0x9000005B  }
0xb8: {  	s26 =	simm.s32 $0x10;
	_ =	strace $0x8000005D  }
0xb9: {  	_ =	swait.ge [sflag:s26], $0x1  }
0xba: {  	[sflag:s26] =	ssyncadd.s32 $0xFFFFFFFF  }
0xbb: {  	_ =	strace $0x9000005D  }
0xbc: {  	_ =	sfence  }
0xbd: {  	s28 =	sld [smem:$0x0];
	_ =	sdelay $0x1  }
0xbe: {  	s29 =	srdreg.scid  }
0xbf: {  	s30 =	sshll.u32 s29, $0xD;
	s31 =	sshrl.u32 s29, $0x2  }
0xc0: {  	s2 =	sand.u32 $0x1, s29;
	s3 =	sand.u32 $0x4000, s30;
	s1 =	sadd.s32 s31, s28  }
0xc1: {  	s2 =	sor.u32 s3, s2;
	s1 =	sshll.u32 s1, $0x11  }
0xc2: {  	s1 =	sor.u32 s1, s2  }
0xc3: {  	s1 =	sadd.s32 $0x8F2B, s1  }
0xc4: {  	[sflag:s1] =	ssyncadd.remote.s32 $0x1  }
0xc5: {  	_ =	sfence.sel $0xFFFF  }
0xc6: {  	[dreg:$0x0] =	wrdreg $0xFFFFFFFF;
	(pc) =	sbr.abs _section_cstart, $3  }
0xc7: {  	[dreg:$0x1] =	wrdreg $0xFFFFFFFF  }
0xc8: {  	_ =	task.clear_ibuf [dreg:s18], $0x2FFFF;
	_ =	strace $0x9FFFFFFF  }
0xc9: {  	(tm) =	ssettm $0x7FFFFFFF  }
tec
execute0_lowered:
.L_overlay_start_1:
0x0: {  	(tag) =	ssettag $0x1  }
0x1: {  	s2 =	rddreg [dreg:$0x0]  }
0x2: {  	s4 =	rddreg [dreg:$0x1]  }
0x3: {  	s0 =	rddreg [dreg:$0x2]  }
0x4: {  	s3 =	stileid.u32;
	[bflag:$0x3] =	sbarrier.arrive $0xFFFF;
	s1 =	simm.s32 $_size_execute1_lowered  }
0x5: {  	s7 =	simm.s32 $0x2;
	s8 =	simm.s32 $0x0;
	s12 =	simm.s32 $0x0  }
0x6: {  	s10 =	simm.s32 $0x0;
	s11 =	simm.s32 $0x0;
	p0 =	sne.s32 s3, $0x0  }
0x7: {  	s1 =	sshll.u32 s1, $0x1;
	s3 =	sshll.u32 s3, $0x7;
	s5 =	simm.s32 @!p0 $0x1C3F  }
.Ltmp0:
0x8: {  	s6 =	simm.s32 @!p0 $0x4060;
	s31 =	ssub.s32 $0xC300, s3;
	(pc) =	sbr.rel .LBB2_1-.Ltmp0, $4  }
0x9: {  	[timem:s6], [sflag:s5] =	dma.local @!p0 [hbm:s2], s1  }
0xa: {  	s9 =	smov.u32 s3;
	s5 =	simm.s32 $0x1;
	_ =	strace $0x80000059  }
0xb: {  	s2 =	sadd.s32 $0x4DD000, s4;
	s6 =	sshrl.u32 s31, $0xB;
	[sflag:s5] =	ssyncpa.u1 $0x0  }
0xc: {  	s4 =	sadd.s32 $0xA43E00, s4;
	[sflag:s7] =	ssyncpa.u1 $0x0;
	s7 =	sadd.s32 $0x2, s6  }
.LBB2_4:
0xd: {  	_ = 	snop  }
.LBB2_7:
0xe: {  	_ =	sdelay $0x3  }
0xf: {  	[tilespmem:v0+s16+$0x0 ss:$0x1] =	vst.idx.msk @p1 $0xffff, v2  }
0x10: {  	v56 =	vld.idx.msk [tilespmem:v1+s15+$0x0 ss:$0x1], $0xffff;
	s24 =	sor.u32 $0x70, s15;
	[tilespmem:v0+s17+$0x0 ss:$0x1] =	vst.idx.msk @p1 $0xffff, v4  }
0x11: {  	s25 =	sor.u32 $0x10, s15;
	[tilespmem:v0+s18+$0x0 ss:$0x1] =	vst.idx.msk @p1 $0xffff, v3;
	v57 =	vld.idx.msk [tilespmem:v1+s24+$0x0 ss:$0x1], $0xffff  }
0x12: {  	s26 =	sor.u32 $0x20, s15;
	[tilespmem:v0+s19+$0x0 ss:$0x1] =	vst.idx.msk @p1 $0xffff, v5;
	v58 =	vld.idx.msk [tilespmem:v1+s25+$0x0 ss:$0x1], $0xffff  }
0x13: {  	s28 =	sor.u32 $0x30, s15;
	[tilespmem:v0+s20+$0x0 ss:$0x1] =	vst.idx.msk @p1 $0xffff, v6;
	v59 =	vld.idx.msk [tilespmem:v1+s26+$0x0 ss:$0x1], $0xffff  }
0x14: {  	s29 =	sor.u32 $0x40, s15;
	[tilespmem:v0+s21+$0x0 ss:$0x1] =	vst.idx.msk @p1 $0xffff, v7;
	v60 =	vld.idx.msk [tilespmem:v1+s28+$0x0 ss:$0x1], $0xffff  }
0x15: {  	s30 =	sor.u32 $0x50, s15;
	v61 =	vld.idx.msk [tilespmem:v1+s29+$0x0 ss:$0x1], $0xffff;
	[tilespmem:v0+s15+$0x0 ss:$0x1] =	vst.idx.msk $0xffff, v56  }
0x16: {  	s31 =	sor.u32 $0x60, s15;
	v62 =	vld.idx.msk [tilespmem:v1+s30+$0x0 ss:$0x1], $0xffff;
	[tilespmem:v0+s24+$0x0 ss:$0x1] =	vst.idx.msk $0xffff, v57  }
0x17: {  	v63 =	vld.idx.msk [tilespmem:v1+s31+$0x0 ss:$0x1], $0xffff;
	[tilespmem:v0+s25+$0x0 ss:$0x1] =	vst.idx.msk $0xffff, v58  }
0x18: {  	[tilespmem:v0+s26+$0x0 ss:$0x1] =	vst.idx.msk $0xffff, v59  }
0x19: {  	[tilespmem:v0+s28+$0x0 ss:$0x1] =	vst.idx.msk $0xffff, v60  }
0x1a: {  	[tilespmem:v0+s29+$0x0 ss:$0x1] =	vst.idx.msk $0xffff, v61  }
0x1b: {  	[tilespmem:v0+s30+$0x0 ss:$0x1] =	vst.idx.msk $0xffff, v62  }
0x1c: {  	[tilespmem:v0+s31+$0x0 ss:$0x1] =	vst.idx.msk $0xffff, v63  }
.LBB2_8:
0x1d: {  	s15 =	sand.u32 $0x1FFFFFF, s10  }
0x1e: {  	s16 =	smulhi.u32 $0x14F8B59, s15;
	_ =	sdelay $0x1  }
0x1f: {  	s16 =	sshrl.u32 s16, $0x8  }
0x20: {  	s16 =	smul.u32 $0xC350, s16;
	_ =	sdelay $0x1  }
0x21: {  	s15 =	ssub.s32 s15, s16  }
0x22: {  	s15 =	sshll.u32 s15, $0x4  }
0x23: {  	s15 =	sadd.s32 s4, s15  }
0x24: {  	[hbm4b:s15+s8] =	stream.linear.scatter [tilespmem:s14], [sflag:$0x2], s13, $0x38;
	[tilespmem:$0x10000] =	vst v63  }
.LBB2_9:
0x25: {  	p1 =	slt.u32 s11, $0x2  }
0x26: {  	p2 =	sgt.s32 @!p1 s12, $0xC2D0  }
0x27: {  	s13 =	smov.u32 s12;
	s14 =	sshra.s32 @!p1 s12, $0x1F;
	p2 =	por !p2, p1  }
0x28: {  	s12 =	sand.u32 @!p1 s14, s12;
	s13 =	simm.s32 @p2 $0xC2D0  }
0x29: {  	s12 =	ssub.s32 @!p1 s13, s12  }
0x2a: {  	s12 =	sadd.s32 @!p1 $0xFFFF3D30, s12  }
0x2b: {  	s13 =	sshll.u32 @!p1 s12, $0x9  }
0x2c: {  	p2 =	sgt.s32 @!p1 s12, $0x7F;
	s12 =	ssub.s32 @!p1 $0x10000, s13  }
0x2d: {  	s14 =	sadd.s32 $0x800, s9;
	p2 =	por !p2, p1;
	s12 =	sshrl.u32 @!p1 s12, $0x2  }
0x2e: {  	s12 =	simm.s32 @!p2 $0x0;
	p2 =	sgt.s32 s14, $0xC34F  }
0x2f: {  	s14 =	smov.u32 @p2 s3;
	p2 =	sne.s32 s11, s7  }
.Ltmp1:
0x30: {  	_ = 	snop;
	(pc) =	sbr.rel @!p2 .LBB2_10-.Ltmp1, $4  }
0x31: {  	s13 =	simm.s32 @!p1 $0x2  }
0x32: {  	_ =	swait.ge @!p1 [sflag:s13], s12;
	s15 =	ssub.s32 @!p1 $0x0, s12  }
0x33: {  	s12 =	smov.u32 s10;
	s11 =	sadd.s32 $0x1, s11;
	[sflag:s13] =	ssyncset.done @!p1 $0x0  }
0x34: {  	s10 =	smov.u32 s9;
	s9 =	smov.u32 s14;
	[sflag:s13] =	ssyncadd.s32 @!p1 s15  }
.LBB2_1:
0x35: {  	p1 =	sgt.u32 s11, s6  }
0x36: {  	s13 =	sand.u32 @!p1 $0x1FFFFFF, s9  }
0x37: {  	p2 =	sgt.s32 @!p1 s9, $0xC2D0;
	s14 =	smulhi.u32 @!p1 $0x14F8B59, s13  }
0x38: {  	s15 =	smov.u32 s9;
	s16 =	sshra.s32 @!p1 s9, $0x1F;
	p2 =	por !p2, p1  }
0x39: {  	s16 =	sand.u32 @!p1 s16, s9;
	s15 =	simm.s32 @p2 $0xC2D0;
	s14 =	sshrl.u32 @!p1 s14, $0x8  }
0x3a: {  	s15 =	ssub.s32 @!p1 s15, s16;
	s14 =	smul.u32 @!p1 $0xC350, s14  }
0x3b: {  	s16 =	sxor.u32 @!p1 $0xFFFFFFFF, s11;
	s15 =	sadd.s32 @!p1 $0xFFFF3D30, s15  }
0x3c: {  	s16 =	sshll.u32 @!p1 s16, $0xE;
	s13 =	ssub.s32 @!p1 s13, s14;
	s14 =	sshll.u32 @!p1 s15, $0x9  }
0x3d: {  	s16 =	sand.u32 @!p1 $0x4000, s16;
	p2 =	sgt.s32 @!p1 s15, $0x7F;
	s14 =	ssub.s32 @!p1 $0x10000, s14  }
0x3e: {  	p2 =	por !p2, p1;
	s13 =	sshll.u32 @!p1 s13, $0x4;
	s14 =	sshrl.u32 @!p1 s14, $0x2  }
0x3f: {  	s15 =	simm.s32 @!p1 $0x0;
	s13 =	sadd.s32 @!p1 s2, s13;
	s14 =	simm.s32 @!p2 $0x0  }
0x40: {  	[tilespmem:s16], [sflag:$0x1] =	stream.linear.gather @!p1 [hbm4b:s13+s15], s14, $0x38;
	[tilespmem:$0x10000] =	vst v63  }
0x41: {  	p1 =	seq.s32 s11, $0x0  }
0x42: {  	p2 =	sge.u32 @!p1 s11, s7  }
0x43: {  	p1 =	por p1, p2  }
.Ltmp2:
0x44: {  	_ = 	snop;
	(pc) =	sbr.rel @p1 .LBB2_9-.Ltmp2, $1  }
0x45: {  	_ =	sdelay $0x3  }
0x46: {  	p1 =	sgt.s32 s10, $0xC2D0;
	s13 =	smov.u32 s10;
	s14 =	sshra.s32 s10, $0x1F  }
0x47: {  	s13 =	simm.s32 @!p1 $0xC2D0;
	s14 =	sand.u32 s14, s10  }
0x48: {  	s13 =	ssub.s32 s13, s14  }
0x49: {  	s13 =	sadd.s32 $0xFFFF3D30, s13  }
0x4a: {  	s31 =	sshll.u32 s13, $0x9  }
0x4b: {  	s14 =	ssub.s32 $0x10000, s31  }
0x4c: {  	p1 =	sgt.s32 s13, $0x7F;
	s13 =	sshrl.u32 s14, $0x2;
	s14 =	sadd.s32 $0x80, s10  }
0x4d: {  	s13 =	simm.s32 @p1 $0x0;
	p1 =	slt.s32 s14, $0xC350  }
0x4e: {  	s14 =	simm.s32 @!p1 $0xC350  }
0x4f: {  	s16 =	ssub.s32 s14, s10  }
0x50: {  	p1 =	slt.s32 s16, $0x1  }
.Ltmp3:
0x51: {  	_ = 	snop;
	(pc) =	sbr.rel @p1 .LBB2_8-.Ltmp3, $4  }
0x52: {  	_ = 	snop  }
0x53: {  	s15 =	sshll.u32 s11, $0xE;
	_ =	swait.ge [sflag:s5], s13  }
0x54: {  	s15 =	sand.u32 $0x4000, s15;
	s17 =	ssub.s32 $0x0, s13;
	[sflag:s5] =	ssyncset.done $0x0  }
0x55: {  	s14 =	sor.u32 $0x8000, s15;
	[sflag:s5] =	ssyncadd.s32 s17  }
0x56: {  	p2 =	sne.s32 s16, $0x1  }
.Ltmp4:
0x57: {  	v1 =	vmov s15;
	v0 =	vmov s14;
	(pc) =	sbr.rel @!p2 .LBB2_4-.Ltmp4, $3  }
0x58: {  	_ =	sdelay $0x1  }
0x59: {  	s17 =	simm.s32 $0x0  }
0x5a: {  	s23 =	sadd.s32 $0xFFFFFFFF, s16;
	p1 =	por $0x0, $0x0;
	s15 =	sand.u32 $0x3F80, s17  }
0x5b: {  	_ =	sdelay $0x3  }
0x5c: {  	v6 =	vld.idx.msk [tilespmem:v1+s15+$0x0 ss:$0x1], $0xffff;
	s24 =	sor.u32 $0x70, s15  }
0x5d: {  	s16 =	sor.u32 $0x10, s15;
	v8 =	vld.idx.msk [tilespmem:v1+s24+$0x0 ss:$0x1], $0xffff  }
0x5e: {  	s17 =	sor.u32 $0x20, s15;
	p2 =	sne.s32 s23, $0x1;
	v2 =	vld.idx.msk [tilespmem:v1+s16+$0x0 ss:$0x1], $0xffff  }
.Ltmp5:
0x5f: {  	s18 =	sor.u32 $0x30, s15;
	v4 =	vld.idx.msk [tilespmem:v1+s17+$0x0 ss:$0x1], $0xffff;
	(pc) =	sbr.rel @!p2 .LBB2_7-.Ltmp5, $4  }
0x60: {  	s19 =	sor.u32 $0x40, s15;
	v3 =	vld.idx.msk [tilespmem:v1+s18+$0x0 ss:$0x1], $0xffff  }
0x61: {  	s21 =	sor.u32 $0x60, s15;
	v5 =	vld.idx.msk [tilespmem:v1+s19+$0x0 ss:$0x1], $0xffff  }
0x62: {  	s20 =	sor.u32 $0x50, s15;
	s22 =	simm.s32 $0x80;
	v7 =	vld.idx.msk [tilespmem:v1+s21+$0x0 ss:$0x1], $0xffff;
	[tilespmem:v0+s15+$0x0 ss:$0x1] =	vst.idx.msk $0xffff, v6  }
0x63: {  	s23 =	sadd.s32 $0xFFFFFFFF, s23;
	p1 =	por $0x1, $0x1;
	v6 =	vld.idx.msk [tilespmem:v1+s20+$0x0 ss:$0x1], $0xffff;
	s15 =	sand.u32 $0x3F80, s22;
	[tilespmem:v0+s24+$0x0 ss:$0x1] =	vst.idx.msk $0xffff, v8  }
.LBB2_6:
0x64: {  	p2 =	sne.s32 s23, $0x1;
	v8 =	vld.idx.msk [tilespmem:v1+s15+$0x0 ss:$0x1], $0xffff;
	s24 =	sor.u32 $0x70, s15;
	[tilespmem:v0+s16+$0x0 ss:$0x1] =	vst.idx.msk $0xffff, v2;
	s16 =	sor.u32 $0x10, s15  }
0x65: {  	s25 =	sor.u32 $0x30, s15;
	s26 =	sor.u32 $0x40, s15;
	v9 =	vld.idx.msk [tilespmem:v1+s24+$0x0 ss:$0x1], $0xffff;
	[tilespmem:v0+s17+$0x0 ss:$0x1] =	vst.idx.msk $0xffff, v4;
	s17 =	sor.u32 $0x20, s15  }
0x66: {  	s28 =	sor.u32 $0x50, s15;
	s29 =	sor.u32 $0x60, s15;
	v2 =	vld.idx.msk [tilespmem:v1+s16+$0x0 ss:$0x1], $0xffff;
	[tilespmem:v0+s18+$0x0 ss:$0x1] =	vst.idx.msk $0xffff, v3;
	s18 =	smov.u32 s25  }
.Ltmp6:
0x67: {  	v4 =	vld.idx.msk [tilespmem:v1+s17+$0x0 ss:$0x1], $0xffff;
	[tilespmem:v0+s19+$0x0 ss:$0x1] =	vst.idx.msk $0xffff, v5;
	s19 =	smov.u32 s26;
	(pc) =	sbr.rel @p2 .LBB2_6-.Ltmp6, $4  }
0x68: {  	v3 =	vld.idx.msk [tilespmem:v1+s18+$0x0 ss:$0x1], $0xffff;
	[tilespmem:v0+s20+$0x0 ss:$0x1] =	vst.idx.msk $0xffff, v6;
	s20 =	smov.u32 s28  }
0x69: {  	v5 =	vld.idx.msk [tilespmem:v1+s19+$0x0 ss:$0x1], $0xffff;
	[tilespmem:v0+s21+$0x0 ss:$0x1] =	vst.idx.msk $0xffff, v7;
	s21 =	smov.u32 s29  }
0x6a: {  	s22 =	sadd.s32 $0x80, s22;
	[tilespmem:v0+s15+$0x0 ss:$0x1] =	vst.idx.msk $0xffff, v8;
	v6 =	vld.idx.msk [tilespmem:v1+s20+$0x0 ss:$0x1], $0xffff  }
0x6b: {  	s23 =	sadd.s32 $0xFFFFFFFF, s23;
	s15 =	sand.u32 $0x3F80, s22;
	v7 =	vld.idx.msk [tilespmem:v1+s21+$0x0 ss:$0x1], $0xffff;
	[tilespmem:v0+s24+$0x0 ss:$0x1] =	vst.idx.msk $0xffff, v9  }
.Ltmp7:
0x6c: {  	_ = 	snop;
	(pc) =	sbr.rel .LBB2_7-.Ltmp7, $1  }
0x6d: {  	_ =	sdelay $0x3  }
.LBB2_10:
0x6e: {  	_ =	sfence.sel $0x180000  }
0x6f: {  	s2 =	simm.s32 $0x1;
	[bflag:$0x0] =	sbarrier.arrive $0xFFFF  }
0x70: {  	s31 =	simm.s32 $0x2;
	[sflag:s2] =	ssyncpa.u1 $0x1  }
0x71: {  	[sflag:s31] =	ssyncpa.u1 $0x1  }
0x72: {  	_ =	strace $0x90000059  }
0x73: {  	s0 =	sadd.s32 @!p0 $0x100000, s0;
	[bflag:$0x2] =	sbarrier.arrive $0xFFFF  }
0x74: {  	[sflag:s0] =	ssyncadd.tile.s32 @!p0 $0x1;
	s0 =	simm.s32 @!p0 $0x3F  }
0x75: {  	_ =	swait.ge @!p0 [sflag:s0], s1  }
0x76: {  	s1 =	ssub.s32 @!p0 $0x0, s1;
	[sflag:s0] =	ssyncset.done @!p0 $0x0  }
0x77: {  	[sflag:s0] =	ssyncadd.s32 @!p0 s1  }
0x78: {  	[bflag:$0x3] =	sbarrier.arrive $0xFFFF  }
0x79: {  	_ =	shalt  }
.Lfunc_end2:
execute1_lowered:
.L_overlay_start_2:
0x7a: {  	(tag) =	ssettag $0x2  }
0x7b: {  	s0 =	rddreg [dreg:$0x0];
	_ =	strace $0x8000005C;
	s1 =	simm.s32 $0x1  }
0x7c: {  	s8 =	simm.s32 $0x108;
	v0 =	vimm.s32 $0x0;
	[sflag:s1] =	ssyncpa.u1 $0x0  }
0x7d: {  	[tilespmem:s8+$0x70] =	vst v0  }
0x7e: {  	[tilespmem:s8+$0x60] =	vst v0  }
0x7f: {  	[tilespmem:s8+$0x50] =	vst v0  }
0x80: {  	[tilespmem:s8+$0x40] =	vst v0  }
0x81: {  	[tilespmem:s8+$0x30] =	vst v0  }
0x82: {  	s1 =	sadd.s32 $0xA43E00, s0;
	s3 =	sadd.s32 $0x7C00, s0;
	[tilespmem:s8+$0x20] =	vst v0  }
0x83: {  	s2 =	simm.s32 $0x40;
	s4 =	sadd.s32 $0x673400, s0;
	s5 =	sadd.s32 $0x663C00, s0;
	[tilespmem:s8+$0x10] =	vst v0  }
.LBB3_1:
0x84: {  	s2 =	sadd.s32 $0x40, s2;
	[tilespmem:s8+$0x0] =	vst v0;
	s8 =	sadd.s32 $0x80, s8  }
0x85: {  	p0 =	slt.u32 s2, $0x3C40;
	[tilespmem:s8+$0x70] =	vst v0  }
0x86: {  	[tilespmem:s8+$0x60] =	vst v0  }
.Ltmp8:
0x87: {  	[tilespmem:s8+$0x50] =	vst v0;
	(pc) =	sbr.rel @p0 .LBB3_1-.Ltmp8, $4  }
0x88: {  	[tilespmem:s8+$0x40] =	vst v0  }
0x89: {  	[tilespmem:s8+$0x30] =	vst v0  }
0x8a: {  	[tilespmem:s8+$0x20] =	vst v0  }
0x8b: {  	[tilespmem:s8+$0x10] =	vst v0  }
0x8c: {  	s13 =	stileid.u32  }
0x8d: {  	s0 =	smul.u32 $0x41, s13  }
0x8e: {  	s2 =	smin.u32 s13, $0x2  }
0x8f: {  	s0 =	sadd.s32 s2, s0  }
0x90: {  	p0 =	slt.u32 s13, $0x2;
	s6 =	smul.u32 $0xF0, s0;
	s0 =	simm.s32 $0x3DE0  }
0x91: {  	s0 =	simm.s32 @!p0 $0x3CF0  }
0x92: {  	s0 =	sadd.s32 s0, s6  }
0x93: {  	s7 =	smin.u32 s0, $0x3D090  }
0x94: {  	s0 =	ssub.s32 s7, s6  }
0x95: {  	p0 =	sgt.s32 s0, $0x0  }
0x96: {  	s0 =	simm.s32 @!p0 $0x0  }
0x97: {  	s31 =	smulhi.u32 $0x88888889, s0  }
0x98: {  	s30 =	simm.s32 $0x2;
	s9 =	simm.s32 $0x7;
	s10 =	simm.s32 $0x8  }
0x99: {  	s19 =	simm.s32 $0x0;
	s15 =	simm.s32 $0xA;
	s2 =	sshrl.u32 s31, $0x7  }
0x9a: {  	s17 =	simm.s32 $0x0;
	s18 =	simm.s32 $0x0;
	s11 =	smul.u32 $0xF0, s2  }
.Ltmp9:
0x9b: {  	[tilespmem:s8+$0x0] =	vst v0;
	v0 =	vimm.s32 $0xFFFFFFFF;
	[sflag:s30] =	ssyncpa.u1 $0x0;
	s13 =	sshll.u32 s13, $0x8;
	(pc) =	sbr.rel .LBB3_3-.Ltmp9, $4  }
0x9c: {  	[tilespmem:$0xF208] =	vst v0;
	[sflag:s9] =	ssyncpa.u1 $0x0;
	p0 =	sne.s32 s0, s11;
	s0 =	simm.s32 $0x1  }
0x9d: {  	[sflag:s10] =	ssyncpa.u1 $0x0;
	s10 =	simm.s32 $0x9;
	s0 =	simm.s32 @!p0 $0x0  }
0x9e: {  	[sflag:s10] =	ssyncpa.u1 $0x0;
	s16 =	smov.u32 s6;
	s12 =	sadd.s32 s0, s2  }
0x9f: {  	v0 =	vlaneseq.u32;
	s11 =	simm.s32 $0x1;
	p0 =	por $0x0, $0x0;
	s14 =	sadd.s32 $0x1, s12  }
.LBB3_18:
0xa0: {  	s0 =	sshrl.u32 s28, $0x2  }
.LBB3_20:
0xa1: {  	_ =	swait.ge [sflag:s15], s0  }
0xa2: {  	s31 =	ssub.s32 $0x0, s0;
	v1 =	vmov s21;
	vm0 =	veq.s32 v0, $0x0;
	[sflag:s15] =	ssyncset.done $0x0  }
0xa3: {  	vm15 =	veq.s32 v0, $0x2;
	v1 =	vsel vm0, s26, v1;
	[sflag:s15] =	ssyncadd.s32 s31  }
0xa4: {  	v1 =	vsel vm15, s19, v1;
	[sflag:s15] =	ssyncpa.u1 $0x1  }
0xa5: {  	[tilespmem:$0xF208] =	vst v1  }
.LBB3_21:
0xa6: {  	s0 =	sadd.s32 $0xF0, s16  }
0xa7: {  	s2 =	smov.u32 s6;
	p1 =	slt.s32 s0, s7  }
0xa8: {  	s2 =	smov.u32 @p1 s0;
	p1 =	sne.s32 s18, s14  }
.Ltmp10:
0xa9: {  	_ = 	snop;
	(pc) =	sbr.rel @!p1 .LBB3_22-.Ltmp10, $3  }
0xaa: {  	_ =	sdelay $0x1  }
0xab: {  	s19 =	smov.u32 s17;
	s31 =	sadd.s32 $0x1, s18;
	s17 =	smov.u32 s16  }
0xac: {  	p0 =	por !p0, !p0;
	s18 =	smov.u32 s31;
	s16 =	smov.u32 s2  }
.LBB3_3:
0xad: {  	p1 =	sge.u32 s18, s12  }
0xae: {  	s0 =	smulhi.u32 @!p1 $0xAAAAAAAB, s18  }
0xaf: {  	s2 =	smov.u32 s16;
	p2 =	sgt.s32 @!p1 s16, $0x3CFA0  }
0xb0: {  	s20 =	sshra.s32 @!p1 s16, $0x1F;
	p2 =	por !p2, p1;
	s0 =	sshrl.u32 @!p1 s0, $0x1  }
0xb1: {  	s20 =	sand.u32 @!p1 s20, s16;
	s2 =	simm.s32 @p2 $0x3CFA0;
	s0 =	smul.u32 @!p1 $0x3, s0  }
0xb2: {  	s2 =	ssub.s32 @!p1 s2, s20  }
0xb3: {  	s2 =	sadd.s32 @!p1 $0xFFFC3060, s2;
	s0 =	ssub.s32 @!p1 s18, s0  }
0xb4: {  	s20 =	sshll.u32 @!p1 s2, $0x2;
	p2 =	sgt.s32 @!p1 s2, $0xEF;
	s0 =	smul.u32 @!p1 $0x3C0, s0  }
0xb5: {  	s21 =	sand.u32 @!p1 $0x7, s16;
	s2 =	ssub.s32 @!p1 $0x3C0, s20;
	p2 =	por !p2, p1  }
0xb6: {  	s20 =	sshrl.u32 @!p1 s16, $0x3;
	s2 =	sshrl.u32 @!p1 s2, $0x2;
	s0 =	sshrl.u32 @!p1 s0, $0x2  }
0xb7: {  	s20 =	sadd.s32 @!p1 s5, s20;
	s2 =	simm.s32 @!p2 $0x0;
	s0 =	sadd.s32 @!p1 $0x10238, s0  }
0xb8: {  	[tilespmem:s0], [sflag:$0x8] =	stream.linear.gather @!p1 [hbm4b:s20+s21], s2, $0x38;
	[tilespmem:$0x1F6E8] =	vst v63  }
0xb9: {  	s0 =	sadd.s32 $0xFFFFFFFF, s18  }
0xba: {  	p1 =	sge.u32 s0, s12  }
0xbb: {  	p2 =	sgt.s32 @!p1 s17, $0x3CFA0  }
0xbc: {  	s2 =	smov.u32 s17;
	s20 =	sshra.s32 @!p1 s17, $0x1F;
	p2 =	por !p2, p1  }
0xbd: {  	s20 =	sand.u32 @!p1 s20, s17;
	s2 =	simm.s32 @p2 $0x3CFA0  }
0xbe: {  	s2 =	ssub.s32 @!p1 s2, s20  }
0xbf: {  	s2 =	sadd.s32 @!p1 $0xFFFC3060, s2  }
0xc0: {  	s21 =	sand.u32 @!p1 $0x1, s0;
	s20 =	sshll.u32 @!p1 s2, $0x2  }
0xc1: {  	p2 =	sgt.s32 @!p1 s2, $0xEF;
	s2 =	ssub.s32 @!p1 $0x3C0, s20;
	s20 =	smulhi.u32 @!p1 $0xAAAAAAAB, s0  }
0xc2: {  	s23 =	smul.u32 @!p1 $0x3C0, s21;
	p2 =	por !p2, p1;
	s2 =	sshrl.u32 @!p1 s2, $0x2  }
0xc3: {  	s22 =	simm.s32 @!p1 $0x8;
	s2 =	simm.s32 @!p2 $0x0;
	s20 =	sshrl.u32 @!p1 s20, $0x1  }
0xc4: {  	s23 =	sshrl.u32 @!p1 s23, $0x2;
	_ =	swait.ge @!p1 [sflag:s22], s2;
	s20 =	smul.u32 @!p1 $0x3, s20  }
0xc5: {  	s23 =	sor.u32 @!p1 $0x10508, s23;
	s24 =	ssub.s32 @!p1 $0x0, s2;
	[sflag:s22] =	ssyncset.done @!p1 $0x0  }
0xc6: {  	[sflag:s22] =	ssyncadd.s32 @!p1 s24;
	s22 =	sshrl.u32 @!p1 s17, $0x3;
	s0 =	ssub.s32 @!p1 s0, s20  }
0xc7: {  	s24 =	sand.u32 @!p1 $0x7, s17;
	s22 =	sadd.s32 @!p1 s3, s22;
	s0 =	smul.u32 @!p1 $0x3C0, s0  }
0xc8: {  	[tilespmem:s23], [sflag:$0x9] =	stream.linear.gather @!p1 [hbm4b:s22+s24], s2, $0x38;
	[tilespmem:$0x1F6E8] =	vst v63  }
0xc9: {  	s20 =	ssub.s32 @!p1 $0x3D090, s17;
	s2 =	smul.u32 @!p1 $0x1E000, s21  }
0xca: {  	p2 =	slt.s32 @!p1 s20, $0xF0  }
0xcb: {  	p2 =	por !p2, p1;
	s0 =	sshrl.u32 @!p1 s0, $0x2;
	s2 =	sshrl.u32 @!p1 s2, $0x2  }
0xcc: {  	s20 =	simm.s32 @p2 $0xF0;
	s0 =	sadd.s32 @!p1 $0x10238, s0;
	s2 =	sor.u32 @!p1 $0x106E8, s2  }
0xcd: {  	[tilespmem:s2], [sflag:$0x7] =	stream.indirect.gather @!p1 [hbm4b:s4+s20], $0x80, s0, s20, $0xb8;
	[tilespmem:$0x1F6E8] =	vst v63  }
0xce: {  	p1 =	slt.u32 s18, $0x2  }
.Ltmp11:
0xcf: {  	_ = 	snop;
	(pc) =	sbr.rel @p1 .LBB3_21-.Ltmp11, $1  }
0xd0: {  	_ =	sdelay $0x3  }
0xd1: {  	p1 =	sgt.s32 s19, $0x3CFA0;
	s0 =	smov.u32 s19  }
0xd2: {  	s2 =	sshra.s32 s19, $0x1F;
	s20 =	ssub.s32 $0x3D090, s19;
	s0 =	simm.s32 @!p1 $0x3CFA0  }
0xd3: {  	s2 =	sand.u32 s2, s19;
	p1 =	slt.s32 s20, $0xF0;
	s21 =	smov.u32 s20  }
0xd4: {  	s0 =	ssub.s32 s0, s2;
	s21 =	simm.s32 @!p1 $0xF0  }
0xd5: {  	s0 =	sadd.s32 $0xFFFC3060, s0;
	s28 =	sshll.u32 s21, $0x7  }
0xd6: {  	s29 =	sshll.u32 s0, $0x2;
	s2 =	sand.u32 $0x3FFFFF80, s28  }
0xd7: {  	p1 =	sgt.s32 s0, $0xEF;
	s30 =	ssub.s32 $0x3C0, s29;
	_ =	swait.ge [sflag:s9], s2  }
0xd8: {  	s2 =	ssub.s32 $0x0, s2;
	[sflag:s9] =	ssyncset.done $0x0;
	s0 =	sshrl.u32 s30, $0x2  }
0xd9: {  	[sflag:s9] =	ssyncadd.s32 s2;
	s0 =	simm.s32 @p1 $0x0  }
0xda: {  	_ =	swait.ge [sflag:s10], s0  }
0xdb: {  	s0 =	ssub.s32 $0x0, s0;
	[sflag:s10] =	ssyncset.done $0x0  }
0xdc: {  	[sflag:s10] =	ssyncadd.s32 s0  }
0xdd: {  	v1 =	vld [tilespmem:$0xF208];
	_ =	sdelay $0x4  }
0xde: {  	(v2sf) =	vpush v1, $0x0  }
0xdf: {  	(v2sf) =	vpush v1, $0x1  }
0xe0: {  	(v2sf) =	vpush v1, $0x2;
	_ =	sdelay $0x3  }
0xe1: {  	s0 =	sadd.s32 $0xF0, s19  }
0xe2: {  	p1 =	slt.s32 s7, s0  }
0xe3: {  	s0 =	smov.u32 @p1 s7;
	p1 =	sgt.s32 s20, $0x0  }
0xe4: {  	s23 =	ssub.s32 s0, s19;
	s20 =	simm.s32 @!p1 $0x0  }
0xe5: {  	p1 =	slt.s32 s20, s23  }
0xe6: {  	s23 =	smov.u32 @p1 s20  }
0xe7: {  	s22 =	simm.s32 $0x1;
	p1 =	slt.s32 s23, $0x1  }
.Ltmp12:
0xe8: {  	s22 =	simm.s32 @!p0 $0x0;
	(pc) =	sbr.rel @p1 .LBB3_8-.Ltmp12, $4  }
0xe9: {  	s31 =	smul.u32 $0x3C0, s22  }
0xea: {  	s24 =	spop (v2sf)  }
0xeb: {  	s0 =	sshrl.u32 s31, $0x2;
	s26 =	spop (v2sf)  }
0xec: {  	s20 =	sor.u32 $0x10508, s0;
	s19 =	spop (v2sf)  }
0xed: {  	s0 =	smin.u32 s23, $0x10  }
0xee: {  	v1 =	vmov s0  }
0xef: {  	p2 =	sgt.s32 s23, $0x10;
	vm1 =	vgt.u32 v1, v0  }
.Ltmp13:
0xf0: {  	_ = 	snop;
	(pc) =	sbr.rel @!p2 .LBB3_7-.Ltmp13, $2  }
0xf1: {  	_ =	sdelay $0x2  }
0xf2: {  	s25 =	simm.s32 $0x10;
	s28 =	sadd.s32 $0xFFFFFFF0, s23;
	s21 =	smov.u32 s20;
	vm0 =	vmmov vm1  }
.LBB3_6:
0xf3: {  	s0 =	smin.u32 s28, $0x10;
	s25 =	sadd.s32 $0x10, s25;
	v1 =	vld.msk [tilespmem:s21+$0x0 ss:$0x1], vm1  }
0xf4: {  	v2 =	vmov s0;
	p2 =	slt.s32 s25, s23  }
0xf5: {  	vm1 =	vgt.u32 v2, v0  }
.Ltmp14:
0xf6: {  	(pc) =	sbr.rel @p2 .LBB3_6-.Ltmp14, $3  }
0xf7: {  	_ =	sdelay $0x1  }
0xf8: {  	v1 =	vshll.u32 v1, $0x4  }
0xf9: {  	s28 =	sadd.s32 $0xFFFFFFF0, s28;
	[tilespmem:s21+$0x0] =	vst.msk vm0, v1;
	s21 =	sadd.s32 $0x10, s21;
	vm0 =	vmmov vm1  }
.LBB3_7:
0xfa: {  	_ =	sdelay $0x4  }
0xfb: {  	v1 =	vld.msk [tilespmem:s21+$0x0 ss:$0x1], vm1;
	_ =	sdelay $0x4  }
0xfc: {  	v1 =	vshll.u32 v1, $0x4  }
0xfd: {  	[tilespmem:s21+$0x0] =	vst.msk vm0, v1  }
.LBB3_8:
0xfe: {  	s0 =	sand.u32 $0x1, s18  }
0xff: {  	s0 =	smul.u32 $0xF0, s0  }
0x100: {  	p2 =	sne.s32 s26, $0xFFFFFFFF  }
0x101: {  	v1 =	vld.msk @!p2 [tilespmem:s0+$0x10508], $0x1;
	_ =	sdelay $0x4  }
0x102: {  	(v2sf) =	vpush @!p2 v1, $0x0;
	_ =	sdelay $0xc  }
.Ltmp15:
0x103: {  	_ = 	snop;
	(pc) =	sbr.rel @p1 .LBB3_19-.Ltmp15, $4  }
0x104: {  	_ = 	snop  }
0x105: {  	s25 =	spop @!p2 (v2sf)  }
0x106: {  	s19 =	simm.s32 @!p2 $0x0;
	s21 =	smov.u32 s25  }
0x107: {  	[sflag:s15] =	ssyncpa.u1 $0x0;
	s25 =	smov.u32 @p2 s24;
	s21 =	smov.u32 @p2 s26  }
0x108: {  	v1 =	vld.msk [tilespmem:s20+$0x0], $0x1;
	_ =	sdelay $0x4  }
0x109: {  	(v2sf) =	vpush v1, $0x0;
	_ =	sdelay $0xe  }
0x10a: {  	s0 =	smul.u32 $0x1E000, s22;
	s29 =	spop (v2sf)  }
0x10b: {  	s23 =	ssub.s32 $0x0, s23;
	p1 =	seq.s32 s25, s29  }
0x10c: {  	s26 =	sadd.s32 $0x1, s23;
	s0 =	sshrl.u32 s0, $0x2;
	p2 =	sgt.s32 @!p1 s25, $0x0  }
0x10d: {  	s22 =	sor.u32 $0x10728, s0;
	s0 =	smov.u32 s25;
	p2 =	por !p2, p1  }
0x10e: {  	s0 =	simm.s32 @p2 $0x0;
	p2 =	seq.s32 s26, $0x0  }
.Ltmp16:
0x10f: {  	_ = 	snop;
	(pc) =	sbr.rel @p2 .LBB3_11-.Ltmp16, $4  }
0x110: {  	_ = 	snop  }
0x111: {  	s24 =	simm.s32 $0x0;
	s28 =	sadd.s32 $0x1, s20;
	s0 =	smin.u32 @!p1 s0, $0xC34F0  }
0x112: {  	s30 =	simm.s32 @!p1 $0x1;
	s31 =	simm.s32 @!p1 $0x7988;
	s2 =	sand.u32 @!p1 $0xFFFF8, s0  }
0x113: {  	s30 =	smov.u32 @p1 s24;
	s0 =	sand.u32 @!p1 $0x7, s0;
	s2 =	sadd.s32 @!p1 s1, s2  }
.LBB3_10:
0x114: {  	s8 =	smov.u32 s30  }
0x115: {  	[tilespmem:s31], [sflag:$0x2] =	stream.linear.gather @!p1 [hbm4b:s2+s0], $0x80, $0x38;
	[tilespmem:$0x1F6E8] =	vst v63  }
0x116: {  	s26 =	sadd.s32 $0x1, s26;
	s0 =	smov.u32 s29;
	v1 =	vld.msk [tilespmem:s28+$0x0], $0x1  }
0x117: {  	p2 =	seq.s32 s26, $0x0;
	_ =	sdelay $0x3  }
0x118: {  	(v2sf) =	vpush v1, $0x0;
	_ =	sdelay $0xe  }
0x119: {  	s29 =	spop (v2sf)  }
0x11a: {  	p1 =	seq.s32 s0, s29  }
0x11b: {  	p3 =	sgt.s32 @!p1 s0, $0x0;
	s2 =	sshll.u32 @!p1 s30, $0x9;
	s30 =	sadd.s32 @!p1 $0x1, s30  }
.Ltmp17:
0x11c: {  	p3 =	por !p3, p1;
	s2 =	sshra.s32 @!p1 s2, $0x2;
	(pc) =	sbr.rel @!p2 .LBB3_10-.Ltmp17, $4  }
0x11d: {  	s30 =	smov.u32 @p1 s8;
	s0 =	simm.s32 @p3 $0x0;
	s31 =	sadd.s32 @!p1 $0x7988, s2  }
0x11e: {  	s0 =	smin.u32 @!p1 s0, $0xC34F0  }
0x11f: {  	s2 =	sand.u32 @!p1 $0xFFFF8, s0;
	s0 =	sand.u32 @!p1 $0x7, s0  }
0x120: {  	s28 =	sadd.s32 $0x1, s28;
	s2 =	sadd.s32 @!p1 s1, s2  }
.LBB3_11:
0x121: {  	[tilespmem:s31], [sflag:$0x2] =	stream.linear.gather @!p1 [hbm4b:s2+s0], $0x80, $0x38;
	[tilespmem:$0x1F6E8] =	vst v63  }
.Ltmp18:
0x122: {  	s30 =	sshll.u32 s30, $0x7;
	(pc) =	sbr.rel .LBB3_12-.Ltmp18, $4  }
0x123: {  	s31 =	simm.s32 $0x2;
	s0 =	sand.u32 $0x3FFFFF80, s30  }
0x124: {  	_ =	swait.ge [sflag:s31], s0  }
0x125: {  	s0 =	ssub.s32 $0x0, s0;
	[sflag:s31] =	ssyncset.done $0x0  }
0x126: {  	s28 =	simm.s32 $0x0;
	[sflag:s31] =	ssyncadd.s32 s0  }
.LBB3_13:
0x127: {  	v1 =	vld [tilespmem:s22+$0xFFFFFFC0];
	_ =	sdelay $0x3  }
0x128: {  	s0 =	sshra.s32 s0, $0x2  }
0x129: {  	[tilespmem:s0+$0x108] =	vst.add.f32.msk $0xffff, v1  }
0x12a: {  	v1 =	vld [tilespmem:s22+$0xFFFFFFD0];
	_ =	sdelay $0x4  }
0x12b: {  	[tilespmem:s0+$0x118] =	vst.add.f32.msk $0xffff, v1  }
0x12c: {  	v1 =	vld [tilespmem:s22+$0xFFFFFFE0];
	_ =	sdelay $0x4  }
0x12d: {  	[tilespmem:s0+$0x128] =	vst.add.f32.msk $0xffff, v1  }
0x12e: {  	v1 =	vld [tilespmem:s22+$0xFFFFFFF0];
	_ =	sdelay $0x4  }
0x12f: {  	[tilespmem:s0+$0x138] =	vst.add.f32.msk $0xffff, v1  }
0x130: {  	v1 =	vld [tilespmem:s22+$0x0];
	_ =	sdelay $0x4  }
0x131: {  	[tilespmem:s0+$0x148] =	vst.add.f32.msk $0xffff, v1  }
0x132: {  	v1 =	vld [tilespmem:s22+$0x10];
	_ =	sdelay $0x4  }
0x133: {  	[tilespmem:s0+$0x158] =	vst.add.f32.msk $0xffff, v1  }
0x134: {  	v1 =	vld [tilespmem:s22+$0x20];
	_ =	sdelay $0x4  }
0x135: {  	[tilespmem:s0+$0x168] =	vst.add.f32.msk $0xffff, v1  }
0x136: {  	v1 =	vld [tilespmem:s22+$0x30];
	_ =	sdelay $0x4  }
0x137: {  	[tilespmem:s0+$0x178] =	vst.add.f32.msk $0xffff, v1  }
.LBB3_17:
0x138: {  	s23 =	sadd.s32 $0x1, s23  }
0x139: {  	p1 =	seq.s32 s23, $0x0  }
.Ltmp19:
0x13a: {  	_ = 	snop;
	(pc) =	sbr.rel @p1 .LBB3_18-.Ltmp19, $2  }
0x13b: {  	_ =	sdelay $0x2  }
0x13c: {  	s20 =	sadd.s32 $0x1, s20;
	s22 =	sadd.s32 $0x80, s22;
	s25 =	smov.u32 s26  }
.LBB3_12:
0x13d: {  	v1 =	vld.msk [tilespmem:s20+$0x0], $0x1;
	_ =	sdelay $0x4  }
0x13e: {  	(v2sf) =	vpush v1, $0x0;
	_ =	sdelay $0xe  }
0x13f: {  	s26 =	spop (v2sf)  }
0x140: {  	p1 =	sne.s32 s25, s26  }
.Ltmp20:
0x141: {  	_ = 	snop;
	(pc) =	sbr.rel @!p1 .LBB3_13-.Ltmp20, $2  }
0x142: {  	_ =	sdelay $0x2  }
0x143: {  	s0 =	sshll.u32 s19, $0x9  }
0x144: {  	p1 =	seq.s32 s25, s21  }
.Ltmp21:
0x145: {  	_ = 	snop;
	(pc) =	sbr.rel @!p1 .LBB3_15-.Ltmp21, $1  }
0x146: {  	_ =	sdelay $0x3  }
0x147: {  	s0 =	sshra.s32 s0, $0x2  }
.Ltmp22:
0x148: {  	s0 =	sadd.s32 $0x108, s0;
	(pc) =	sbr.rel .LBB3_16-.Ltmp22, $4  }
0x149: {  	[spmem:s13] =	stream.linear.scatter [tilespmem:s0], [sflag:$0x1], $0x80, $0x38;
	[tilespmem:$0x1F6E8] =	vst v63  }
0x14a: {  	_ =	swait.ge [sflag:s11], $0x80  }
0x14b: {  	[sflag:s11] =	ssyncset.done $0x0  }
0x14c: {  	[sflag:s11] =	ssyncadd.s32 $0xFFFFFF80  }
.LBB3_15:
0x14d: {  	s2 =	sshll.u32 s24, $0x9  }
0x14e: {  	s2 =	sshra.s32 s2, $0x2  }
0x14f: {  	v1 =	vld [tilespmem:s2+$0x7988];
	_ =	sdelay $0x3  }
0x150: {  	s0 =	sshra.s32 s0, $0x2  }
0x151: {  	[tilespmem:s0+$0x108] =	vst.add.f32.msk $0xffff, v1  }
0x152: {  	v1 =	vld [tilespmem:s2+$0x7998];
	_ =	sdelay $0x4  }
0x153: {  	[tilespmem:s0+$0x118] =	vst.add.f32.msk $0xffff, v1  }
0x154: {  	v1 =	vld [tilespmem:s2+$0x79A8];
	_ =	sdelay $0x4  }
0x155: {  	[tilespmem:s0+$0x128] =	vst.add.f32.msk $0xffff, v1  }
0x156: {  	v1 =	vld [tilespmem:s2+$0x79B8];
	_ =	sdelay $0x4  }
0x157: {  	[tilespmem:s0+$0x138] =	vst.add.f32.msk $0xffff, v1  }
0x158: {  	v1 =	vld [tilespmem:s2+$0x79C8];
	_ =	sdelay $0x4  }
0x159: {  	[tilespmem:s0+$0x148] =	vst.add.f32.msk $0xffff, v1  }
0x15a: {  	v1 =	vld [tilespmem:s2+$0x79D8];
	_ =	sdelay $0x4  }
0x15b: {  	[tilespmem:s0+$0x158] =	vst.add.f32.msk $0xffff, v1  }
0x15c: {  	v1 =	vld [tilespmem:s2+$0x79E8];
	_ =	sdelay $0x4  }
0x15d: {  	[tilespmem:s0+$0x168] =	vst.add.f32.msk $0xffff, v1  }
0x15e: {  	v1 =	vld [tilespmem:s2+$0x79F8];
	_ =	sdelay $0x2  }
0x15f: {  	p1 =	sgt.u32 s25, $0xC34F0  }
0x160: {  	s2 =	sand.u32 @!p1 $0xFFFF8, s25  }
0x161: {  	s8 =	sadd.s32 $0x108, s0;
	[tilespmem:s0+$0x178] =	vst.add.f32.msk $0xffff, v1;
	s0 =	sadd.s32 @!p1 s1, s2;
	s2 =	sand.u32 @!p1 $0x7, s25  }
0x162: {  	[hbm4b:s0+s2] =	stream.linear.scatter @!p1 [tilespmem:s8], [sflag:$0xA], $0x80, $0x38;
	[tilespmem:$0x1F6E8] =	vst v63  }
0x163: {  	s0 =	simm.s32 $0x0  }
0x164: {  	s0 =	simm.s32 @!p1 $0x200  }
0x165: {  	s28 =	sadd.s32 s0, s28  }
.LBB3_16:
0x166: {  	s0 =	sadd.s32 $0x1, s19  }
0x167: {  	s2 =	smulhi.u32 $0x88888889, s0;
	_ =	sdelay $0x1  }
0x168: {  	v1 =	vld [tilespmem:s22+$0xFFFFFFC0];
	s2 =	sshrl.u32 s2, $0x7  }
0x169: {  	s2 =	smul.u32 $0xF0, s2;
	_ =	sdelay $0x1  }
0x16a: {  	s19 =	ssub.s32 s0, s2  }
0x16b: {  	s0 =	sshll.u32 s19, $0x7  }
0x16c: {  	[tilespmem:s0+$0x108] =	vst v1  }
0x16d: {  	v1 =	vld [tilespmem:s22+$0xFFFFFFD0];
	_ =	sdelay $0x4  }
0x16e: {  	[tilespmem:s0+$0x118] =	vst v1  }
0x16f: {  	v1 =	vld [tilespmem:s22+$0xFFFFFFE0];
	_ =	sdelay $0x4  }
0x170: {  	[tilespmem:s0+$0x128] =	vst v1  }
0x171: {  	v1 =	vld [tilespmem:s22+$0xFFFFFFF0];
	_ =	sdelay $0x4  }
0x172: {  	[tilespmem:s0+$0x138] =	vst v1  }
0x173: {  	v1 =	vld [tilespmem:s22+$0x0];
	_ =	sdelay $0x4  }
0x174: {  	[tilespmem:s0+$0x148] =	vst v1  }
0x175: {  	v1 =	vld [tilespmem:s22+$0x10];
	_ =	sdelay $0x4  }
0x176: {  	[tilespmem:s0+$0x158] =	vst v1  }
0x177: {  	v1 =	vld [tilespmem:s22+$0x20];
	_ =	sdelay $0x4  }
0x178: {  	[tilespmem:s0+$0x168] =	vst v1  }
0x179: {  	v1 =	vld [tilespmem:s22+$0x30]  }
.Ltmp23:
0x17a: {  	_ = 	snop;
	(pc) =	sbr.rel .LBB3_17-.Ltmp23, $2  }
0x17b: {  	_ =	sdelay $0x2  }
0x17c: {  	s24 =	sadd.s32 $0x1, s24;
	[tilespmem:s0+$0x178] =	vst v1  }
.LBB3_19:
.Ltmp24:
0x17d: {  	(pc) =	sbr.rel .LBB3_20-.Ltmp24, $4  }
0x17e: {  	_ = 	snop  }
0x17f: {  	s0 =	simm.s32 $0x2  }
0x180: {  	_ =	swait.ge [sflag:s0], $0x0  }
0x181: {  	s26 =	smov.u32 s25;
	[sflag:s0] =	ssyncset.done $0x0;
	s0 =	simm.s32 $0x0  }
.LBB3_22:
0x182: {  	_ =	sfence.sel $0x180000  }
0x183: {  	s0 =	simm.s32 $0x7;
	[bflag:$0x0] =	sbarrier.arrive $0xFFFF  }
0x184: {  	s25 =	simm.s32 $0x8;
	[sflag:s0] =	ssyncpa.u1 $0x1  }
0x185: {  	s26 =	simm.s32 $0x9;
	[sflag:s25] =	ssyncpa.u1 $0x1  }
0x186: {  	s28 =	simm.s32 $0x2;
	[sflag:s26] =	ssyncpa.u1 $0x1  }
0x187: {  	[sflag:s28] =	ssyncpa.u1 $0x1  }
0x188: {  	v0 =	vld [tilespmem:$0xF208];
	_ =	sdelay $0x4  }
0x189: {  	(v2sf) =	vpush v0, $0x0  }
0x18a: {  	(v2sf) =	vpush v0, $0x1;
	_ =	sdelay $0x1  }
0x18b: {  	(v2sf) =	vpush v0, $0x2;
	_ =	sdelay $0xb  }
0x18c: {  	s0 =	spop (v2sf)  }
0x18d: {  	s2 =	spop (v2sf)  }
0x18e: {  	s3 =	smov.u32 s0;
	p0 =	sne.s32 s0, s2  }
0x18f: {  	s4 =	spop (v2sf);
	s3 =	simm.s32 @!p0 $0xFFFFFFFF  }
0x190: {  	v2 =	vimm.s32 $0x1;
	v3 =	vlaneseq.u32;
	p0 =	seq.s32 s4, $0xFFFFFFFF;
	v1 =	vmov s3  }
0x191: {  	s7 =	stileid.u32;
	v0 =	vperm.xlane v0, v2;
	p1 =	sne.s32 @!p0 s0, s2;
	v1 =	vperm.xlane v1, v3  }
0x192: {  	vm0 =	vcmask $0x3F04;
	s6 =	simm.s32 $0xF208;
	s0 =	simm.s32 @!p0 $0x1;
	p1 =	por !p1, p0  }
0x193: {  	s3 =	sshll.u32 s7, $0x1;
	s2 =	sshll.u32 @!p0 s4, $0x9;
	s0 =	simm.s32 @p1 $0x0;
	v0 =	vsel vm0, v1, v0  }
0x194: {  	s5 =	sor.u32 $0x1000, s3;
	s2 =	sshra.s32 @!p0 s2, $0x2;
	s0 =	sor.u32 @!p0 s0, s3;
	[tilespmem:$0xF208] =	vst v0  }
0x195: {  	[spmem:s5] =	stream.linear.scatter [tilespmem:s6], [sflag:$0x1], $0x2, $0x38;
	[tilespmem:$0x1F6E8] =	vst v63  }
0x196: {  	s2 =	sadd.s32 @!p0 $0x108, s2;
	s0 =	sshll.u32 @!p0 s0, $0x7  }
0x197: {  	[spmem:s0] =	stream.linear.scatter @!p0 [tilespmem:s2], [sflag:$0x1], $0x80, $0x38;
	[tilespmem:$0x1F6E8] =	vst v63  }
0x198: {  	s0 =	simm.s32 @!p0 $0x82  }
0x199: {  	s3 =	simm.s32 $0x1;
	s0 =	simm.s32 @p0 $0x2  }
0x19a: {  	_ =	swait.ge [sflag:s3], s0  }
0x19b: {  	s0 =	ssub.s32 $0x0, s0;
	[sflag:s3] =	ssyncset.done $0x0  }
0x19c: {  	[sflag:s3] =	ssyncadd.s32 s0  }
0x19d: {  	_ =	sfence.stream.spmem  }
0x19e: {  	s29 =	simm.s32 $0x3;
	[bflag:$0x0] =	sbarrier.arrive $0xFFFF  }
0x19f: {  	s30 =	simm.s32 $0x4;
	[sflag:s29] =	ssyncpa.u1 $0x1  }
0x1a0: {  	s31 =	simm.s32 $0x3C;
	[sflag:s30] =	ssyncpa.u1 $0x1  }
0x1a1: {  	p0 =	sne.s32 s7, $0x0;
	[sflag:s31] =	ssyncpa.u1 $0x1  }
0x1a2: {  	_ =	sfence @p0  }
0x1a3: {  	[sflag:s3] =	ssyncpa.u1 @p0 $0x1  }
0x1a4: {  	_ =	strace @p0 $0x9000005C  }
0x1a5: {  	[bflag:$0x2] =	sbarrier.arrive @p0 $0xFFFF  }
0x1a6: {  	_ =	shalt @p0  }
.LBB3_23:
0x1a7: {  	_ =	sfence.stream.spmem;
	s0 =	simm.s32 $0x5  }
0x1a8: {  	s2 =	simm.s32 $0x1000;
	s3 =	simm.s32 $0xF218;
	[sflag:s0] =	ssyncpa.u1 $0x0  }
0x1a9: {  	[tilespmem:s3], [sflag:$0x5] =	stream.linear.gather [spmem:s2], $0x20, $0x38;
	[tilespmem:$0x1F6E8] =	vst v63  }
0x1aa: {  	s30 =	simm.s32 $0xF238;
	s2 =	simm.s32 $0x0  }
0x1ab: {  	[tilespmem:s30], [sflag:$0x5] =	stream.linear.gather [spmem:s2], $0x1000, $0x38;
	[tilespmem:$0x1F6E8] =	vst v63  }
.Ltmp25:
0x1ac: {  	_ = 	snop;
	(pc) =	sbr.rel .LBB3_24-.Ltmp25, $4  }
0x1ad: {  	_ =	swait.ge [sflag:s0], $0x1020  }
0x1ae: {  	[sflag:s0] =	ssyncset.done $0x0  }
0x1af: {  	s31 =	simm.s32 $0x6;
	[sflag:s0] =	ssyncadd.s32 $0xFFFFEFE0  }
0x1b0: {  	s3 =	simm.s32 $0x0;
	[sflag:s31] =	ssyncpa.u1 $0x0  }
.LBB3_30:
0x1b1: {  	p0 =	slt.u32 s4, $0xC34F1  }
0x1b2: {  	s0 =	sand.u32 @p0 $0xFFFF8, s4  }
0x1b3: {  	s4 =	sand.u32 @p0 $0x7, s4;
	s5 =	simm.s32 @p0 $0xF188;
	s0 =	sadd.s32 @p0 s1, s0  }
0x1b4: {  	[tilespmem:s5], [sflag:$0x6] =	stream.linear.gather @p0 [hbm4b:s0+s4], $0x80, $0x38;
	[tilespmem:$0x1F6E8] =	vst v63  }
0x1b5: {  	s0 =	simm.s32 @p0 $0x6  }
0x1b6: {  	_ =	swait.ge @p0 [sflag:s0], $0x80  }
0x1b7: {  	[sflag:s0] =	ssyncset.done @p0 $0x0  }
0x1b8: {  	[sflag:s0] =	ssyncadd.s32 @p0 $0xFFFFFF80  }
0x1b9: {  	v1 =	vld @p0 [tilespmem:$0xF188];
	_ =	sdelay $0x2  }
0x1ba: {  	s0 =	sshll.u32 @p0 s3, $0x9  }
0x1bb: {  	s4 =	sshrl.u32 @p0 s0, $0x2  }
0x1bc: {  	[tilespmem:s4+$0xF238] =	vst.add.f32.msk @p0 $0xffff, v1  }
0x1bd: {  	v1 =	vld @p0 [tilespmem:$0xF198];
	_ =	sdelay $0x4  }
0x1be: {  	[tilespmem:s4+$0xF248] =	vst.add.f32.msk @p0 $0xffff, v1  }
0x1bf: {  	v1 =	vld @p0 [tilespmem:$0xF1A8];
	_ =	sdelay $0x4  }
0x1c0: {  	[tilespmem:s4+$0xF258] =	vst.add.f32.msk @p0 $0xffff, v1  }
0x1c1: {  	v1 =	vld @p0 [tilespmem:$0xF1B8];
	_ =	sdelay $0x4  }
0x1c2: {  	[tilespmem:s4+$0xF268] =	vst.add.f32.msk @p0 $0xffff, v1  }
0x1c3: {  	v1 =	vld @p0 [tilespmem:$0xF1C8];
	_ =	sdelay $0x4  }
0x1c4: {  	[tilespmem:s4+$0xF278] =	vst.add.f32.msk @p0 $0xffff, v1  }
0x1c5: {  	v1 =	vld @p0 [tilespmem:$0xF1D8];
	_ =	sdelay $0x4  }
0x1c6: {  	[tilespmem:s4+$0xF288] =	vst.add.f32.msk @p0 $0xffff, v1  }
0x1c7: {  	v1 =	vld @p0 [tilespmem:$0xF1E8];
	_ =	sdelay $0x4  }
0x1c8: {  	[tilespmem:s4+$0xF298] =	vst.add.f32.msk @p0 $0xffff, v1  }
0x1c9: {  	v1 =	vld @p0 [tilespmem:$0xF1F8];
	_ =	sdelay $0x3  }
0x1ca: {  	s5 =	sshll.u32 @!p0 s3, $0x9  }
0x1cb: {  	s5 =	smov.u32 @p0 s0;
	[tilespmem:s4+$0xF2A8] =	vst.add.f32.msk @p0 $0xffff, v1  }
0x1cc: {  	s0 =	sshrl.u32 s5, $0x2;
	[tilespmem:s2+$0xF218] =	vst.msk $0x1, v0  }
0x1cd: {  	v0 =	vld [tilespmem:s0+$0xF238];
	_ =	sdelay $0x2  }
0x1ce: {  	s31 =	sshll.u32 s2, $0x9  }
0x1cf: {  	s4 =	sshra.s32 s31, $0x2  }
0x1d0: {  	[tilespmem:s4+$0xF238] =	vst v0  }
0x1d1: {  	v0 =	vld [tilespmem:s0+$0xF248];
	_ =	sdelay $0x4  }
0x1d2: {  	[tilespmem:s4+$0xF248] =	vst v0  }
0x1d3: {  	v0 =	vld [tilespmem:s0+$0xF258];
	_ =	sdelay $0x4  }
0x1d4: {  	[tilespmem:s4+$0xF258] =	vst v0  }
0x1d5: {  	v0 =	vld [tilespmem:s0+$0xF268];
	_ =	sdelay $0x4  }
0x1d6: {  	[tilespmem:s4+$0xF268] =	vst v0  }
0x1d7: {  	v0 =	vld [tilespmem:s0+$0xF278];
	_ =	sdelay $0x4  }
0x1d8: {  	[tilespmem:s4+$0xF278] =	vst v0  }
0x1d9: {  	v0 =	vld [tilespmem:s0+$0xF288];
	_ =	sdelay $0x4  }
0x1da: {  	[tilespmem:s4+$0xF288] =	vst v0  }
0x1db: {  	v0 =	vld [tilespmem:s0+$0xF298];
	_ =	sdelay $0x4  }
0x1dc: {  	[tilespmem:s4+$0xF298] =	vst v0  }
0x1dd: {  	v0 =	vld [tilespmem:s0+$0xF2A8];
	_ =	sdelay $0x4  }
0x1de: {  	s2 =	sadd.s32 $0x1, s2;
	[tilespmem:s4+$0xF2A8] =	vst v0  }
.LBB3_31:
0x1df: {  	s3 =	sadd.s32 $0x1, s3  }
0x1e0: {  	p0 =	sne.s32 s3, $0x20  }
.Ltmp26:
0x1e1: {  	_ = 	snop;
	(pc) =	sbr.rel @!p0 .LBB3_32-.Ltmp26, $1  }
0x1e2: {  	_ =	sdelay $0x3  }
.LBB3_24:
0x1e3: {  	v0 =	vld.msk [tilespmem:s3+$0xF218], $0x1;
	_ =	sdelay $0x4  }
0x1e4: {  	(v2sf) =	vpush v0, $0x0;
	_ =	sdelay $0xe  }
0x1e5: {  	s4 =	spop (v2sf)  }
0x1e6: {  	p0 =	seq.s32 s4, $0xFFFFFFFF  }
.Ltmp27:
0x1e7: {  	_ = 	snop;
	(pc) =	sbr.rel @p0 .LBB3_31-.Ltmp27, $1  }
0x1e8: {  	_ =	sdelay $0x3  }
0x1e9: {  	p0 =	slt.s32 s2, $0x1  }
.Ltmp28:
0x1ea: {  	_ = 	snop;
	(pc) =	sbr.rel @p0 .LBB3_30-.Ltmp28, $1  }
0x1eb: {  	_ =	sdelay $0x3  }
0x1ec: {  	s5 =	simm.s32 $0xF218;
	p0 =	por $0x0, $0x0  }
0x1ed: {  	v1 =	vld.msk @!p0 [tilespmem:s5+$0x0], $0x1;
	_ =	sdelay $0x4  }
0x1ee: {  	(v2sf) =	vpush @!p0 v1, $0x0;
	_ =	sdelay $0xd  }
0x1ef: {  	p2 =	sne.s32 s2, $0x1  }
.Ltmp29:
0x1f0: {  	s0 =	spop @!p0 (v2sf);
	(pc) =	sbr.rel @!p2 .LBB3_28-.Ltmp29, $4  }
0x1f1: {  	p1 =	seq.s32 @!p0 s4, s0  }
0x1f2: {  	s6 =	simm.s32 $0x0;
	p1 =	por !p1, p0  }
0x1f3: {  	s0 =	simm.s32 $0xFFFFFFFF;
	s6 =	simm.s32 @p1 $0xFFFFFFFF  }
0x1f4: {  	s7 =	simm.s32 $0x1;
	s6 =	smov.u32 @p0 s0  }
.LBB3_27:
0x1f5: {  	s0 =	smov.u32 s6;
	p0 =	sne.s32 s6, $0xFFFFFFFF  }
0x1f6: {  	s5 =	sadd.s32 $0x1, s5;
	s6 =	smov.u32 s7;
	s7 =	sadd.s32 $0x1, s7  }
0x1f7: {  	p1 =	sne.s32 s2, s7;
	v1 =	vld.msk @!p0 [tilespmem:s5+$0x0], $0x1;
	_ =	sdelay $0x4  }
0x1f8: {  	(v2sf) =	vpush @!p0 v1, $0x0;
	_ =	sdelay $0xe  }
.Ltmp30:
0x1f9: {  	s8 =	spop @!p0 (v2sf);
	(pc) =	sbr.rel @p1 .LBB3_27-.Ltmp30, $4  }
0x1fa: {  	p2 =	seq.s32 @!p0 s4, s8  }
0x1fb: {  	p2 =	por !p2, p0  }
0x1fc: {  	s6 =	simm.s32 @p2 $0xFFFFFFFF  }
0x1fd: {  	s6 =	smov.u32 @p0 s0  }
.LBB3_28:
0x1fe: {  	p0 =	seq.s32 s6, $0xFFFFFFFF  }
.Ltmp31:
0x1ff: {  	_ = 	snop;
	(pc) =	sbr.rel @p0 .LBB3_30-.Ltmp31, $1  }
0x200: {  	_ =	sdelay $0x3  }
0x201: {  	s0 =	sshll.u32 s3, $0x7  }
0x202: {  	s0 =	sand.u32 $0x3FFFFF80, s0  }
0x203: {  	v0 =	vld [tilespmem:s0+$0xF238];
	_ =	sdelay $0x2  }
0x204: {  	s4 =	sshll.u32 s6, $0x9  }
0x205: {  	s4 =	sshra.s32 s4, $0x2  }
0x206: {  	[tilespmem:s4+$0xF238] =	vst.add.f32.msk $0xffff, v0  }
0x207: {  	v0 =	vld [tilespmem:s0+$0xF248];
	_ =	sdelay $0x4  }
0x208: {  	[tilespmem:s4+$0xF248] =	vst.add.f32.msk $0xffff, v0  }
0x209: {  	v0 =	vld [tilespmem:s0+$0xF258];
	_ =	sdelay $0x4  }
0x20a: {  	[tilespmem:s4+$0xF258] =	vst.add.f32.msk $0xffff, v0  }
0x20b: {  	v0 =	vld [tilespmem:s0+$0xF268];
	_ =	sdelay $0x4  }
0x20c: {  	[tilespmem:s4+$0xF268] =	vst.add.f32.msk $0xffff, v0  }
0x20d: {  	v0 =	vld [tilespmem:s0+$0xF278];
	_ =	sdelay $0x4  }
0x20e: {  	[tilespmem:s4+$0xF278] =	vst.add.f32.msk $0xffff, v0  }
0x20f: {  	v0 =	vld [tilespmem:s0+$0xF288];
	_ =	sdelay $0x4  }
0x210: {  	[tilespmem:s4+$0xF288] =	vst.add.f32.msk $0xffff, v0  }
0x211: {  	v0 =	vld [tilespmem:s0+$0xF298];
	_ =	sdelay $0x4  }
0x212: {  	[tilespmem:s4+$0xF298] =	vst.add.f32.msk $0xffff, v0  }
0x213: {  	v0 =	vld [tilespmem:s0+$0xF2A8]  }
.Ltmp32:
0x214: {  	_ = 	snop;
	(pc) =	sbr.rel .LBB3_31-.Ltmp32, $2  }
0x215: {  	_ =	sdelay $0x2  }
0x216: {  	[tilespmem:s4+$0xF2A8] =	vst.add.f32.msk $0xffff, v0  }
.LBB3_32:
0x217: {  	p0 =	slt.s32 s2, $0x1  }
.Ltmp33:
0x218: {  	_ = 	snop;
	(pc) =	sbr.rel @p0 .LBB3_36-.Ltmp33, $3  }
0x219: {  	_ =	sdelay $0x1  }
0x21a: {  	s0 =	simm.s32 $0x6  }
0x21b: {  	s3 =	simm.s32 $0x0;
	[sflag:s0] =	ssyncpa.u1 $0x1  }
0x21c: {  	s0 =	simm.s32 $0xF218  }
0x21d: {  	v0 =	vld.msk [tilespmem:s0+$0x0], $0x1;
	_ =	sdelay $0x4  }
0x21e: {  	(v2sf) =	vpush v0, $0x0;
	_ =	sdelay $0xd  }
0x21f: {  	s2 =	sadd.s32 $0xFFFFFFFF, s2  }
0x220: {  	p1 =	sne.s32 s2, $0x0;
	s0 =	spop (v2sf)  }
.Ltmp34:
0x221: {  	p0 =	sgt.u32 s0, $0xC34F0;
	(pc) =	sbr.rel @!p1 .LBB3_35-.Ltmp34, $4  }
0x222: {  	s4 =	simm.s32 $0xF238;
	s5 =	sand.u32 @!p0 $0xFFFF8, s0  }
0x223: {  	s6 =	simm.s32 $0x0;
	s0 =	sand.u32 @!p0 $0x7, s0;
	s5 =	sadd.s32 @!p0 s1, s5  }
0x224: {  	[hbm4b:s5+s0] =	stream.linear.scatter @!p0 [tilespmem:s4], [sflag:$0x5], $0x80, $0x38;
	[tilespmem:$0x1F6E8] =	vst v63  }
0x225: {  	s6 =	simm.s32 @!p0 $0x200;
	s5 =	simm.s32 $0xF219  }
.LBB3_34:
0x226: {  	v0 =	vld.msk [tilespmem:s5+$0x0], $0x1;
	s2 =	sadd.s32 $0xFFFFFFFF, s2;
	s3 =	sadd.s32 s3, s6  }
0x227: {  	p0 =	sne.s32 s2, $0x0;
	_ =	sdelay $0x3  }
0x228: {  	(v2sf) =	vpush v0, $0x0;
	_ =	sdelay $0xe  }
.Ltmp35:
0x229: {  	s0 =	spop (v2sf);
	(pc) =	sbr.rel @p0 .LBB3_34-.Ltmp35, $4  }
0x22a: {  	s6 =	simm.s32 $0x0;
	p1 =	sgt.u32 s0, $0xC34F0  }
0x22b: {  	s4 =	sadd.s32 $0x80, s4;
	s6 =	simm.s32 @!p1 $0x200;
	s7 =	sand.u32 @!p1 $0xFFFF8, s0  }
0x22c: {  	s5 =	sadd.s32 $0x1, s5;
	s0 =	sand.u32 @!p1 $0x7, s0;
	s7 =	sadd.s32 @!p1 s1, s7  }
0x22d: {  	[hbm4b:s7+s0] =	stream.linear.scatter @!p1 [tilespmem:s4], [sflag:$0x5], $0x80, $0x38;
	[tilespmem:$0x1F6E8] =	vst v63  }
.LBB3_35:
0x22e: {  	s0 =	sadd.s32 s3, s6  }
0x22f: {  	s3 =	sshrl.u32 s0, $0x2  }
.LBB3_36:
0x230: {  	s0 =	simm.s32 $0x5  }
0x231: {  	_ =	swait.ge [sflag:s0], s3  }
0x232: {  	s1 =	ssub.s32 $0x0, s3;
	[sflag:s0] =	ssyncset.done $0x0  }
0x233: {  	[sflag:s0] =	ssyncadd.s32 s1  }
0x234: {  	[sflag:s0] =	ssyncpa.u1 $0x1  }
0x235: {  	s30 =	simm.s32 $0x1;
	_ =	sfence  }
0x236: {  	[sflag:s30] =	ssyncpa.u1 $0x1  }
0x237: {  	_ =	strace $0x9000005C  }
0x238: {  	[bflag:$0x2] =	sbarrier.arrive $0xFFFF  }
0x239: {  	s31 =	rddreg [dreg:$0x1]  }
0x23a: {  	s0 =	sadd.s32 $0x100000, s31  }
0x23b: {  	[sflag:s0] =	ssyncadd.tile.s32 $0x1;
	_ =	shalt  }
.Lfunc_end3:
_tile_overlayer_lowered:
.L_overlay_start_3:
0x23c: {  	(tag) =	ssettag $0x3  }
0x23d: {  	s0 =	rddreg [dreg:$0x0];
	s2 =	stileid.u32  }
0x23e: {  	s1 =	rddreg [dreg:$0x1];
	p0 =	sne.s32 s2, $0x0  }
0x23f: {  	s3 =	rddreg [dreg:$0x2];
	[bflag:$0x3] =	sbarrier.arrive $0xFFFF;
	s2 =	simm.s32 @!p0 $0x1C01  }
0x240: {  	[timem:s3], [sflag:s2] =	dma.local @!p0 [hbm:s0], s1  }
0x241: {  	s0 =	simm.s32 @!p0 $0x1  }
0x242: {  	_ =	swait.ge @!p0 [sflag:s0], s1  }
0x243: {  	s1 =	ssub.s32 @!p0 $0x0, s1;
	[sflag:s0] =	ssyncset.done @!p0 $0x0  }
0x244: {  	[sflag:s0] =	ssyncadd.s32 @!p0 s1  }
0x245: {  	[bflag:$0x3] =	sbarrier.arrive $0xFFFF  }
0x246: {  	_ =	shalt  }

// kernel: scatter_offload_async_start.4
scs
__scs_entry_jumppad:
0x0: {  	(pc) =	sbr.rel $0x88, $3  }
0x1: {  	(tag) =	ssettag $0x0;
	lr =	simm.s32 $0x1  }
0x2: {  	[smem:$0x3F96] =	sst lr;
	_ =	strace $0xD0000000  }
0x3: {  	_ = 	snop  }
0x4: {  	_ = 	snop  }
0x5: {  	_ = 	snop  }
0x6: {  	_ = 	snop  }
0x7: {  	_ = 	snop  }
__scs_overlays_trampoline_lowered:
0x8: {  	[smem:$0x3FA5] =	sst s0  }
0x9: {  	[smem:$0x3FA6] =	sst s1  }
0xa: {  	[smem:$0x3FA7] =	sst s2  }
0xb: {  	[smem:$0x3FA8] =	sst s3  }
0xc: {  	[smem:$0x3FA9] =	sst s4  }
0xd: {  	[smem:$0x3FAA] =	sst s5  }
0xe: {  	[smem:$0x3FAB] =	sst s6  }
0xf: {  	[smem:$0x3FAC] =	sst s7  }
0x10: {  	[smem:$0x3FAD] =	sst s8  }
0x11: {  	[smem:$0x3FAE] =	sst s9;
	s0 =	simm.s32 @!p0 $0x0  }
0x12: {  	s1 =	sld [smem:$0x3F94];
	s0 =	simm.s32 @p0 $0x1  }
0x13: {  	[smem:$0x3FAF] =	sst s0;
	s0 =	simm.s32 @!p1 $0x0  }
0x14: {  	s2 =	sld [smem:$0x3F93];
	s0 =	simm.s32 @p1 $0x1  }
0x15: {  	[smem:$0x3FB0] =	sst s0;
	s0 =	simm.s32 @!p2 $0x0  }
0x16: {  	s3 =	sld [smem:$0x3FDB];
	s0 =	simm.s32 @p2 $0x1  }
0x17: {  	s4 =	simm.s32 $0x1BF5;
	[smem:$0x3FB2] =	sst s0  }
0x18: {  	s0 =	sld [smem:$0x3F95];
	_ =	swait.ge [sflag:s4], $0x0  }
0x19: {  	s7 =	sld [smem:$0x3F96]  }
0x1a: {  	s8 =	sadd.s32 $0xFFFFE003, lr  }
0x1b: {  	s9 =	sadd.s32 $0xFFFFFEF7, lr;
	s5 =	simm.s32 $0xFFFFFFFF;
	p2 =	slt.u32 s8, $0xFFFFF086  }
0x1c: {  	p1 =	slt.u32 s9, $0xF7A;
	s5 =	simm.s32 @!p2 $0x0  }
0x1d: {  	s5 =	simm.s32 @p1 $0x1;
	p0 =	seq.s32 s7, s2  }
0x1e: {  	s7 =	smul.u32 @!p0 $0xF7A, s2;
	p2 =	seq.s32 @!p0 s5, $0x0  }
0x1f: {  	s9 =	smul.u32 $0xF7A, s1;
	s8 =	simm.s32 @!p0 $0x1BF5;
	p2 =	por !p2, p0  }
0x20: {  	[sflag:s8] =	ssyncset.s32 @!p0 $0xFFFFF086;
	s6 =	sadd.s32 @!p0 s3, s7;
	s7 =	simm.s32 @!p0 $0x108  }
0x21: {  	s3 =	sadd.s32 s3, s9;
	s6 =	sadd.s32 @!p0 $0x88, s6;
	s7 =	simm.s32 @p2 $0x1082  }
0x22: {  	[simem:s7], [sflag:s8] =	dma.local @!p0 [hbm:s6], $0xF7A  }
0x23: {  	s9 =	sor.u32 $0xD0000000, s2;
	s6 =	simm.s32 $0x108;
	_ =	swait.ge @!p0 [sflag:s8], $0x0  }
0x24: {  	s3 =	sadd.s32 $0x88, s3;
	s6 =	simm.s32 @!p1 $0x1082;
	[sflag:s4] =	ssyncset.s32 $0xFFFFF086  }
0x25: {  	[simem:s6], [sflag:s4] =	dma.local [hbm:s3], $0xF7A  }
0x26: {  	[smem:$0x3F96] =	sst s1;
	(tag) =	ssettag s2;
	_ =	strace s9  }
0x27: {  	s1 =	sld [smem:$0x3FA6]  }
0x28: {  	s2 =	sld [smem:$0x3FA7]  }
0x29: {  	s4 =	sld [smem:$0x3FA9]  }
0x2a: {  	p0 =	seq.s32 s5, $0x0;
	s5 =	sld [smem:$0x3FAA]  }
0x2b: {  	s6 =	sld [smem:$0x3FAB]  }
0x2c: {  	s7 =	sld [smem:$0x3FAC]  }
0x2d: {  	s3 =	simm.s32 $0x108;
	s8 =	sld [smem:$0x3FAD]  }
0x2e: {  	s3 =	simm.s32 @!p0 $0x1082;
	s9 =	sld [smem:$0x3FAE]  }
0x2f: {  	lr =	sadd.s32 s0, s3;
	s0 =	sld [smem:$0x3FA5]  }
0x30: {  	s3 =	sld [smem:$0x3FA8]  }
0x31: {  	[smem:$0x3FB1] =	sst s10  }
0x32: {  	s10 =	sld [smem:$0x3FAF];
	_ =	sdelay $0x3  }
0x33: {  	p0 =	seq.s32 s10, $0x1;
	s10 =	sld [smem:$0x3FB1];
	_ =	sdelay $0x3  }
0x34: {  	[smem:$0x3FB1] =	sst s10  }
0x35: {  	s10 =	sld [smem:$0x3FB0];
	_ =	sdelay $0x3  }
0x36: {  	p1 =	seq.s32 s10, $0x1;
	s10 =	sld [smem:$0x3FB1];
	_ =	sdelay $0x3  }
0x37: {  	[smem:$0x3FB1] =	sst s10  }
0x38: {  	s10 =	sld [smem:$0x3FB2]  }
0x39: {  	_ = 	snop;
	(pc) =	sbr.ind lr, $3  }
0x3a: {  	_ = 	snop  }
0x3b: {  	_ = 	snop  }
0x3c: {  	p2 =	seq.s32 s10, $0x1;
	s10 =	sld [smem:$0x3FB1]  }
0x3d: {  	_ =	shalt  }
0x3e: {  	_ =	shalt  }
0x3f: {  	_ =	shalt  }
0x40: {  	_ =	shalt  }
0x41: {  	_ =	shalt  }
0x42: {  	_ =	shalt  }
0x43: {  	_ =	shalt  }
0x44: {  	_ =	shalt  }
0x45: {  	_ =	shalt  }
0x46: {  	_ =	shalt  }
0x47: {  	_ =	shalt  }
0x48: {  	_ =	shalt  }
0x49: {  	_ =	shalt  }
0x4a: {  	_ =	shalt  }
0x4b: {  	_ =	shalt  }
0x4c: {  	_ =	shalt  }
0x4d: {  	_ =	shalt  }
0x4e: {  	_ =	shalt  }
0x4f: {  	_ =	shalt  }
0x50: {  	_ =	shalt  }
0x51: {  	_ =	shalt  }
0x52: {  	_ =	shalt  }
0x53: {  	_ =	shalt  }
0x54: {  	_ =	shalt  }
0x55: {  	_ =	shalt  }
0x56: {  	_ =	shalt  }
0x57: {  	_ =	shalt  }
0x58: {  	_ =	shalt  }
0x59: {  	_ =	shalt  }
0x5a: {  	_ =	shalt  }
0x5b: {  	_ =	shalt  }
0x5c: {  	_ =	shalt  }
0x5d: {  	_ =	shalt  }
0x5e: {  	_ =	shalt  }
0x5f: {  	_ =	shalt  }
0x60: {  	_ =	shalt  }
0x61: {  	_ =	shalt  }
0x62: {  	_ =	shalt  }
0x63: {  	_ =	shalt  }
0x64: {  	_ =	shalt  }
0x65: {  	_ =	shalt  }
0x66: {  	_ =	shalt  }
0x67: {  	_ =	shalt  }
0x68: {  	_ =	shalt  }
0x69: {  	_ =	shalt  }
0x6a: {  	_ =	shalt  }
0x6b: {  	_ =	shalt  }
0x6c: {  	_ =	shalt  }
0x6d: {  	_ =	shalt  }
0x6e: {  	_ =	shalt  }
0x6f: {  	_ =	shalt  }
0x70: {  	_ =	shalt  }
0x71: {  	_ =	shalt  }
0x72: {  	_ =	shalt  }
0x73: {  	_ =	shalt  }
0x74: {  	_ =	shalt  }
0x75: {  	_ =	shalt  }
0x76: {  	_ =	shalt  }
0x77: {  	_ =	shalt  }
0x78: {  	_ =	shalt  }
0x79: {  	_ =	shalt  }
0x7a: {  	_ =	shalt  }
0x7b: {  	_ =	shalt  }
0x7c: {  	_ =	shalt  }
0x7d: {  	_ =	shalt  }
0x7e: {  	_ =	shalt  }
0x7f: {  	_ =	shalt  }
0x80: {  	_ =	shalt  }
0x81: {  	_ =	shalt  }
0x82: {  	_ =	shalt  }
0x83: {  	_ =	shalt  }
0x84: {  	_ =	shalt  }
0x85: {  	_ =	shalt  }
0x86: {  	_ =	shalt  }
0x87: {  	_ =	shalt  }
.Lfunc_end0:
.L_simem_size_0:
called_computation.4_lowered:
.L_overlay_start_0:
0x88: {  	s0 =	sld [smem:$0x3FD9]  }
0x89: {  	s1 =	sld [smem:$0x3FFE];
	_ =	sdelay $0x3  }
0x8a: {  	s0 =	sadd.s32 s1, s0  }
0x8b: {  	[smem:$0x3FBD] =	sst s0  }
0x8c: {  	_ = 	snop  }
0x8d: {  	(tm) =	ssettm $0x1  }
0x8e: {  	s14 =	sld [smem:$0x3FFB];
	_ =	sdelay $0x3  }
0x8f: {  	_ =	strace s14  }
0x90: {  	s0 =	sld [smem:$0x3FFC];
	_ =	sdelay $0x3  }
0x91: {  	_ =	strace s0  }
0x92: {  	s0 =	sld [smem:$0x3FFD];
	_ =	sdelay $0x3  }
0x93: {  	_ =	strace s0  }
0x94: {  	_ =	strace $0x8FFFFFFF  }
0x95: {  	s15 =	sld [smem:$0x3FDB];
	_ =	sdelay $0x1  }
0x96: {  	s16 =	simm.s32 $_scs_section_size  }
0x97: {  	s2 =	simm.s32 $_size__tile_overlayer_lowered;
	s3 =	simm.s32 $_tile_overlayer_lowered  }
0x98: {  	s4 =	simm.s32 $0x1BFF;
	s17 =	sshll.u32 s3, $0x1;
	s1 =	sadd.s32 s16, s15  }
0x99: {  	s18 =	simm.s32 $0x0;
	s2 =	sshll.u32 s2, $0x1;
	s3 =	sadd.s32 s17, s1  }
0x9a: {  	[timem:s18], [sflag:s4] =	dma.local [hbm:s3], s2  }
0x9b: {  	_ =	swait.ge [sflag:s4], s2  }
0x9c: {  	s2 =	ssub.s32 $0x0, s2;
	[sflag:s4] =	ssyncset.done $0x0  }
0x9d: {  	[sflag:s4] =	ssyncadd.s32 s2;
	_ =	sdelay $0x1  }
0x9e: {  	s19 =	simm.s32 $0x1B8B  }
0x9f: {  	_ =	swait.ge [sflag:s19], $0x1  }
0xa0: {  	[sflag:s19] =	ssyncset.done $0x0  }
0xa1: {  	s21 =	simm.s32 $0x1B8E;
	s20 =	sld [smem:$0x3FFE];
	[sflag:s19] =	ssyncadd.s32 $0xFFFFFFFF  }
0xa2: {  	s22 =	simm.s32 $execute0_lowered;
	[smem:$0x3FD2] =	sst s21  }
0xa3: {  	s3 =	sshll.u32 s22, $0x1;
	_ =	strace $0x8000005E;
	[dreg:$0x1] =	wrdreg $0xFFFFFFFF  }
0xa4: {  	s23 =	simm.s32 $_size_execute0_lowered;
	s3 =	sadd.s32 s1, s3;
	[dreg:$0x0] =	wrdreg $0x0  }
0xa5: {  	s4 =	sshll.u32 s23, $0x1;
	[dreg:$0x2] =	wrdreg s3  }
0xa6: {  	[dreg:$0x3] =	wrdreg s4  }
0xa7: {  	[dreg:$0x4] =	wrdreg $0xC0  }
0xa8: {  	s24 =	simm.s32 $execute1_lowered;
	_ =	task [dreg:s18], $0x5FFFF  }
0xa9: {  	s3 =	sshll.u32 s24, $0x1;
	[dreg:$0x1] =	wrdreg $0xFFFFFFFF  }
0xaa: {  	s1 =	sadd.s32 s1, s3;
	[dreg:$0x0] =	wrdreg $0x60  }
0xab: {  	[dreg:$0x2] =	wrdreg s1  }
0xac: {  	[dreg:$0x3] =	wrdreg s20  }
0xad: {  	[dreg:$0x4] =	wrdreg $0x9  }
0xae: {  	_ =	task.clear_ibuf [dreg:s18], $0x5FFFF;
	_ =	strace $0x9000005E  }
0xaf: {  	s25 =	simm.s32 $0x9;
	_ =	strace $0x80000060  }
0xb0: {  	_ =	swait.ge [sflag:s25], $0x1  }
0xb1: {  	[sflag:s25] =	ssyncadd.s32 $0xFFFFFFFF  }
0xb2: {  	_ =	strace $0x90000060  }
0xb3: {  	_ =	strace $0x80000061;
	[dreg:$0x1] =	wrdreg $0xFFFFFFFF  }
0xb4: {  	[dreg:$0x0] =	wrdreg $0x2030  }
0xb5: {  	[dreg:$0x2] =	wrdreg s20  }
0xb6: {  	[dreg:$0x3] =	wrdreg $0xA  }
0xb7: {  	_ =	task.clear_ibuf [dreg:s18], $0x4FFFF;
	_ =	strace $0x90000061  }
0xb8: {  	s26 =	simm.s32 $0xA;
	_ =	strace $0x80000063  }
0xb9: {  	_ =	swait.ge [sflag:s26], $0x1  }
0xba: {  	[sflag:s26] =	ssyncadd.s32 $0xFFFFFFFF  }
0xbb: {  	_ =	strace $0x90000063  }
0xbc: {  	_ =	sfence  }
0xbd: {  	s28 =	sld [smem:$0x0];
	_ =	sdelay $0x1  }
0xbe: {  	s29 =	srdreg.scid  }
0xbf: {  	s30 =	sshll.u32 s29, $0xD;
	s31 =	sshrl.u32 s29, $0x2  }
0xc0: {  	s2 =	sand.u32 $0x1, s29;
	s3 =	sand.u32 $0x4000, s30;
	s1 =	sadd.s32 s31, s28  }
0xc1: {  	s2 =	sor.u32 s3, s2;
	s1 =	sshll.u32 s1, $0x11  }
0xc2: {  	s1 =	sor.u32 s1, s2  }
0xc3: {  	s1 =	sadd.s32 $0x8F2B, s1  }
0xc4: {  	[sflag:s1] =	ssyncadd.remote.s32 $0x1  }
0xc5: {  	_ =	sfence.sel $0xFFFF  }
0xc6: {  	[dreg:$0x0] =	wrdreg $0xFFFFFFFF;
	(pc) =	sbr.abs _section_cstart, $3  }
0xc7: {  	[dreg:$0x1] =	wrdreg $0xFFFFFFFF  }
0xc8: {  	_ =	task.clear_ibuf [dreg:s18], $0x2FFFF;
	_ =	strace $0x9FFFFFFF  }
0xc9: {  	(tm) =	ssettm $0x7FFFFFFF  }
tec
execute0_lowered:
.L_overlay_start_1:
0x0: {  	(tag) =	ssettag $0x1  }
0x1: {  	s2 =	rddreg [dreg:$0x0]  }
0x2: {  	s4 =	rddreg [dreg:$0x1]  }
0x3: {  	s0 =	rddreg [dreg:$0x2]  }
0x4: {  	s3 =	stileid.u32;
	[bflag:$0x3] =	sbarrier.arrive $0xFFFF;
	s1 =	simm.s32 $_size_execute1_lowered  }
0x5: {  	s7 =	simm.s32 $0x2;
	s8 =	simm.s32 $0x0;
	s12 =	simm.s32 $0x0  }
0x6: {  	s10 =	simm.s32 $0x0;
	s11 =	simm.s32 $0x0;
	p0 =	sne.s32 s3, $0x0  }
0x7: {  	s1 =	sshll.u32 s1, $0x1;
	s3 =	sshll.u32 s3, $0x7;
	s5 =	simm.s32 @!p0 $0x1C3F  }
.Ltmp0:
0x8: {  	s6 =	simm.s32 @!p0 $0x4060;
	s31 =	ssub.s32 $0xC300, s3;
	(pc) =	sbr.rel .LBB2_1-.Ltmp0, $4  }
0x9: {  	[timem:s6], [sflag:s5] =	dma.local @!p0 [hbm:s2], s1  }
0xa: {  	s9 =	smov.u32 s3;
	s5 =	simm.s32 $0x1;
	_ =	strace $0x8000005F  }
0xb: {  	s2 =	sadd.s32 $0x4DD000, s4;
	s6 =	sshrl.u32 s31, $0xB;
	[sflag:s5] =	ssyncpa.u1 $0x0  }
0xc: {  	s4 =	sadd.s32 $0x5A0600, s4;
	[sflag:s7] =	ssyncpa.u1 $0x0;
	s7 =	sadd.s32 $0x2, s6  }
.LBB2_4:
0xd: {  	_ = 	snop  }
.LBB2_7:
0xe: {  	_ =	sdelay $0x3  }
0xf: {  	[tilespmem:v0+s16+$0x0 ss:$0x1] =	vst.idx.msk @p1 $0xffff, v2  }
0x10: {  	v56 =	vld.idx.msk [tilespmem:v1+s15+$0x0 ss:$0x1], $0xffff;
	s24 =	sor.u32 $0x70, s15;
	[tilespmem:v0+s17+$0x0 ss:$0x1] =	vst.idx.msk @p1 $0xffff, v4  }
0x11: {  	s25 =	sor.u32 $0x10, s15;
	[tilespmem:v0+s18+$0x0 ss:$0x1] =	vst.idx.msk @p1 $0xffff, v3;
	v57 =	vld.idx.msk [tilespmem:v1+s24+$0x0 ss:$0x1], $0xffff  }
0x12: {  	s26 =	sor.u32 $0x20, s15;
	[tilespmem:v0+s19+$0x0 ss:$0x1] =	vst.idx.msk @p1 $0xffff, v5;
	v58 =	vld.idx.msk [tilespmem:v1+s25+$0x0 ss:$0x1], $0xffff  }
0x13: {  	s28 =	sor.u32 $0x30, s15;
	[tilespmem:v0+s20+$0x0 ss:$0x1] =	vst.idx.msk @p1 $0xffff, v6;
	v59 =	vld.idx.msk [tilespmem:v1+s26+$0x0 ss:$0x1], $0xffff  }
0x14: {  	s29 =	sor.u32 $0x40, s15;
	[tilespmem:v0+s21+$0x0 ss:$0x1] =	vst.idx.msk @p1 $0xffff, v7;
	v60 =	vld.idx.msk [tilespmem:v1+s28+$0x0 ss:$0x1], $0xffff  }
0x15: {  	s30 =	sor.u32 $0x50, s15;
	v61 =	vld.idx.msk [tilespmem:v1+s29+$0x0 ss:$0x1], $0xffff;
	[tilespmem:v0+s15+$0x0 ss:$0x1] =	vst.idx.msk $0xffff, v56  }
0x16: {  	s31 =	sor.u32 $0x60, s15;
	v62 =	vld.idx.msk [tilespmem:v1+s30+$0x0 ss:$0x1], $0xffff;
	[tilespmem:v0+s24+$0x0 ss:$0x1] =	vst.idx.msk $0xffff, v57  }
0x17: {  	v63 =	vld.idx.msk [tilespmem:v1+s31+$0x0 ss:$0x1], $0xffff;
	[tilespmem:v0+s25+$0x0 ss:$0x1] =	vst.idx.msk $0xffff, v58  }
0x18: {  	[tilespmem:v0+s26+$0x0 ss:$0x1] =	vst.idx.msk $0xffff, v59  }
0x19: {  	[tilespmem:v0+s28+$0x0 ss:$0x1] =	vst.idx.msk $0xffff, v60  }
0x1a: {  	[tilespmem:v0+s29+$0x0 ss:$0x1] =	vst.idx.msk $0xffff, v61  }
0x1b: {  	[tilespmem:v0+s30+$0x0 ss:$0x1] =	vst.idx.msk $0xffff, v62  }
0x1c: {  	[tilespmem:v0+s31+$0x0 ss:$0x1] =	vst.idx.msk $0xffff, v63  }
.LBB2_8:
0x1d: {  	s15 =	sand.u32 $0x1FFFFFF, s10  }
0x1e: {  	s16 =	smulhi.u32 $0x14F8B59, s15;
	_ =	sdelay $0x1  }
0x1f: {  	s16 =	sshrl.u32 s16, $0x8  }
0x20: {  	s16 =	smul.u32 $0xC350, s16;
	_ =	sdelay $0x1  }
0x21: {  	s15 =	ssub.s32 s15, s16  }
0x22: {  	s15 =	sshll.u32 s15, $0x4  }
0x23: {  	s15 =	sadd.s32 s4, s15  }
0x24: {  	[hbm4b:s15+s8] =	stream.linear.scatter [tilespmem:s14], [sflag:$0x2], s13, $0x38;
	[tilespmem:$0x10000] =	vst v63  }
.LBB2_9:
0x25: {  	p1 =	slt.u32 s11, $0x2  }
0x26: {  	p2 =	sgt.s32 @!p1 s12, $0xC2D0  }
0x27: {  	s13 =	smov.u32 s12;
	s14 =	sshra.s32 @!p1 s12, $0x1F;
	p2 =	por !p2, p1  }
0x28: {  	s12 =	sand.u32 @!p1 s14, s12;
	s13 =	simm.s32 @p2 $0xC2D0  }
0x29: {  	s12 =	ssub.s32 @!p1 s13, s12  }
0x2a: {  	s12 =	sadd.s32 @!p1 $0xFFFF3D30, s12  }
0x2b: {  	s13 =	sshll.u32 @!p1 s12, $0x9  }
0x2c: {  	p2 =	sgt.s32 @!p1 s12, $0x7F;
	s12 =	ssub.s32 @!p1 $0x10000, s13  }
0x2d: {  	s14 =	sadd.s32 $0x800, s9;
	p2 =	por !p2, p1;
	s12 =	sshrl.u32 @!p1 s12, $0x2  }
0x2e: {  	s12 =	simm.s32 @!p2 $0x0;
	p2 =	sgt.s32 s14, $0xC34F  }
0x2f: {  	s14 =	smov.u32 @p2 s3;
	p2 =	sne.s32 s11, s7  }
.Ltmp1:
0x30: {  	_ = 	snop;
	(pc) =	sbr.rel @!p2 .LBB2_10-.Ltmp1, $4  }
0x31: {  	s13 =	simm.s32 @!p1 $0x2  }
0x32: {  	_ =	swait.ge @!p1 [sflag:s13], s12;
	s15 =	ssub.s32 @!p1 $0x0, s12  }
0x33: {  	s12 =	smov.u32 s10;
	s11 =	sadd.s32 $0x1, s11;
	[sflag:s13] =	ssyncset.done @!p1 $0x0  }
0x34: {  	s10 =	smov.u32 s9;
	s9 =	smov.u32 s14;
	[sflag:s13] =	ssyncadd.s32 @!p1 s15  }
.LBB2_1:
0x35: {  	p1 =	sgt.u32 s11, s6  }
0x36: {  	s13 =	sand.u32 @!p1 $0x1FFFFFF, s9  }
0x37: {  	p2 =	sgt.s32 @!p1 s9, $0xC2D0;
	s14 =	smulhi.u32 @!p1 $0x14F8B59, s13  }
0x38: {  	s15 =	smov.u32 s9;
	s16 =	sshra.s32 @!p1 s9, $0x1F;
	p2 =	por !p2, p1  }
0x39: {  	s16 =	sand.u32 @!p1 s16, s9;
	s15 =	simm.s32 @p2 $0xC2D0;
	s14 =	sshrl.u32 @!p1 s14, $0x8  }
0x3a: {  	s15 =	ssub.s32 @!p1 s15, s16;
	s14 =	smul.u32 @!p1 $0xC350, s14  }
0x3b: {  	s16 =	sxor.u32 @!p1 $0xFFFFFFFF, s11;
	s15 =	sadd.s32 @!p1 $0xFFFF3D30, s15  }
0x3c: {  	s16 =	sshll.u32 @!p1 s16, $0xE;
	s13 =	ssub.s32 @!p1 s13, s14;
	s14 =	sshll.u32 @!p1 s15, $0x9  }
0x3d: {  	s16 =	sand.u32 @!p1 $0x4000, s16;
	p2 =	sgt.s32 @!p1 s15, $0x7F;
	s14 =	ssub.s32 @!p1 $0x10000, s14  }
0x3e: {  	p2 =	por !p2, p1;
	s13 =	sshll.u32 @!p1 s13, $0x4;
	s14 =	sshrl.u32 @!p1 s14, $0x2  }
0x3f: {  	s15 =	simm.s32 @!p1 $0x0;
	s13 =	sadd.s32 @!p1 s2, s13;
	s14 =	simm.s32 @!p2 $0x0  }
0x40: {  	[tilespmem:s16], [sflag:$0x1] =	stream.linear.gather @!p1 [hbm4b:s13+s15], s14, $0x38;
	[tilespmem:$0x10000] =	vst v63  }
0x41: {  	p1 =	seq.s32 s11, $0x0  }
0x42: {  	p2 =	sge.u32 @!p1 s11, s7  }
0x43: {  	p1 =	por p1, p2  }
.Ltmp2:
0x44: {  	_ = 	snop;
	(pc) =	sbr.rel @p1 .LBB2_9-.Ltmp2, $1  }
0x45: {  	_ =	sdelay $0x3  }
0x46: {  	p1 =	sgt.s32 s10, $0xC2D0;
	s13 =	smov.u32 s10;
	s14 =	sshra.s32 s10, $0x1F  }
0x47: {  	s13 =	simm.s32 @!p1 $0xC2D0;
	s14 =	sand.u32 s14, s10  }
0x48: {  	s13 =	ssub.s32 s13, s14  }
0x49: {  	s13 =	sadd.s32 $0xFFFF3D30, s13  }
0x4a: {  	s31 =	sshll.u32 s13, $0x9  }
0x4b: {  	s14 =	ssub.s32 $0x10000, s31  }
0x4c: {  	p1 =	sgt.s32 s13, $0x7F;
	s13 =	sshrl.u32 s14, $0x2;
	s14 =	sadd.s32 $0x80, s10  }
0x4d: {  	s13 =	simm.s32 @p1 $0x0;
	p1 =	slt.s32 s14, $0xC350  }
0x4e: {  	s14 =	simm.s32 @!p1 $0xC350  }
0x4f: {  	s16 =	ssub.s32 s14, s10  }
0x50: {  	p1 =	slt.s32 s16, $0x1  }
.Ltmp3:
0x51: {  	_ = 	snop;
	(pc) =	sbr.rel @p1 .LBB2_8-.Ltmp3, $4  }
0x52: {  	_ = 	snop  }
0x53: {  	s15 =	sshll.u32 s11, $0xE;
	_ =	swait.ge [sflag:s5], s13  }
0x54: {  	s15 =	sand.u32 $0x4000, s15;
	s17 =	ssub.s32 $0x0, s13;
	[sflag:s5] =	ssyncset.done $0x0  }
0x55: {  	s14 =	sor.u32 $0x8000, s15;
	[sflag:s5] =	ssyncadd.s32 s17  }
0x56: {  	p2 =	sne.s32 s16, $0x1  }
.Ltmp4:
0x57: {  	v1 =	vmov s15;
	v0 =	vmov s14;
	(pc) =	sbr.rel @!p2 .LBB2_4-.Ltmp4, $3  }
0x58: {  	_ =	sdelay $0x1  }
0x59: {  	s17 =	simm.s32 $0x0  }
0x5a: {  	s23 =	sadd.s32 $0xFFFFFFFF, s16;
	p1 =	por $0x0, $0x0;
	s15 =	sand.u32 $0x3F80, s17  }
0x5b: {  	_ =	sdelay $0x3  }
0x5c: {  	v6 =	vld.idx.msk [tilespmem:v1+s15+$0x0 ss:$0x1], $0xffff;
	s24 =	sor.u32 $0x70, s15  }
0x5d: {  	s16 =	sor.u32 $0x10, s15;
	v8 =	vld.idx.msk [tilespmem:v1+s24+$0x0 ss:$0x1], $0xffff  }
0x5e: {  	s17 =	sor.u32 $0x20, s15;
	p2 =	sne.s32 s23, $0x1;
	v2 =	vld.idx.msk [tilespmem:v1+s16+$0x0 ss:$0x1], $0xffff  }
.Ltmp5:
0x5f: {  	s18 =	sor.u32 $0x30, s15;
	v4 =	vld.idx.msk [tilespmem:v1+s17+$0x0 ss:$0x1], $0xffff;
	(pc) =	sbr.rel @!p2 .LBB2_7-.Ltmp5, $4  }
0x60: {  	s19 =	sor.u32 $0x40, s15;
	v3 =	vld.idx.msk [tilespmem:v1+s18+$0x0 ss:$0x1], $0xffff  }
0x61: {  	s21 =	sor.u32 $0x60, s15;
	v5 =	vld.idx.msk [tilespmem:v1+s19+$0x0 ss:$0x1], $0xffff  }
0x62: {  	s20 =	sor.u32 $0x50, s15;
	s22 =	simm.s32 $0x80;
	v7 =	vld.idx.msk [tilespmem:v1+s21+$0x0 ss:$0x1], $0xffff;
	[tilespmem:v0+s15+$0x0 ss:$0x1] =	vst.idx.msk $0xffff, v6  }
0x63: {  	s23 =	sadd.s32 $0xFFFFFFFF, s23;
	p1 =	por $0x1, $0x1;
	v6 =	vld.idx.msk [tilespmem:v1+s20+$0x0 ss:$0x1], $0xffff;
	s15 =	sand.u32 $0x3F80, s22;
	[tilespmem:v0+s24+$0x0 ss:$0x1] =	vst.idx.msk $0xffff, v8  }
.LBB2_6:
0x64: {  	p2 =	sne.s32 s23, $0x1;
	v8 =	vld.idx.msk [tilespmem:v1+s15+$0x0 ss:$0x1], $0xffff;
	s24 =	sor.u32 $0x70, s15;
	[tilespmem:v0+s16+$0x0 ss:$0x1] =	vst.idx.msk $0xffff, v2;
	s16 =	sor.u32 $0x10, s15  }
0x65: {  	s25 =	sor.u32 $0x30, s15;
	s26 =	sor.u32 $0x40, s15;
	v9 =	vld.idx.msk [tilespmem:v1+s24+$0x0 ss:$0x1], $0xffff;
	[tilespmem:v0+s17+$0x0 ss:$0x1] =	vst.idx.msk $0xffff, v4;
	s17 =	sor.u32 $0x20, s15  }
0x66: {  	s28 =	sor.u32 $0x50, s15;
	s29 =	sor.u32 $0x60, s15;
	v2 =	vld.idx.msk [tilespmem:v1+s16+$0x0 ss:$0x1], $0xffff;
	[tilespmem:v0+s18+$0x0 ss:$0x1] =	vst.idx.msk $0xffff, v3;
	s18 =	smov.u32 s25  }
.Ltmp6:
0x67: {  	v4 =	vld.idx.msk [tilespmem:v1+s17+$0x0 ss:$0x1], $0xffff;
	[tilespmem:v0+s19+$0x0 ss:$0x1] =	vst.idx.msk $0xffff, v5;
	s19 =	smov.u32 s26;
	(pc) =	sbr.rel @p2 .LBB2_6-.Ltmp6, $4  }
0x68: {  	v3 =	vld.idx.msk [tilespmem:v1+s18+$0x0 ss:$0x1], $0xffff;
	[tilespmem:v0+s20+$0x0 ss:$0x1] =	vst.idx.msk $0xffff, v6;
	s20 =	smov.u32 s28  }
0x69: {  	v5 =	vld.idx.msk [tilespmem:v1+s19+$0x0 ss:$0x1], $0xffff;
	[tilespmem:v0+s21+$0x0 ss:$0x1] =	vst.idx.msk $0xffff, v7;
	s21 =	smov.u32 s29  }
0x6a: {  	s22 =	sadd.s32 $0x80, s22;
	[tilespmem:v0+s15+$0x0 ss:$0x1] =	vst.idx.msk $0xffff, v8;
	v6 =	vld.idx.msk [tilespmem:v1+s20+$0x0 ss:$0x1], $0xffff  }
0x6b: {  	s23 =	sadd.s32 $0xFFFFFFFF, s23;
	s15 =	sand.u32 $0x3F80, s22;
	v7 =	vld.idx.msk [tilespmem:v1+s21+$0x0 ss:$0x1], $0xffff;
	[tilespmem:v0+s24+$0x0 ss:$0x1] =	vst.idx.msk $0xffff, v9  }
.Ltmp7:
0x6c: {  	_ = 	snop;
	(pc) =	sbr.rel .LBB2_7-.Ltmp7, $1  }
0x6d: {  	_ =	sdelay $0x3  }
.LBB2_10:
0x6e: {  	_ =	sfence.sel $0x180000  }
0x6f: {  	s2 =	simm.s32 $0x1;
	[bflag:$0x0] =	sbarrier.arrive $0xFFFF  }
0x70: {  	s31 =	simm.s32 $0x2;
	[sflag:s2] =	ssyncpa.u1 $0x1  }
0x71: {  	[sflag:s31] =	ssyncpa.u1 $0x1  }
0x72: {  	_ =	strace $0x9000005F  }
0x73: {  	s0 =	sadd.s32 @!p0 $0x100000, s0;
	[bflag:$0x2] =	sbarrier.arrive $0xFFFF  }
0x74: {  	[sflag:s0] =	ssyncadd.tile.s32 @!p0 $0x1;
	s0 =	simm.s32 @!p0 $0x3F  }
0x75: {  	_ =	swait.ge @!p0 [sflag:s0], s1  }
0x76: {  	s1 =	ssub.s32 @!p0 $0x0, s1;
	[sflag:s0] =	ssyncset.done @!p0 $0x0  }
0x77: {  	[sflag:s0] =	ssyncadd.s32 @!p0 s1  }
0x78: {  	[bflag:$0x3] =	sbarrier.arrive $0xFFFF  }
0x79: {  	_ =	shalt  }
.Lfunc_end2:
execute1_lowered:
.L_overlay_start_2:
0x7a: {  	(tag) =	ssettag $0x2  }
0x7b: {  	s29 =	rddreg [dreg:$0x0];
	_ =	strace $0x80000062;
	s0 =	simm.s32 $0x1  }
0x7c: {  	s8 =	simm.s32 $0x108;
	v0 =	vimm.s32 $0x0;
	[sflag:s0] =	ssyncpa.u1 $0x0  }
0x7d: {  	[tilespmem:s8+$0x70] =	vst v0  }
0x7e: {  	[tilespmem:s8+$0x60] =	vst v0  }
0x7f: {  	[tilespmem:s8+$0x50] =	vst v0  }
0x80: {  	[tilespmem:s8+$0x40] =	vst v0  }
0x81: {  	[tilespmem:s8+$0x30] =	vst v0  }
0x82: {  	s1 =	sadd.s32 $0x5A0600, s29;
	[tilespmem:s8+$0x20] =	vst v0  }
0x83: {  	s2 =	simm.s32 $0x40;
	s4 =	sadd.s32 $0x673400, s29;
	s5 =	sadd.s32 $0x104A00, s29;
	[tilespmem:s8+$0x10] =	vst v0  }
.LBB3_1:
0x84: {  	s2 =	sadd.s32 $0x40, s2;
	[tilespmem:s8+$0x0] =	vst v0;
	s8 =	sadd.s32 $0x80, s8  }
0x85: {  	p0 =	slt.u32 s2, $0x3C40;
	[tilespmem:s8+$0x70] =	vst v0  }
0x86: {  	[tilespmem:s8+$0x60] =	vst v0  }
.Ltmp8:
0x87: {  	[tilespmem:s8+$0x50] =	vst v0;
	(pc) =	sbr.rel @p0 .LBB3_1-.Ltmp8, $4  }
0x88: {  	[tilespmem:s8+$0x40] =	vst v0  }
0x89: {  	[tilespmem:s8+$0x30] =	vst v0  }
0x8a: {  	[tilespmem:s8+$0x20] =	vst v0  }
0x8b: {  	[tilespmem:s8+$0x10] =	vst v0  }
0x8c: {  	s3 =	stileid.u32  }
0x8d: {  	s0 =	smul.u32 $0x41, s3  }
0x8e: {  	s2 =	smin.u32 s3, $0x2  }
0x8f: {  	s0 =	sadd.s32 s2, s0  }
0x90: {  	p0 =	slt.u32 s3, $0x2;
	s6 =	smul.u32 $0xF0, s0;
	s0 =	simm.s32 $0x3DE0  }
0x91: {  	s0 =	simm.s32 @!p0 $0x3CF0  }
0x92: {  	s0 =	sadd.s32 s0, s6  }
0x93: {  	s7 =	smin.u32 s0, $0x3D090  }
0x94: {  	s0 =	ssub.s32 s7, s6  }
0x95: {  	p0 =	sgt.s32 s0, $0x0  }
0x96: {  	s0 =	simm.s32 @!p0 $0x0  }
0x97: {  	s31 =	smulhi.u32 $0x88888889, s0  }
0x98: {  	s30 =	simm.s32 $0x2;
	s9 =	simm.s32 $0x7;
	s10 =	simm.s32 $0x8  }
0x99: {  	s19 =	simm.s32 $0x0;
	s15 =	simm.s32 $0xA;
	s2 =	sshrl.u32 s31, $0x7  }
0x9a: {  	s17 =	simm.s32 $0x0;
	s18 =	simm.s32 $0x0;
	s11 =	smul.u32 $0xF0, s2  }
.Ltmp9:
0x9b: {  	[tilespmem:s8+$0x0] =	vst v0;
	v0 =	vimm.s32 $0xFFFFFFFF;
	[sflag:s30] =	ssyncpa.u1 $0x0;
	s13 =	sshll.u32 s3, $0x8;
	(pc) =	sbr.rel .LBB3_3-.Ltmp9, $4  }
0x9c: {  	[tilespmem:$0xF208] =	vst v0;
	[sflag:s9] =	ssyncpa.u1 $0x0;
	p0 =	sne.s32 s0, s11;
	s0 =	simm.s32 $0x1  }
0x9d: {  	[sflag:s10] =	ssyncpa.u1 $0x0;
	s10 =	simm.s32 $0x9;
	s0 =	simm.s32 @!p0 $0x0  }
0x9e: {  	[sflag:s10] =	ssyncpa.u1 $0x0;
	s16 =	smov.u32 s6;
	s12 =	sadd.s32 s0, s2  }
0x9f: {  	v0 =	vlaneseq.u32;
	s11 =	simm.s32 $0x1;
	p0 =	por $0x0, $0x0;
	s14 =	sadd.s32 $0x1, s12  }
.LBB3_18:
0xa0: {  	s0 =	sshrl.u32 s28, $0x2  }
.LBB3_20:
0xa1: {  	_ =	swait.ge [sflag:s15], s0  }
0xa2: {  	s31 =	ssub.s32 $0x0, s0;
	v1 =	vmov s21;
	vm0 =	veq.s32 v0, $0x0;
	[sflag:s15] =	ssyncset.done $0x0  }
0xa3: {  	vm15 =	veq.s32 v0, $0x2;
	v1 =	vsel vm0, s26, v1;
	[sflag:s15] =	ssyncadd.s32 s31  }
0xa4: {  	v1 =	vsel vm15, s19, v1;
	[sflag:s15] =	ssyncpa.u1 $0x1  }
0xa5: {  	[tilespmem:$0xF208] =	vst v1  }
.LBB3_21:
0xa6: {  	s0 =	sadd.s32 $0xF0, s16  }
0xa7: {  	s2 =	smov.u32 s6;
	p1 =	slt.s32 s0, s7  }
0xa8: {  	s2 =	smov.u32 @p1 s0;
	p1 =	sne.s32 s18, s14  }
.Ltmp10:
0xa9: {  	_ = 	snop;
	(pc) =	sbr.rel @!p1 .LBB3_22-.Ltmp10, $3  }
0xaa: {  	_ =	sdelay $0x1  }
0xab: {  	s19 =	smov.u32 s17;
	s31 =	sadd.s32 $0x1, s18;
	s17 =	smov.u32 s16  }
0xac: {  	p0 =	por !p0, !p0;
	s18 =	smov.u32 s31;
	s16 =	smov.u32 s2  }
.LBB3_3:
0xad: {  	p1 =	sge.u32 s18, s12  }
0xae: {  	s0 =	smulhi.u32 @!p1 $0xAAAAAAAB, s18  }
0xaf: {  	s2 =	smov.u32 s16;
	p2 =	sgt.s32 @!p1 s16, $0x3CFA0  }
0xb0: {  	s20 =	sshra.s32 @!p1 s16, $0x1F;
	p2 =	por !p2, p1;
	s0 =	sshrl.u32 @!p1 s0, $0x1  }
0xb1: {  	s20 =	sand.u32 @!p1 s20, s16;
	s2 =	simm.s32 @p2 $0x3CFA0;
	s0 =	smul.u32 @!p1 $0x3, s0  }
0xb2: {  	s2 =	ssub.s32 @!p1 s2, s20  }
0xb3: {  	s2 =	sadd.s32 @!p1 $0xFFFC3060, s2;
	s0 =	ssub.s32 @!p1 s18, s0  }
0xb4: {  	s20 =	sshll.u32 @!p1 s2, $0x2;
	p2 =	sgt.s32 @!p1 s2, $0xEF;
	s0 =	smul.u32 @!p1 $0x3C0, s0  }
0xb5: {  	s21 =	sand.u32 @!p1 $0x7, s16;
	s2 =	ssub.s32 @!p1 $0x3C0, s20;
	p2 =	por !p2, p1  }
0xb6: {  	s20 =	sshrl.u32 @!p1 s16, $0x3;
	s2 =	sshrl.u32 @!p1 s2, $0x2;
	s0 =	sshrl.u32 @!p1 s0, $0x2  }
0xb7: {  	s20 =	sadd.s32 @!p1 s5, s20;
	s2 =	simm.s32 @!p2 $0x0;
	s0 =	sadd.s32 @!p1 $0x10238, s0  }
0xb8: {  	[tilespmem:s0], [sflag:$0x8] =	stream.linear.gather @!p1 [hbm4b:s20+s21], s2, $0x38;
	[tilespmem:$0x1F6E8] =	vst v63  }
0xb9: {  	s0 =	sadd.s32 $0xFFFFFFFF, s18  }
0xba: {  	p1 =	sge.u32 s0, s12  }
0xbb: {  	p2 =	sgt.s32 @!p1 s17, $0x3CFA0  }
0xbc: {  	s2 =	smov.u32 s17;
	s20 =	sshra.s32 @!p1 s17, $0x1F;
	p2 =	por !p2, p1  }
0xbd: {  	s20 =	sand.u32 @!p1 s20, s17;
	s2 =	simm.s32 @p2 $0x3CFA0  }
0xbe: {  	s2 =	ssub.s32 @!p1 s2, s20  }
0xbf: {  	s2 =	sadd.s32 @!p1 $0xFFFC3060, s2  }
0xc0: {  	s21 =	sand.u32 @!p1 $0x1, s0;
	s20 =	sshll.u32 @!p1 s2, $0x2  }
0xc1: {  	p2 =	sgt.s32 @!p1 s2, $0xEF;
	s2 =	ssub.s32 @!p1 $0x3C0, s20;
	s20 =	smulhi.u32 @!p1 $0xAAAAAAAB, s0  }
0xc2: {  	s23 =	smul.u32 @!p1 $0x3C0, s21;
	p2 =	por !p2, p1;
	s2 =	sshrl.u32 @!p1 s2, $0x2  }
0xc3: {  	s22 =	simm.s32 @!p1 $0x8;
	s2 =	simm.s32 @!p2 $0x0;
	s20 =	sshrl.u32 @!p1 s20, $0x1  }
0xc4: {  	s23 =	sshrl.u32 @!p1 s23, $0x2;
	_ =	swait.ge @!p1 [sflag:s22], s2;
	s20 =	smul.u32 @!p1 $0x3, s20  }
0xc5: {  	s23 =	sor.u32 @!p1 $0x10508, s23;
	s24 =	ssub.s32 @!p1 $0x0, s2;
	[sflag:s22] =	ssyncset.done @!p1 $0x0  }
0xc6: {  	[sflag:s22] =	ssyncadd.s32 @!p1 s24;
	s22 =	sshrl.u32 @!p1 s17, $0x3;
	s0 =	ssub.s32 @!p1 s0, s20  }
0xc7: {  	s24 =	sand.u32 @!p1 $0x7, s17;
	s22 =	sadd.s32 @!p1 s29, s22;
	s0 =	smul.u32 @!p1 $0x3C0, s0  }
0xc8: {  	[tilespmem:s23], [sflag:$0x9] =	stream.linear.gather @!p1 [hbm4b:s22+s24], s2, $0x38;
	[tilespmem:$0x1F6E8] =	vst v63  }
0xc9: {  	s20 =	ssub.s32 @!p1 $0x3D090, s17;
	s2 =	smul.u32 @!p1 $0x1E000, s21  }
0xca: {  	p2 =	slt.s32 @!p1 s20, $0xF0  }
0xcb: {  	p2 =	por !p2, p1;
	s0 =	sshrl.u32 @!p1 s0, $0x2;
	s2 =	sshrl.u32 @!p1 s2, $0x2  }
0xcc: {  	s20 =	simm.s32 @p2 $0xF0;
	s0 =	sadd.s32 @!p1 $0x10238, s0;
	s2 =	sor.u32 @!p1 $0x106E8, s2  }
0xcd: {  	[tilespmem:s2], [sflag:$0x7] =	stream.indirect.gather @!p1 [hbm4b:s4+s20], $0x80, s0, s20, $0xb8;
	[tilespmem:$0x1F6E8] =	vst v63  }
0xce: {  	p1 =	slt.u32 s18, $0x2  }
.Ltmp11:
0xcf: {  	_ = 	snop;
	(pc) =	sbr.rel @p1 .LBB3_21-.Ltmp11, $1  }
0xd0: {  	_ =	sdelay $0x3  }
0xd1: {  	p1 =	sgt.s32 s19, $0x3CFA0;
	s0 =	smov.u32 s19  }
0xd2: {  	s2 =	sshra.s32 s19, $0x1F;
	s20 =	ssub.s32 $0x3D090, s19;
	s0 =	simm.s32 @!p1 $0x3CFA0  }
0xd3: {  	s2 =	sand.u32 s2, s19;
	p1 =	slt.s32 s20, $0xF0;
	s21 =	smov.u32 s20  }
0xd4: {  	s0 =	ssub.s32 s0, s2;
	s21 =	simm.s32 @!p1 $0xF0  }
0xd5: {  	s0 =	sadd.s32 $0xFFFC3060, s0;
	s26 =	sshll.u32 s21, $0x7  }
0xd6: {  	s28 =	sshll.u32 s0, $0x2;
	s2 =	sand.u32 $0x3FFFFF80, s26  }
0xd7: {  	p1 =	sgt.s32 s0, $0xEF;
	s30 =	ssub.s32 $0x3C0, s28;
	_ =	swait.ge [sflag:s9], s2  }
0xd8: {  	s2 =	ssub.s32 $0x0, s2;
	[sflag:s9] =	ssyncset.done $0x0;
	s0 =	sshrl.u32 s30, $0x2  }
0xd9: {  	[sflag:s9] =	ssyncadd.s32 s2;
	s0 =	simm.s32 @p1 $0x0  }
0xda: {  	_ =	swait.ge [sflag:s10], s0  }
0xdb: {  	s0 =	ssub.s32 $0x0, s0;
	[sflag:s10] =	ssyncset.done $0x0  }
0xdc: {  	[sflag:s10] =	ssyncadd.s32 s0  }
0xdd: {  	v1 =	vld [tilespmem:$0xF208];
	_ =	sdelay $0x4  }
0xde: {  	(v2sf) =	vpush v1, $0x0  }
0xdf: {  	(v2sf) =	vpush v1, $0x1  }
0xe0: {  	(v2sf) =	vpush v1, $0x2;
	_ =	sdelay $0x3  }
0xe1: {  	s0 =	sadd.s32 $0xF0, s19  }
0xe2: {  	p1 =	slt.s32 s7, s0  }
0xe3: {  	s0 =	smov.u32 @p1 s7;
	p1 =	sgt.s32 s20, $0x0  }
0xe4: {  	s23 =	ssub.s32 s0, s19;
	s20 =	simm.s32 @!p1 $0x0  }
0xe5: {  	p1 =	slt.s32 s20, s23  }
0xe6: {  	s23 =	smov.u32 @p1 s20  }
0xe7: {  	s22 =	simm.s32 $0x1;
	p1 =	slt.s32 s23, $0x1  }
.Ltmp12:
0xe8: {  	s22 =	simm.s32 @!p0 $0x0;
	(pc) =	sbr.rel @p1 .LBB3_8-.Ltmp12, $4  }
0xe9: {  	s31 =	smul.u32 $0x3C0, s22  }
0xea: {  	s24 =	spop (v2sf)  }
0xeb: {  	s0 =	sshrl.u32 s31, $0x2;
	s26 =	spop (v2sf)  }
0xec: {  	s20 =	sor.u32 $0x10508, s0;
	s19 =	spop (v2sf)  }
0xed: {  	s0 =	smin.u32 s23, $0x10  }
0xee: {  	v1 =	vmov s0  }
0xef: {  	p2 =	sgt.s32 s23, $0x10;
	vm1 =	vgt.u32 v1, v0  }
.Ltmp13:
0xf0: {  	_ = 	snop;
	(pc) =	sbr.rel @!p2 .LBB3_7-.Ltmp13, $2  }
0xf1: {  	_ =	sdelay $0x2  }
0xf2: {  	s25 =	simm.s32 $0x10;
	s28 =	sadd.s32 $0xFFFFFFF0, s23;
	s21 =	smov.u32 s20;
	vm0 =	vmmov vm1  }
.LBB3_6:
0xf3: {  	s0 =	smin.u32 s28, $0x10;
	s25 =	sadd.s32 $0x10, s25;
	v1 =	vld.msk [tilespmem:s21+$0x0 ss:$0x1], vm1  }
0xf4: {  	v2 =	vmov s0;
	p2 =	slt.s32 s25, s23  }
0xf5: {  	vm1 =	vgt.u32 v2, v0  }
.Ltmp14:
0xf6: {  	(pc) =	sbr.rel @p2 .LBB3_6-.Ltmp14, $3  }
0xf7: {  	_ =	sdelay $0x1  }
0xf8: {  	v1 =	vshll.u32 v1, $0x4  }
0xf9: {  	s28 =	sadd.s32 $0xFFFFFFF0, s28;
	[tilespmem:s21+$0x0] =	vst.msk vm0, v1;
	s21 =	sadd.s32 $0x10, s21;
	vm0 =	vmmov vm1  }
.LBB3_7:
0xfa: {  	_ =	sdelay $0x4  }
0xfb: {  	v1 =	vld.msk [tilespmem:s21+$0x0 ss:$0x1], vm1;
	_ =	sdelay $0x4  }
0xfc: {  	v1 =	vshll.u32 v1, $0x4  }
0xfd: {  	[tilespmem:s21+$0x0] =	vst.msk vm0, v1  }
.LBB3_8:
0xfe: {  	s0 =	sand.u32 $0x1, s18  }
0xff: {  	s0 =	smul.u32 $0xF0, s0  }
0x100: {  	p2 =	sne.s32 s26, $0xFFFFFFFF  }
0x101: {  	v1 =	vld.msk @!p2 [tilespmem:s0+$0x10508], $0x1;
	_ =	sdelay $0x4  }
0x102: {  	(v2sf) =	vpush @!p2 v1, $0x0;
	_ =	sdelay $0xc  }
.Ltmp15:
0x103: {  	_ = 	snop;
	(pc) =	sbr.rel @p1 .LBB3_19-.Ltmp15, $4  }
0x104: {  	_ = 	snop  }
0x105: {  	s25 =	spop @!p2 (v2sf)  }
0x106: {  	s19 =	simm.s32 @!p2 $0x0;
	s21 =	smov.u32 s25  }
0x107: {  	[sflag:s15] =	ssyncpa.u1 $0x0;
	s25 =	smov.u32 @p2 s24;
	s21 =	smov.u32 @p2 s26  }
0x108: {  	v1 =	vld.msk [tilespmem:s20+$0x0], $0x1;
	_ =	sdelay $0x4  }
0x109: {  	(v2sf) =	vpush v1, $0x0;
	_ =	sdelay $0xe  }
0x10a: {  	s8 =	smov.u32 s29;
	s0 =	smul.u32 $0x1E000, s22;
	s29 =	spop (v2sf)  }
0x10b: {  	s23 =	ssub.s32 $0x0, s23;
	p1 =	seq.s32 s25, s29  }
0x10c: {  	s26 =	sadd.s32 $0x1, s23;
	s0 =	sshrl.u32 s0, $0x2;
	p2 =	sgt.s32 @!p1 s25, $0x0  }
0x10d: {  	s22 =	sor.u32 $0x10728, s0;
	s0 =	smov.u32 s25;
	p2 =	por !p2, p1  }
0x10e: {  	s0 =	simm.s32 @p2 $0x0;
	p2 =	seq.s32 s26, $0x0  }
.Ltmp16:
0x10f: {  	_ = 	snop;
	(pc) =	sbr.rel @p2 .LBB3_11-.Ltmp16, $4  }
0x110: {  	_ = 	snop  }
0x111: {  	s24 =	simm.s32 $0x0;
	s28 =	sadd.s32 $0x1, s20;
	s0 =	smin.u32 @!p1 s0, $0xC34F0  }
0x112: {  	s30 =	simm.s32 @!p1 $0x1;
	s31 =	simm.s32 @!p1 $0x7988;
	s2 =	sand.u32 @!p1 $0xFFFF8, s0  }
0x113: {  	s30 =	smov.u32 @p1 s24;
	s0 =	sand.u32 @!p1 $0x7, s0;
	s2 =	sadd.s32 @!p1 s1, s2  }
.LBB3_10:
0x114: {  	s3 =	smov.u32 s30  }
0x115: {  	[tilespmem:s31], [sflag:$0x2] =	stream.linear.gather @!p1 [hbm4b:s2+s0], $0x80, $0x38;
	[tilespmem:$0x1F6E8] =	vst v63  }
0x116: {  	s26 =	sadd.s32 $0x1, s26;
	s0 =	smov.u32 s29;
	v1 =	vld.msk [tilespmem:s28+$0x0], $0x1  }
0x117: {  	p2 =	seq.s32 s26, $0x0;
	_ =	sdelay $0x3  }
0x118: {  	(v2sf) =	vpush v1, $0x0;
	_ =	sdelay $0xe  }
0x119: {  	s29 =	spop (v2sf)  }
0x11a: {  	p1 =	seq.s32 s0, s29  }
0x11b: {  	p3 =	sgt.s32 @!p1 s0, $0x0;
	s2 =	sshll.u32 @!p1 s30, $0x9;
	s30 =	sadd.s32 @!p1 $0x1, s30  }
.Ltmp17:
0x11c: {  	p3 =	por !p3, p1;
	s2 =	sshra.s32 @!p1 s2, $0x2;
	(pc) =	sbr.rel @!p2 .LBB3_10-.Ltmp17, $4  }
0x11d: {  	s30 =	smov.u32 @p1 s3;
	s0 =	simm.s32 @p3 $0x0;
	s31 =	sadd.s32 @!p1 $0x7988, s2  }
0x11e: {  	s0 =	smin.u32 @!p1 s0, $0xC34F0  }
0x11f: {  	s2 =	sand.u32 @!p1 $0xFFFF8, s0;
	s0 =	sand.u32 @!p1 $0x7, s0  }
0x120: {  	s28 =	sadd.s32 $0x1, s28;
	s2 =	sadd.s32 @!p1 s1, s2  }
.LBB3_11:
0x121: {  	[tilespmem:s31], [sflag:$0x2] =	stream.linear.gather @!p1 [hbm4b:s2+s0], $0x80, $0x38;
	[tilespmem:$0x1F6E8] =	vst v63  }
.Ltmp18:
0x122: {  	s30 =	sshll.u32 s30, $0x7;
	(pc) =	sbr.rel .LBB3_12-.Ltmp18, $4  }
0x123: {  	s31 =	simm.s32 $0x2;
	s0 =	sand.u32 $0x3FFFFF80, s30  }
0x124: {  	_ =	swait.ge [sflag:s31], s0  }
0x125: {  	s0 =	ssub.s32 $0x0, s0;
	[sflag:s31] =	ssyncset.done $0x0  }
0x126: {  	s28 =	simm.s32 $0x0;
	s29 =	smov.u32 s8;
	[sflag:s31] =	ssyncadd.s32 s0  }
.LBB3_13:
0x127: {  	v1 =	vld [tilespmem:s22+$0xFFFFFFC0];
	_ =	sdelay $0x3  }
0x128: {  	s0 =	sshra.s32 s0, $0x2  }
0x129: {  	[tilespmem:s0+$0x108] =	vst.add.f32.msk $0xffff, v1  }
0x12a: {  	v1 =	vld [tilespmem:s22+$0xFFFFFFD0];
	_ =	sdelay $0x4  }
0x12b: {  	[tilespmem:s0+$0x118] =	vst.add.f32.msk $0xffff, v1  }
0x12c: {  	v1 =	vld [tilespmem:s22+$0xFFFFFFE0];
	_ =	sdelay $0x4  }
0x12d: {  	[tilespmem:s0+$0x128] =	vst.add.f32.msk $0xffff, v1  }
0x12e: {  	v1 =	vld [tilespmem:s22+$0xFFFFFFF0];
	_ =	sdelay $0x4  }
0x12f: {  	[tilespmem:s0+$0x138] =	vst.add.f32.msk $0xffff, v1  }
0x130: {  	v1 =	vld [tilespmem:s22+$0x0];
	_ =	sdelay $0x4  }
0x131: {  	[tilespmem:s0+$0x148] =	vst.add.f32.msk $0xffff, v1  }
0x132: {  	v1 =	vld [tilespmem:s22+$0x10];
	_ =	sdelay $0x4  }
0x133: {  	[tilespmem:s0+$0x158] =	vst.add.f32.msk $0xffff, v1  }
0x134: {  	v1 =	vld [tilespmem:s22+$0x20];
	_ =	sdelay $0x4  }
0x135: {  	[tilespmem:s0+$0x168] =	vst.add.f32.msk $0xffff, v1  }
0x136: {  	v1 =	vld [tilespmem:s22+$0x30];
	_ =	sdelay $0x4  }
0x137: {  	[tilespmem:s0+$0x178] =	vst.add.f32.msk $0xffff, v1  }
.LBB3_17:
0x138: {  	s23 =	sadd.s32 $0x1, s23  }
0x139: {  	p1 =	seq.s32 s23, $0x0  }
.Ltmp19:
0x13a: {  	_ = 	snop;
	(pc) =	sbr.rel @p1 .LBB3_18-.Ltmp19, $2  }
0x13b: {  	_ =	sdelay $0x2  }
0x13c: {  	s20 =	sadd.s32 $0x1, s20;
	s22 =	sadd.s32 $0x80, s22;
	s25 =	smov.u32 s26  }
.LBB3_12:
0x13d: {  	v1 =	vld.msk [tilespmem:s20+$0x0], $0x1;
	_ =	sdelay $0x4  }
0x13e: {  	(v2sf) =	vpush v1, $0x0;
	_ =	sdelay $0xe  }
0x13f: {  	s26 =	spop (v2sf)  }
0x140: {  	p1 =	sne.s32 s25, s26  }
.Ltmp20:
0x141: {  	_ = 	snop;
	(pc) =	sbr.rel @!p1 .LBB3_13-.Ltmp20, $2  }
0x142: {  	_ =	sdelay $0x2  }
0x143: {  	s0 =	sshll.u32 s19, $0x9  }
0x144: {  	p1 =	seq.s32 s25, s21  }
.Ltmp21:
0x145: {  	_ = 	snop;
	(pc) =	sbr.rel @!p1 .LBB3_15-.Ltmp21, $1  }
0x146: {  	_ =	sdelay $0x3  }
0x147: {  	s0 =	sshra.s32 s0, $0x2  }
.Ltmp22:
0x148: {  	s0 =	sadd.s32 $0x108, s0;
	(pc) =	sbr.rel .LBB3_16-.Ltmp22, $4  }
0x149: {  	[spmem:s13] =	stream.linear.scatter [tilespmem:s0], [sflag:$0x1], $0x80, $0x38;
	[tilespmem:$0x1F6E8] =	vst v63  }
0x14a: {  	_ =	swait.ge [sflag:s11], $0x80  }
0x14b: {  	[sflag:s11] =	ssyncset.done $0x0  }
0x14c: {  	[sflag:s11] =	ssyncadd.s32 $0xFFFFFF80  }
.LBB3_15:
0x14d: {  	s2 =	sshll.u32 s24, $0x9  }
0x14e: {  	s2 =	sshra.s32 s2, $0x2  }
0x14f: {  	v1 =	vld [tilespmem:s2+$0x7988];
	_ =	sdelay $0x3  }
0x150: {  	s0 =	sshra.s32 s0, $0x2  }
0x151: {  	[tilespmem:s0+$0x108] =	vst.add.f32.msk $0xffff, v1  }
0x152: {  	v1 =	vld [tilespmem:s2+$0x7998];
	_ =	sdelay $0x4  }
0x153: {  	[tilespmem:s0+$0x118] =	vst.add.f32.msk $0xffff, v1  }
0x154: {  	v1 =	vld [tilespmem:s2+$0x79A8];
	_ =	sdelay $0x4  }
0x155: {  	[tilespmem:s0+$0x128] =	vst.add.f32.msk $0xffff, v1  }
0x156: {  	v1 =	vld [tilespmem:s2+$0x79B8];
	_ =	sdelay $0x4  }
0x157: {  	[tilespmem:s0+$0x138] =	vst.add.f32.msk $0xffff, v1  }
0x158: {  	v1 =	vld [tilespmem:s2+$0x79C8];
	_ =	sdelay $0x4  }
0x159: {  	[tilespmem:s0+$0x148] =	vst.add.f32.msk $0xffff, v1  }
0x15a: {  	v1 =	vld [tilespmem:s2+$0x79D8];
	_ =	sdelay $0x4  }
0x15b: {  	[tilespmem:s0+$0x158] =	vst.add.f32.msk $0xffff, v1  }
0x15c: {  	v1 =	vld [tilespmem:s2+$0x79E8];
	_ =	sdelay $0x4  }
0x15d: {  	[tilespmem:s0+$0x168] =	vst.add.f32.msk $0xffff, v1  }
0x15e: {  	v1 =	vld [tilespmem:s2+$0x79F8];
	_ =	sdelay $0x2  }
0x15f: {  	p1 =	sgt.u32 s25, $0xC34F0  }
0x160: {  	s2 =	sand.u32 @!p1 $0xFFFF8, s25  }
0x161: {  	s3 =	sadd.s32 $0x108, s0;
	[tilespmem:s0+$0x178] =	vst.add.f32.msk $0xffff, v1;
	s0 =	sadd.s32 @!p1 s1, s2;
	s2 =	sand.u32 @!p1 $0x7, s25  }
0x162: {  	[hbm4b:s0+s2] =	stream.linear.scatter @!p1 [tilespmem:s3], [sflag:$0xA], $0x80, $0x38;
	[tilespmem:$0x1F6E8] =	vst v63  }
0x163: {  	s0 =	simm.s32 $0x0  }
0x164: {  	s0 =	simm.s32 @!p1 $0x200  }
0x165: {  	s28 =	sadd.s32 s0, s28  }
.LBB3_16:
0x166: {  	s0 =	sadd.s32 $0x1, s19  }
0x167: {  	s2 =	smulhi.u32 $0x88888889, s0;
	_ =	sdelay $0x1  }
0x168: {  	v1 =	vld [tilespmem:s22+$0xFFFFFFC0];
	s2 =	sshrl.u32 s2, $0x7  }
0x169: {  	s2 =	smul.u32 $0xF0, s2;
	_ =	sdelay $0x1  }
0x16a: {  	s19 =	ssub.s32 s0, s2  }
0x16b: {  	s0 =	sshll.u32 s19, $0x7  }
0x16c: {  	[tilespmem:s0+$0x108] =	vst v1  }
0x16d: {  	v1 =	vld [tilespmem:s22+$0xFFFFFFD0];
	_ =	sdelay $0x4  }
0x16e: {  	[tilespmem:s0+$0x118] =	vst v1  }
0x16f: {  	v1 =	vld [tilespmem:s22+$0xFFFFFFE0];
	_ =	sdelay $0x4  }
0x170: {  	[tilespmem:s0+$0x128] =	vst v1  }
0x171: {  	v1 =	vld [tilespmem:s22+$0xFFFFFFF0];
	_ =	sdelay $0x4  }
0x172: {  	[tilespmem:s0+$0x138] =	vst v1  }
0x173: {  	v1 =	vld [tilespmem:s22+$0x0];
	_ =	sdelay $0x4  }
0x174: {  	[tilespmem:s0+$0x148] =	vst v1  }
0x175: {  	v1 =	vld [tilespmem:s22+$0x10];
	_ =	sdelay $0x4  }
0x176: {  	[tilespmem:s0+$0x158] =	vst v1  }
0x177: {  	v1 =	vld [tilespmem:s22+$0x20];
	_ =	sdelay $0x4  }
0x178: {  	[tilespmem:s0+$0x168] =	vst v1  }
0x179: {  	v1 =	vld [tilespmem:s22+$0x30]  }
.Ltmp23:
0x17a: {  	_ = 	snop;
	(pc) =	sbr.rel .LBB3_17-.Ltmp23, $2  }
0x17b: {  	_ =	sdelay $0x2  }
0x17c: {  	s24 =	sadd.s32 $0x1, s24;
	[tilespmem:s0+$0x178] =	vst v1  }
.LBB3_19:
.Ltmp24:
0x17d: {  	(pc) =	sbr.rel .LBB3_20-.Ltmp24, $4  }
0x17e: {  	_ = 	snop  }
0x17f: {  	s0 =	simm.s32 $0x2  }
0x180: {  	_ =	swait.ge [sflag:s0], $0x0  }
0x181: {  	s26 =	smov.u32 s25;
	[sflag:s0] =	ssyncset.done $0x0;
	s0 =	simm.s32 $0x0  }
.LBB3_22:
0x182: {  	_ =	sfence.sel $0x180000  }
0x183: {  	s0 =	simm.s32 $0x7;
	[bflag:$0x0] =	sbarrier.arrive $0xFFFF  }
0x184: {  	s25 =	simm.s32 $0x8;
	[sflag:s0] =	ssyncpa.u1 $0x1  }
0x185: {  	s26 =	simm.s32 $0x9;
	[sflag:s25] =	ssyncpa.u1 $0x1  }
0x186: {  	s28 =	simm.s32 $0x2;
	[sflag:s26] =	ssyncpa.u1 $0x1  }
0x187: {  	[sflag:s28] =	ssyncpa.u1 $0x1  }
0x188: {  	v0 =	vld [tilespmem:$0xF208];
	_ =	sdelay $0x4  }
0x189: {  	(v2sf) =	vpush v0, $0x0  }
0x18a: {  	(v2sf) =	vpush v0, $0x1;
	_ =	sdelay $0x1  }
0x18b: {  	(v2sf) =	vpush v0, $0x2;
	_ =	sdelay $0xb  }
0x18c: {  	s0 =	spop (v2sf)  }
0x18d: {  	s2 =	spop (v2sf)  }
0x18e: {  	s3 =	smov.u32 s0;
	p0 =	sne.s32 s0, s2  }
0x18f: {  	s4 =	spop (v2sf);
	s3 =	simm.s32 @!p0 $0xFFFFFFFF  }
0x190: {  	v2 =	vimm.s32 $0x1;
	v3 =	vlaneseq.u32;
	p0 =	seq.s32 s4, $0xFFFFFFFF;
	v1 =	vmov s3  }
0x191: {  	s7 =	stileid.u32;
	v0 =	vperm.xlane v0, v2;
	p1 =	sne.s32 @!p0 s0, s2;
	v1 =	vperm.xlane v1, v3  }
0x192: {  	vm0 =	vcmask $0x3F04;
	s6 =	simm.s32 $0xF208;
	s0 =	simm.s32 @!p0 $0x1;
	p1 =	por !p1, p0  }
0x193: {  	s3 =	sshll.u32 s7, $0x1;
	s2 =	sshll.u32 @!p0 s4, $0x9;
	s0 =	simm.s32 @p1 $0x0;
	v0 =	vsel vm0, v1, v0  }
0x194: {  	s5 =	sor.u32 $0x1000, s3;
	s2 =	sshra.s32 @!p0 s2, $0x2;
	s0 =	sor.u32 @!p0 s0, s3;
	[tilespmem:$0xF208] =	vst v0  }
0x195: {  	[spmem:s5] =	stream.linear.scatter [tilespmem:s6], [sflag:$0x1], $0x2, $0x38;
	[tilespmem:$0x1F6E8] =	vst v63  }
0x196: {  	s2 =	sadd.s32 @!p0 $0x108, s2;
	s0 =	sshll.u32 @!p0 s0, $0x7  }
0x197: {  	[spmem:s0] =	stream.linear.scatter @!p0 [tilespmem:s2], [sflag:$0x1], $0x80, $0x38;
	[tilespmem:$0x1F6E8] =	vst v63  }
0x198: {  	s0 =	simm.s32 @!p0 $0x82  }
0x199: {  	s3 =	simm.s32 $0x1;
	s0 =	simm.s32 @p0 $0x2  }
0x19a: {  	_ =	swait.ge [sflag:s3], s0  }
0x19b: {  	s0 =	ssub.s32 $0x0, s0;
	[sflag:s3] =	ssyncset.done $0x0  }
0x19c: {  	[sflag:s3] =	ssyncadd.s32 s0  }
0x19d: {  	_ =	sfence.stream.spmem  }
0x19e: {  	s29 =	simm.s32 $0x3;
	[bflag:$0x0] =	sbarrier.arrive $0xFFFF  }
0x19f: {  	s30 =	simm.s32 $0x4;
	[sflag:s29] =	ssyncpa.u1 $0x1  }
0x1a0: {  	s31 =	simm.s32 $0x3C;
	[sflag:s30] =	ssyncpa.u1 $0x1  }
0x1a1: {  	p0 =	sne.s32 s7, $0x0;
	[sflag:s31] =	ssyncpa.u1 $0x1  }
0x1a2: {  	_ =	sfence @p0  }
0x1a3: {  	[sflag:s3] =	ssyncpa.u1 @p0 $0x1  }
0x1a4: {  	_ =	strace @p0 $0x90000062  }
0x1a5: {  	[bflag:$0x2] =	sbarrier.arrive @p0 $0xFFFF  }
0x1a6: {  	_ =	shalt @p0  }
.LBB3_23:
0x1a7: {  	_ =	sfence.stream.spmem;
	s0 =	simm.s32 $0x5  }
0x1a8: {  	s2 =	simm.s32 $0x1000;
	s3 =	simm.s32 $0xF218;
	[sflag:s0] =	ssyncpa.u1 $0x0  }
0x1a9: {  	[tilespmem:s3], [sflag:$0x5] =	stream.linear.gather [spmem:s2], $0x20, $0x38;
	[tilespmem:$0x1F6E8] =	vst v63  }
0x1aa: {  	s30 =	simm.s32 $0xF238;
	s2 =	simm.s32 $0x0  }
0x1ab: {  	[tilespmem:s30], [sflag:$0x5] =	stream.linear.gather [spmem:s2], $0x1000, $0x38;
	[tilespmem:$0x1F6E8] =	vst v63  }
.Ltmp25:
0x1ac: {  	_ = 	snop;
	(pc) =	sbr.rel .LBB3_24-.Ltmp25, $4  }
0x1ad: {  	_ =	swait.ge [sflag:s0], $0x1020  }
0x1ae: {  	[sflag:s0] =	ssyncset.done $0x0  }
0x1af: {  	s31 =	simm.s32 $0x6;
	[sflag:s0] =	ssyncadd.s32 $0xFFFFEFE0  }
0x1b0: {  	s3 =	simm.s32 $0x0;
	[sflag:s31] =	ssyncpa.u1 $0x0  }
.LBB3_30:
0x1b1: {  	p0 =	slt.u32 s4, $0xC34F1  }
0x1b2: {  	s0 =	sand.u32 @p0 $0xFFFF8, s4  }
0x1b3: {  	s4 =	sand.u32 @p0 $0x7, s4;
	s5 =	simm.s32 @p0 $0xF188;
	s0 =	sadd.s32 @p0 s1, s0  }
0x1b4: {  	[tilespmem:s5], [sflag:$0x6] =	stream.linear.gather @p0 [hbm4b:s0+s4], $0x80, $0x38;
	[tilespmem:$0x1F6E8] =	vst v63  }
0x1b5: {  	s0 =	simm.s32 @p0 $0x6  }
0x1b6: {  	_ =	swait.ge @p0 [sflag:s0], $0x80  }
0x1b7: {  	[sflag:s0] =	ssyncset.done @p0 $0x0  }
0x1b8: {  	[sflag:s0] =	ssyncadd.s32 @p0 $0xFFFFFF80  }
0x1b9: {  	v1 =	vld @p0 [tilespmem:$0xF188];
	_ =	sdelay $0x2  }
0x1ba: {  	s0 =	sshll.u32 @p0 s3, $0x9  }
0x1bb: {  	s4 =	sshrl.u32 @p0 s0, $0x2  }
0x1bc: {  	[tilespmem:s4+$0xF238] =	vst.add.f32.msk @p0 $0xffff, v1  }
0x1bd: {  	v1 =	vld @p0 [tilespmem:$0xF198];
	_ =	sdelay $0x4  }
0x1be: {  	[tilespmem:s4+$0xF248] =	vst.add.f32.msk @p0 $0xffff, v1  }
0x1bf: {  	v1 =	vld @p0 [tilespmem:$0xF1A8];
	_ =	sdelay $0x4  }
0x1c0: {  	[tilespmem:s4+$0xF258] =	vst.add.f32.msk @p0 $0xffff, v1  }
0x1c1: {  	v1 =	vld @p0 [tilespmem:$0xF1B8];
	_ =	sdelay $0x4  }
0x1c2: {  	[tilespmem:s4+$0xF268] =	vst.add.f32.msk @p0 $0xffff, v1  }
0x1c3: {  	v1 =	vld @p0 [tilespmem:$0xF1C8];
	_ =	sdelay $0x4  }
0x1c4: {  	[tilespmem:s4+$0xF278] =	vst.add.f32.msk @p0 $0xffff, v1  }
0x1c5: {  	v1 =	vld @p0 [tilespmem:$0xF1D8];
	_ =	sdelay $0x4  }
0x1c6: {  	[tilespmem:s4+$0xF288] =	vst.add.f32.msk @p0 $0xffff, v1  }
0x1c7: {  	v1 =	vld @p0 [tilespmem:$0xF1E8];
	_ =	sdelay $0x4  }
0x1c8: {  	[tilespmem:s4+$0xF298] =	vst.add.f32.msk @p0 $0xffff, v1  }
0x1c9: {  	v1 =	vld @p0 [tilespmem:$0xF1F8];
	_ =	sdelay $0x3  }
0x1ca: {  	s5 =	sshll.u32 @!p0 s3, $0x9  }
0x1cb: {  	s5 =	smov.u32 @p0 s0;
	[tilespmem:s4+$0xF2A8] =	vst.add.f32.msk @p0 $0xffff, v1  }
0x1cc: {  	s0 =	sshrl.u32 s5, $0x2;
	[tilespmem:s2+$0xF218] =	vst.msk $0x1, v0  }
0x1cd: {  	v0 =	vld [tilespmem:s0+$0xF238];
	_ =	sdelay $0x2  }
0x1ce: {  	s31 =	sshll.u32 s2, $0x9  }
0x1cf: {  	s4 =	sshra.s32 s31, $0x2  }
0x1d0: {  	[tilespmem:s4+$0xF238] =	vst v0  }
0x1d1: {  	v0 =	vld [tilespmem:s0+$0xF248];
	_ =	sdelay $0x4  }
0x1d2: {  	[tilespmem:s4+$0xF248] =	vst v0  }
0x1d3: {  	v0 =	vld [tilespmem:s0+$0xF258];
	_ =	sdelay $0x4  }
0x1d4: {  	[tilespmem:s4+$0xF258] =	vst v0  }
0x1d5: {  	v0 =	vld [tilespmem:s0+$0xF268];
	_ =	sdelay $0x4  }
0x1d6: {  	[tilespmem:s4+$0xF268] =	vst v0  }
0x1d7: {  	v0 =	vld [tilespmem:s0+$0xF278];
	_ =	sdelay $0x4  }
0x1d8: {  	[tilespmem:s4+$0xF278] =	vst v0  }
0x1d9: {  	v0 =	vld [tilespmem:s0+$0xF288];
	_ =	sdelay $0x4  }
0x1da: {  	[tilespmem:s4+$0xF288] =	vst v0  }
0x1db: {  	v0 =	vld [tilespmem:s0+$0xF298];
	_ =	sdelay $0x4  }
0x1dc: {  	[tilespmem:s4+$0xF298] =	vst v0  }
0x1dd: {  	v0 =	vld [tilespmem:s0+$0xF2A8];
	_ =	sdelay $0x4  }
0x1de: {  	s2 =	sadd.s32 $0x1, s2;
	[tilespmem:s4+$0xF2A8] =	vst v0  }
.LBB3_31:
0x1df: {  	s3 =	sadd.s32 $0x1, s3  }
0x1e0: {  	p0 =	sne.s32 s3, $0x20  }
.Ltmp26:
0x1e1: {  	_ = 	snop;
	(pc) =	sbr.rel @!p0 .LBB3_32-.Ltmp26, $1  }
0x1e2: {  	_ =	sdelay $0x3  }
.LBB3_24:
0x1e3: {  	v0 =	vld.msk [tilespmem:s3+$0xF218], $0x1;
	_ =	sdelay $0x4  }
0x1e4: {  	(v2sf) =	vpush v0, $0x0;
	_ =	sdelay $0xe  }
0x1e5: {  	s4 =	spop (v2sf)  }
0x1e6: {  	p0 =	seq.s32 s4, $0xFFFFFFFF  }
.Ltmp27:
0x1e7: {  	_ = 	snop;
	(pc) =	sbr.rel @p0 .LBB3_31-.Ltmp27, $1  }
0x1e8: {  	_ =	sdelay $0x3  }
0x1e9: {  	p0 =	slt.s32 s2, $0x1  }
.Ltmp28:
0x1ea: {  	_ = 	snop;
	(pc) =	sbr.rel @p0 .LBB3_30-.Ltmp28, $1  }
0x1eb: {  	_ =	sdelay $0x3  }
0x1ec: {  	s5 =	simm.s32 $0xF218;
	p0 =	por $0x0, $0x0  }
0x1ed: {  	v1 =	vld.msk @!p0 [tilespmem:s5+$0x0], $0x1;
	_ =	sdelay $0x4  }
0x1ee: {  	(v2sf) =	vpush @!p0 v1, $0x0;
	_ =	sdelay $0xd  }
0x1ef: {  	p2 =	sne.s32 s2, $0x1  }
.Ltmp29:
0x1f0: {  	s0 =	spop @!p0 (v2sf);
	(pc) =	sbr.rel @!p2 .LBB3_28-.Ltmp29, $4  }
0x1f1: {  	p1 =	seq.s32 @!p0 s4, s0  }
0x1f2: {  	s6 =	simm.s32 $0x0;
	p1 =	por !p1, p0  }
0x1f3: {  	s0 =	simm.s32 $0xFFFFFFFF;
	s6 =	simm.s32 @p1 $0xFFFFFFFF  }
0x1f4: {  	s7 =	simm.s32 $0x1;
	s6 =	smov.u32 @p0 s0  }
.LBB3_27:
0x1f5: {  	s0 =	smov.u32 s6;
	p0 =	sne.s32 s6, $0xFFFFFFFF  }
0x1f6: {  	s5 =	sadd.s32 $0x1, s5;
	s6 =	smov.u32 s7;
	s7 =	sadd.s32 $0x1, s7  }
0x1f7: {  	p1 =	sne.s32 s2, s7;
	v1 =	vld.msk @!p0 [tilespmem:s5+$0x0], $0x1;
	_ =	sdelay $0x4  }
0x1f8: {  	(v2sf) =	vpush @!p0 v1, $0x0;
	_ =	sdelay $0xe  }
.Ltmp30:
0x1f9: {  	s8 =	spop @!p0 (v2sf);
	(pc) =	sbr.rel @p1 .LBB3_27-.Ltmp30, $4  }
0x1fa: {  	p2 =	seq.s32 @!p0 s4, s8  }
0x1fb: {  	p2 =	por !p2, p0  }
0x1fc: {  	s6 =	simm.s32 @p2 $0xFFFFFFFF  }
0x1fd: {  	s6 =	smov.u32 @p0 s0  }
.LBB3_28:
0x1fe: {  	p0 =	seq.s32 s6, $0xFFFFFFFF  }
.Ltmp31:
0x1ff: {  	_ = 	snop;
	(pc) =	sbr.rel @p0 .LBB3_30-.Ltmp31, $1  }
0x200: {  	_ =	sdelay $0x3  }
0x201: {  	s0 =	sshll.u32 s3, $0x7  }
0x202: {  	s0 =	sand.u32 $0x3FFFFF80, s0  }
0x203: {  	v0 =	vld [tilespmem:s0+$0xF238];
	_ =	sdelay $0x2  }
0x204: {  	s4 =	sshll.u32 s6, $0x9  }
0x205: {  	s4 =	sshra.s32 s4, $0x2  }
0x206: {  	[tilespmem:s4+$0xF238] =	vst.add.f32.msk $0xffff, v0  }
0x207: {  	v0 =	vld [tilespmem:s0+$0xF248];
	_ =	sdelay $0x4  }
0x208: {  	[tilespmem:s4+$0xF248] =	vst.add.f32.msk $0xffff, v0  }
0x209: {  	v0 =	vld [tilespmem:s0+$0xF258];
	_ =	sdelay $0x4  }
0x20a: {  	[tilespmem:s4+$0xF258] =	vst.add.f32.msk $0xffff, v0  }
0x20b: {  	v0 =	vld [tilespmem:s0+$0xF268];
	_ =	sdelay $0x4  }
0x20c: {  	[tilespmem:s4+$0xF268] =	vst.add.f32.msk $0xffff, v0  }
0x20d: {  	v0 =	vld [tilespmem:s0+$0xF278];
	_ =	sdelay $0x4  }
0x20e: {  	[tilespmem:s4+$0xF278] =	vst.add.f32.msk $0xffff, v0  }
0x20f: {  	v0 =	vld [tilespmem:s0+$0xF288];
	_ =	sdelay $0x4  }
0x210: {  	[tilespmem:s4+$0xF288] =	vst.add.f32.msk $0xffff, v0  }
0x211: {  	v0 =	vld [tilespmem:s0+$0xF298];
	_ =	sdelay $0x4  }
0x212: {  	[tilespmem:s4+$0xF298] =	vst.add.f32.msk $0xffff, v0  }
0x213: {  	v0 =	vld [tilespmem:s0+$0xF2A8]  }
.Ltmp32:
0x214: {  	_ = 	snop;
	(pc) =	sbr.rel .LBB3_31-.Ltmp32, $2  }
0x215: {  	_ =	sdelay $0x2  }
0x216: {  	[tilespmem:s4+$0xF2A8] =	vst.add.f32.msk $0xffff, v0  }
.LBB3_32:
0x217: {  	p0 =	slt.s32 s2, $0x1  }
.Ltmp33:
0x218: {  	_ = 	snop;
	(pc) =	sbr.rel @p0 .LBB3_36-.Ltmp33, $3  }
0x219: {  	_ =	sdelay $0x1  }
0x21a: {  	s0 =	simm.s32 $0x6  }
0x21b: {  	s3 =	simm.s32 $0x0;
	[sflag:s0] =	ssyncpa.u1 $0x1  }
0x21c: {  	s0 =	simm.s32 $0xF218  }
0x21d: {  	v0 =	vld.msk [tilespmem:s0+$0x0], $0x1;
	_ =	sdelay $0x4  }
0x21e: {  	(v2sf) =	vpush v0, $0x0;
	_ =	sdelay $0xd  }
0x21f: {  	s2 =	sadd.s32 $0xFFFFFFFF, s2  }
0x220: {  	p1 =	sne.s32 s2, $0x0;
	s0 =	spop (v2sf)  }
.Ltmp34:
0x221: {  	p0 =	sgt.u32 s0, $0xC34F0;
	(pc) =	sbr.rel @!p1 .LBB3_35-.Ltmp34, $4  }
0x222: {  	s4 =	simm.s32 $0xF238;
	s5 =	sand.u32 @!p0 $0xFFFF8, s0  }
0x223: {  	s6 =	simm.s32 $0x0;
	s0 =	sand.u32 @!p0 $0x7, s0;
	s5 =	sadd.s32 @!p0 s1, s5  }
0x224: {  	[hbm4b:s5+s0] =	stream.linear.scatter @!p0 [tilespmem:s4], [sflag:$0x5], $0x80, $0x38;
	[tilespmem:$0x1F6E8] =	vst v63  }
0x225: {  	s6 =	simm.s32 @!p0 $0x200;
	s5 =	simm.s32 $0xF219  }
.LBB3_34:
0x226: {  	v0 =	vld.msk [tilespmem:s5+$0x0], $0x1;
	s2 =	sadd.s32 $0xFFFFFFFF, s2;
	s3 =	sadd.s32 s3, s6  }
0x227: {  	p0 =	sne.s32 s2, $0x0;
	_ =	sdelay $0x3  }
0x228: {  	(v2sf) =	vpush v0, $0x0;
	_ =	sdelay $0xe  }
.Ltmp35:
0x229: {  	s0 =	spop (v2sf);
	(pc) =	sbr.rel @p0 .LBB3_34-.Ltmp35, $4  }
0x22a: {  	s6 =	simm.s32 $0x0;
	p1 =	sgt.u32 s0, $0xC34F0  }
0x22b: {  	s4 =	sadd.s32 $0x80, s4;
	s6 =	simm.s32 @!p1 $0x200;
	s7 =	sand.u32 @!p1 $0xFFFF8, s0  }
0x22c: {  	s5 =	sadd.s32 $0x1, s5;
	s0 =	sand.u32 @!p1 $0x7, s0;
	s7 =	sadd.s32 @!p1 s1, s7  }
0x22d: {  	[hbm4b:s7+s0] =	stream.linear.scatter @!p1 [tilespmem:s4], [sflag:$0x5], $0x80, $0x38;
	[tilespmem:$0x1F6E8] =	vst v63  }
.LBB3_35:
0x22e: {  	s0 =	sadd.s32 s3, s6  }
0x22f: {  	s3 =	sshrl.u32 s0, $0x2  }
.LBB3_36:
0x230: {  	s0 =	simm.s32 $0x5  }
0x231: {  	_ =	swait.ge [sflag:s0], s3  }
0x232: {  	s1 =	ssub.s32 $0x0, s3;
	[sflag:s0] =	ssyncset.done $0x0  }
0x233: {  	[sflag:s0] =	ssyncadd.s32 s1  }
0x234: {  	[sflag:s0] =	ssyncpa.u1 $0x1  }
0x235: {  	s30 =	simm.s32 $0x1;
	_ =	sfence  }
0x236: {  	[sflag:s30] =	ssyncpa.u1 $0x1  }
0x237: {  	_ =	strace $0x90000062  }
0x238: {  	[bflag:$0x2] =	sbarrier.arrive $0xFFFF  }
0x239: {  	s31 =	rddreg [dreg:$0x1]  }
0x23a: {  	s0 =	sadd.s32 $0x100000, s31  }
0x23b: {  	[sflag:s0] =	ssyncadd.tile.s32 $0x1;
	_ =	shalt  }
.Lfunc_end3:
_tile_overlayer_lowered:
.L_overlay_start_3:
0x23c: {  	(tag) =	ssettag $0x3  }
0x23d: {  	s0 =	rddreg [dreg:$0x0];
	s2 =	stileid.u32  }
0x23e: {  	s1 =	rddreg [dreg:$0x1];
	p0 =	sne.s32 s2, $0x0  }
0x23f: {  	s3 =	rddreg [dreg:$0x2];
	[bflag:$0x3] =	sbarrier.arrive $0xFFFF;
	s2 =	simm.s32 @!p0 $0x1C01  }
0x240: {  	[timem:s3], [sflag:s2] =	dma.local @!p0 [hbm:s0], s1  }
0x241: {  	s0 =	simm.s32 @!p0 $0x1  }
0x242: {  	_ =	swait.ge @!p0 [sflag:s0], s1  }
0x243: {  	s1 =	ssub.s32 @!p0 $0x0, s1;
	[sflag:s0] =	ssyncset.done @!p0 $0x0  }
0x244: {  	[sflag:s0] =	ssyncadd.s32 @!p0 s1  }
0x245: {  	[bflag:$0x3] =	sbarrier.arrive $0xFFFF  }
0x246: {  	_ =	shalt  }

// kernel: scatter_offload_async_start.5
scs
__scs_entry_jumppad:
0x0: {  	(pc) =	sbr.rel $0x88, $3  }
0x1: {  	(tag) =	ssettag $0x0;
	lr =	simm.s32 $0x1  }
0x2: {  	[smem:$0x3F96] =	sst lr;
	_ =	strace $0xD0000000  }
0x3: {  	_ = 	snop  }
0x4: {  	_ = 	snop  }
0x5: {  	_ = 	snop  }
0x6: {  	_ = 	snop  }
0x7: {  	_ = 	snop  }
__scs_overlays_trampoline_lowered:
0x8: {  	[smem:$0x3FA5] =	sst s0  }
0x9: {  	[smem:$0x3FA6] =	sst s1  }
0xa: {  	[smem:$0x3FA7] =	sst s2  }
0xb: {  	[smem:$0x3FA8] =	sst s3  }
0xc: {  	[smem:$0x3FA9] =	sst s4  }
0xd: {  	[smem:$0x3FAA] =	sst s5  }
0xe: {  	[smem:$0x3FAB] =	sst s6  }
0xf: {  	[smem:$0x3FAC] =	sst s7  }
0x10: {  	[smem:$0x3FAD] =	sst s8  }
0x11: {  	[smem:$0x3FAE] =	sst s9;
	s0 =	simm.s32 @!p0 $0x0  }
0x12: {  	s1 =	sld [smem:$0x3F94];
	s0 =	simm.s32 @p0 $0x1  }
0x13: {  	[smem:$0x3FAF] =	sst s0;
	s0 =	simm.s32 @!p1 $0x0  }
0x14: {  	s2 =	sld [smem:$0x3F93];
	s0 =	simm.s32 @p1 $0x1  }
0x15: {  	[smem:$0x3FB0] =	sst s0;
	s0 =	simm.s32 @!p2 $0x0  }
0x16: {  	s3 =	sld [smem:$0x3FDB];
	s0 =	simm.s32 @p2 $0x1  }
0x17: {  	s4 =	simm.s32 $0x1BF5;
	[smem:$0x3FB2] =	sst s0  }
0x18: {  	s0 =	sld [smem:$0x3F95];
	_ =	swait.ge [sflag:s4], $0x0  }
0x19: {  	s7 =	sld [smem:$0x3F96]  }
0x1a: {  	s8 =	sadd.s32 $0xFFFFE003, lr  }
0x1b: {  	s9 =	sadd.s32 $0xFFFFFEF7, lr;
	s5 =	simm.s32 $0xFFFFFFFF;
	p2 =	slt.u32 s8, $0xFFFFF086  }
0x1c: {  	p1 =	slt.u32 s9, $0xF7A;
	s5 =	simm.s32 @!p2 $0x0  }
0x1d: {  	s5 =	simm.s32 @p1 $0x1;
	p0 =	seq.s32 s7, s2  }
0x1e: {  	s7 =	smul.u32 @!p0 $0xF7A, s2;
	p2 =	seq.s32 @!p0 s5, $0x0  }
0x1f: {  	s9 =	smul.u32 $0xF7A, s1;
	s8 =	simm.s32 @!p0 $0x1BF5;
	p2 =	por !p2, p0  }
0x20: {  	[sflag:s8] =	ssyncset.s32 @!p0 $0xFFFFF086;
	s6 =	sadd.s32 @!p0 s3, s7;
	s7 =	simm.s32 @!p0 $0x108  }
0x21: {  	s3 =	sadd.s32 s3, s9;
	s6 =	sadd.s32 @!p0 $0x88, s6;
	s7 =	simm.s32 @p2 $0x1082  }
0x22: {  	[simem:s7], [sflag:s8] =	dma.local @!p0 [hbm:s6], $0xF7A  }
0x23: {  	s9 =	sor.u32 $0xD0000000, s2;
	s6 =	simm.s32 $0x108;
	_ =	swait.ge @!p0 [sflag:s8], $0x0  }
0x24: {  	s3 =	sadd.s32 $0x88, s3;
	s6 =	simm.s32 @!p1 $0x1082;
	[sflag:s4] =	ssyncset.s32 $0xFFFFF086  }
0x25: {  	[simem:s6], [sflag:s4] =	dma.local [hbm:s3], $0xF7A  }
0x26: {  	[smem:$0x3F96] =	sst s1;
	(tag) =	ssettag s2;
	_ =	strace s9  }
0x27: {  	s1 =	sld [smem:$0x3FA6]  }
0x28: {  	s2 =	sld [smem:$0x3FA7]  }
0x29: {  	s4 =	sld [smem:$0x3FA9]  }
0x2a: {  	p0 =	seq.s32 s5, $0x0;
	s5 =	sld [smem:$0x3FAA]  }
0x2b: {  	s6 =	sld [smem:$0x3FAB]  }
0x2c: {  	s7 =	sld [smem:$0x3FAC]  }
0x2d: {  	s3 =	simm.s32 $0x108;
	s8 =	sld [smem:$0x3FAD]  }
0x2e: {  	s3 =	simm.s32 @!p0 $0x1082;
	s9 =	sld [smem:$0x3FAE]  }
0x2f: {  	lr =	sadd.s32 s0, s3;
	s0 =	sld [smem:$0x3FA5]  }
0x30: {  	s3 =	sld [smem:$0x3FA8]  }
0x31: {  	[smem:$0x3FB1] =	sst s10  }
0x32: {  	s10 =	sld [smem:$0x3FAF];
	_ =	sdelay $0x3  }
0x33: {  	p0 =	seq.s32 s10, $0x1;
	s10 =	sld [smem:$0x3FB1];
	_ =	sdelay $0x3  }
0x34: {  	[smem:$0x3FB1] =	sst s10  }
0x35: {  	s10 =	sld [smem:$0x3FB0];
	_ =	sdelay $0x3  }
0x36: {  	p1 =	seq.s32 s10, $0x1;
	s10 =	sld [smem:$0x3FB1];
	_ =	sdelay $0x3  }
0x37: {  	[smem:$0x3FB1] =	sst s10  }
0x38: {  	s10 =	sld [smem:$0x3FB2]  }
0x39: {  	_ = 	snop;
	(pc) =	sbr.ind lr, $3  }
0x3a: {  	_ = 	snop  }
0x3b: {  	_ = 	snop  }
0x3c: {  	p2 =	seq.s32 s10, $0x1;
	s10 =	sld [smem:$0x3FB1]  }
0x3d: {  	_ =	shalt  }
0x3e: {  	_ =	shalt  }
0x3f: {  	_ =	shalt  }
0x40: {  	_ =	shalt  }
0x41: {  	_ =	shalt  }
0x42: {  	_ =	shalt  }
0x43: {  	_ =	shalt  }
0x44: {  	_ =	shalt  }
0x45: {  	_ =	shalt  }
0x46: {  	_ =	shalt  }
0x47: {  	_ =	shalt  }
0x48: {  	_ =	shalt  }
0x49: {  	_ =	shalt  }
0x4a: {  	_ =	shalt  }
0x4b: {  	_ =	shalt  }
0x4c: {  	_ =	shalt  }
0x4d: {  	_ =	shalt  }
0x4e: {  	_ =	shalt  }
0x4f: {  	_ =	shalt  }
0x50: {  	_ =	shalt  }
0x51: {  	_ =	shalt  }
0x52: {  	_ =	shalt  }
0x53: {  	_ =	shalt  }
0x54: {  	_ =	shalt  }
0x55: {  	_ =	shalt  }
0x56: {  	_ =	shalt  }
0x57: {  	_ =	shalt  }
0x58: {  	_ =	shalt  }
0x59: {  	_ =	shalt  }
0x5a: {  	_ =	shalt  }
0x5b: {  	_ =	shalt  }
0x5c: {  	_ =	shalt  }
0x5d: {  	_ =	shalt  }
0x5e: {  	_ =	shalt  }
0x5f: {  	_ =	shalt  }
0x60: {  	_ =	shalt  }
0x61: {  	_ =	shalt  }
0x62: {  	_ =	shalt  }
0x63: {  	_ =	shalt  }
0x64: {  	_ =	shalt  }
0x65: {  	_ =	shalt  }
0x66: {  	_ =	shalt  }
0x67: {  	_ =	shalt  }
0x68: {  	_ =	shalt  }
0x69: {  	_ =	shalt  }
0x6a: {  	_ =	shalt  }
0x6b: {  	_ =	shalt  }
0x6c: {  	_ =	shalt  }
0x6d: {  	_ =	shalt  }
0x6e: {  	_ =	shalt  }
0x6f: {  	_ =	shalt  }
0x70: {  	_ =	shalt  }
0x71: {  	_ =	shalt  }
0x72: {  	_ =	shalt  }
0x73: {  	_ =	shalt  }
0x74: {  	_ =	shalt  }
0x75: {  	_ =	shalt  }
0x76: {  	_ =	shalt  }
0x77: {  	_ =	shalt  }
0x78: {  	_ =	shalt  }
0x79: {  	_ =	shalt  }
0x7a: {  	_ =	shalt  }
0x7b: {  	_ =	shalt  }
0x7c: {  	_ =	shalt  }
0x7d: {  	_ =	shalt  }
0x7e: {  	_ =	shalt  }
0x7f: {  	_ =	shalt  }
0x80: {  	_ =	shalt  }
0x81: {  	_ =	shalt  }
0x82: {  	_ =	shalt  }
0x83: {  	_ =	shalt  }
0x84: {  	_ =	shalt  }
0x85: {  	_ =	shalt  }
0x86: {  	_ =	shalt  }
0x87: {  	_ =	shalt  }
.Lfunc_end0:
.L_simem_size_0:
called_computation.5_lowered:
.L_overlay_start_0:
0x88: {  	s0 =	sld [smem:$0x3FD9]  }
0x89: {  	s1 =	sld [smem:$0x3FFE];
	_ =	sdelay $0x3  }
0x8a: {  	s0 =	sadd.s32 s1, s0  }
0x8b: {  	[smem:$0x3FBD] =	sst s0  }
0x8c: {  	_ = 	snop  }
0x8d: {  	(tm) =	ssettm $0x1  }
0x8e: {  	s14 =	sld [smem:$0x3FFB];
	_ =	sdelay $0x3  }
0x8f: {  	_ =	strace s14  }
0x90: {  	s0 =	sld [smem:$0x3FFC];
	_ =	sdelay $0x3  }
0x91: {  	_ =	strace s0  }
0x92: {  	s0 =	sld [smem:$0x3FFD];
	_ =	sdelay $0x3  }
0x93: {  	_ =	strace s0  }
0x94: {  	_ =	strace $0x8FFFFFFF  }
0x95: {  	s15 =	sld [smem:$0x3FDB];
	_ =	sdelay $0x1  }
0x96: {  	s16 =	simm.s32 $_scs_section_size  }
0x97: {  	s2 =	simm.s32 $_size__tile_overlayer_lowered;
	s3 =	simm.s32 $_tile_overlayer_lowered  }
0x98: {  	s4 =	simm.s32 $0x1BFF;
	s17 =	sshll.u32 s3, $0x1;
	s1 =	sadd.s32 s16, s15  }
0x99: {  	s18 =	simm.s32 $0x0;
	s2 =	sshll.u32 s2, $0x1;
	s3 =	sadd.s32 s17, s1  }
0x9a: {  	[timem:s18], [sflag:s4] =	dma.local [hbm:s3], s2  }
0x9b: {  	_ =	swait.ge [sflag:s4], s2  }
0x9c: {  	s2 =	ssub.s32 $0x0, s2;
	[sflag:s4] =	ssyncset.done $0x0  }
0x9d: {  	[sflag:s4] =	ssyncadd.s32 s2;
	_ =	sdelay $0x1  }
0x9e: {  	s19 =	simm.s32 $0x1B8B  }
0x9f: {  	_ =	swait.ge [sflag:s19], $0x1  }
0xa0: {  	[sflag:s19] =	ssyncset.done $0x0  }
0xa1: {  	s21 =	simm.s32 $0x1B8E;
	s20 =	sld [smem:$0x3FFE];
	[sflag:s19] =	ssyncadd.s32 $0xFFFFFFFF  }
0xa2: {  	s22 =	simm.s32 $execute0_lowered;
	[smem:$0x3FD2] =	sst s21  }
0xa3: {  	s3 =	sshll.u32 s22, $0x1;
	_ =	strace $0x80000064;
	[dreg:$0x1] =	wrdreg $0xFFFFFFFF  }
0xa4: {  	s23 =	simm.s32 $_size_execute0_lowered;
	s3 =	sadd.s32 s1, s3;
	[dreg:$0x0] =	wrdreg $0x0  }
0xa5: {  	s4 =	sshll.u32 s23, $0x1;
	[dreg:$0x2] =	wrdreg s3  }
0xa6: {  	[dreg:$0x3] =	wrdreg s4  }
0xa7: {  	[dreg:$0x4] =	wrdreg $0xC0  }
0xa8: {  	s24 =	simm.s32 $execute1_lowered;
	_ =	task [dreg:s18], $0x5FFFF  }
0xa9: {  	s3 =	sshll.u32 s24, $0x1;
	[dreg:$0x1] =	wrdreg $0xFFFFFFFF  }
0xaa: {  	s1 =	sadd.s32 s1, s3;
	[dreg:$0x0] =	wrdreg $0x60  }
0xab: {  	[dreg:$0x2] =	wrdreg s1  }
0xac: {  	[dreg:$0x3] =	wrdreg s20  }
0xad: {  	[dreg:$0x4] =	wrdreg $0xB  }
0xae: {  	_ =	task.clear_ibuf [dreg:s18], $0x5FFFF;
	_ =	strace $0x90000064  }
0xaf: {  	s25 =	simm.s32 $0xB;
	_ =	strace $0x80000066  }
0xb0: {  	_ =	swait.ge [sflag:s25], $0x1  }
0xb1: {  	[sflag:s25] =	ssyncadd.s32 $0xFFFFFFFF  }
0xb2: {  	_ =	strace $0x90000066  }
0xb3: {  	_ =	strace $0x80000067;
	[dreg:$0x1] =	wrdreg $0xFFFFFFFF  }
0xb4: {  	[dreg:$0x0] =	wrdreg $0x2030  }
0xb5: {  	[dreg:$0x2] =	wrdreg s20  }
0xb6: {  	[dreg:$0x3] =	wrdreg $0xC  }
0xb7: {  	_ =	task.clear_ibuf [dreg:s18], $0x4FFFF;
	_ =	strace $0x90000067  }
0xb8: {  	s26 =	simm.s32 $0xC;
	_ =	strace $0x80000069  }
0xb9: {  	_ =	swait.ge [sflag:s26], $0x1  }
0xba: {  	[sflag:s26] =	ssyncadd.s32 $0xFFFFFFFF  }
0xbb: {  	_ =	strace $0x90000069  }
0xbc: {  	_ =	sfence  }
0xbd: {  	s28 =	sld [smem:$0x0];
	_ =	sdelay $0x1  }
0xbe: {  	s29 =	srdreg.scid  }
0xbf: {  	s30 =	sshll.u32 s29, $0xD;
	s31 =	sshrl.u32 s29, $0x2  }
0xc0: {  	s2 =	sand.u32 $0x1, s29;
	s3 =	sand.u32 $0x4000, s30;
	s1 =	sadd.s32 s31, s28  }
0xc1: {  	s2 =	sor.u32 s3, s2;
	s1 =	sshll.u32 s1, $0x11  }
0xc2: {  	s1 =	sor.u32 s1, s2  }
0xc3: {  	s1 =	sadd.s32 $0x8F2B, s1  }
0xc4: {  	[sflag:s1] =	ssyncadd.remote.s32 $0x1  }
0xc5: {  	_ =	sfence.sel $0xFFFF  }
0xc6: {  	[dreg:$0x0] =	wrdreg $0xFFFFFFFF;
	(pc) =	sbr.abs _section_cstart, $3  }
0xc7: {  	[dreg:$0x1] =	wrdreg $0xFFFFFFFF  }
0xc8: {  	_ =	task.clear_ibuf [dreg:s18], $0x2FFFF;
	_ =	strace $0x9FFFFFFF  }
0xc9: {  	(tm) =	ssettm $0x7FFFFFFF  }
tec
execute0_lowered:
.L_overlay_start_1:
0x0: {  	(tag) =	ssettag $0x1  }
0x1: {  	s2 =	rddreg [dreg:$0x0]  }
0x2: {  	s4 =	rddreg [dreg:$0x1]  }
0x3: {  	s0 =	rddreg [dreg:$0x2]  }
0x4: {  	s3 =	stileid.u32;
	[bflag:$0x3] =	sbarrier.arrive $0xFFFF;
	s1 =	simm.s32 $_size_execute1_lowered  }
0x5: {  	s7 =	simm.s32 $0x2;
	s8 =	simm.s32 $0x0;
	s12 =	simm.s32 $0x0  }
0x6: {  	s10 =	simm.s32 $0x0;
	s11 =	simm.s32 $0x0;
	p0 =	sne.s32 s3, $0x0  }
0x7: {  	s1 =	sshll.u32 s1, $0x1;
	s3 =	sshll.u32 s3, $0x7;
	s5 =	simm.s32 @!p0 $0x1C3F  }
.Ltmp0:
0x8: {  	s6 =	simm.s32 @!p0 $0x4060;
	s31 =	ssub.s32 $0xC300, s3;
	(pc) =	sbr.rel .LBB2_1-.Ltmp0, $4  }
0x9: {  	[timem:s6], [sflag:s5] =	dma.local @!p0 [hbm:s2], s1  }
0xa: {  	s9 =	smov.u32 s3;
	s5 =	simm.s32 $0x1;
	_ =	strace $0x80000065  }
0xb: {  	s2 =	sadd.s32 $0x4DD000, s4;
	s6 =	sshrl.u32 s31, $0xB;
	[sflag:s5] =	ssyncpa.u1 $0x0  }
0xc: {  	s4 =	sadd.s32 $0x1CFC00, s4;
	[sflag:s7] =	ssyncpa.u1 $0x0;
	s7 =	sadd.s32 $0x2, s6  }
.LBB2_4:
0xd: {  	_ = 	snop  }
.LBB2_7:
0xe: {  	_ =	sdelay $0x3  }
0xf: {  	[tilespmem:v0+s16+$0x0 ss:$0x1] =	vst.idx.msk @p1 $0xffff, v2  }
0x10: {  	v56 =	vld.idx.msk [tilespmem:v1+s15+$0x0 ss:$0x1], $0xffff;
	s24 =	sor.u32 $0x70, s15;
	[tilespmem:v0+s17+$0x0 ss:$0x1] =	vst.idx.msk @p1 $0xffff, v4  }
0x11: {  	s25 =	sor.u32 $0x10, s15;
	[tilespmem:v0+s18+$0x0 ss:$0x1] =	vst.idx.msk @p1 $0xffff, v3;
	v57 =	vld.idx.msk [tilespmem:v1+s24+$0x0 ss:$0x1], $0xffff  }
0x12: {  	s26 =	sor.u32 $0x20, s15;
	[tilespmem:v0+s19+$0x0 ss:$0x1] =	vst.idx.msk @p1 $0xffff, v5;
	v58 =	vld.idx.msk [tilespmem:v1+s25+$0x0 ss:$0x1], $0xffff  }
0x13: {  	s28 =	sor.u32 $0x30, s15;
	[tilespmem:v0+s20+$0x0 ss:$0x1] =	vst.idx.msk @p1 $0xffff, v6;
	v59 =	vld.idx.msk [tilespmem:v1+s26+$0x0 ss:$0x1], $0xffff  }
0x14: {  	s29 =	sor.u32 $0x40, s15;
	[tilespmem:v0+s21+$0x0 ss:$0x1] =	vst.idx.msk @p1 $0xffff, v7;
	v60 =	vld.idx.msk [tilespmem:v1+s28+$0x0 ss:$0x1], $0xffff  }
0x15: {  	s30 =	sor.u32 $0x50, s15;
	v61 =	vld.idx.msk [tilespmem:v1+s29+$0x0 ss:$0x1], $0xffff;
	[tilespmem:v0+s15+$0x0 ss:$0x1] =	vst.idx.msk $0xffff, v56  }
0x16: {  	s31 =	sor.u32 $0x60, s15;
	v62 =	vld.idx.msk [tilespmem:v1+s30+$0x0 ss:$0x1], $0xffff;
	[tilespmem:v0+s24+$0x0 ss:$0x1] =	vst.idx.msk $0xffff, v57  }
0x17: {  	v63 =	vld.idx.msk [tilespmem:v1+s31+$0x0 ss:$0x1], $0xffff;
	[tilespmem:v0+s25+$0x0 ss:$0x1] =	vst.idx.msk $0xffff, v58  }
0x18: {  	[tilespmem:v0+s26+$0x0 ss:$0x1] =	vst.idx.msk $0xffff, v59  }
0x19: {  	[tilespmem:v0+s28+$0x0 ss:$0x1] =	vst.idx.msk $0xffff, v60  }
0x1a: {  	[tilespmem:v0+s29+$0x0 ss:$0x1] =	vst.idx.msk $0xffff, v61  }
0x1b: {  	[tilespmem:v0+s30+$0x0 ss:$0x1] =	vst.idx.msk $0xffff, v62  }
0x1c: {  	[tilespmem:v0+s31+$0x0 ss:$0x1] =	vst.idx.msk $0xffff, v63  }
.LBB2_8:
0x1d: {  	s15 =	sand.u32 $0x1FFFFFF, s10  }
0x1e: {  	s16 =	smulhi.u32 $0x14F8B59, s15;
	_ =	sdelay $0x1  }
0x1f: {  	s16 =	sshrl.u32 s16, $0x8  }
0x20: {  	s16 =	smul.u32 $0xC350, s16;
	_ =	sdelay $0x1  }
0x21: {  	s15 =	ssub.s32 s15, s16  }
0x22: {  	s15 =	sshll.u32 s15, $0x4  }
0x23: {  	s15 =	sadd.s32 s4, s15  }
0x24: {  	[hbm4b:s15+s8] =	stream.linear.scatter [tilespmem:s14], [sflag:$0x2], s13, $0x38;
	[tilespmem:$0x10000] =	vst v63  }
.LBB2_9:
0x25: {  	p1 =	slt.u32 s11, $0x2  }
0x26: {  	p2 =	sgt.s32 @!p1 s12, $0xC2D0  }
0x27: {  	s13 =	smov.u32 s12;
	s14 =	sshra.s32 @!p1 s12, $0x1F;
	p2 =	por !p2, p1  }
0x28: {  	s12 =	sand.u32 @!p1 s14, s12;
	s13 =	simm.s32 @p2 $0xC2D0  }
0x29: {  	s12 =	ssub.s32 @!p1 s13, s12  }
0x2a: {  	s12 =	sadd.s32 @!p1 $0xFFFF3D30, s12  }
0x2b: {  	s13 =	sshll.u32 @!p1 s12, $0x9  }
0x2c: {  	p2 =	sgt.s32 @!p1 s12, $0x7F;
	s12 =	ssub.s32 @!p1 $0x10000, s13  }
0x2d: {  	s14 =	sadd.s32 $0x800, s9;
	p2 =	por !p2, p1;
	s12 =	sshrl.u32 @!p1 s12, $0x2  }
0x2e: {  	s12 =	simm.s32 @!p2 $0x0;
	p2 =	sgt.s32 s14, $0xC34F  }
0x2f: {  	s14 =	smov.u32 @p2 s3;
	p2 =	sne.s32 s11, s7  }
.Ltmp1:
0x30: {  	_ = 	snop;
	(pc) =	sbr.rel @!p2 .LBB2_10-.Ltmp1, $4  }
0x31: {  	s13 =	simm.s32 @!p1 $0x2  }
0x32: {  	_ =	swait.ge @!p1 [sflag:s13], s12;
	s15 =	ssub.s32 @!p1 $0x0, s12  }
0x33: {  	s12 =	smov.u32 s10;
	s11 =	sadd.s32 $0x1, s11;
	[sflag:s13] =	ssyncset.done @!p1 $0x0  }
0x34: {  	s10 =	smov.u32 s9;
	s9 =	smov.u32 s14;
	[sflag:s13] =	ssyncadd.s32 @!p1 s15  }
.LBB2_1:
0x35: {  	p1 =	sgt.u32 s11, s6  }
0x36: {  	s13 =	sand.u32 @!p1 $0x1FFFFFF, s9  }
0x37: {  	p2 =	sgt.s32 @!p1 s9, $0xC2D0;
	s14 =	smulhi.u32 @!p1 $0x14F8B59, s13  }
0x38: {  	s15 =	smov.u32 s9;
	s16 =	sshra.s32 @!p1 s9, $0x1F;
	p2 =	por !p2, p1  }
0x39: {  	s16 =	sand.u32 @!p1 s16, s9;
	s15 =	simm.s32 @p2 $0xC2D0;
	s14 =	sshrl.u32 @!p1 s14, $0x8  }
0x3a: {  	s15 =	ssub.s32 @!p1 s15, s16;
	s14 =	smul.u32 @!p1 $0xC350, s14  }
0x3b: {  	s16 =	sxor.u32 @!p1 $0xFFFFFFFF, s11;
	s15 =	sadd.s32 @!p1 $0xFFFF3D30, s15  }
0x3c: {  	s16 =	sshll.u32 @!p1 s16, $0xE;
	s13 =	ssub.s32 @!p1 s13, s14;
	s14 =	sshll.u32 @!p1 s15, $0x9  }
0x3d: {  	s16 =	sand.u32 @!p1 $0x4000, s16;
	p2 =	sgt.s32 @!p1 s15, $0x7F;
	s14 =	ssub.s32 @!p1 $0x10000, s14  }
0x3e: {  	p2 =	por !p2, p1;
	s13 =	sshll.u32 @!p1 s13, $0x4;
	s14 =	sshrl.u32 @!p1 s14, $0x2  }
0x3f: {  	s15 =	simm.s32 @!p1 $0x0;
	s13 =	sadd.s32 @!p1 s2, s13;
	s14 =	simm.s32 @!p2 $0x0  }
0x40: {  	[tilespmem:s16], [sflag:$0x1] =	stream.linear.gather @!p1 [hbm4b:s13+s15], s14, $0x38;
	[tilespmem:$0x10000] =	vst v63  }
0x41: {  	p1 =	seq.s32 s11, $0x0  }
0x42: {  	p2 =	sge.u32 @!p1 s11, s7  }
0x43: {  	p1 =	por p1, p2  }
.Ltmp2:
0x44: {  	_ = 	snop;
	(pc) =	sbr.rel @p1 .LBB2_9-.Ltmp2, $1  }
0x45: {  	_ =	sdelay $0x3  }
0x46: {  	p1 =	sgt.s32 s10, $0xC2D0;
	s13 =	smov.u32 s10;
	s14 =	sshra.s32 s10, $0x1F  }
0x47: {  	s13 =	simm.s32 @!p1 $0xC2D0;
	s14 =	sand.u32 s14, s10  }
0x48: {  	s13 =	ssub.s32 s13, s14  }
0x49: {  	s13 =	sadd.s32 $0xFFFF3D30, s13  }
0x4a: {  	s31 =	sshll.u32 s13, $0x9  }
0x4b: {  	s14 =	ssub.s32 $0x10000, s31  }
0x4c: {  	p1 =	sgt.s32 s13, $0x7F;
	s13 =	sshrl.u32 s14, $0x2;
	s14 =	sadd.s32 $0x80, s10  }
0x4d: {  	s13 =	simm.s32 @p1 $0x0;
	p1 =	slt.s32 s14, $0xC350  }
0x4e: {  	s14 =	simm.s32 @!p1 $0xC350  }
0x4f: {  	s16 =	ssub.s32 s14, s10  }
0x50: {  	p1 =	slt.s32 s16, $0x1  }
.Ltmp3:
0x51: {  	_ = 	snop;
	(pc) =	sbr.rel @p1 .LBB2_8-.Ltmp3, $4  }
0x52: {  	_ = 	snop  }
0x53: {  	s15 =	sshll.u32 s11, $0xE;
	_ =	swait.ge [sflag:s5], s13  }
0x54: {  	s15 =	sand.u32 $0x4000, s15;
	s17 =	ssub.s32 $0x0, s13;
	[sflag:s5] =	ssyncset.done $0x0  }
0x55: {  	s14 =	sor.u32 $0x8000, s15;
	[sflag:s5] =	ssyncadd.s32 s17  }
0x56: {  	p2 =	sne.s32 s16, $0x1  }
.Ltmp4:
0x57: {  	v1 =	vmov s15;
	v0 =	vmov s14;
	(pc) =	sbr.rel @!p2 .LBB2_4-.Ltmp4, $3  }
0x58: {  	_ =	sdelay $0x1  }
0x59: {  	s17 =	simm.s32 $0x0  }
0x5a: {  	s23 =	sadd.s32 $0xFFFFFFFF, s16;
	p1 =	por $0x0, $0x0;
	s15 =	sand.u32 $0x3F80, s17  }
0x5b: {  	_ =	sdelay $0x3  }
0x5c: {  	v6 =	vld.idx.msk [tilespmem:v1+s15+$0x0 ss:$0x1], $0xffff;
	s24 =	sor.u32 $0x70, s15  }
0x5d: {  	s16 =	sor.u32 $0x10, s15;
	v8 =	vld.idx.msk [tilespmem:v1+s24+$0x0 ss:$0x1], $0xffff  }
0x5e: {  	s17 =	sor.u32 $0x20, s15;
	p2 =	sne.s32 s23, $0x1;
	v2 =	vld.idx.msk [tilespmem:v1+s16+$0x0 ss:$0x1], $0xffff  }
.Ltmp5:
0x5f: {  	s18 =	sor.u32 $0x30, s15;
	v4 =	vld.idx.msk [tilespmem:v1+s17+$0x0 ss:$0x1], $0xffff;
	(pc) =	sbr.rel @!p2 .LBB2_7-.Ltmp5, $4  }
0x60: {  	s19 =	sor.u32 $0x40, s15;
	v3 =	vld.idx.msk [tilespmem:v1+s18+$0x0 ss:$0x1], $0xffff  }
0x61: {  	s21 =	sor.u32 $0x60, s15;
	v5 =	vld.idx.msk [tilespmem:v1+s19+$0x0 ss:$0x1], $0xffff  }
0x62: {  	s20 =	sor.u32 $0x50, s15;
	s22 =	simm.s32 $0x80;
	v7 =	vld.idx.msk [tilespmem:v1+s21+$0x0 ss:$0x1], $0xffff;
	[tilespmem:v0+s15+$0x0 ss:$0x1] =	vst.idx.msk $0xffff, v6  }
0x63: {  	s23 =	sadd.s32 $0xFFFFFFFF, s23;
	p1 =	por $0x1, $0x1;
	v6 =	vld.idx.msk [tilespmem:v1+s20+$0x0 ss:$0x1], $0xffff;
	s15 =	sand.u32 $0x3F80, s22;
	[tilespmem:v0+s24+$0x0 ss:$0x1] =	vst.idx.msk $0xffff, v8  }
.LBB2_6:
0x64: {  	p2 =	sne.s32 s23, $0x1;
	v8 =	vld.idx.msk [tilespmem:v1+s15+$0x0 ss:$0x1], $0xffff;
	s24 =	sor.u32 $0x70, s15;
	[tilespmem:v0+s16+$0x0 ss:$0x1] =	vst.idx.msk $0xffff, v2;
	s16 =	sor.u32 $0x10, s15  }
0x65: {  	s25 =	sor.u32 $0x30, s15;
	s26 =	sor.u32 $0x40, s15;
	v9 =	vld.idx.msk [tilespmem:v1+s24+$0x0 ss:$0x1], $0xffff;
	[tilespmem:v0+s17+$0x0 ss:$0x1] =	vst.idx.msk $0xffff, v4;
	s17 =	sor.u32 $0x20, s15  }
0x66: {  	s28 =	sor.u32 $0x50, s15;
	s29 =	sor.u32 $0x60, s15;
	v2 =	vld.idx.msk [tilespmem:v1+s16+$0x0 ss:$0x1], $0xffff;
	[tilespmem:v0+s18+$0x0 ss:$0x1] =	vst.idx.msk $0xffff, v3;
	s18 =	smov.u32 s25  }
.Ltmp6:
0x67: {  	v4 =	vld.idx.msk [tilespmem:v1+s17+$0x0 ss:$0x1], $0xffff;
	[tilespmem:v0+s19+$0x0 ss:$0x1] =	vst.idx.msk $0xffff, v5;
	s19 =	smov.u32 s26;
	(pc) =	sbr.rel @p2 .LBB2_6-.Ltmp6, $4  }
0x68: {  	v3 =	vld.idx.msk [tilespmem:v1+s18+$0x0 ss:$0x1], $0xffff;
	[tilespmem:v0+s20+$0x0 ss:$0x1] =	vst.idx.msk $0xffff, v6;
	s20 =	smov.u32 s28  }
0x69: {  	v5 =	vld.idx.msk [tilespmem:v1+s19+$0x0 ss:$0x1], $0xffff;
	[tilespmem:v0+s21+$0x0 ss:$0x1] =	vst.idx.msk $0xffff, v7;
	s21 =	smov.u32 s29  }
0x6a: {  	s22 =	sadd.s32 $0x80, s22;
	[tilespmem:v0+s15+$0x0 ss:$0x1] =	vst.idx.msk $0xffff, v8;
	v6 =	vld.idx.msk [tilespmem:v1+s20+$0x0 ss:$0x1], $0xffff  }
0x6b: {  	s23 =	sadd.s32 $0xFFFFFFFF, s23;
	s15 =	sand.u32 $0x3F80, s22;
	v7 =	vld.idx.msk [tilespmem:v1+s21+$0x0 ss:$0x1], $0xffff;
	[tilespmem:v0+s24+$0x0 ss:$0x1] =	vst.idx.msk $0xffff, v9  }
.Ltmp7:
0x6c: {  	_ = 	snop;
	(pc) =	sbr.rel .LBB2_7-.Ltmp7, $1  }
0x6d: {  	_ =	sdelay $0x3  }
.LBB2_10:
0x6e: {  	_ =	sfence.sel $0x180000  }
0x6f: {  	s2 =	simm.s32 $0x1;
	[bflag:$0x0] =	sbarrier.arrive $0xFFFF  }
0x70: {  	s31 =	simm.s32 $0x2;
	[sflag:s2] =	ssyncpa.u1 $0x1  }
0x71: {  	[sflag:s31] =	ssyncpa.u1 $0x1  }
0x72: {  	_ =	strace $0x90000065  }
0x73: {  	s0 =	sadd.s32 @!p0 $0x100000, s0;
	[bflag:$0x2] =	sbarrier.arrive $0xFFFF  }
0x74: {  	[sflag:s0] =	ssyncadd.tile.s32 @!p0 $0x1;
	s0 =	simm.s32 @!p0 $0x3F  }
0x75: {  	_ =	swait.ge @!p0 [sflag:s0], s1  }
0x76: {  	s1 =	ssub.s32 @!p0 $0x0, s1;
	[sflag:s0] =	ssyncset.done @!p0 $0x0  }
0x77: {  	[sflag:s0] =	ssyncadd.s32 @!p0 s1  }
0x78: {  	[bflag:$0x3] =	sbarrier.arrive $0xFFFF  }
0x79: {  	_ =	shalt  }
.Lfunc_end2:
execute1_lowered:
.L_overlay_start_2:
0x7a: {  	(tag) =	ssettag $0x2  }
0x7b: {  	s0 =	rddreg [dreg:$0x0];
	_ =	strace $0x80000068;
	s1 =	simm.s32 $0x1  }
0x7c: {  	s8 =	simm.s32 $0x108;
	v0 =	vimm.s32 $0x0;
	[sflag:s1] =	ssyncpa.u1 $0x0  }
0x7d: {  	[tilespmem:s8+$0x70] =	vst v0  }
0x7e: {  	[tilespmem:s8+$0x60] =	vst v0  }
0x7f: {  	[tilespmem:s8+$0x50] =	vst v0  }
0x80: {  	[tilespmem:s8+$0x40] =	vst v0  }
0x81: {  	[tilespmem:s8+$0x30] =	vst v0  }
0x82: {  	s1 =	sadd.s32 $0x1CFC00, s0;
	s3 =	sadd.s32 $0x7C00, s0;
	[tilespmem:s8+$0x20] =	vst v0  }
0x83: {  	s2 =	simm.s32 $0x40;
	s4 =	sadd.s32 $0xA43E00, s0;
	s5 =	sadd.s32 $0x663C00, s0;
	[tilespmem:s8+$0x10] =	vst v0  }
.LBB3_1:
0x84: {  	s2 =	sadd.s32 $0x40, s2;
	[tilespmem:s8+$0x0] =	vst v0;
	s8 =	sadd.s32 $0x80, s8  }
0x85: {  	p0 =	slt.u32 s2, $0x3C40;
	[tilespmem:s8+$0x70] =	vst v0  }
0x86: {  	[tilespmem:s8+$0x60] =	vst v0  }
.Ltmp8:
0x87: {  	[tilespmem:s8+$0x50] =	vst v0;
	(pc) =	sbr.rel @p0 .LBB3_1-.Ltmp8, $4  }
0x88: {  	[tilespmem:s8+$0x40] =	vst v0  }
0x89: {  	[tilespmem:s8+$0x30] =	vst v0  }
0x8a: {  	[tilespmem:s8+$0x20] =	vst v0  }
0x8b: {  	[tilespmem:s8+$0x10] =	vst v0  }
0x8c: {  	s13 =	stileid.u32  }
0x8d: {  	s0 =	smul.u32 $0x41, s13  }
0x8e: {  	s2 =	smin.u32 s13, $0x2  }
0x8f: {  	s0 =	sadd.s32 s2, s0  }
0x90: {  	p0 =	slt.u32 s13, $0x2;
	s6 =	smul.u32 $0xF0, s0;
	s0 =	simm.s32 $0x3DE0  }
0x91: {  	s0 =	simm.s32 @!p0 $0x3CF0  }
0x92: {  	s0 =	sadd.s32 s0, s6  }
0x93: {  	s7 =	smin.u32 s0, $0x3D090  }
0x94: {  	s0 =	ssub.s32 s7, s6  }
0x95: {  	p0 =	sgt.s32 s0, $0x0  }
0x96: {  	s0 =	simm.s32 @!p0 $0x0  }
0x97: {  	s31 =	smulhi.u32 $0x88888889, s0  }
0x98: {  	s30 =	simm.s32 $0x2;
	s9 =	simm.s32 $0x7;
	s10 =	simm.s32 $0x8  }
0x99: {  	s19 =	simm.s32 $0x0;
	s15 =	simm.s32 $0xA;
	s2 =	sshrl.u32 s31, $0x7  }
0x9a: {  	s17 =	simm.s32 $0x0;
	s18 =	simm.s32 $0x0;
	s11 =	smul.u32 $0xF0, s2  }
.Ltmp9:
0x9b: {  	[tilespmem:s8+$0x0] =	vst v0;
	v0 =	vimm.s32 $0xFFFFFFFF;
	[sflag:s30] =	ssyncpa.u1 $0x0;
	s13 =	sshll.u32 s13, $0x8;
	(pc) =	sbr.rel .LBB3_3-.Ltmp9, $4  }
0x9c: {  	[tilespmem:$0xF208] =	vst v0;
	[sflag:s9] =	ssyncpa.u1 $0x0;
	p0 =	sne.s32 s0, s11;
	s0 =	simm.s32 $0x1  }
0x9d: {  	[sflag:s10] =	ssyncpa.u1 $0x0;
	s10 =	simm.s32 $0x9;
	s0 =	simm.s32 @!p0 $0x0  }
0x9e: {  	[sflag:s10] =	ssyncpa.u1 $0x0;
	s16 =	smov.u32 s6;
	s12 =	sadd.s32 s0, s2  }
0x9f: {  	v0 =	vlaneseq.u32;
	s11 =	simm.s32 $0x1;
	p0 =	por $0x0, $0x0;
	s14 =	sadd.s32 $0x1, s12  }
.LBB3_18:
0xa0: {  	s0 =	sshrl.u32 s28, $0x2  }
.LBB3_20:
0xa1: {  	_ =	swait.ge [sflag:s15], s0  }
0xa2: {  	s31 =	ssub.s32 $0x0, s0;
	v1 =	vmov s21;
	vm0 =	veq.s32 v0, $0x0;
	[sflag:s15] =	ssyncset.done $0x0  }
0xa3: {  	vm15 =	veq.s32 v0, $0x2;
	v1 =	vsel vm0, s26, v1;
	[sflag:s15] =	ssyncadd.s32 s31  }
0xa4: {  	v1 =	vsel vm15, s19, v1;
	[sflag:s15] =	ssyncpa.u1 $0x1  }
0xa5: {  	[tilespmem:$0xF208] =	vst v1  }
.LBB3_21:
0xa6: {  	s0 =	sadd.s32 $0xF0, s16  }
0xa7: {  	s2 =	smov.u32 s6;
	p1 =	slt.s32 s0, s7  }
0xa8: {  	s2 =	smov.u32 @p1 s0;
	p1 =	sne.s32 s18, s14  }
.Ltmp10:
0xa9: {  	_ = 	snop;
	(pc) =	sbr.rel @!p1 .LBB3_22-.Ltmp10, $3  }
0xaa: {  	_ =	sdelay $0x1  }
0xab: {  	s19 =	smov.u32 s17;
	s31 =	sadd.s32 $0x1, s18;
	s17 =	smov.u32 s16  }
0xac: {  	p0 =	por !p0, !p0;
	s18 =	smov.u32 s31;
	s16 =	smov.u32 s2  }
.LBB3_3:
0xad: {  	p1 =	sge.u32 s18, s12  }
0xae: {  	s0 =	smulhi.u32 @!p1 $0xAAAAAAAB, s18  }
0xaf: {  	s2 =	smov.u32 s16;
	p2 =	sgt.s32 @!p1 s16, $0x3CFA0  }
0xb0: {  	s20 =	sshra.s32 @!p1 s16, $0x1F;
	p2 =	por !p2, p1;
	s0 =	sshrl.u32 @!p1 s0, $0x1  }
0xb1: {  	s20 =	sand.u32 @!p1 s20, s16;
	s2 =	simm.s32 @p2 $0x3CFA0;
	s0 =	smul.u32 @!p1 $0x3, s0  }
0xb2: {  	s2 =	ssub.s32 @!p1 s2, s20  }
0xb3: {  	s2 =	sadd.s32 @!p1 $0xFFFC3060, s2;
	s0 =	ssub.s32 @!p1 s18, s0  }
0xb4: {  	s20 =	sshll.u32 @!p1 s2, $0x2;
	p2 =	sgt.s32 @!p1 s2, $0xEF;
	s0 =	smul.u32 @!p1 $0x3C0, s0  }
0xb5: {  	s21 =	sand.u32 @!p1 $0x7, s16;
	s2 =	ssub.s32 @!p1 $0x3C0, s20;
	p2 =	por !p2, p1  }
0xb6: {  	s20 =	sshrl.u32 @!p1 s16, $0x3;
	s2 =	sshrl.u32 @!p1 s2, $0x2;
	s0 =	sshrl.u32 @!p1 s0, $0x2  }
0xb7: {  	s20 =	sadd.s32 @!p1 s5, s20;
	s2 =	simm.s32 @!p2 $0x0;
	s0 =	sadd.s32 @!p1 $0x10238, s0  }
0xb8: {  	[tilespmem:s0], [sflag:$0x8] =	stream.linear.gather @!p1 [hbm4b:s20+s21], s2, $0x38;
	[tilespmem:$0x1F6E8] =	vst v63  }
0xb9: {  	s0 =	sadd.s32 $0xFFFFFFFF, s18  }
0xba: {  	p1 =	sge.u32 s0, s12  }
0xbb: {  	p2 =	sgt.s32 @!p1 s17, $0x3CFA0  }
0xbc: {  	s2 =	smov.u32 s17;
	s20 =	sshra.s32 @!p1 s17, $0x1F;
	p2 =	por !p2, p1  }
0xbd: {  	s20 =	sand.u32 @!p1 s20, s17;
	s2 =	simm.s32 @p2 $0x3CFA0  }
0xbe: {  	s2 =	ssub.s32 @!p1 s2, s20  }
0xbf: {  	s2 =	sadd.s32 @!p1 $0xFFFC3060, s2  }
0xc0: {  	s21 =	sand.u32 @!p1 $0x1, s0;
	s20 =	sshll.u32 @!p1 s2, $0x2  }
0xc1: {  	p2 =	sgt.s32 @!p1 s2, $0xEF;
	s2 =	ssub.s32 @!p1 $0x3C0, s20;
	s20 =	smulhi.u32 @!p1 $0xAAAAAAAB, s0  }
0xc2: {  	s23 =	smul.u32 @!p1 $0x3C0, s21;
	p2 =	por !p2, p1;
	s2 =	sshrl.u32 @!p1 s2, $0x2  }
0xc3: {  	s22 =	simm.s32 @!p1 $0x8;
	s2 =	simm.s32 @!p2 $0x0;
	s20 =	sshrl.u32 @!p1 s20, $0x1  }
0xc4: {  	s23 =	sshrl.u32 @!p1 s23, $0x2;
	_ =	swait.ge @!p1 [sflag:s22], s2;
	s20 =	smul.u32 @!p1 $0x3, s20  }
0xc5: {  	s23 =	sor.u32 @!p1 $0x10508, s23;
	s24 =	ssub.s32 @!p1 $0x0, s2;
	[sflag:s22] =	ssyncset.done @!p1 $0x0  }
0xc6: {  	[sflag:s22] =	ssyncadd.s32 @!p1 s24;
	s22 =	sshrl.u32 @!p1 s17, $0x3;
	s0 =	ssub.s32 @!p1 s0, s20  }
0xc7: {  	s24 =	sand.u32 @!p1 $0x7, s17;
	s22 =	sadd.s32 @!p1 s3, s22;
	s0 =	smul.u32 @!p1 $0x3C0, s0  }
0xc8: {  	[tilespmem:s23], [sflag:$0x9] =	stream.linear.gather @!p1 [hbm4b:s22+s24], s2, $0x38;
	[tilespmem:$0x1F6E8] =	vst v63  }
0xc9: {  	s20 =	ssub.s32 @!p1 $0x3D090, s17;
	s2 =	smul.u32 @!p1 $0x1E000, s21  }
0xca: {  	p2 =	slt.s32 @!p1 s20, $0xF0  }
0xcb: {  	p2 =	por !p2, p1;
	s0 =	sshrl.u32 @!p1 s0, $0x2;
	s2 =	sshrl.u32 @!p1 s2, $0x2  }
0xcc: {  	s20 =	simm.s32 @p2 $0xF0;
	s0 =	sadd.s32 @!p1 $0x10238, s0;
	s2 =	sor.u32 @!p1 $0x106E8, s2  }
0xcd: {  	[tilespmem:s2], [sflag:$0x7] =	stream.indirect.gather @!p1 [hbm4b:s4+s20], $0x80, s0, s20, $0xb8;
	[tilespmem:$0x1F6E8] =	vst v63  }
0xce: {  	p1 =	slt.u32 s18, $0x2  }
.Ltmp11:
0xcf: {  	_ = 	snop;
	(pc) =	sbr.rel @p1 .LBB3_21-.Ltmp11, $1  }
0xd0: {  	_ =	sdelay $0x3  }
0xd1: {  	p1 =	sgt.s32 s19, $0x3CFA0;
	s0 =	smov.u32 s19  }
0xd2: {  	s2 =	sshra.s32 s19, $0x1F;
	s20 =	ssub.s32 $0x3D090, s19;
	s0 =	simm.s32 @!p1 $0x3CFA0  }
0xd3: {  	s2 =	sand.u32 s2, s19;
	p1 =	slt.s32 s20, $0xF0;
	s21 =	smov.u32 s20  }
0xd4: {  	s0 =	ssub.s32 s0, s2;
	s21 =	simm.s32 @!p1 $0xF0  }
0xd5: {  	s0 =	sadd.s32 $0xFFFC3060, s0;
	s28 =	sshll.u32 s21, $0x7  }
0xd6: {  	s29 =	sshll.u32 s0, $0x2;
	s2 =	sand.u32 $0x3FFFFF80, s28  }
0xd7: {  	p1 =	sgt.s32 s0, $0xEF;
	s30 =	ssub.s32 $0x3C0, s29;
	_ =	swait.ge [sflag:s9], s2  }
0xd8: {  	s2 =	ssub.s32 $0x0, s2;
	[sflag:s9] =	ssyncset.done $0x0;
	s0 =	sshrl.u32 s30, $0x2  }
0xd9: {  	[sflag:s9] =	ssyncadd.s32 s2;
	s0 =	simm.s32 @p1 $0x0  }
0xda: {  	_ =	swait.ge [sflag:s10], s0  }
0xdb: {  	s0 =	ssub.s32 $0x0, s0;
	[sflag:s10] =	ssyncset.done $0x0  }
0xdc: {  	[sflag:s10] =	ssyncadd.s32 s0  }
0xdd: {  	v1 =	vld [tilespmem:$0xF208];
	_ =	sdelay $0x4  }
0xde: {  	(v2sf) =	vpush v1, $0x0  }
0xdf: {  	(v2sf) =	vpush v1, $0x1  }
0xe0: {  	(v2sf) =	vpush v1, $0x2;
	_ =	sdelay $0x3  }
0xe1: {  	s0 =	sadd.s32 $0xF0, s19  }
0xe2: {  	p1 =	slt.s32 s7, s0  }
0xe3: {  	s0 =	smov.u32 @p1 s7;
	p1 =	sgt.s32 s20, $0x0  }
0xe4: {  	s23 =	ssub.s32 s0, s19;
	s20 =	simm.s32 @!p1 $0x0  }
0xe5: {  	p1 =	slt.s32 s20, s23  }
0xe6: {  	s23 =	smov.u32 @p1 s20  }
0xe7: {  	s22 =	simm.s32 $0x1;
	p1 =	slt.s32 s23, $0x1  }
.Ltmp12:
0xe8: {  	s22 =	simm.s32 @!p0 $0x0;
	(pc) =	sbr.rel @p1 .LBB3_8-.Ltmp12, $4  }
0xe9: {  	s31 =	smul.u32 $0x3C0, s22  }
0xea: {  	s24 =	spop (v2sf)  }
0xeb: {  	s0 =	sshrl.u32 s31, $0x2;
	s26 =	spop (v2sf)  }
0xec: {  	s20 =	sor.u32 $0x10508, s0;
	s19 =	spop (v2sf)  }
0xed: {  	s0 =	smin.u32 s23, $0x10  }
0xee: {  	v1 =	vmov s0  }
0xef: {  	p2 =	sgt.s32 s23, $0x10;
	vm1 =	vgt.u32 v1, v0  }
.Ltmp13:
0xf0: {  	_ = 	snop;
	(pc) =	sbr.rel @!p2 .LBB3_7-.Ltmp13, $2  }
0xf1: {  	_ =	sdelay $0x2  }
0xf2: {  	s25 =	simm.s32 $0x10;
	s28 =	sadd.s32 $0xFFFFFFF0, s23;
	s21 =	smov.u32 s20;
	vm0 =	vmmov vm1  }
.LBB3_6:
0xf3: {  	s0 =	smin.u32 s28, $0x10;
	s25 =	sadd.s32 $0x10, s25;
	v1 =	vld.msk [tilespmem:s21+$0x0 ss:$0x1], vm1  }
0xf4: {  	v2 =	vmov s0;
	p2 =	slt.s32 s25, s23  }
0xf5: {  	vm1 =	vgt.u32 v2, v0  }
.Ltmp14:
0xf6: {  	(pc) =	sbr.rel @p2 .LBB3_6-.Ltmp14, $3  }
0xf7: {  	_ =	sdelay $0x1  }
0xf8: {  	v1 =	vshll.u32 v1, $0x4  }
0xf9: {  	s28 =	sadd.s32 $0xFFFFFFF0, s28;
	[tilespmem:s21+$0x0] =	vst.msk vm0, v1;
	s21 =	sadd.s32 $0x10, s21;
	vm0 =	vmmov vm1  }
.LBB3_7:
0xfa: {  	_ =	sdelay $0x4  }
0xfb: {  	v1 =	vld.msk [tilespmem:s21+$0x0 ss:$0x1], vm1;
	_ =	sdelay $0x4  }
0xfc: {  	v1 =	vshll.u32 v1, $0x4  }
0xfd: {  	[tilespmem:s21+$0x0] =	vst.msk vm0, v1  }
.LBB3_8:
0xfe: {  	s0 =	sand.u32 $0x1, s18  }
0xff: {  	s0 =	smul.u32 $0xF0, s0  }
0x100: {  	p2 =	sne.s32 s26, $0xFFFFFFFF  }
0x101: {  	v1 =	vld.msk @!p2 [tilespmem:s0+$0x10508], $0x1;
	_ =	sdelay $0x4  }
0x102: {  	(v2sf) =	vpush @!p2 v1, $0x0;
	_ =	sdelay $0xc  }
.Ltmp15:
0x103: {  	_ = 	snop;
	(pc) =	sbr.rel @p1 .LBB3_19-.Ltmp15, $4  }
0x104: {  	_ = 	snop  }
0x105: {  	s25 =	spop @!p2 (v2sf)  }
0x106: {  	s19 =	simm.s32 @!p2 $0x0;
	s21 =	smov.u32 s25  }
0x107: {  	[sflag:s15] =	ssyncpa.u1 $0x0;
	s25 =	smov.u32 @p2 s24;
	s21 =	smov.u32 @p2 s26  }
0x108: {  	v1 =	vld.msk [tilespmem:s20+$0x0], $0x1;
	_ =	sdelay $0x4  }
0x109: {  	(v2sf) =	vpush v1, $0x0;
	_ =	sdelay $0xe  }
0x10a: {  	s0 =	smul.u32 $0x1E000, s22;
	s29 =	spop (v2sf)  }
0x10b: {  	s23 =	ssub.s32 $0x0, s23;
	p1 =	seq.s32 s25, s29  }
0x10c: {  	s26 =	sadd.s32 $0x1, s23;
	s0 =	sshrl.u32 s0, $0x2;
	p2 =	sgt.s32 @!p1 s25, $0x0  }
0x10d: {  	s22 =	sor.u32 $0x10728, s0;
	s0 =	smov.u32 s25;
	p2 =	por !p2, p1  }
0x10e: {  	s0 =	simm.s32 @p2 $0x0;
	p2 =	seq.s32 s26, $0x0  }
.Ltmp16:
0x10f: {  	_ = 	snop;
	(pc) =	sbr.rel @p2 .LBB3_11-.Ltmp16, $4  }
0x110: {  	_ = 	snop  }
0x111: {  	s24 =	simm.s32 $0x0;
	s28 =	sadd.s32 $0x1, s20;
	s0 =	smin.u32 @!p1 s0, $0xC34F0  }
0x112: {  	s30 =	simm.s32 @!p1 $0x1;
	s31 =	simm.s32 @!p1 $0x7988;
	s2 =	sand.u32 @!p1 $0xFFFF8, s0  }
0x113: {  	s30 =	smov.u32 @p1 s24;
	s0 =	sand.u32 @!p1 $0x7, s0;
	s2 =	sadd.s32 @!p1 s1, s2  }
.LBB3_10:
0x114: {  	s8 =	smov.u32 s30  }
0x115: {  	[tilespmem:s31], [sflag:$0x2] =	stream.linear.gather @!p1 [hbm4b:s2+s0], $0x80, $0x38;
	[tilespmem:$0x1F6E8] =	vst v63  }
0x116: {  	s26 =	sadd.s32 $0x1, s26;
	s0 =	smov.u32 s29;
	v1 =	vld.msk [tilespmem:s28+$0x0], $0x1  }
0x117: {  	p2 =	seq.s32 s26, $0x0;
	_ =	sdelay $0x3  }
0x118: {  	(v2sf) =	vpush v1, $0x0;
	_ =	sdelay $0xe  }
0x119: {  	s29 =	spop (v2sf)  }
0x11a: {  	p1 =	seq.s32 s0, s29  }
0x11b: {  	p3 =	sgt.s32 @!p1 s0, $0x0;
	s2 =	sshll.u32 @!p1 s30, $0x9;
	s30 =	sadd.s32 @!p1 $0x1, s30  }
.Ltmp17:
0x11c: {  	p3 =	por !p3, p1;
	s2 =	sshra.s32 @!p1 s2, $0x2;
	(pc) =	sbr.rel @!p2 .LBB3_10-.Ltmp17, $4  }
0x11d: {  	s30 =	smov.u32 @p1 s8;
	s0 =	simm.s32 @p3 $0x0;
	s31 =	sadd.s32 @!p1 $0x7988, s2  }
0x11e: {  	s0 =	smin.u32 @!p1 s0, $0xC34F0  }
0x11f: {  	s2 =	sand.u32 @!p1 $0xFFFF8, s0;
	s0 =	sand.u32 @!p1 $0x7, s0  }
0x120: {  	s28 =	sadd.s32 $0x1, s28;
	s2 =	sadd.s32 @!p1 s1, s2  }
.LBB3_11:
0x121: {  	[tilespmem:s31], [sflag:$0x2] =	stream.linear.gather @!p1 [hbm4b:s2+s0], $0x80, $0x38;
	[tilespmem:$0x1F6E8] =	vst v63  }
.Ltmp18:
0x122: {  	s30 =	sshll.u32 s30, $0x7;
	(pc) =	sbr.rel .LBB3_12-.Ltmp18, $4  }
0x123: {  	s31 =	simm.s32 $0x2;
	s0 =	sand.u32 $0x3FFFFF80, s30  }
0x124: {  	_ =	swait.ge [sflag:s31], s0  }
0x125: {  	s0 =	ssub.s32 $0x0, s0;
	[sflag:s31] =	ssyncset.done $0x0  }
0x126: {  	s28 =	simm.s32 $0x0;
	[sflag:s31] =	ssyncadd.s32 s0  }
.LBB3_13:
0x127: {  	v1 =	vld [tilespmem:s22+$0xFFFFFFC0];
	_ =	sdelay $0x3  }
0x128: {  	s0 =	sshra.s32 s0, $0x2  }
0x129: {  	[tilespmem:s0+$0x108] =	vst.add.f32.msk $0xffff, v1  }
0x12a: {  	v1 =	vld [tilespmem:s22+$0xFFFFFFD0];
	_ =	sdelay $0x4  }
0x12b: {  	[tilespmem:s0+$0x118] =	vst.add.f32.msk $0xffff, v1  }
0x12c: {  	v1 =	vld [tilespmem:s22+$0xFFFFFFE0];
	_ =	sdelay $0x4  }
0x12d: {  	[tilespmem:s0+$0x128] =	vst.add.f32.msk $0xffff, v1  }
0x12e: {  	v1 =	vld [tilespmem:s22+$0xFFFFFFF0];
	_ =	sdelay $0x4  }
0x12f: {  	[tilespmem:s0+$0x138] =	vst.add.f32.msk $0xffff, v1  }
0x130: {  	v1 =	vld [tilespmem:s22+$0x0];
	_ =	sdelay $0x4  }
0x131: {  	[tilespmem:s0+$0x148] =	vst.add.f32.msk $0xffff, v1  }
0x132: {  	v1 =	vld [tilespmem:s22+$0x10];
	_ =	sdelay $0x4  }
0x133: {  	[tilespmem:s0+$0x158] =	vst.add.f32.msk $0xffff, v1  }
0x134: {  	v1 =	vld [tilespmem:s22+$0x20];
	_ =	sdelay $0x4  }
0x135: {  	[tilespmem:s0+$0x168] =	vst.add.f32.msk $0xffff, v1  }
0x136: {  	v1 =	vld [tilespmem:s22+$0x30];
	_ =	sdelay $0x4  }
0x137: {  	[tilespmem:s0+$0x178] =	vst.add.f32.msk $0xffff, v1  }
.LBB3_17:
0x138: {  	s23 =	sadd.s32 $0x1, s23  }
0x139: {  	p1 =	seq.s32 s23, $0x0  }
.Ltmp19:
0x13a: {  	_ = 	snop;
	(pc) =	sbr.rel @p1 .LBB3_18-.Ltmp19, $2  }
0x13b: {  	_ =	sdelay $0x2  }
0x13c: {  	s20 =	sadd.s32 $0x1, s20;
	s22 =	sadd.s32 $0x80, s22;
	s25 =	smov.u32 s26  }
.LBB3_12:
0x13d: {  	v1 =	vld.msk [tilespmem:s20+$0x0], $0x1;
	_ =	sdelay $0x4  }
0x13e: {  	(v2sf) =	vpush v1, $0x0;
	_ =	sdelay $0xe  }
0x13f: {  	s26 =	spop (v2sf)  }
0x140: {  	p1 =	sne.s32 s25, s26  }
.Ltmp20:
0x141: {  	_ = 	snop;
	(pc) =	sbr.rel @!p1 .LBB3_13-.Ltmp20, $2  }
0x142: {  	_ =	sdelay $0x2  }
0x143: {  	s0 =	sshll.u32 s19, $0x9  }
0x144: {  	p1 =	seq.s32 s25, s21  }
.Ltmp21:
0x145: {  	_ = 	snop;
	(pc) =	sbr.rel @!p1 .LBB3_15-.Ltmp21, $1  }
0x146: {  	_ =	sdelay $0x3  }
0x147: {  	s0 =	sshra.s32 s0, $0x2  }
.Ltmp22:
0x148: {  	s0 =	sadd.s32 $0x108, s0;
	(pc) =	sbr.rel .LBB3_16-.Ltmp22, $4  }
0x149: {  	[spmem:s13] =	stream.linear.scatter [tilespmem:s0], [sflag:$0x1], $0x80, $0x38;
	[tilespmem:$0x1F6E8] =	vst v63  }
0x14a: {  	_ =	swait.ge [sflag:s11], $0x80  }
0x14b: {  	[sflag:s11] =	ssyncset.done $0x0  }
0x14c: {  	[sflag:s11] =	ssyncadd.s32 $0xFFFFFF80  }
.LBB3_15:
0x14d: {  	s2 =	sshll.u32 s24, $0x9  }
0x14e: {  	s2 =	sshra.s32 s2, $0x2  }
0x14f: {  	v1 =	vld [tilespmem:s2+$0x7988];
	_ =	sdelay $0x3  }
0x150: {  	s0 =	sshra.s32 s0, $0x2  }
0x151: {  	[tilespmem:s0+$0x108] =	vst.add.f32.msk $0xffff, v1  }
0x152: {  	v1 =	vld [tilespmem:s2+$0x7998];
	_ =	sdelay $0x4  }
0x153: {  	[tilespmem:s0+$0x118] =	vst.add.f32.msk $0xffff, v1  }
0x154: {  	v1 =	vld [tilespmem:s2+$0x79A8];
	_ =	sdelay $0x4  }
0x155: {  	[tilespmem:s0+$0x128] =	vst.add.f32.msk $0xffff, v1  }
0x156: {  	v1 =	vld [tilespmem:s2+$0x79B8];
	_ =	sdelay $0x4  }
0x157: {  	[tilespmem:s0+$0x138] =	vst.add.f32.msk $0xffff, v1  }
0x158: {  	v1 =	vld [tilespmem:s2+$0x79C8];
	_ =	sdelay $0x4  }
0x159: {  	[tilespmem:s0+$0x148] =	vst.add.f32.msk $0xffff, v1  }
0x15a: {  	v1 =	vld [tilespmem:s2+$0x79D8];
	_ =	sdelay $0x4  }
0x15b: {  	[tilespmem:s0+$0x158] =	vst.add.f32.msk $0xffff, v1  }
0x15c: {  	v1 =	vld [tilespmem:s2+$0x79E8];
	_ =	sdelay $0x4  }
0x15d: {  	[tilespmem:s0+$0x168] =	vst.add.f32.msk $0xffff, v1  }
0x15e: {  	v1 =	vld [tilespmem:s2+$0x79F8];
	_ =	sdelay $0x2  }
0x15f: {  	p1 =	sgt.u32 s25, $0xC34F0  }
0x160: {  	s2 =	sand.u32 @!p1 $0xFFFF8, s25  }
0x161: {  	s8 =	sadd.s32 $0x108, s0;
	[tilespmem:s0+$0x178] =	vst.add.f32.msk $0xffff, v1;
	s0 =	sadd.s32 @!p1 s1, s2;
	s2 =	sand.u32 @!p1 $0x7, s25  }
0x162: {  	[hbm4b:s0+s2] =	stream.linear.scatter @!p1 [tilespmem:s8], [sflag:$0xA], $0x80, $0x38;
	[tilespmem:$0x1F6E8] =	vst v63  }
0x163: {  	s0 =	simm.s32 $0x0  }
0x164: {  	s0 =	simm.s32 @!p1 $0x200  }
0x165: {  	s28 =	sadd.s32 s0, s28  }
.LBB3_16:
0x166: {  	s0 =	sadd.s32 $0x1, s19  }
0x167: {  	s2 =	smulhi.u32 $0x88888889, s0;
	_ =	sdelay $0x1  }
0x168: {  	v1 =	vld [tilespmem:s22+$0xFFFFFFC0];
	s2 =	sshrl.u32 s2, $0x7  }
0x169: {  	s2 =	smul.u32 $0xF0, s2;
	_ =	sdelay $0x1  }
0x16a: {  	s19 =	ssub.s32 s0, s2  }
0x16b: {  	s0 =	sshll.u32 s19, $0x7  }
0x16c: {  	[tilespmem:s0+$0x108] =	vst v1  }
0x16d: {  	v1 =	vld [tilespmem:s22+$0xFFFFFFD0];
	_ =	sdelay $0x4  }
0x16e: {  	[tilespmem:s0+$0x118] =	vst v1  }
0x16f: {  	v1 =	vld [tilespmem:s22+$0xFFFFFFE0];
	_ =	sdelay $0x4  }
0x170: {  	[tilespmem:s0+$0x128] =	vst v1  }
0x171: {  	v1 =	vld [tilespmem:s22+$0xFFFFFFF0];
	_ =	sdelay $0x4  }
0x172: {  	[tilespmem:s0+$0x138] =	vst v1  }
0x173: {  	v1 =	vld [tilespmem:s22+$0x0];
	_ =	sdelay $0x4  }
0x174: {  	[tilespmem:s0+$0x148] =	vst v1  }
0x175: {  	v1 =	vld [tilespmem:s22+$0x10];
	_ =	sdelay $0x4  }
0x176: {  	[tilespmem:s0+$0x158] =	vst v1  }
0x177: {  	v1 =	vld [tilespmem:s22+$0x20];
	_ =	sdelay $0x4  }
0x178: {  	[tilespmem:s0+$0x168] =	vst v1  }
0x179: {  	v1 =	vld [tilespmem:s22+$0x30]  }
.Ltmp23:
0x17a: {  	_ = 	snop;
	(pc) =	sbr.rel .LBB3_17-.Ltmp23, $2  }
0x17b: {  	_ =	sdelay $0x2  }
0x17c: {  	s24 =	sadd.s32 $0x1, s24;
	[tilespmem:s0+$0x178] =	vst v1  }
.LBB3_19:
.Ltmp24:
0x17d: {  	(pc) =	sbr.rel .LBB3_20-.Ltmp24, $4  }
0x17e: {  	_ = 	snop  }
0x17f: {  	s0 =	simm.s32 $0x2  }
0x180: {  	_ =	swait.ge [sflag:s0], $0x0  }
0x181: {  	s26 =	smov.u32 s25;
	[sflag:s0] =	ssyncset.done $0x0;
	s0 =	simm.s32 $0x0  }
.LBB3_22:
0x182: {  	_ =	sfence.sel $0x180000  }
0x183: {  	s0 =	simm.s32 $0x7;
	[bflag:$0x0] =	sbarrier.arrive $0xFFFF  }
0x184: {  	s25 =	simm.s32 $0x8;
	[sflag:s0] =	ssyncpa.u1 $0x1  }
0x185: {  	s26 =	simm.s32 $0x9;
	[sflag:s25] =	ssyncpa.u1 $0x1  }
0x186: {  	s28 =	simm.s32 $0x2;
	[sflag:s26] =	ssyncpa.u1 $0x1  }
0x187: {  	[sflag:s28] =	ssyncpa.u1 $0x1  }
0x188: {  	v0 =	vld [tilespmem:$0xF208];
	_ =	sdelay $0x4  }
0x189: {  	(v2sf) =	vpush v0, $0x0  }
0x18a: {  	(v2sf) =	vpush v0, $0x1;
	_ =	sdelay $0x1  }
0x18b: {  	(v2sf) =	vpush v0, $0x2;
	_ =	sdelay $0xb  }
0x18c: {  	s0 =	spop (v2sf)  }
0x18d: {  	s2 =	spop (v2sf)  }
0x18e: {  	s3 =	smov.u32 s0;
	p0 =	sne.s32 s0, s2  }
0x18f: {  	s4 =	spop (v2sf);
	s3 =	simm.s32 @!p0 $0xFFFFFFFF  }
0x190: {  	v2 =	vimm.s32 $0x1;
	v3 =	vlaneseq.u32;
	p0 =	seq.s32 s4, $0xFFFFFFFF;
	v1 =	vmov s3  }
0x191: {  	s7 =	stileid.u32;
	v0 =	vperm.xlane v0, v2;
	p1 =	sne.s32 @!p0 s0, s2;
	v1 =	vperm.xlane v1, v3  }
0x192: {  	vm0 =	vcmask $0x3F04;
	s6 =	simm.s32 $0xF208;
	s0 =	simm.s32 @!p0 $0x1;
	p1 =	por !p1, p0  }
0x193: {  	s3 =	sshll.u32 s7, $0x1;
	s2 =	sshll.u32 @!p0 s4, $0x9;
	s0 =	simm.s32 @p1 $0x0;
	v0 =	vsel vm0, v1, v0  }
0x194: {  	s5 =	sor.u32 $0x1000, s3;
	s2 =	sshra.s32 @!p0 s2, $0x2;
	s0 =	sor.u32 @!p0 s0, s3;
	[tilespmem:$0xF208] =	vst v0  }
0x195: {  	[spmem:s5] =	stream.linear.scatter [tilespmem:s6], [sflag:$0x1], $0x2, $0x38;
	[tilespmem:$0x1F6E8] =	vst v63  }
0x196: {  	s2 =	sadd.s32 @!p0 $0x108, s2;
	s0 =	sshll.u32 @!p0 s0, $0x7  }
0x197: {  	[spmem:s0] =	stream.linear.scatter @!p0 [tilespmem:s2], [sflag:$0x1], $0x80, $0x38;
	[tilespmem:$0x1F6E8] =	vst v63  }
0x198: {  	s0 =	simm.s32 @!p0 $0x82  }
0x199: {  	s3 =	simm.s32 $0x1;
	s0 =	simm.s32 @p0 $0x2  }
0x19a: {  	_ =	swait.ge [sflag:s3], s0  }
0x19b: {  	s0 =	ssub.s32 $0x0, s0;
	[sflag:s3] =	ssyncset.done $0x0  }
0x19c: {  	[sflag:s3] =	ssyncadd.s32 s0  }
0x19d: {  	_ =	sfence.stream.spmem  }
0x19e: {  	s29 =	simm.s32 $0x3;
	[bflag:$0x0] =	sbarrier.arrive $0xFFFF  }
0x19f: {  	s30 =	simm.s32 $0x4;
	[sflag:s29] =	ssyncpa.u1 $0x1  }
0x1a0: {  	s31 =	simm.s32 $0x3C;
	[sflag:s30] =	ssyncpa.u1 $0x1  }
0x1a1: {  	p0 =	sne.s32 s7, $0x0;
	[sflag:s31] =	ssyncpa.u1 $0x1  }
0x1a2: {  	_ =	sfence @p0  }
0x1a3: {  	[sflag:s3] =	ssyncpa.u1 @p0 $0x1  }
0x1a4: {  	_ =	strace @p0 $0x90000068  }
0x1a5: {  	[bflag:$0x2] =	sbarrier.arrive @p0 $0xFFFF  }
0x1a6: {  	_ =	shalt @p0  }
.LBB3_23:
0x1a7: {  	_ =	sfence.stream.spmem;
	s0 =	simm.s32 $0x5  }
0x1a8: {  	s2 =	simm.s32 $0x1000;
	s3 =	simm.s32 $0xF218;
	[sflag:s0] =	ssyncpa.u1 $0x0  }
0x1a9: {  	[tilespmem:s3], [sflag:$0x5] =	stream.linear.gather [spmem:s2], $0x20, $0x38;
	[tilespmem:$0x1F6E8] =	vst v63  }
0x1aa: {  	s30 =	simm.s32 $0xF238;
	s2 =	simm.s32 $0x0  }
0x1ab: {  	[tilespmem:s30], [sflag:$0x5] =	stream.linear.gather [spmem:s2], $0x1000, $0x38;
	[tilespmem:$0x1F6E8] =	vst v63  }
.Ltmp25:
0x1ac: {  	_ = 	snop;
	(pc) =	sbr.rel .LBB3_24-.Ltmp25, $4  }
0x1ad: {  	_ =	swait.ge [sflag:s0], $0x1020  }
0x1ae: {  	[sflag:s0] =	ssyncset.done $0x0  }
0x1af: {  	s31 =	simm.s32 $0x6;
	[sflag:s0] =	ssyncadd.s32 $0xFFFFEFE0  }
0x1b0: {  	s3 =	simm.s32 $0x0;
	[sflag:s31] =	ssyncpa.u1 $0x0  }
.LBB3_30:
0x1b1: {  	p0 =	slt.u32 s4, $0xC34F1  }
0x1b2: {  	s0 =	sand.u32 @p0 $0xFFFF8, s4  }
0x1b3: {  	s4 =	sand.u32 @p0 $0x7, s4;
	s5 =	simm.s32 @p0 $0xF188;
	s0 =	sadd.s32 @p0 s1, s0  }
0x1b4: {  	[tilespmem:s5], [sflag:$0x6] =	stream.linear.gather @p0 [hbm4b:s0+s4], $0x80, $0x38;
	[tilespmem:$0x1F6E8] =	vst v63  }
0x1b5: {  	s0 =	simm.s32 @p0 $0x6  }
0x1b6: {  	_ =	swait.ge @p0 [sflag:s0], $0x80  }
0x1b7: {  	[sflag:s0] =	ssyncset.done @p0 $0x0  }
0x1b8: {  	[sflag:s0] =	ssyncadd.s32 @p0 $0xFFFFFF80  }
0x1b9: {  	v1 =	vld @p0 [tilespmem:$0xF188];
	_ =	sdelay $0x2  }
0x1ba: {  	s0 =	sshll.u32 @p0 s3, $0x9  }
0x1bb: {  	s4 =	sshrl.u32 @p0 s0, $0x2  }
0x1bc: {  	[tilespmem:s4+$0xF238] =	vst.add.f32.msk @p0 $0xffff, v1  }
0x1bd: {  	v1 =	vld @p0 [tilespmem:$0xF198];
	_ =	sdelay $0x4  }
0x1be: {  	[tilespmem:s4+$0xF248] =	vst.add.f32.msk @p0 $0xffff, v1  }
0x1bf: {  	v1 =	vld @p0 [tilespmem:$0xF1A8];
	_ =	sdelay $0x4  }
0x1c0: {  	[tilespmem:s4+$0xF258] =	vst.add.f32.msk @p0 $0xffff, v1  }
0x1c1: {  	v1 =	vld @p0 [tilespmem:$0xF1B8];
	_ =	sdelay $0x4  }
0x1c2: {  	[tilespmem:s4+$0xF268] =	vst.add.f32.msk @p0 $0xffff, v1  }
0x1c3: {  	v1 =	vld @p0 [tilespmem:$0xF1C8];
	_ =	sdelay $0x4  }
0x1c4: {  	[tilespmem:s4+$0xF278] =	vst.add.f32.msk @p0 $0xffff, v1  }
0x1c5: {  	v1 =	vld @p0 [tilespmem:$0xF1D8];
	_ =	sdelay $0x4  }
0x1c6: {  	[tilespmem:s4+$0xF288] =	vst.add.f32.msk @p0 $0xffff, v1  }
0x1c7: {  	v1 =	vld @p0 [tilespmem:$0xF1E8];
	_ =	sdelay $0x4  }
0x1c8: {  	[tilespmem:s4+$0xF298] =	vst.add.f32.msk @p0 $0xffff, v1  }
0x1c9: {  	v1 =	vld @p0 [tilespmem:$0xF1F8];
	_ =	sdelay $0x3  }
0x1ca: {  	s5 =	sshll.u32 @!p0 s3, $0x9  }
0x1cb: {  	s5 =	smov.u32 @p0 s0;
	[tilespmem:s4+$0xF2A8] =	vst.add.f32.msk @p0 $0xffff, v1  }
0x1cc: {  	s0 =	sshrl.u32 s5, $0x2;
	[tilespmem:s2+$0xF218] =	vst.msk $0x1, v0  }
0x1cd: {  	v0 =	vld [tilespmem:s0+$0xF238];
	_ =	sdelay $0x2  }
0x1ce: {  	s31 =	sshll.u32 s2, $0x9  }
0x1cf: {  	s4 =	sshra.s32 s31, $0x2  }
0x1d0: {  	[tilespmem:s4+$0xF238] =	vst v0  }
0x1d1: {  	v0 =	vld [tilespmem:s0+$0xF248];
	_ =	sdelay $0x4  }
0x1d2: {  	[tilespmem:s4+$0xF248] =	vst v0  }
0x1d3: {  	v0 =	vld [tilespmem:s0+$0xF258];
	_ =	sdelay $0x4  }
0x1d4: {  	[tilespmem:s4+$0xF258] =	vst v0  }
0x1d5: {  	v0 =	vld [tilespmem:s0+$0xF268];
	_ =	sdelay $0x4  }
0x1d6: {  	[tilespmem:s4+$0xF268] =	vst v0  }
0x1d7: {  	v0 =	vld [tilespmem:s0+$0xF278];
	_ =	sdelay $0x4  }
0x1d8: {  	[tilespmem:s4+$0xF278] =	vst v0  }
0x1d9: {  	v0 =	vld [tilespmem:s0+$0xF288];
	_ =	sdelay $0x4  }
0x1da: {  	[tilespmem:s4+$0xF288] =	vst v0  }
0x1db: {  	v0 =	vld [tilespmem:s0+$0xF298];
	_ =	sdelay $0x4  }
0x1dc: {  	[tilespmem:s4+$0xF298] =	vst v0  }
0x1dd: {  	v0 =	vld [tilespmem:s0+$0xF2A8];
	_ =	sdelay $0x4  }
0x1de: {  	s2 =	sadd.s32 $0x1, s2;
	[tilespmem:s4+$0xF2A8] =	vst v0  }
.LBB3_31:
0x1df: {  	s3 =	sadd.s32 $0x1, s3  }
0x1e0: {  	p0 =	sne.s32 s3, $0x20  }
.Ltmp26:
0x1e1: {  	_ = 	snop;
	(pc) =	sbr.rel @!p0 .LBB3_32-.Ltmp26, $1  }
0x1e2: {  	_ =	sdelay $0x3  }
.LBB3_24:
0x1e3: {  	v0 =	vld.msk [tilespmem:s3+$0xF218], $0x1;
	_ =	sdelay $0x4  }
0x1e4: {  	(v2sf) =	vpush v0, $0x0;
	_ =	sdelay $0xe  }
0x1e5: {  	s4 =	spop (v2sf)  }
0x1e6: {  	p0 =	seq.s32 s4, $0xFFFFFFFF  }
.Ltmp27:
0x1e7: {  	_ = 	snop;
	(pc) =	sbr.rel @p0 .LBB3_31-.Ltmp27, $1  }
0x1e8: {  	_ =	sdelay $0x3  }
0x1e9: {  	p0 =	slt.s32 s2, $0x1  }
.Ltmp28:
0x1ea: {  	_ = 	snop;
	(pc) =	sbr.rel @p0 .LBB3_30-.Ltmp28, $1  }
0x1eb: {  	_ =	sdelay $0x3  }
0x1ec: {  	s5 =	simm.s32 $0xF218;
	p0 =	por $0x0, $0x0  }
0x1ed: {  	v1 =	vld.msk @!p0 [tilespmem:s5+$0x0], $0x1;
	_ =	sdelay $0x4  }
0x1ee: {  	(v2sf) =	vpush @!p0 v1, $0x0;
	_ =	sdelay $0xd  }
0x1ef: {  	p2 =	sne.s32 s2, $0x1  }
.Ltmp29:
0x1f0: {  	s0 =	spop @!p0 (v2sf);
	(pc) =	sbr.rel @!p2 .LBB3_28-.Ltmp29, $4  }
0x1f1: {  	p1 =	seq.s32 @!p0 s4, s0  }
0x1f2: {  	s6 =	simm.s32 $0x0;
	p1 =	por !p1, p0  }
0x1f3: {  	s0 =	simm.s32 $0xFFFFFFFF;
	s6 =	simm.s32 @p1 $0xFFFFFFFF  }
0x1f4: {  	s7 =	simm.s32 $0x1;
	s6 =	smov.u32 @p0 s0  }
.LBB3_27:
0x1f5: {  	s0 =	smov.u32 s6;
	p0 =	sne.s32 s6, $0xFFFFFFFF  }
0x1f6: {  	s5 =	sadd.s32 $0x1, s5;
	s6 =	smov.u32 s7;
	s7 =	sadd.s32 $0x1, s7  }
0x1f7: {  	p1 =	sne.s32 s2, s7;
	v1 =	vld.msk @!p0 [tilespmem:s5+$0x0], $0x1;
	_ =	sdelay $0x4  }
0x1f8: {  	(v2sf) =	vpush @!p0 v1, $0x0;
	_ =	sdelay $0xe  }
.Ltmp30:
0x1f9: {  	s8 =	spop @!p0 (v2sf);
	(pc) =	sbr.rel @p1 .LBB3_27-.Ltmp30, $4  }
0x1fa: {  	p2 =	seq.s32 @!p0 s4, s8  }
0x1fb: {  	p2 =	por !p2, p0  }
0x1fc: {  	s6 =	simm.s32 @p2 $0xFFFFFFFF  }
0x1fd: {  	s6 =	smov.u32 @p0 s0  }
.LBB3_28:
0x1fe: {  	p0 =	seq.s32 s6, $0xFFFFFFFF  }
.Ltmp31:
0x1ff: {  	_ = 	snop;
	(pc) =	sbr.rel @p0 .LBB3_30-.Ltmp31, $1  }
0x200: {  	_ =	sdelay $0x3  }
0x201: {  	s0 =	sshll.u32 s3, $0x7  }
0x202: {  	s0 =	sand.u32 $0x3FFFFF80, s0  }
0x203: {  	v0 =	vld [tilespmem:s0+$0xF238];
	_ =	sdelay $0x2  }
0x204: {  	s4 =	sshll.u32 s6, $0x9  }
0x205: {  	s4 =	sshra.s32 s4, $0x2  }
0x206: {  	[tilespmem:s4+$0xF238] =	vst.add.f32.msk $0xffff, v0  }
0x207: {  	v0 =	vld [tilespmem:s0+$0xF248];
	_ =	sdelay $0x4  }
0x208: {  	[tilespmem:s4+$0xF248] =	vst.add.f32.msk $0xffff, v0  }
0x209: {  	v0 =	vld [tilespmem:s0+$0xF258];
	_ =	sdelay $0x4  }
0x20a: {  	[tilespmem:s4+$0xF258] =	vst.add.f32.msk $0xffff, v0  }
0x20b: {  	v0 =	vld [tilespmem:s0+$0xF268];
	_ =	sdelay $0x4  }
0x20c: {  	[tilespmem:s4+$0xF268] =	vst.add.f32.msk $0xffff, v0  }
0x20d: {  	v0 =	vld [tilespmem:s0+$0xF278];
	_ =	sdelay $0x4  }
0x20e: {  	[tilespmem:s4+$0xF278] =	vst.add.f32.msk $0xffff, v0  }
0x20f: {  	v0 =	vld [tilespmem:s0+$0xF288];
	_ =	sdelay $0x4  }
0x210: {  	[tilespmem:s4+$0xF288] =	vst.add.f32.msk $0xffff, v0  }
0x211: {  	v0 =	vld [tilespmem:s0+$0xF298];
	_ =	sdelay $0x4  }
0x212: {  	[tilespmem:s4+$0xF298] =	vst.add.f32.msk $0xffff, v0  }
0x213: {  	v0 =	vld [tilespmem:s0+$0xF2A8]  }
.Ltmp32:
0x214: {  	_ = 	snop;
	(pc) =	sbr.rel .LBB3_31-.Ltmp32, $2  }
0x215: {  	_ =	sdelay $0x2  }
0x216: {  	[tilespmem:s4+$0xF2A8] =	vst.add.f32.msk $0xffff, v0  }
.LBB3_32:
0x217: {  	p0 =	slt.s32 s2, $0x1  }
.Ltmp33:
0x218: {  	_ = 	snop;
	(pc) =	sbr.rel @p0 .LBB3_36-.Ltmp33, $3  }
0x219: {  	_ =	sdelay $0x1  }
0x21a: {  	s0 =	simm.s32 $0x6  }
0x21b: {  	s3 =	simm.s32 $0x0;
	[sflag:s0] =	ssyncpa.u1 $0x1  }
0x21c: {  	s0 =	simm.s32 $0xF218  }
0x21d: {  	v0 =	vld.msk [tilespmem:s0+$0x0], $0x1;
	_ =	sdelay $0x4  }
0x21e: {  	(v2sf) =	vpush v0, $0x0;
	_ =	sdelay $0xd  }
0x21f: {  	s2 =	sadd.s32 $0xFFFFFFFF, s2  }
0x220: {  	p1 =	sne.s32 s2, $0x0;
	s0 =	spop (v2sf)  }
.Ltmp34:
0x221: {  	p0 =	sgt.u32 s0, $0xC34F0;
	(pc) =	sbr.rel @!p1 .LBB3_35-.Ltmp34, $4  }
0x222: {  	s4 =	simm.s32 $0xF238;
	s5 =	sand.u32 @!p0 $0xFFFF8, s0  }
0x223: {  	s6 =	simm.s32 $0x0;
	s0 =	sand.u32 @!p0 $0x7, s0;
	s5 =	sadd.s32 @!p0 s1, s5  }
0x224: {  	[hbm4b:s5+s0] =	stream.linear.scatter @!p0 [tilespmem:s4], [sflag:$0x5], $0x80, $0x38;
	[tilespmem:$0x1F6E8] =	vst v63  }
0x225: {  	s6 =	simm.s32 @!p0 $0x200;
	s5 =	simm.s32 $0xF219  }
.LBB3_34:
0x226: {  	v0 =	vld.msk [tilespmem:s5+$0x0], $0x1;
	s2 =	sadd.s32 $0xFFFFFFFF, s2;
	s3 =	sadd.s32 s3, s6  }
0x227: {  	p0 =	sne.s32 s2, $0x0;
	_ =	sdelay $0x3  }
0x228: {  	(v2sf) =	vpush v0, $0x0;
	_ =	sdelay $0xe  }
.Ltmp35:
0x229: {  	s0 =	spop (v2sf);
	(pc) =	sbr.rel @p0 .LBB3_34-.Ltmp35, $4  }
0x22a: {  	s6 =	simm.s32 $0x0;
	p1 =	sgt.u32 s0, $0xC34F0  }
0x22b: {  	s4 =	sadd.s32 $0x80, s4;
	s6 =	simm.s32 @!p1 $0x200;
	s7 =	sand.u32 @!p1 $0xFFFF8, s0  }
0x22c: {  	s5 =	sadd.s32 $0x1, s5;
	s0 =	sand.u32 @!p1 $0x7, s0;
	s7 =	sadd.s32 @!p1 s1, s7  }
0x22d: {  	[hbm4b:s7+s0] =	stream.linear.scatter @!p1 [tilespmem:s4], [sflag:$0x5], $0x80, $0x38;
	[tilespmem:$0x1F6E8] =	vst v63  }
.LBB3_35:
0x22e: {  	s0 =	sadd.s32 s3, s6  }
0x22f: {  	s3 =	sshrl.u32 s0, $0x2  }
.LBB3_36:
0x230: {  	s0 =	simm.s32 $0x5  }
0x231: {  	_ =	swait.ge [sflag:s0], s3  }
0x232: {  	s1 =	ssub.s32 $0x0, s3;
	[sflag:s0] =	ssyncset.done $0x0  }
0x233: {  	[sflag:s0] =	ssyncadd.s32 s1  }
0x234: {  	[sflag:s0] =	ssyncpa.u1 $0x1  }
0x235: {  	s30 =	simm.s32 $0x1;
	_ =	sfence  }
0x236: {  	[sflag:s30] =	ssyncpa.u1 $0x1  }
0x237: {  	_ =	strace $0x90000068  }
0x238: {  	[bflag:$0x2] =	sbarrier.arrive $0xFFFF  }
0x239: {  	s31 =	rddreg [dreg:$0x1]  }
0x23a: {  	s0 =	sadd.s32 $0x100000, s31  }
0x23b: {  	[sflag:s0] =	ssyncadd.tile.s32 $0x1;
	_ =	shalt  }
.Lfunc_end3:
_tile_overlayer_lowered:
.L_overlay_start_3:
0x23c: {  	(tag) =	ssettag $0x3  }
0x23d: {  	s0 =	rddreg [dreg:$0x0];
	s2 =	stileid.u32  }
0x23e: {  	s1 =	rddreg [dreg:$0x1];
	p0 =	sne.s32 s2, $0x0  }
0x23f: {  	s3 =	rddreg [dreg:$0x2];
	[bflag:$0x3] =	sbarrier.arrive $0xFFFF;
	s2 =	simm.s32 @!p0 $0x1C01  }
0x240: {  	[timem:s3], [sflag:s2] =	dma.local @!p0 [hbm:s0], s1  }
0x241: {  	s0 =	simm.s32 @!p0 $0x1  }
0x242: {  	_ =	swait.ge @!p0 [sflag:s0], s1  }
0x243: {  	s1 =	ssub.s32 @!p0 $0x0, s1;
	[sflag:s0] =	ssyncset.done @!p0 $0x0  }
0x244: {  	[sflag:s0] =	ssyncadd.s32 @!p0 s1  }
0x245: {  	[bflag:$0x3] =	sbarrier.arrive $0xFFFF  }
0x246: {  	_ =	shalt  }

// kernel: scatter_offload_async_start
scs
__scs_entry_jumppad:
0x0: {  	(pc) =	sbr.rel $0x88, $3  }
0x1: {  	(tag) =	ssettag $0x0;
	lr =	simm.s32 $0x1  }
0x2: {  	[smem:$0x3F96] =	sst lr;
	_ =	strace $0xD0000000  }
0x3: {  	_ = 	snop  }
0x4: {  	_ = 	snop  }
0x5: {  	_ = 	snop  }
0x6: {  	_ = 	snop  }
0x7: {  	_ = 	snop  }
__scs_overlays_trampoline_lowered:
0x8: {  	[smem:$0x3FA5] =	sst s0  }
0x9: {  	[smem:$0x3FA6] =	sst s1  }
0xa: {  	[smem:$0x3FA7] =	sst s2  }
0xb: {  	[smem:$0x3FA8] =	sst s3  }
0xc: {  	[smem:$0x3FA9] =	sst s4  }
0xd: {  	[smem:$0x3FAA] =	sst s5  }
0xe: {  	[smem:$0x3FAB] =	sst s6  }
0xf: {  	[smem:$0x3FAC] =	sst s7  }
0x10: {  	[smem:$0x3FAD] =	sst s8  }
0x11: {  	[smem:$0x3FAE] =	sst s9;
	s0 =	simm.s32 @!p0 $0x0  }
0x12: {  	s1 =	sld [smem:$0x3F94];
	s0 =	simm.s32 @p0 $0x1  }
0x13: {  	[smem:$0x3FAF] =	sst s0;
	s0 =	simm.s32 @!p1 $0x0  }
0x14: {  	s2 =	sld [smem:$0x3F93];
	s0 =	simm.s32 @p1 $0x1  }
0x15: {  	[smem:$0x3FB0] =	sst s0;
	s0 =	simm.s32 @!p2 $0x0  }
0x16: {  	s3 =	sld [smem:$0x3FDB];
	s0 =	simm.s32 @p2 $0x1  }
0x17: {  	s4 =	simm.s32 $0x1BF5;
	[smem:$0x3FB2] =	sst s0  }
0x18: {  	s0 =	sld [smem:$0x3F95];
	_ =	swait.ge [sflag:s4], $0x0  }
0x19: {  	s7 =	sld [smem:$0x3F96]  }
0x1a: {  	s8 =	sadd.s32 $0xFFFFE003, lr  }
0x1b: {  	s9 =	sadd.s32 $0xFFFFFEF7, lr;
	s5 =	simm.s32 $0xFFFFFFFF;
	p2 =	slt.u32 s8, $0xFFFFF086  }
0x1c: {  	p1 =	slt.u32 s9, $0xF7A;
	s5 =	simm.s32 @!p2 $0x0  }
0x1d: {  	s5 =	simm.s32 @p1 $0x1;
	p0 =	seq.s32 s7, s2  }
0x1e: {  	s7 =	smul.u32 @!p0 $0xF7A, s2;
	p2 =	seq.s32 @!p0 s5, $0x0  }
0x1f: {  	s9 =	smul.u32 $0xF7A, s1;
	s8 =	simm.s32 @!p0 $0x1BF5;
	p2 =	por !p2, p0  }
0x20: {  	[sflag:s8] =	ssyncset.s32 @!p0 $0xFFFFF086;
	s6 =	sadd.s32 @!p0 s3, s7;
	s7 =	simm.s32 @!p0 $0x108  }
0x21: {  	s3 =	sadd.s32 s3, s9;
	s6 =	sadd.s32 @!p0 $0x88, s6;
	s7 =	simm.s32 @p2 $0x1082  }
0x22: {  	[simem:s7], [sflag:s8] =	dma.local @!p0 [hbm:s6], $0xF7A  }
0x23: {  	s9 =	sor.u32 $0xD0000000, s2;
	s6 =	simm.s32 $0x108;
	_ =	swait.ge @!p0 [sflag:s8], $0x0  }
0x24: {  	s3 =	sadd.s32 $0x88, s3;
	s6 =	simm.s32 @!p1 $0x1082;
	[sflag:s4] =	ssyncset.s32 $0xFFFFF086  }
0x25: {  	[simem:s6], [sflag:s4] =	dma.local [hbm:s3], $0xF7A  }
0x26: {  	[smem:$0x3F96] =	sst s1;
	(tag) =	ssettag s2;
	_ =	strace s9  }
0x27: {  	s1 =	sld [smem:$0x3FA6]  }
0x28: {  	s2 =	sld [smem:$0x3FA7]  }
0x29: {  	s4 =	sld [smem:$0x3FA9]  }
0x2a: {  	p0 =	seq.s32 s5, $0x0;
	s5 =	sld [smem:$0x3FAA]  }
0x2b: {  	s6 =	sld [smem:$0x3FAB]  }
0x2c: {  	s7 =	sld [smem:$0x3FAC]  }
0x2d: {  	s3 =	simm.s32 $0x108;
	s8 =	sld [smem:$0x3FAD]  }
0x2e: {  	s3 =	simm.s32 @!p0 $0x1082;
	s9 =	sld [smem:$0x3FAE]  }
0x2f: {  	lr =	sadd.s32 s0, s3;
	s0 =	sld [smem:$0x3FA5]  }
0x30: {  	s3 =	sld [smem:$0x3FA8]  }
0x31: {  	[smem:$0x3FB1] =	sst s10  }
0x32: {  	s10 =	sld [smem:$0x3FAF];
	_ =	sdelay $0x3  }
0x33: {  	p0 =	seq.s32 s10, $0x1;
	s10 =	sld [smem:$0x3FB1];
	_ =	sdelay $0x3  }
0x34: {  	[smem:$0x3FB1] =	sst s10  }
0x35: {  	s10 =	sld [smem:$0x3FB0];
	_ =	sdelay $0x3  }
0x36: {  	p1 =	seq.s32 s10, $0x1;
	s10 =	sld [smem:$0x3FB1];
	_ =	sdelay $0x3  }
0x37: {  	[smem:$0x3FB1] =	sst s10  }
0x38: {  	s10 =	sld [smem:$0x3FB2]  }
0x39: {  	_ = 	snop;
	(pc) =	sbr.ind lr, $3  }
0x3a: {  	_ = 	snop  }
0x3b: {  	_ = 	snop  }
0x3c: {  	p2 =	seq.s32 s10, $0x1;
	s10 =	sld [smem:$0x3FB1]  }
0x3d: {  	_ =	shalt  }
0x3e: {  	_ =	shalt  }
0x3f: {  	_ =	shalt  }
0x40: {  	_ =	shalt  }
0x41: {  	_ =	shalt  }
0x42: {  	_ =	shalt  }
0x43: {  	_ =	shalt  }
0x44: {  	_ =	shalt  }
0x45: {  	_ =	shalt  }
0x46: {  	_ =	shalt  }
0x47: {  	_ =	shalt  }
0x48: {  	_ =	shalt  }
0x49: {  	_ =	shalt  }
0x4a: {  	_ =	shalt  }
0x4b: {  	_ =	shalt  }
0x4c: {  	_ =	shalt  }
0x4d: {  	_ =	shalt  }
0x4e: {  	_ =	shalt  }
0x4f: {  	_ =	shalt  }
0x50: {  	_ =	shalt  }
0x51: {  	_ =	shalt  }
0x52: {  	_ =	shalt  }
0x53: {  	_ =	shalt  }
0x54: {  	_ =	shalt  }
0x55: {  	_ =	shalt  }
0x56: {  	_ =	shalt  }
0x57: {  	_ =	shalt  }
0x58: {  	_ =	shalt  }
0x59: {  	_ =	shalt  }
0x5a: {  	_ =	shalt  }
0x5b: {  	_ =	shalt  }
0x5c: {  	_ =	shalt  }
0x5d: {  	_ =	shalt  }
0x5e: {  	_ =	shalt  }
0x5f: {  	_ =	shalt  }
0x60: {  	_ =	shalt  }
0x61: {  	_ =	shalt  }
0x62: {  	_ =	shalt  }
0x63: {  	_ =	shalt  }
0x64: {  	_ =	shalt  }
0x65: {  	_ =	shalt  }
0x66: {  	_ =	shalt  }
0x67: {  	_ =	shalt  }
0x68: {  	_ =	shalt  }
0x69: {  	_ =	shalt  }
0x6a: {  	_ =	shalt  }
0x6b: {  	_ =	shalt  }
0x6c: {  	_ =	shalt  }
0x6d: {  	_ =	shalt  }
0x6e: {  	_ =	shalt  }
0x6f: {  	_ =	shalt  }
0x70: {  	_ =	shalt  }
0x71: {  	_ =	shalt  }
0x72: {  	_ =	shalt  }
0x73: {  	_ =	shalt  }
0x74: {  	_ =	shalt  }
0x75: {  	_ =	shalt  }
0x76: {  	_ =	shalt  }
0x77: {  	_ =	shalt  }
0x78: {  	_ =	shalt  }
0x79: {  	_ =	shalt  }
0x7a: {  	_ =	shalt  }
0x7b: {  	_ =	shalt  }
0x7c: {  	_ =	shalt  }
0x7d: {  	_ =	shalt  }
0x7e: {  	_ =	shalt  }
0x7f: {  	_ =	shalt  }
0x80: {  	_ =	shalt  }
0x81: {  	_ =	shalt  }
0x82: {  	_ =	shalt  }
0x83: {  	_ =	shalt  }
0x84: {  	_ =	shalt  }
0x85: {  	_ =	shalt  }
0x86: {  	_ =	shalt  }
0x87: {  	_ =	shalt  }
.Lfunc_end0:
.L_simem_size_0:
called_computation_lowered:
.L_overlay_start_0:
0x88: {  	s0 =	sld [smem:$0x3FD9]  }
0x89: {  	s1 =	sld [smem:$0x3FFE];
	_ =	sdelay $0x3  }
0x8a: {  	s0 =	sadd.s32 s1, s0  }
0x8b: {  	[smem:$0x3FBD] =	sst s0  }
0x8c: {  	_ = 	snop  }
0x8d: {  	(tm) =	ssettm $0x1  }
0x8e: {  	s14 =	sld [smem:$0x3FFB];
	_ =	sdelay $0x3  }
0x8f: {  	_ =	strace s14  }
0x90: {  	s0 =	sld [smem:$0x3FFC];
	_ =	sdelay $0x3  }
0x91: {  	_ =	strace s0  }
0x92: {  	s0 =	sld [smem:$0x3FFD];
	_ =	sdelay $0x3  }
0x93: {  	_ =	strace s0  }
0x94: {  	_ =	strace $0x8FFFFFFF  }
0x95: {  	s15 =	sld [smem:$0x3FDB];
	_ =	sdelay $0x1  }
0x96: {  	s16 =	simm.s32 $_scs_section_size  }
0x97: {  	s2 =	simm.s32 $_size__tile_overlayer_lowered;
	s3 =	simm.s32 $_tile_overlayer_lowered  }
0x98: {  	s4 =	simm.s32 $0x1BFF;
	s17 =	sshll.u32 s3, $0x1;
	s1 =	sadd.s32 s16, s15  }
0x99: {  	s18 =	simm.s32 $0x0;
	s2 =	sshll.u32 s2, $0x1;
	s3 =	sadd.s32 s17, s1  }
0x9a: {  	[timem:s18], [sflag:s4] =	dma.local [hbm:s3], s2  }
0x9b: {  	_ =	swait.ge [sflag:s4], s2  }
0x9c: {  	s2 =	ssub.s32 $0x0, s2;
	[sflag:s4] =	ssyncset.done $0x0  }
0x9d: {  	[sflag:s4] =	ssyncadd.s32 s2;
	_ =	sdelay $0x1  }
0x9e: {  	s19 =	simm.s32 $0x1B8B  }
0x9f: {  	_ =	swait.ge [sflag:s19], $0x1  }
0xa0: {  	[sflag:s19] =	ssyncset.done $0x0  }
0xa1: {  	s21 =	simm.s32 $0x1B8E;
	s20 =	sld [smem:$0x3FFE];
	[sflag:s19] =	ssyncadd.s32 $0xFFFFFFFF  }
0xa2: {  	s22 =	simm.s32 $execute0_lowered;
	[smem:$0x3FD2] =	sst s21  }
0xa3: {  	s3 =	sshll.u32 s22, $0x1;
	_ =	strace $0x80000046;
	[dreg:$0x1] =	wrdreg $0xFFFFFFFF  }
0xa4: {  	s23 =	simm.s32 $_size_execute0_lowered;
	s3 =	sadd.s32 s1, s3;
	[dreg:$0x0] =	wrdreg $0x0  }
0xa5: {  	s4 =	sshll.u32 s23, $0x1;
	[dreg:$0x2] =	wrdreg s3  }
0xa6: {  	[dreg:$0x3] =	wrdreg s4  }
0xa7: {  	[dreg:$0x4] =	wrdreg $0xC0  }
0xa8: {  	s24 =	simm.s32 $execute1_lowered;
	_ =	task [dreg:s18], $0x5FFFF  }
0xa9: {  	s3 =	sshll.u32 s24, $0x1;
	[dreg:$0x1] =	wrdreg $0xFFFFFFFF  }
0xaa: {  	s1 =	sadd.s32 s1, s3;
	[dreg:$0x0] =	wrdreg $0x60  }
0xab: {  	[dreg:$0x2] =	wrdreg s1  }
0xac: {  	[dreg:$0x3] =	wrdreg s20  }
0xad: {  	[dreg:$0x4] =	wrdreg $0x9  }
0xae: {  	_ =	task.clear_ibuf [dreg:s18], $0x5FFFF;
	_ =	strace $0x90000046  }
0xaf: {  	s25 =	simm.s32 $0x9;
	_ =	strace $0x80000048  }
0xb0: {  	_ =	swait.ge [sflag:s25], $0x1  }
0xb1: {  	[sflag:s25] =	ssyncadd.s32 $0xFFFFFFFF  }
0xb2: {  	_ =	strace $0x90000048  }
0xb3: {  	_ =	strace $0x80000049;
	[dreg:$0x1] =	wrdreg $0xFFFFFFFF  }
0xb4: {  	[dreg:$0x0] =	wrdreg $0x2030  }
0xb5: {  	[dreg:$0x2] =	wrdreg s20  }
0xb6: {  	[dreg:$0x3] =	wrdreg $0xA  }
0xb7: {  	_ =	task.clear_ibuf [dreg:s18], $0x4FFFF;
	_ =	strace $0x90000049  }
0xb8: {  	s26 =	simm.s32 $0xA;
	_ =	strace $0x8000004B  }
0xb9: {  	_ =	swait.ge [sflag:s26], $0x1  }
0xba: {  	[sflag:s26] =	ssyncadd.s32 $0xFFFFFFFF  }
0xbb: {  	_ =	strace $0x9000004B  }
0xbc: {  	_ =	sfence  }
0xbd: {  	s28 =	sld [smem:$0x0];
	_ =	sdelay $0x1  }
0xbe: {  	s29 =	srdreg.scid  }
0xbf: {  	s30 =	sshll.u32 s29, $0xD;
	s31 =	sshrl.u32 s29, $0x2  }
0xc0: {  	s2 =	sand.u32 $0x1, s29;
	s3 =	sand.u32 $0x4000, s30;
	s1 =	sadd.s32 s31, s28  }
0xc1: {  	s2 =	sor.u32 s3, s2;
	s1 =	sshll.u32 s1, $0x11  }
0xc2: {  	s1 =	sor.u32 s1, s2  }
0xc3: {  	s1 =	sadd.s32 $0x8F2B, s1  }
0xc4: {  	[sflag:s1] =	ssyncadd.remote.s32 $0x1  }
0xc5: {  	_ =	sfence.sel $0xFFFF  }
0xc6: {  	[dreg:$0x0] =	wrdreg $0xFFFFFFFF;
	(pc) =	sbr.abs _section_cstart, $3  }
0xc7: {  	[dreg:$0x1] =	wrdreg $0xFFFFFFFF  }
0xc8: {  	_ =	task.clear_ibuf [dreg:s18], $0x2FFFF;
	_ =	strace $0x9FFFFFFF  }
0xc9: {  	(tm) =	ssettm $0x7FFFFFFF  }
tec
execute0_lowered:
.L_overlay_start_1:
0x0: {  	(tag) =	ssettag $0x1  }
0x1: {  	s2 =	rddreg [dreg:$0x0]  }
0x2: {  	s4 =	rddreg [dreg:$0x1]  }
0x3: {  	s0 =	rddreg [dreg:$0x2];
	s3 =	stileid.u32  }
0x4: {  	[bflag:$0x3] =	sbarrier.arrive $0xFFFF;
	s1 =	simm.s32 $_size_execute1_lowered;
	p0 =	sne.s32 s3, $0x0  }
0x5: {  	s1 =	sshll.u32 s1, $0x1;
	s5 =	simm.s32 @!p0 $0x1C3F;
	s6 =	simm.s32 @!p0 $0x4060  }
0x6: {  	[timem:s6], [sflag:s5] =	dma.local @!p0 [hbm:s2], s1  }
0x7: {  	s2 =	smul.u32 $0xC40, s3  }
.Ltmp0:
0x8: {  	s31 =	simm.s32 $0x2;
	s7 =	simm.s32 $0xC40;
	(pc) =	sbr.rel .LBB2_1-.Ltmp0, $4  }
0x9: {  	s8 =	simm.s32 $0x24C0;
	s10 =	simm.s32 $0x0;
	s9 =	simm.s32 $0x0  }
0xa: {  	s3 =	simm.s32 $0x1;
	_ =	strace $0x80000047;
	s30 =	sshrl.u32 s2, $0x3  }
0xb: {  	s6 =	simm.s32 $0x0;
	[sflag:s3] =	ssyncpa.u1 $0x0;
	s5 =	sadd.s32 s30, s4  }
0xc: {  	s4 =	sadd.s32 $0xF3800, s4;
	[sflag:s31] =	ssyncpa.u1 $0x0;
	s5 =	sadd.s32 $0xF1E00, s5  }
.LBB2_9:
0xd: {  	p1 =	seq.s32 s9, $0x2  }
.Ltmp1:
0xe: {  	_ = 	snop;
	(pc) =	sbr.rel @p1 .LBB2_11-.Ltmp1, $1  }
0xf: {  	_ =	sdelay $0x3  }
.LBB2_10:
0x10: {  	s9 =	sadd.s32 $0x1, s9;
	s10 =	smov.u32 s2  }
.LBB2_1:
0x11: {  	p1 =	sne.s32 s9, $0x0  }
.Ltmp2:
0x12: {  	_ = 	snop;
	(pc) =	sbr.rel @!p1 .LBB2_2-.Ltmp2, $1  }
0x13: {  	_ =	sdelay $0x3  }
0x14: {  	s11 =	sand.u32 $0x1, s9  }
0x15: {  	p1 =	seq.s32 s11, $0x0  }
.Ltmp3:
0x16: {  	_ = 	snop;
	(pc) =	sbr.rel @p1 .LBB2_9-.Ltmp3, $1  }
0x17: {  	_ =	sdelay $0x3  }
0x18: {  	_ =	swait.ge [sflag:s3], $0xC40  }
0x19: {  	[sflag:s3] =	ssyncset.done $0x0  }
0x1a: {  	s16 =	simm.s32 $0xD30;
	[sflag:s3] =	ssyncadd.s32 $0xFFFFF3C0  }
0x1b: {  	v0 =	vld [tilespmem:s16+$0x0]  }
0x1c: {  	v1 =	vld [tilespmem:s16+$0xFFFFFF20]  }
0x1d: {  	v2 =	vld [tilespmem:s16+$0xFFFFFF30]  }
0x1e: {  	v3 =	vld [tilespmem:s16+$0xFFFFFF40]  }
0x1f: {  	s11 =	simm.s32 $0x25B0;
	v4 =	vld [tilespmem:s16+$0xFFFFFF50]  }
0x20: {  	v5 =	vld [tilespmem:s16+$0xFFFFFF60];
	[tilespmem:s11+$0x0] =	vst v0  }
0x21: {  	[tilespmem:s11+$0xFFFFFF20] =	vst v1;
	v0 =	vld [tilespmem:s16+$0xFFFFFF70]  }
0x22: {  	[tilespmem:s11+$0xFFFFFF30] =	vst v2;
	v1 =	vld [tilespmem:s16+$0xFFFFFF80]  }
0x23: {  	[tilespmem:s11+$0xFFFFFF40] =	vst v3;
	v2 =	vld [tilespmem:s16+$0xFFFFFF90]  }
0x24: {  	[tilespmem:s11+$0xFFFFFF50] =	vst v4;
	v3 =	vld [tilespmem:s16+$0xFFFFFFA0]  }
0x25: {  	[tilespmem:s11+$0xFFFFFF60] =	vst v5;
	v5 =	vld [tilespmem:s16+$0xFFFFFFB0]  }
0x26: {  	[tilespmem:s11+$0xFFFFFF70] =	vst v0;
	v0 =	vld [tilespmem:s16+$0xFFFFFFC0]  }
0x27: {  	[tilespmem:s11+$0xFFFFFF80] =	vst v1;
	v1 =	vld [tilespmem:s16+$0xFFFFFFD0]  }
0x28: {  	[tilespmem:s11+$0xFFFFFF90] =	vst v2;
	v2 =	vld [tilespmem:s16+$0xFFFFFFE0]  }
0x29: {  	s15 =	simm.s32 $0x0;
	s12 =	simm.s32 $0xBF0;
	[tilespmem:s11+$0xFFFFFFA0] =	vst v3;
	v3 =	vld [tilespmem:s16+$0xFFFFFFF0]  }
0x2a: {  	s13 =	simm.s32 $0x30C0;
	s14 =	simm.s32 $0x1840;
	v4 =	vld [tilespmem:s16+$0xFFFFFF10];
	[tilespmem:s11+$0xFFFFFFB0] =	vst v5;
	s16 =	simm.s32 $0xE30  }
.LBB2_5:
0x2b: {  	v5 =	vld [tilespmem:s16+$0x0];
	s15 =	sadd.s32 $0x100, s15;
	[tilespmem:s11+$0xFFFFFFC0] =	vst v0  }
0x2c: {  	v0 =	vld [tilespmem:s16+$0xFFFFFF20];
	p1 =	slt.u32 s15, $0xB00;
	[tilespmem:s11+$0xFFFFFFD0] =	vst v1  }
0x2d: {  	v1 =	vld [tilespmem:s16+$0xFFFFFF30];
	[tilespmem:s11+$0xFFFFFFE0] =	vst v2  }
0x2e: {  	v2 =	vld [tilespmem:s16+$0xFFFFFF40];
	[tilespmem:s11+$0xFFFFFFF0] =	vst v3  }
0x2f: {  	v3 =	vld [tilespmem:s16+$0xFFFFFF50];
	[tilespmem:s11+$0xFFFFFF10] =	vst v4;
	s11 =	sadd.s32 $0x100, s11  }
0x30: {  	v4 =	vld [tilespmem:s16+$0xFFFFFF60];
	[tilespmem:s11+$0x0] =	vst v5  }
0x31: {  	[tilespmem:s11+$0xFFFFFF20] =	vst v0;
	v0 =	vld [tilespmem:s16+$0xFFFFFF70]  }
0x32: {  	[tilespmem:s11+$0xFFFFFF30] =	vst v1;
	v1 =	vld [tilespmem:s16+$0xFFFFFF80]  }
0x33: {  	[tilespmem:s11+$0xFFFFFF40] =	vst v2;
	v2 =	vld [tilespmem:s16+$0xFFFFFF90]  }
0x34: {  	[tilespmem:s11+$0xFFFFFF50] =	vst v3;
	v3 =	vld [tilespmem:s16+$0xFFFFFFA0]  }
0x35: {  	[tilespmem:s11+$0xFFFFFF60] =	vst v4;
	v5 =	vld [tilespmem:s16+$0xFFFFFFB0]  }
.Ltmp4:
0x36: {  	[tilespmem:s11+$0xFFFFFF70] =	vst v0;
	v0 =	vld [tilespmem:s16+$0xFFFFFFC0];
	(pc) =	sbr.rel @p1 .LBB2_5-.Ltmp4, $4  }
0x37: {  	[tilespmem:s11+$0xFFFFFF80] =	vst v1;
	v1 =	vld [tilespmem:s16+$0xFFFFFFD0]  }
0x38: {  	[tilespmem:s11+$0xFFFFFF90] =	vst v2;
	v2 =	vld [tilespmem:s16+$0xFFFFFFE0]  }
0x39: {  	[tilespmem:s11+$0xFFFFFFA0] =	vst v3;
	v3 =	vld [tilespmem:s16+$0xFFFFFFF0]  }
0x3a: {  	v4 =	vld [tilespmem:s16+$0xFFFFFF10];
	[tilespmem:s11+$0xFFFFFFB0] =	vst v5;
	s16 =	sadd.s32 $0x100, s16  }
0x3b: {  	[tilespmem:s11+$0xFFFFFFC0] =	vst v0  }
0x3c: {  	[tilespmem:s11+$0xFFFFFFD0] =	vst v1  }
0x3d: {  	[tilespmem:s11+$0xFFFFFFE0] =	vst v2  }
0x3e: {  	[tilespmem:s11+$0xFFFFFFF0] =	vst v3  }
0x3f: {  	[tilespmem:s11+$0xFFFFFF10] =	vst v4  }
.LBB2_7:
0x40: {  	s12 =	sadd.s32 $0x10, s12  }
0x41: {  	v0 =	vld [tilespmem:s14+$0x0];
	p1 =	slt.u32 s12, $0xC30  }
.Ltmp5:
0x42: {  	_ = 	snop;
	(pc) =	sbr.rel @p1 .LBB2_7-.Ltmp5, $2  }
0x43: {  	_ =	sdelay $0x2  }
0x44: {  	s14 =	sadd.s32 $0x10, s14;
	[tilespmem:s13+$0x0] =	vst v0;
	s13 =	sadd.s32 $0x10, s13  }
.Ltmp6:
0x45: {  	(pc) =	sbr.rel .LBB2_9-.Ltmp6, $4  }
0x46: {  	_ = 	snop  }
0x47: {  	s10 =	sshrl.u32 s10, $0x3  }
0x48: {  	s10 =	sadd.s32 s4, s10  }
0x49: {  	[hbm4b:s10+s6] =	stream.linear.scatter [tilespmem:s8], [sflag:$0x2], $0xC40, $0x38;
	[tilespmem:$0x3100] =	vst v63  }
.LBB2_2:
.Ltmp7:
0x4a: {  	(pc) =	sbr.rel .LBB2_10-.Ltmp7, $2  }
0x4b: {  	_ =	sdelay $0x2  }
0x4c: {  	[tilespmem:s7], [sflag:$0x1] =	stream.linear.gather [hbm4b:s5+s6], $0xC40, $0x38;
	[tilespmem:$0x3100] =	vst v63  }
.LBB2_11:
0x4d: {  	s2 =	simm.s32 $0x2  }
0x4e: {  	_ =	swait.ge [sflag:s2], $0xC40  }
0x4f: {  	[sflag:s2] =	ssyncset.done $0x0  }
0x50: {  	[sflag:s2] =	ssyncadd.s32 $0xFFFFF3C0  }
0x51: {  	_ =	sfence.sel $0x180000  }
0x52: {  	s3 =	simm.s32 $0x1;
	[bflag:$0x0] =	sbarrier.arrive $0xFFFF  }
0x53: {  	[sflag:s3] =	ssyncpa.u1 $0x1  }
0x54: {  	[sflag:s2] =	ssyncpa.u1 $0x1  }
0x55: {  	_ =	strace $0x90000047  }
0x56: {  	s0 =	sadd.s32 @!p0 $0x100000, s0;
	[bflag:$0x2] =	sbarrier.arrive $0xFFFF  }
0x57: {  	[sflag:s0] =	ssyncadd.tile.s32 @!p0 $0x1;
	s0 =	simm.s32 @!p0 $0x3F  }
0x58: {  	_ =	swait.ge @!p0 [sflag:s0], s1  }
0x59: {  	s1 =	ssub.s32 @!p0 $0x0, s1;
	[sflag:s0] =	ssyncset.done @!p0 $0x0  }
0x5a: {  	[sflag:s0] =	ssyncadd.s32 @!p0 s1  }
0x5b: {  	[bflag:$0x3] =	sbarrier.arrive $0xFFFF  }
0x5c: {  	_ =	shalt  }
.Lfunc_end2:
execute1_lowered:
.L_overlay_start_2:
0x5d: {  	(tag) =	ssettag $0x2  }
0x5e: {  	s0 =	rddreg [dreg:$0x0]  }
0x5f: {  	s6 =	stileid.u32;
	_ =	strace $0x8000004A;
	s2 =	simm.s32 $0x1  }
0x60: {  	v1 =	vimm.s32 $0xFFFFFFFF;
	s1 =	smul.u32 $0x7, s6;
	[sflag:s2] =	ssyncpa.u1 $0x0  }
0x61: {  	s3 =	smin.u32 s6, $0xD;
	[tilespmem:$0x10] =	vst v1  }
0x62: {  	v0 =	vimm.f32 $0.0e+00;
	[tilespmem:$0x20] =	vst v1;
	s1 =	sadd.s32 s3, s1  }
0x63: {  	p0 =	slt.u32 s6, $0xD;
	[tilespmem:$0x30] =	vst v0;
	s3 =	smul.u32 $0x7D0, s1;
	s1 =	simm.s32 $0x3E80  }
0x64: {  	[tilespmem:$0x40] =	vst v0;
	s1 =	simm.s32 @!p0 $0x36B0  }
0x65: {  	[tilespmem:$0x50] =	vst v0;
	s1 =	sadd.s32 s1, s3  }
0x66: {  	[tilespmem:$0x60] =	vst v1;
	s4 =	smin.u32 s1, $0x3D090  }
0x67: {  	s7 =	simm.s32 $0x2;
	[tilespmem:$0x70] =	vst v1;
	s9 =	ssub.s32 s4, s3  }
0x68: {  	s8 =	simm.s32 $0x8;
	s31 =	simm.s32 $0x9;
	[tilespmem:$0x80] =	vst v1;
	p0 =	sgt.s32 s9, $0x0  }
0x69: {  	s16 =	simm.s32 $0x0;
	s17 =	simm.s32 $0xF0;
	v1 =	vimm.s32 $0x0;
	[tilespmem:$0xB0] =	vst v0;
	s9 =	simm.s32 @!p0 $0x0  }
0x6a: {  	s18 =	simm.s32 $0xFFFFFFFF;
	s19 =	simm.s32 $0xFFFFF160;
	[tilespmem:$0x90] =	vst v1;
	s5 =	smulhi.u32 $0x10624DD3, s9  }
0x6b: {  	s20 =	simm.s32 $0xFFFFFFFE;
	[tilespmem:$0xA0] =	vst v1;
	[sflag:s7] =	ssyncpa.u1 $0x0;
	s7 =	simm.s32 $0x7  }
0x6c: {  	s21 =	simm.s32 $0xF;
	[sflag:s7] =	ssyncpa.u1 $0x0;
	s10 =	sshrl.u32 s5, $0x7  }
0x6d: {  	s25 =	simm.s32 $0x0;
	[sflag:s8] =	ssyncpa.u1 $0x0;
	s11 =	smul.u32 $0x7D0, s10  }
0x6e: {  	s24 =	simm.s32 $0x0;
	s14 =	sshllo.u32 s6, $0x1;
	[sflag:s31] =	ssyncpa.u1 $0x0  }
.Ltmp8:
0x6f: {  	s1 =	sadd.s32 $0xF3800, s0;
	p0 =	sne.s32 s9, s11;
	(pc) =	sbr.rel .LBB3_1-.Ltmp8, $4  }
0x70: {  	s5 =	sadd.s32 $0x1F000, s0;
	s0 =	sadd.s32 $0x26C00, s0;
	s2 =	simm.s32 @!p0 $0x0  }
0x71: {  	s23 =	smov.u32 s3;
	[dreg:$0x2] =	wrdreg s0;
	s9 =	sadd.s32 s2, s10  }
0x72: {  	vm0 =	vmmov $0xffff;
	v2 =	vlaneseq.u32;
	p0 =	por $0x0, $0x0;
	s10 =	sshll.u32 s6, $0x1;
	s11 =	sadd.s32 $0x1, s9  }
0x73: {  	vm1 =	vmxor vm1, vm1;
	vm2 =	vmmov $0x1;
	vm3 =	vcmask $0x3F3C;
	s12 =	sadd.s32 $0x2, s9;
	s13 =	sor.u32 $0x81, s10;
	s15 =	sor.u32 $0x80, s10  }
.LBB3_9:
0x74: {  	p1 =	slt.u32 s24, $0x3  }
0x75: {  	s0 =	simm.s32 @!p1 $0x2  }
0x76: {  	_ =	swait.ge @!p1 [sflag:s0], $0x7D0  }
0x77: {  	[sflag:s0] =	ssyncset.done @!p1 $0x0  }
0x78: {  	[sflag:s0] =	ssyncadd.s32 @!p1 $0xFFFFF830;
	s0 =	simm.s32 @!p1 $0x9  }
0x79: {  	_ =	swait.ge @!p1 [sflag:s0], $0x10  }
0x7a: {  	[sflag:s0] =	ssyncset.done @!p1 $0x0  }
0x7b: {  	[sflag:s0] =	ssyncadd.s32 @!p1 $0xFFFFFFF0;
	p1 =	sne.s32 s24, s12  }
.Ltmp9:
0x7c: {  	s2 =	sadd.s32 $0x7D0, s23;
	(pc) =	sbr.rel @!p1 .LBB3_10-.Ltmp9, $4  }
0x7d: {  	s6 =	smov.u32 s3;
	s31 =	sadd.s32 $0x1, s24;
	s17 =	sadd.s32 $0x7D0, s17  }
0x7e: {  	s18 =	sadd.s32 $0x1, s18;
	s25 =	smov.u32 s23;
	p2 =	slt.s32 s2, s4  }
0x7f: {  	p0 =	por !p0, !p0;
	s19 =	sadd.s32 $0x7D0, s19;
	s6 =	smov.u32 @p2 s2  }
0x80: {  	s20 =	sadd.s32 $0x1, s20;
	s23 =	smov.u32 s6;
	s24 =	smov.u32 s31  }
.LBB3_1:
0x81: {  	p1 =	sge.u32 s24, s9  }
0x82: {  	s0 =	smulhi.u32 @!p1 $0xAAAAAAAB, s24;
	_ =	sdelay $0x1  }
0x83: {  	s0 =	sshrl.u32 @!p1 s0, $0x1  }
0x84: {  	s0 =	smul.u32 @!p1 $0x3, s0;
	_ =	sdelay $0x1  }
0x85: {  	s0 =	ssub.s32 @!p1 s24, s0  }
0x86: {  	s0 =	smul.u32 @!p1 $0x1F40, s0;
	_ =	sdelay $0x1  }
0x87: {  	s2 =	sshrl.u32 @!p1 s23, $0x3;
	s0 =	sshrl.u32 @!p1 s0, $0x2  }
0x88: {  	s22 =	sand.u32 @!p1 $0x7, s23;
	s2 =	sadd.s32 @!p1 s5, s2;
	s0 =	sadd.s32 @!p1 $0x100, s0  }
0x89: {  	[tilespmem:s0], [sflag:$0x7] =	stream.linear.gather @!p1 [hbm4b:s2+s22], $0x7D0, $0x38;
	[tilespmem:$0x4770] =	vst v63  }
0x8a: {  	s0 =	sadd.s32 $0xFFFFFFFF, s24  }
0x8b: {  	p1 =	sge.u32 s0, s9  }
.Ltmp10:
0x8c: {  	_ = 	snop;
	(pc) =	sbr.rel @p1 .LBB3_5-.Ltmp10, $1  }
0x8d: {  	_ =	sdelay $0x3  }
0x8e: {  	s2 =	smulhi.u32 $0xAAAAAAAB, s0;
	_ =	sdelay $0x1  }
0x8f: {  	s2 =	sshrl.u32 s2, $0x1  }
0x90: {  	s2 =	smul.u32 $0x3, s2;
	_ =	sdelay $0x1  }
0x91: {  	s2 =	ssub.s32 s0, s2  }
0x92: {  	s2 =	smul.u32 $0x1F40, s2  }
0x93: {  	_ =	swait.ge [sflag:s7], $0x7D0  }
0x94: {  	[sflag:s7] =	ssyncset.done $0x0;
	s2 =	sshrl.u32 s2, $0x2  }
0x95: {  	[sflag:s7] =	ssyncadd.s32 $0xFFFFF830;
	(ifvalue) =	ssetifvalue $0xFFFFFFFF;
	v3 =	vld.msk [tilespmem:s2+$0x100 ss:$0x1], $0xffff;
	_ =	sdelay $0x2  }
0x96: {  	s30 =	smulhi.u32 $0xAAAAAAAB, s18;
	p1 =	sne.s32 s24, $0x1  }
0x97: {  	v4 =	vimm.s32 @!p1 $0x0  }
0x98: {  	s2 =	sshrl.u32 s30, $0x1;
	v4 =	vperm.xlane @!p1 v3, v4  }
0x99: {  	s22 =	sshll.u32 s24, $0x4;
	s2 =	smul.u32 $0xFFFFA240, s2;
	vm4 =	vlt.u32 v3, $0xC400  }
0x9a: {  	s22 =	sand.u32 $0x10, s22;
	v3 =	vnsel vm4, $0xFFFFFFFE, v3;
	vm4 =	vlt.u32 @!p1 v4, $0xC400  }
0x9b: {  	s2 =	sshra.s32 s2, $0x2;
	[tilespmem:s22+$0x60] =	vst v3;
	v3 =	vnsel @!p1 vm4, $0xFFFFFFFE, v4  }
0x9c: {  	s28 =	sadd.s32 s2, s17;
	[tilespmem:$0x80] =	vst @!p1 v3  }
0x9d: {  	v3 =	vld.msk [tilespmem:s28+$0x0 ss:$0x1], $0xffff;
	_ =	sdelay $0x4  }
0x9e: {  	(xrf1) =	vunique.msk.u32 $0xffff, v3;
	_ =	sdelay $0xd  }
0x9f: {  	v4 =	vimm.s32 $0xFFFFFFFF;
	v5, _, _ =	vpop (xrf1)  }
0xa0: {  	vm5 =	vne.s32 v3, v4;
	vm4 =	veq.s32 v5, v2  }
0xa1: {  	vm6 =	vlt.u32 v3, $0xC400;
	vm4 =	vmand vm5, vm4  }
0xa2: {  	vm4 =	vmand vm6, vm4  }
0xa3: {  	v4 =	vnsel vm4, $0xFFFFFFFF, v3  }
0xa4: {  	s31 =	sand.u32 $0x1, s0  }
0xa5: {  	s0 =	simm.s32 $0x7D0;
	p1 =	seq.s32 s31, $0x1  }
0xa6: {  	s0 =	simm.s32 @!p1 $0x0  }
0xa7: {  	s26 =	sadd.s32 $0x2030, s0;
	(ifvalue) =	ssetifvalue $0xFFFFFFFF  }
0xa8: {  	v3 =	vperm.xlane v3, v1;
	[tilespmem:s26], [sflag:$0x8] =	stream.indirect_vreg.gather [hbm4b:s1+s16], $0x1, v4, vm0, $0x4038;
	v4 =	vnsel vm6, $0xFFFFFFFE, v4;
	[tilespmem:$0x4770] =	vst v63  }
0xa9: {  	s2 =	simm.s32 $0x0;
	s22 =	sadd.s32 $0xFFFFFFF0, s28;
	[tilespmem:s28+$0x0] =	vst v4  }
.LBB3_3:
0xaa: {  	v4 =	vld.msk [tilespmem:s22+$0x0 ss:$0x1], $0xffff;
	s2 =	sadd.s32 $0x10, s2;
	v5 =	vmov v3;
	s28 =	smov.u32 s22  }
0xab: {  	p1 =	slt.u32 s2, $0x7C0;
	_ =	sdelay $0x4  }
0xac: {  	v3 =	vperm.xlane v4, v1;
	(xrf1) =	vunique.msk.u32 $0xffff, v4;
	_ =	sdelay $0xd  }
0xad: {  	v6, _, _ =	vpop (xrf1)  }
0xae: {  	vm5 =	vne.s32 v4, v5;
	vm4 =	veq.s32 v6, v2  }
0xaf: {  	vm6 =	vlt.u32 v4, $0xC400;
	vm4 =	vmand vm5, vm4  }
0xb0: {  	vm4 =	vmand vm6, vm4  }
0xb1: {  	v4 =	vnsel vm4, $0xFFFFFFFF, v4  }
.Ltmp11:
0xb2: {  	v5 =	vnsel vm6, $0xFFFFFFFE, v4;
	(pc) =	sbr.rel @p1 .LBB3_3-.Ltmp11, $3  }
0xb3: {  	_ =	sdelay $0x1  }
0xb4: {  	s22 =	sadd.s32 $0xFFFFFFF0, s22;
	s26 =	sadd.s32 $0xFFFFFFF0, s26;
	(ifvalue) =	ssetifvalue $0xFFFFFFFF  }
0xb5: {  	[tilespmem:s26], [sflag:$0x8] =	stream.indirect_vreg.gather [hbm4b:s1+s16], $0x1, v4, vm0, $0x4038;
	[tilespmem:s28+$0x0] =	vst v5  }
0xb6: {  	s2 =	sshrl.u32 s25, $0x3;
	s6 =	rddreg [dreg:$0x2]  }
0xb7: {  	s0 =	sadd.s32 $0x2810, s0;
	s2 =	sadd.s32 s6, s2  }
0xb8: {  	[tilespmem:s0], [sflag:$0x8] =	stream.linear.gather [hbm:s2], $0x7D0, $0x38;
	[tilespmem:$0x4770] =	vst v63  }
.LBB3_5:
0xb9: {  	p1 =	slt.u32 s24, $0x2  }
0xba: {  	p2 =	sge.u32 @!p1 s24, s12  }
0xbb: {  	p1 =	por p1, p2  }
.Ltmp12:
0xbc: {  	_ = 	snop;
	(pc) =	sbr.rel @p1 .LBB3_9-.Ltmp12, $1  }
0xbd: {  	_ =	sdelay $0x3  }
0xbe: {  	s0 =	sadd.s32 $0xFFFFFFFE, s24  }
0xbf: {  	s2 =	smulhi.u32 $0xAAAAAAAB, s0;
	_ =	sdelay $0x1  }
0xc0: {  	s2 =	sshrl.u32 s2, $0x1  }
0xc1: {  	s2 =	smul.u32 $0x3, s2;
	_ =	sdelay $0x1  }
0xc2: {  	s0 =	ssub.s32 s0, s2  }
0xc3: {  	_ =	swait.ge [sflag:s8], $0xFA0;
	s0 =	smul.u32 $0x7D0, s0  }
0xc4: {  	p1 =	sne.s32 s24, s11;
	[sflag:s8] =	ssyncset.done $0x0  }
0xc5: {  	[sflag:s8] =	ssyncadd.s32 $0xFFFFF060;
	s2 =	sadd.s32 @!p1 $0x8CF, s0  }
0xc6: {  	[spmem:s13] =	stream.linear.scatter @!p1 [tilespmem:s2], [sflag:$0x1], $0x1, $0x38;
	[tilespmem:$0x4770] =	vst v63  }
0xc7: {  	s2 =	simm.s32 @!p1 $0x1  }
0xc8: {  	_ =	swait.ge @!p1 [sflag:s2], $0x1  }
0xc9: {  	s22 =	sshll.u32 s24, $0x4;
	[sflag:s2] =	ssyncset.done @!p1 $0x0  }
0xca: {  	s25 =	sand.u32 $0x10, s22;
	[sflag:s2] =	ssyncadd.s32 @!p1 $0xFFFFFFFF  }
0xcb: {  	s2 =	sxor.u32 $0x10, s25;
	v4 =	vld [tilespmem:s25+$0x10]  }
0xcc: {  	v5 =	vld [tilespmem:s2+$0x60]  }
0xcd: {  	v3 =	vld [tilespmem:$0x80];
	_ =	sdelay $0x2  }
0xce: {  	(v2sf) =	vpush v4, $0x0  }
0xcf: {  	(v2sf) =	vpush v5, $0x0  }
0xd0: {  	(v2sf) =	vpush v3, $0x0;
	_ =	sdelay $0xc  }
0xd1: {  	s6 =	spop (v2sf)  }
0xd2: {  	s28 =	spop (v2sf)  }
0xd3: {  	s26 =	spop (v2sf)  }
0xd4: {  	p2 =	seq.s32 s6, s28;
	p3 =	seq.s32 s26, s6  }
0xd5: {  	p3 =	por p2, p3  }
0xd6: {  	s6 =	sand.u32 $0x1, s24;
	v4 =	vpsel p3, $0xFFFFFFFF, v4  }
0xd7: {  	s28 =	smul.u32 $0x7D0, s6;
	[tilespmem:s25+$0x10] =	vst.msk $0x1, v4  }
0xd8: {  	v4 =	vld [tilespmem:$0x30]  }
0xd9: {  	v5 =	vld [tilespmem:s28+$0x2810]  }
0xda: {  	v6 =	vld [tilespmem:s25+$0x40];
	_ =	sdelay $0x3  }
0xdb: {  	vm4 =	vmmov vm1;
	v5 =	vadd.f32 v5, v4  }
0xdc: {  	vm5 =	vmmov vm2;
	vm4 =	vmmov @p2 vm2;
	v4 =	vadd.f32 v6, v4  }
0xdd: {  	s22 =	sshll.u32 s6, $0x4;
	vm5 =	vmmov @p3 vm1;
	[tilespmem:s28+$0x2810] =	vst.msk vm4, v5  }
0xde: {  	[tilespmem:s22+$0x4750] =	vst.msk vm5, v4  }
0xdf: {  	v4 =	vld [tilespmem:s28+$0x2030];
	_ =	sdelay $0x3  }
0xe0: {  	v5 =	vimm.f32 $0.0e+00  }
0xe1: {  	v4 =	vshift.insert v4, v5, s21  }
0xe2: {  	s29 =	sor.u32 $0x40, s2  }
0xe3: {  	[tilespmem:s29+$0x0] =	vst.msk $0x1, v4  }
0xe4: {  	[tilespmem:s28+$0x203F] =	vst.msk $0x1, v5  }
0xe5: {  	v4 =	vld [tilespmem:s0+$0x8C0];
	_ =	sdelay $0x1  }
0xe6: {  	s29 =	smulhi.u32 $0xAAAAAAAB, s20;
	s0 =	simm.s32 $0x1  }
0xe7: {  	s0 =	simm.s32 @!p0 $0x0  }
0xe8: {  	s29 =	sshrl.u32 s29, $0x1;
	s0 =	smul.u32 $0x1F40, s0  }
0xe9: {  	s29 =	smul.u32 $0xFFFFA240, s29;
	v4 =	vshift.insert v4, v1, s21  }
0xea: {  	s0 =	sshrl.u32 s0, $0x2  }
0xeb: {  	s29 =	sshra.s32 s29, $0x2;
	s30 =	sadd.s32 $0x2810, s0;
	[tilespmem:s2+$0x10] =	vst.msk $0x1, v4  }
0xec: {  	s6 =	sadd.s32 s29, s19;
	v6 =	vld [tilespmem:s30+$0x0]  }
0xed: {  	v7 =	vld [tilespmem:s6+$0x0];
	_ =	sdelay $0x3  }
0xee: {  	v5 =	vadd.f32 v6, v5  }
0xef: {  	vm4 =	vne.s32 v7, $0xFFFFFFFF  }
0xf0: {  	(xrf2) =	vadd.seg.scan.f32 vm4, v5;
	_ =	sdelay $0x3  }
0xf1: {  	s31 =	sadd.s32 $0x1870, s0;
	v5 =	vperm.xlane v4, v1  }
0xf2: {  	v6 =	vld [tilespmem:s31+$0x0]  }
0xf3: {  	vm5 =	veq.s32 v7, v3;
	vm6 =	veq.s32 v7, v5  }
0xf4: {  	vm7 =	vgt.u32 v7, $0xFFFFFFFD;
	vm6 =	vmor vm6, vm5  }
0xf5: {  	vm6 =	vmor vm6, vm7  }
0xf6: {  	v9 =	vld [tilespmem:$0xA0];
	v7 =	vsel vm6, $0xFFFFFFFF, v7  }
0xf7: {  	v10 =	vld [tilespmem:$0x90];
	v6 =	vsel vm5, $0x0, v6;
	v8, _, _ =	vpop (xrf2)  }
0xf8: {  	v6 =	vadd.f32 v8, v6  }
0xf9: {  	s0 =	sadd.s32 $0x37B0, s0  }
0xfa: {  	vm4 =	vmand vm4, vm3;
	[tilespmem:s0+$0x0] =	vst v6;
	(ifvalue) =	ssetifvalue $0xFFFFFFFF  }
0xfb: {  	vm6 =	veq.s32 v9, $0x1;
	[hbm4b:s1+s16] =	stream.indirect_vreg.scatter [tilespmem:s0], [sflag:$0x2], $0x1, v7, vm0, $0x4038;
	v7 =	vsel vm4, $0x0, v8;
	[tilespmem:$0x4770] =	vst v63  }
0xfc: {  	s29 =	sadd.s32 $0x4750, s22;
	s22 =	sadd.s32 $0x10, s6;
	s2 =	simm.s32 $0x0;
	vm4 =	vmor vm6, vm5;
	v6 =	vsel vm5, v8, v10;
	v7 =	vshift.insert v7, v0, s21  }
.LBB3_7:
0xfd: {  	v8 =	vld [tilespmem:s22+$0x0];
	s30 =	sadd.s32 $0x10, s30  }
0xfe: {  	s31 =	sadd.s32 $0x10, s31;
	v9 =	vld [tilespmem:s30+$0x0]  }
0xff: {  	s2 =	sadd.s32 $0x10, s2;
	v10 =	vld [tilespmem:s31+$0x0]  }
0x100: {  	p2 =	slt.u32 s2, $0x7C0;
	_ =	sdelay $0x2  }
0x101: {  	v7 =	vadd.f32 v9, v7  }
0x102: {  	vm5 =	vne.s32 v8, $0xFFFFFFFF  }
0x103: {  	vm6 =	vmand vm5, vm3;
	(xrf2) =	vadd.seg.scan.f32 vm5, v7;
	_ =	sdelay $0x5  }
0x104: {  	vm7 =	veq.s32 v8, v5;
	vm5 =	veq.s32 v8, v3  }
0x105: {  	vm8 =	vgt.u32 v8, $0xFFFFFFFD;
	vm4 =	vmor vm4, vm5;
	vm7 =	vmor vm7, vm5  }
0x106: {  	vm7 =	vmor vm7, vm8  }
0x107: {  	v8 =	vsel vm7, $0xFFFFFFFF, v8  }
.Ltmp13:
0x108: {  	v7 =	vsel vm5, $0x0, v10;
	v9, _, _ =	vpop (xrf2);
	(pc) =	sbr.rel @p2 .LBB3_7-.Ltmp13, $4  }
0x109: {  	v6 =	vsel vm5, v9, v6;
	v10 =	vadd.f32 v9, v7;
	v7 =	vsel vm6, $0x0, v9  }
0x10a: {  	s0 =	sadd.s32 $0x10, s0;
	v7 =	vshift.insert v7, v0, s21  }
0x10b: {  	s22 =	sadd.s32 $0x10, s22;
	[tilespmem:s0+$0x0] =	vst v10;
	(ifvalue) =	ssetifvalue $0xFFFFFFFF  }
0x10c: {  	[hbm4b:s1+s16] =	stream.indirect_vreg.scatter [tilespmem:s0], [sflag:$0x2], $0x1, v8, vm0, $0x4038;
	[tilespmem:$0x4770] =	vst v63  }
0x10d: {  	v3 =	vld [tilespmem:s28+$0x3F70];
	_ =	sdelay $0x4  }
0x10e: {  	v3 =	vshift.insert v3, v0, s21  }
0x10f: {  	s0 =	simm.s32 $0x30  }
0x110: {  	[tilespmem:s0+$0x0] =	vst.msk $0x1, v3  }
0x111: {  	v3 =	vsel vm4, $0x1, v1;
	[tilespmem:$0x90] =	vst v6  }
0x112: {  	s0 =	sadd.s32 @!p1 $0x3F7F, s28;
	[tilespmem:$0xA0] =	vst v3  }
0x113: {  	[spmem:s14] =	stream.linear.scatter @!p1 [tilespmem:s0], [sflag:$0x1], $0x1, $0x38;
	[tilespmem:$0x4770] =	vst v63  }
0x114: {  	s0 =	simm.s32 @!p1 $0x1  }
0x115: {  	v3 =	vmctz.xlane @!p1 vm4;
	_ =	swait.ge @!p1 [sflag:s0], $0x1  }
0x116: {  	(v2sf) =	vpush @!p1 v4, $0x0  }
0x117: {  	(v2sf) =	vpush @!p1 v3, $0x0;
	_ =	sdelay $0xd  }
0x118: {  	s2 =	spop @!p1 (v2sf)  }
0x119: {  	s6 =	spop @!p1 (v2sf)  }
0x11a: {  	p2 =	sne.s32 @!p1 s26, s2;
	p3 =	slt.s32 @!p1 s6, $0xF  }
0x11b: {  	[sflag:s0] =	ssyncset.done @!p1 $0x0;
	p2 =	por p2, p1;
	p3 =	por !p3, p1  }
0x11c: {  	[sflag:s0] =	ssyncadd.s32 @!p1 $0xFFFFFFFF;
	v3 =	vimm.s32 @!p2 $0xFFFFFFFF;
	s6 =	simm.s32 @p3 $0xF  }
0x11d: {  	[tilespmem:$0x80] =	vst @!p2 v3;
	s2 =	sadd.s32 @!p1 $0x90, s6  }
0x11e: {  	[spmem:s10] =	stream.linear.scatter @!p1 [tilespmem:s2], [sflag:$0x1], $0x1, $0x38;
	[tilespmem:$0x4770] =	vst v63  }
0x11f: {  	_ =	swait.ge @!p1 [sflag:s0], $0x1  }
0x120: {  	[sflag:s0] =	ssyncset.done @!p1 $0x0  }
0x121: {  	s2 =	simm.s32 @!p1 $0x80;
	[sflag:s0] =	ssyncadd.s32 @!p1 $0xFFFFFFFF  }
0x122: {  	[spmem:s15] =	stream.linear.scatter @!p1 [tilespmem:s2], [sflag:$0x1], $0x1, $0x38;
	[tilespmem:$0x4770] =	vst v63  }
0x123: {  	_ =	swait.ge @!p1 [sflag:s0], $0x1  }
0x124: {  	[sflag:s0] =	ssyncset.done @!p1 $0x0  }
0x125: {  	[sflag:s0] =	ssyncadd.s32 @!p1 $0xFFFFFFFF;
	(ifvalue) =	ssetifvalue $0xFFFFFFFF;
	v3 =	vld [tilespmem:s25+$0x10];
	_ =	sdelay $0x3  }
.Ltmp14:
0x126: {  	_ = 	snop;
	(pc) =	sbr.rel .LBB3_9-.Ltmp14, $3  }
0x127: {  	_ =	sdelay $0x1  }
0x128: {  	(ifvalue) =	ssetifvalue $0xFFFFFFFF  }
0x129: {  	[hbm4b:s1+s16] =	stream.indirect_vreg.scatter [tilespmem:s29], [sflag:$0x9], $0x1, v3, vm0, $0x4038;
	[tilespmem:$0x4770] =	vst v63  }
.LBB3_10:
0x12a: {  	_ =	sfence.sel $0x180000  }
0x12b: {  	s0 =	simm.s32 $0x7;
	[bflag:$0x0] =	sbarrier.arrive $0xFFFF  }
0x12c: {  	s26 =	simm.s32 $0x8;
	[sflag:s0] =	ssyncpa.u1 $0x1  }
0x12d: {  	s28 =	simm.s32 $0x9;
	[sflag:s26] =	ssyncpa.u1 $0x1  }
0x12e: {  	[sflag:s28] =	ssyncpa.u1 $0x1  }
0x12f: {  	_ =	sfence.stream.spmem  }
0x130: {  	s29 =	simm.s32 $0x3;
	[bflag:$0x0] =	sbarrier.arrive $0xFFFF  }
0x131: {  	s30 =	simm.s32 $0x4;
	[sflag:s29] =	ssyncpa.u1 $0x1  }
0x132: {  	s31 =	simm.s32 $0x3C;
	s2 =	stileid.u32;
	[sflag:s30] =	ssyncpa.u1 $0x1  }
0x133: {  	p0 =	sne.s32 s2, $0x0;
	[sflag:s31] =	ssyncpa.u1 $0x1  }
0x134: {  	s0 =	simm.s32 @p0 $0x1;
	_ =	sfence @p0  }
0x135: {  	[sflag:s0] =	ssyncpa.u1 @p0 $0x1;
	s0 =	simm.s32 @p0 $0x2  }
0x136: {  	[sflag:s0] =	ssyncpa.u1 @p0 $0x1  }
0x137: {  	_ =	strace @p0 $0x9000004A  }
0x138: {  	[bflag:$0x2] =	sbarrier.arrive @p0 $0xFFFF  }
0x139: {  	_ =	shalt @p0  }
.LBB3_11:
0x13a: {  	_ =	sfence.stream.spmem;
	s0 =	simm.s32 $0x5  }
0x13b: {  	s2 =	simm.s32 $0x80;
	s3 =	simm.s32 $0xC0;
	[sflag:s0] =	ssyncpa.u1 $0x0  }
0x13c: {  	[tilespmem:s3], [sflag:$0x5] =	stream.linear.gather [spmem:s2], $0x20, $0x38;
	[tilespmem:$0x4770] =	vst v63  }
0x13d: {  	s2 =	simm.s32 $0x0;
	s3 =	simm.s32 $0xE0  }
0x13e: {  	[tilespmem:s3], [sflag:$0x5] =	stream.linear.gather [spmem:s2], $0x20, $0x38;
	[tilespmem:$0x4770] =	vst v63  }
.Ltmp15:
0x13f: {  	_ = 	snop;
	(pc) =	sbr.rel .LBB3_12-.Ltmp15, $4  }
0x140: {  	_ =	swait.ge [sflag:s0], $0x40  }
0x141: {  	[sflag:s0] =	ssyncset.done $0x0  }
0x142: {  	s31 =	simm.s32 $0x6;
	[sflag:s0] =	ssyncadd.s32 $0xFFFFFFC0  }
0x143: {  	s4 =	simm.s32 $0x0;
	[sflag:s31] =	ssyncpa.u1 $0x0  }
.LBB3_17:
0x144: {  	p0 =	sgt.u32 s5, $0xC3FF  }
0x145: {  	s0 =	sshrl.u32 @!p0 s5, $0x3  }
0x146: {  	s5 =	sand.u32 @!p0 $0x7, s5;
	s6 =	simm.s32 @!p0 $0xB0;
	s0 =	sadd.s32 @!p0 s1, s0  }
0x147: {  	[tilespmem:s6], [sflag:$0x6] =	stream.linear.gather @!p0 [hbm4b:s0+s5], $0x1, $0x38;
	[tilespmem:$0x4770] =	vst v63  }
0x148: {  	s0 =	simm.s32 @!p0 $0x6  }
0x149: {  	_ =	swait.ge @!p0 [sflag:s0], $0x1  }
0x14a: {  	[sflag:s0] =	ssyncset.done @!p0 $0x0  }
0x14b: {  	[sflag:s0] =	ssyncadd.s32 @!p0 $0xFFFFFFFF  }
0x14c: {  	v2 =	vmov @!p0 s4;
	v1 =	vld.msk @!p0 [tilespmem:$0xB0], $0x1;
	_ =	sdelay $0x3  }
0x14d: {  	s0 =	simm.s32 @!p0 $0xE0  }
0x14e: {  	[tilespmem:v2+s0+$0x0], v1 =	vst.idx.ret.add.f32.msk @!p0 $0x1, v1  }
0x14f: {  	[tilespmem:s2+$0xC0] =	vst.msk $0x1, v0  }
0x150: {  	v0 =	vld.msk [tilespmem:s4+$0xE0], $0x1;
	_ =	sdelay $0x4  }
0x151: {  	[tilespmem:s2+$0xE0] =	vst.msk $0x1, v0;
	s2 =	sadd.s32 $0x1, s2  }
.LBB3_19:
0x152: {  	s4 =	sadd.s32 $0x1, s4  }
0x153: {  	p0 =	sne.s32 s4, $0x20  }
.Ltmp16:
0x154: {  	_ = 	snop;
	(pc) =	sbr.rel @!p0 .LBB3_20-.Ltmp16, $1  }
0x155: {  	_ =	sdelay $0x3  }
.LBB3_12:
0x156: {  	v0 =	vld.msk [tilespmem:s4+$0xC0], $0x1;
	_ =	sdelay $0x4  }
0x157: {  	(v2sf) =	vpush v0, $0x0;
	_ =	sdelay $0xe  }
0x158: {  	s5 =	spop (v2sf)  }
0x159: {  	p0 =	seq.s32 s5, $0xFFFFFFFF  }
.Ltmp17:
0x15a: {  	_ = 	snop;
	(pc) =	sbr.rel @p0 .LBB3_19-.Ltmp17, $1  }
0x15b: {  	_ =	sdelay $0x3  }
0x15c: {  	p0 =	slt.s32 s2, $0x1  }
.Ltmp18:
0x15d: {  	_ = 	snop;
	(pc) =	sbr.rel @p0 .LBB3_17-.Ltmp18, $1  }
0x15e: {  	_ =	sdelay $0x3  }
0x15f: {  	s0 =	simm.s32 $0xC0;
	p0 =	por $0x0, $0x0  }
0x160: {  	v1 =	vld.msk @!p0 [tilespmem:s0+$0x0], $0x1;
	_ =	sdelay $0x4  }
0x161: {  	(v2sf) =	vpush @!p0 v1, $0x0;
	_ =	sdelay $0xd  }
0x162: {  	p2 =	sne.s32 s2, $0x1  }
.Ltmp19:
0x163: {  	s6 =	spop @!p0 (v2sf);
	(pc) =	sbr.rel @!p2 .LBB3_16-.Ltmp19, $4  }
0x164: {  	p1 =	seq.s32 @!p0 s5, s6  }
0x165: {  	s6 =	simm.s32 $0x0;
	p1 =	por !p1, p0  }
0x166: {  	s8 =	simm.s32 $0xFFFFFFFF;
	s6 =	simm.s32 @p1 $0xFFFFFFFF  }
0x167: {  	s7 =	simm.s32 $0x1;
	s6 =	smov.u32 @p0 s8  }
.LBB3_15:
0x168: {  	s8 =	smov.u32 s6;
	p0 =	sne.s32 s6, $0xFFFFFFFF  }
0x169: {  	s0 =	sadd.s32 $0x1, s0;
	s6 =	smov.u32 s7;
	s7 =	sadd.s32 $0x1, s7  }
0x16a: {  	p1 =	sne.s32 s2, s7;
	v1 =	vld.msk @!p0 [tilespmem:s0+$0x0], $0x1;
	_ =	sdelay $0x4  }
0x16b: {  	(v2sf) =	vpush @!p0 v1, $0x0;
	_ =	sdelay $0xe  }
.Ltmp20:
0x16c: {  	s9 =	spop @!p0 (v2sf);
	(pc) =	sbr.rel @p1 .LBB3_15-.Ltmp20, $4  }
0x16d: {  	p2 =	seq.s32 @!p0 s5, s9  }
0x16e: {  	p2 =	por !p2, p0  }
0x16f: {  	s6 =	simm.s32 @p2 $0xFFFFFFFF  }
0x170: {  	s6 =	smov.u32 @p0 s8  }
.LBB3_16:
0x171: {  	p0 =	sne.s32 s6, $0xFFFFFFFF  }
.Ltmp21:
0x172: {  	_ = 	snop;
	(pc) =	sbr.rel @!p0 .LBB3_17-.Ltmp21, $1  }
0x173: {  	_ =	sdelay $0x3  }
0x174: {  	v0 =	vld.msk [tilespmem:s4+$0xE0], $0x1;
	v1 =	vmov s6  }
.Ltmp22:
0x175: {  	_ = 	snop;
	(pc) =	sbr.rel .LBB3_19-.Ltmp22, $2  }
0x176: {  	_ =	sdelay $0x2  }
0x177: {  	[tilespmem:v1+s3+$0x0], v0 =	vst.idx.ret.add.f32.msk $0x1, v0  }
.LBB3_20:
0x178: {  	p0 =	slt.s32 s2, $0x1  }
.Ltmp23:
0x179: {  	_ = 	snop;
	(pc) =	sbr.rel @p0 .LBB3_24-.Ltmp23, $3  }
0x17a: {  	_ =	sdelay $0x1  }
0x17b: {  	s0 =	simm.s32 $0x6  }
0x17c: {  	s3 =	simm.s32 $0x0;
	[sflag:s0] =	ssyncpa.u1 $0x1  }
0x17d: {  	s0 =	simm.s32 $0xC0  }
0x17e: {  	v0 =	vld.msk [tilespmem:s0+$0x0], $0x1;
	_ =	sdelay $0x4  }
0x17f: {  	(v2sf) =	vpush v0, $0x0;
	_ =	sdelay $0xe  }
0x180: {  	s2 =	sadd.s32 $0xFFFFFFFF, s2;
	s4 =	spop (v2sf)  }
0x181: {  	p1 =	sne.s32 s2, $0x0;
	p0 =	sgt.u32 s4, $0xC3FF  }
.Ltmp24:
0x182: {  	s5 =	sshrl.u32 @!p0 s4, $0x3;
	(pc) =	sbr.rel @!p1 .LBB3_23-.Ltmp24, $4  }
0x183: {  	s0 =	simm.s32 $0xE0;
	s4 =	sand.u32 @!p0 $0x7, s4;
	s5 =	sadd.s32 @!p0 s1, s5  }
0x184: {  	[hbm4b:s5+s4] =	stream.linear.scatter @!p0 [tilespmem:s0], [sflag:$0x5], $0x1, $0x38;
	[tilespmem:$0x4770] =	vst v63  }
0x185: {  	s5 =	simm.s32 $0x0  }
0x186: {  	s4 =	simm.s32 $0xC1;
	s5 =	simm.s32 @!p0 $0x4  }
.LBB3_22:
0x187: {  	v0 =	vld.msk [tilespmem:s4+$0x0], $0x1;
	s2 =	sadd.s32 $0xFFFFFFFF, s2;
	s3 =	sadd.s32 s3, s5  }
0x188: {  	p0 =	sne.s32 s2, $0x0;
	_ =	sdelay $0x3  }
0x189: {  	(v2sf) =	vpush v0, $0x0;
	_ =	sdelay $0xe  }
.Ltmp25:
0x18a: {  	s6 =	spop (v2sf);
	(pc) =	sbr.rel @p0 .LBB3_22-.Ltmp25, $4  }
0x18b: {  	s5 =	simm.s32 $0x0;
	p1 =	sgt.u32 s6, $0xC3FF  }
0x18c: {  	s0 =	sadd.s32 $0x1, s0;
	s5 =	simm.s32 @!p1 $0x4;
	s7 =	sshrl.u32 @!p1 s6, $0x3  }
0x18d: {  	s4 =	sadd.s32 $0x1, s4;
	s6 =	sand.u32 @!p1 $0x7, s6;
	s7 =	sadd.s32 @!p1 s1, s7  }
0x18e: {  	[hbm4b:s7+s6] =	stream.linear.scatter @!p1 [tilespmem:s0], [sflag:$0x5], $0x1, $0x38;
	[tilespmem:$0x4770] =	vst v63  }
.LBB3_23:
0x18f: {  	s0 =	sadd.s32 s3, s5  }
0x190: {  	s3 =	sshrl.u32 s0, $0x2  }
.LBB3_24:
0x191: {  	s0 =	simm.s32 $0x5  }
0x192: {  	_ =	swait.ge [sflag:s0], s3  }
0x193: {  	s1 =	ssub.s32 $0x0, s3;
	[sflag:s0] =	ssyncset.done $0x0  }
0x194: {  	[sflag:s0] =	ssyncadd.s32 s1  }
0x195: {  	[sflag:s0] =	ssyncpa.u1 $0x1  }
0x196: {  	s29 =	simm.s32 $0x1;
	_ =	sfence  }
0x197: {  	s30 =	simm.s32 $0x2;
	[sflag:s29] =	ssyncpa.u1 $0x1  }
0x198: {  	[sflag:s30] =	ssyncpa.u1 $0x1  }
0x199: {  	_ =	strace $0x9000004A  }
0x19a: {  	[bflag:$0x2] =	sbarrier.arrive $0xFFFF  }
0x19b: {  	s31 =	rddreg [dreg:$0x1]  }
0x19c: {  	s0 =	sadd.s32 $0x100000, s31  }
0x19d: {  	[sflag:s0] =	ssyncadd.tile.s32 $0x1;
	_ =	shalt  }
.Lfunc_end3:
_tile_overlayer_lowered:
.L_overlay_start_3:
0x19e: {  	(tag) =	ssettag $0x3  }
0x19f: {  	s0 =	rddreg [dreg:$0x0];
	s2 =	stileid.u32  }
0x1a0: {  	s1 =	rddreg [dreg:$0x1];
	p0 =	sne.s32 s2, $0x0  }
0x1a1: {  	s3 =	rddreg [dreg:$0x2];
	[bflag:$0x3] =	sbarrier.arrive $0xFFFF;
	s2 =	simm.s32 @!p0 $0x1C01  }
0x1a2: {  	[timem:s3], [sflag:s2] =	dma.local @!p0 [hbm:s0], s1  }
0x1a3: {  	s0 =	simm.s32 @!p0 $0x1  }
0x1a4: {  	_ =	swait.ge @!p0 [sflag:s0], s1  }
0x1a5: {  	s1 =	ssub.s32 @!p0 $0x0, s1;
	[sflag:s0] =	ssyncset.done @!p0 $0x0  }
0x1a6: {  	[sflag:s0] =	ssyncadd.s32 @!p0 s1  }
0x1a7: {  	[bflag:$0x3] =	sbarrier.arrive $0xFFFF  }
0x1a8: {  	_ =	shalt  }

</sc_bundles>
